<compile_context>
chip_gen: v7x
topology: tpu7x:2x2x1
jax: 0.10.2.dev20260603
libtpu: 0.0.44.dev20260713+nightly
codegen_flags: <defaults>
</compile_context>

<pallas_src>
import functools

import jax
import jax.numpy as jnp
import numpy as np
from jax import lax
from jax.experimental import pallas as pl
from jax.experimental.pallas import tpu as pltpu
from jax.experimental.pallas import tpu_sc as plsc

N = 10000
NP = 10240
E = 320000
D = 128
DH = D // 2
BN_EPS = 1e-5

NC = 2
NS = 16

K = 80
CH = (E // NS) // K
NBUF = 5
ZR = 64
SLAB = NP // NS
RSL = N // NS
SEG = 125

_mesh = plsc.VectorSubcoreMesh(core_axis_name="c", subcore_axis_name="s")
_sc_params = pltpu.CompilerParams(use_tc_tiling_on_sc=False)


@functools.partial(
    pl.kernel,
    out_type=jax.ShapeDtypeStruct((NC, NP, 16), jnp.float32),
    mesh=_mesh,
    scratch_types=[
        pltpu.VMEM((CH, K), jnp.int32),
        pltpu.VMEM((K, 16), jnp.float32),
        pltpu.VMEM((ZR, 16), jnp.float32),
        pltpu.VMEM_SHARED((NP, 16), jnp.float32),
        [pltpu.SemaphoreType.DMA] * NBUF,
    ],
    compiler_params=_sc_params,
)
def _deg_sc(ei_hbm, dp_hbm, dst_v, ones_v, zbuf, acc, ssems):
    cid = lax.axis_index("c")
    sid = lax.axis_index("s")

    def fill(r, carry):
        zbuf[r, :] = jnp.zeros((16,), jnp.float32)
        return carry

    lax.fori_loop(0, ZR, fill, 0)

    def fill1(r, carry):
        ones_v[r, :] = jnp.ones((16,), jnp.float32)
        return carry

    lax.fori_loop(0, K, fill1, 0)

    for z in range(SLAB // ZR):
        pltpu.sync_copy(zbuf, acc.at[pl.ds(sid * SLAB + z * ZR, ZR)])
    plsc.subcore_barrier()

    pltpu.sync_copy(ei_hbm.at[1, sid], dst_v)

    def scat_start(c, b):
        pltpu.async_copy(ones_v, acc.at[dst_v.at[c]], ssems[b], add=True)

    def scat_wait(c, b):
        pltpu.make_async_copy(ones_v, acc.at[dst_v.at[c]], ssems[b]).wait()

    def body(h, carry):
        c0 = h * NBUF
        for b in range(NBUF):
            c = c0 + b

            @pl.when(c >= NBUF)
            def _():
                scat_wait(c - NBUF, b)

            scat_start(c, b)
        return carry

    lax.fori_loop(0, CH // NBUF, body, 0)
    for b in range(NBUF):
        scat_wait(CH - NBUF + b, b)

    plsc.subcore_barrier()
    pltpu.sync_copy(acc.at[pl.ds(sid * SLAB, SLAB)],
                    dp_hbm.at[cid, pl.ds(sid * SLAB, SLAB)])


def _hop_ring(g_hbm, src_v, dst_v, rows_v, acc, gsems, ssems):
    def gather_start(c, b):
        pltpu.async_copy(g_hbm.at[src_v.at[c]], rows_v.at[b], gsems[b])

    def gather_wait(c, b):
        pltpu.make_async_copy(g_hbm.at[src_v.at[c]], rows_v.at[b],
                              gsems[b]).wait()

    def scat_start(c, b):
        pltpu.async_copy(rows_v.at[b], acc.at[dst_v.at[c]], ssems[b], add=True)

    def scat_wait(c, b):
        pltpu.make_async_copy(rows_v.at[b], acc.at[dst_v.at[c]],
                              ssems[b]).wait()

    for b in range(NBUF - 1):
        gather_start(b, b)

    def body(h, carry):
        c0 = h * NBUF
        for b in range(NBUF):
            c = c0 + b
            gather_wait(c, b)
            scat_start(c, b)
            bp = (b + NBUF - 1) % NBUF
            cp = c + NBUF - 1

            @pl.when(cp < CH)
            def _():
                @pl.when(c > 0)
                def _():
                    scat_wait(c - 1, bp)

                gather_start(cp, bp)
        return carry

    lax.fori_loop(0, CH // NBUF, body, 0)
    for b in range(NBUF):
        scat_wait(CH - NBUF + b, b)


def _fill_zbuf(zbuf):
    def fill(r, carry):
        for j in range(DH // 16):
            zbuf[r, pl.ds(j * 16, 16)] = jnp.zeros((16,), jnp.float32)
        return carry

    lax.fori_loop(0, ZR, fill, 0)


def _load_adjusted_idx(ei_hbm, src_v, dst_v, cid, sid):
    off = cid * N
    pltpu.sync_copy(ei_hbm.at[0, sid], src_v)
    pltpu.sync_copy(ei_hbm.at[1, sid], dst_v)

    def adj(c, carry):
        for j in range(K // 16):
            sl = pl.ds(j * 16, 16)
            src_v[c, sl] = src_v[c, sl] + off
        return carry

    lax.fori_loop(0, CH, adj, 0)


@functools.partial(
    pl.kernel,
    out_type=jax.ShapeDtypeStruct((NC, NP, DH), jnp.float32),
    mesh=_mesh,
    scratch_types=[
        pltpu.VMEM((CH, K), jnp.int32),
        pltpu.VMEM((CH, K), jnp.int32),
        pltpu.VMEM((NBUF, K, DH), jnp.float32),
        pltpu.VMEM((ZR, DH), jnp.float32),
        pltpu.VMEM_SHARED((NP, DH), jnp.float32),
        [pltpu.SemaphoreType.DMA] * NBUF,
        [pltpu.SemaphoreType.DMA] * NBUF,
    ],
    compiler_params=_sc_params,
)
def _hop_sc(g_hbm, ei_hbm, out_hbm, src_v, dst_v, rows_v, zbuf, acc,
            gsems, ssems):
    cid = lax.axis_index("c")
    sid = lax.axis_index("s")

    _fill_zbuf(zbuf)
    for z in range(SLAB // ZR):
        pltpu.sync_copy(zbuf, acc.at[pl.ds(sid * SLAB + z * ZR, ZR)])
    _load_adjusted_idx(ei_hbm, src_v, dst_v, cid, sid)
    plsc.subcore_barrier()

    _hop_ring(g_hbm, src_v, dst_v, rows_v, acc, gsems, ssems)

    plsc.subcore_barrier()
    pltpu.sync_copy(acc.at[pl.ds(sid * SLAB, SLAB)],
                    out_hbm.at[cid, pl.ds(sid * SLAB, SLAB)])


@functools.partial(
    pl.kernel,
    out_type=(jax.ShapeDtypeStruct((2 * N, DH), jnp.float32),
              jax.ShapeDtypeStruct((2 * N, DH), jnp.float32)),
    mesh=_mesh,
    scratch_types=[
        pltpu.VMEM((CH, K), jnp.int32),
        pltpu.VMEM((CH, K), jnp.int32),
        pltpu.VMEM((NBUF, K, DH), jnp.float32),
        pltpu.VMEM((ZR, DH), jnp.float32),
        pltpu.VMEM((SEG, 16), jnp.float32),
        pltpu.VMEM((SEG, DH), jnp.float32),
        pltpu.VMEM((SEG, DH), jnp.float32),
        pltpu.VMEM_SHARED((NP, DH), jnp.float32),
        [pltpu.SemaphoreType.DMA] * NBUF,
        [pltpu.SemaphoreType.DMA] * NBUF,
    ],
    compiler_params=_sc_params,
)
def _combhop_sc(dp_hbm, g0_hbm, p_hbm, ei_hbm, g1_hbm, h2_hbm, src_v, dst_v,
                rows_v, zbuf, degb, pb, g1b, acc, gsems, ssems):
    cid = lax.axis_index("c")
    sid = lax.axis_index("s")

    _fill_zbuf(zbuf)
    for z in range(SLAB // ZR):
        pltpu.sync_copy(zbuf, acc.at[pl.ds(sid * SLAB + z * ZR, ZR)])
    _load_adjusted_idx(ei_hbm, src_v, dst_v, cid, sid)

    for z in range(RSL // SEG):
        r0 = sid * RSL + z * SEG
        d0 = pltpu.async_copy(dp_hbm.at[cid, pl.ds(r0, SEG)], degb, gsems[0])
        d1 = pltpu.async_copy(p_hbm.at[cid, pl.ds(r0, SEG)], pb, gsems[1])
        d2 = pltpu.async_copy(g0_hbm.at[pl.ds(cid * N + r0, SEG)], g1b,
                              gsems[2])
        d0.wait()
        d1.wait()
        d2.wait()

        def comb(r, carry):
            rdeg = 1.0 / (degb[r, :] + 1.0)
            for j in range(DH // 16):
                sl = pl.ds(j * 16, 16)
                g1b[r, sl] = (pb[r, sl] + g1b[r, sl]) * rdeg
            return carry

        lax.fori_loop(0, SEG, comb, 0)
        pltpu.sync_copy(g1b, g1_hbm.at[pl.ds(cid * N + r0, SEG)])
    plsc.subcore_barrier()

    _hop_ring(g1_hbm, src_v, dst_v, rows_v, acc, gsems, ssems)
    plsc.subcore_barrier()

    for z in range(RSL // SEG):
        r0 = sid * RSL + z * SEG
        d0 = pltpu.async_copy(acc.at[pl.ds(r0, SEG)], pb, gsems[0])
        d1 = pltpu.async_copy(g1_hbm.at[pl.ds(cid * N + r0, SEG)], g1b,
                              gsems[1])
        d0.wait()
        d1.wait()

        def fin(r, carry):
            for j in range(DH // 16):
                sl = pl.ds(j * 16, 16)
                pb[r, sl] = pb[r, sl] + g1b[r, sl]
            return carry

        lax.fori_loop(0, SEG, fin, 0)
        pltpu.sync_copy(pb, h2_hbm.at[pl.ds(cid * N + r0, SEG)])


_BR = 2000
_NB = N // _BR


def _prep_body(dp_ref, x_ref, o_ref):
    h = pl.program_id(0)
    deg = dp_ref[0, :, :1] + 1.0
    g = x_ref[...] * lax.rsqrt(deg)

    @pl.when(h == 0)
    def _():
        o_ref[...] = g[:, :DH]

    @pl.when(h == 1)
    def _():
        o_ref[...] = g[:, DH:]


_prep_tc = pl.pallas_call(
    _prep_body,
    grid=(2, _NB),
    in_specs=[pl.BlockSpec((NC, _BR, 16), lambda h, i: (0, i, 0)),
              pl.BlockSpec((_BR, D), lambda h, i: (i, 0))],
    out_specs=pl.BlockSpec((_BR, DH), lambda h, i: (h * _NB + i, 0)),
    out_shape=jax.ShapeDtypeStruct((2 * N, DH), jnp.float32),
)


def _final_body(dp_ref, glo_ref, ghi_ref, w1_ref, b1_ref, gm_ref, bt_ref,
                w2_ref, b2_ref, o_ref):
    deg = dp_ref[0, :, :1] + 1.0
    h2 = jnp.concatenate([glo_ref[...], ghi_ref[...]], axis=1)
    h2 = h2 * lax.rsqrt(deg)
    t = lax.dot_general(h2, w1_ref[...], (((1,), (1,)), ((), ())),
                        preferred_element_type=jnp.float32)
    bn_scale = np.float32(1.0 / np.sqrt(1.0 + BN_EPS))
    t = (t + b1_ref[...]) * (gm_ref[...] * bn_scale) + bt_ref[...]
    t = jnp.maximum(t, 0.0)
    o_ref[...] = lax.dot_general(t, w2_ref[...], (((1,), (1,)), ((), ())),
                                 preferred_element_type=jnp.float32) + b2_ref[...]


def _full_spec(shape):
    nd = len(shape)
    return pl.BlockSpec(shape, lambda i, _nd=nd: (0,) * _nd)


_final_tc = pl.pallas_call(
    _final_body,
    grid=(_NB,),
    in_specs=[pl.BlockSpec((NC, _BR, 16), lambda i: (0, i, 0)),
              pl.BlockSpec((_BR, DH), lambda i: (i, 0)),
              pl.BlockSpec((_BR, DH), lambda i: (_NB + i, 0)),
              _full_spec((D, D)), _full_spec((1, D)), _full_spec((1, D)),
              _full_spec((1, D)), _full_spec((D, D)), _full_spec((1, D))],
    out_specs=pl.BlockSpec((_BR, D), lambda i: (i, 0)),
    out_shape=jax.ShapeDtypeStruct((N, D), jnp.float32),
)


def kernel(x, edge_index, W1, b1, gamma, beta, W2, b2):
    ei = edge_index.astype(jnp.int32).reshape(2, NS, CH, K)
    b1r = b1.reshape(1, D)
    gmr = gamma.reshape(1, D)
    btr = beta.reshape(1, D)
    b2r = b2.reshape(1, D)
    dp = _deg_sc(ei)
    g0 = _prep_tc(dp, x)
    p = _hop_sc(g0, ei)
    g1, h2u = _combhop_sc(dp, g0, p, ei)
    del g1
    out = _final_tc(dp, h2u, h2u, W1, b1r, gmr, btr, W2, b2r)
    return out

# --- scband reference (transcript-rebuilt; emitter-appended) ---
"""Pipeline reference for scband-sgc-4501125726313 (READ-ONLY COPY).

The authoritative reference and input builder live on the scoring server;
editing this copy changes nothing except your own understanding.
"""

import jax, jax.numpy as jnp
import numpy as np

N_NODES = 10000
N_EDGES = 320000
D_IN = 128
D_HID = 128
D_OUT = 128
K_HOPS = 2
BN_EPS = 1e-5


def setup_inputs(seed: int = 0) -> dict:
    key = jax.random.key(seed)
    ks = jax.random.split(key, 8)
    x = jax.random.normal(ks[0], (N_NODES, D_IN), dtype=jnp.float32)
    edge_index = jax.random.randint(ks[1], (2, N_EDGES), 0, N_NODES, dtype=jnp.int64)
    # SGConv linear (applied after K-hop propagation)
    bound1 = 1.0 / np.sqrt(D_IN)
    W1 = jax.random.uniform(ks[2], (D_HID, D_IN), minval=-bound1, maxval=bound1, dtype=jnp.float32)
    b1 = jax.random.uniform(ks[3], (D_HID,), minval=-bound1, maxval=bound1, dtype=jnp.float32)
    # BatchNorm1d affine params (eval mode: running_mean=0, running_var=1)
    gamma = jnp.ones((D_HID,), dtype=jnp.float32)
    beta = jnp.zeros((D_HID,), dtype=jnp.float32)
    # final projection
    bound2 = 1.0 / np.sqrt(D_HID)
    W2 = jax.random.uniform(ks[4], (D_OUT, D_HID), minval=-bound2, maxval=bound2, dtype=jnp.float32)
    b2 = jax.random.uniform(ks[5], (D_OUT,), minval=-bound2, maxval=bound2, dtype=jnp.float32)
    return {"x": x, "edge_index": edge_index, "W1": W1, "b1": b1,
            "gamma": gamma, "beta": beta, "W2": W2, "b2": b2}


def reference(x, edge_index, W1, b1, gamma, beta, W2, b2):
    N = x.shape[0]
    src = edge_index[0]
    dst = edge_index[1]
    # gcn_norm: add self-loops, symmetric normalization
    loop = jnp.arange(N, dtype=edge_index.dtype)
    src_f = jnp.concatenate([src, loop])
    dst_f = jnp.concatenate([dst, loop])
    ones = jnp.ones(src_f.shape[0], dtype=x.dtype)
    deg = jnp.zeros((N,), dtype=x.dtype).at[dst_f].add(ones)
    deg_inv_sqrt = jnp.where(deg > 0, 1.0 / jnp.sqrt(deg), 0.0)
    norm = deg_inv_sqrt[src_f] * deg_inv_sqrt[dst_f]
    # K-hop propagation: x <- A_hat x, K times
    h = x
    for _ in range(K_HOPS):
        msgs = norm[:, None] * jnp.take(h, src_f, axis=0)
        h = jax.ops.segment_sum(msgs, dst_f, num_segments=N)
    # SGConv final linear
    h = h @ W1.T + b1
    # BatchNorm1d in eval mode (running_mean=0, running_var=1)
    h = (h - 0.0) / jnp.sqrt(1.0 + BN_EPS) * gamma + beta
    # ReLU; dropout is identity in eval mode
    h = jax.nn.relu(h)
    out = h @ W2.T + b2
    return out

if __name__ == "__main__":
    import jax
    _d = setup_inputs()
    print(jax.jit(kernel)(*tuple(_d.values())))

</pallas_src>

<mosaic_0001>
#map = affine_map<(d0, d1) -> (0, 0, 0)>
#map1 = affine_map<(d0, d1) -> (0, 0)>
#map2 = affine_map<(d0, d1) -> (0, 0, 0, 0)>
module attributes {stable_mosaic.version = 14 : i64} {
  func.func @_combhop_sc(%arg0: i32, %arg1: i32, %arg2: memref<2x10240x16xf32, #tpu.memory_space<hbm>>, %arg3: memref<20000x64xf32, #tpu.memory_space<hbm>>, %arg4: memref<2x10240x64xf32, #tpu.memory_space<hbm>>, %arg5: memref<2x16x250x80xi32, #tpu.memory_space<hbm>>, %arg6: memref<20000x64xf32, #tpu.memory_space<hbm>>, %arg7: memref<20000x64xf32, #tpu.memory_space<hbm>>, %arg8: memref<250x80xi32, #tpu.memory_space<vmem>>, %arg9: memref<250x80xi32, #tpu.memory_space<vmem>>, %arg10: memref<5x80x64xf32, #tpu.memory_space<vmem>>, %arg11: memref<64x64xf32, #tpu.memory_space<vmem>>, %arg12: memref<125x16xf32, #tpu.memory_space<vmem>>, %arg13: memref<125x64xf32, #tpu.memory_space<vmem>>, %arg14: memref<125x64xf32, #tpu.memory_space<vmem>>, %arg15: memref<10240x64xf32, #tpu.memory_space<vmem_shared>>, %arg16: memref<!tpu.dma_semaphore, #tpu.memory_space<semaphore_mem>>, %arg17: memref<!tpu.dma_semaphore, #tpu.memory_space<semaphore_mem>>, %arg18: memref<!tpu.dma_semaphore, #tpu.memory_space<semaphore_mem>>, %arg19: memref<!tpu.dma_semaphore, #tpu.memory_space<semaphore_mem>>, %arg20: memref<!tpu.dma_semaphore, #tpu.memory_space<semaphore_mem>>, %arg21: memref<!tpu.dma_semaphore, #tpu.memory_space<semaphore_mem>>, %arg22: memref<!tpu.dma_semaphore, #tpu.memory_space<semaphore_mem>>, %arg23: memref<!tpu.dma_semaphore, #tpu.memory_space<semaphore_mem>>, %arg24: memref<!tpu.dma_semaphore, #tpu.memory_space<semaphore_mem>>, %arg25: memref<!tpu.dma_semaphore, #tpu.memory_space<semaphore_mem>>) attributes {dimension_semantics = [#tpu.dimension_semantics<core_parallel>, #tpu.dimension_semantics<subcore_parallel>], iteration_bounds = array<i64: 2, 16>, scalar_prefetch = 0 : i64, scratch_operands = 18 : i64, tpu.core_type = #tpu.core_type<sc_vector_subcore>, window_params = [{transform_indices = #map}, {transform_indices = #map1}, {transform_indices = #map}, {transform_indices = #map2}, {transform_indices = #map1}, {transform_indices = #map1}]} {
    %scan3A = arith.constant 0 : i32
    %scan3A_0 = arith.constant 0 : i32
    %scan3A_1 = arith.constant 64 : i32
    %scan3A_2 = arith.addi %scan3A_0, %scan3A_1 : i32
    %scan3A_3 = arith.constant 1 : i32
    scf.for %scan3A_565 = %scan3A_0 to %scan3A_2 step %scan3A_3  : i32 {
      %broadcast_in_dim3A = arith.constant 0.000000e+00 : f32
      %broadcast_in_dim3A_566 = vector.broadcast %broadcast_in_dim3A : f32 to vector<16xf32>
      %swap3A = arith.index_cast %scan3A_565 : i32 to index
      %swap3A_567 = arith.constant 0 : index
      %swap3A_568 = tpu.vector_load %arg11[%swap3A, %swap3A_567] {strides = array<i32>} : memref<64x64xf32, #tpu.memory_space<vmem>>, vector<1x16xf32>,
      %swap3A_569 = vector.shape_cast %swap3A_568 : vector<1x16xf32> to vector<16xf32>
      %swap3A_570 = vector.shape_cast %broadcast_in_dim3A_566 : vector<16xf32> to vector<1x16xf32>
      tpu.vector_store %arg11[%swap3A, %swap3A_567], %swap3A_570 {strides = array<i32>} : memref<64x64xf32, #tpu.memory_space<vmem>>, vector<1x16xf32>,
      %broadcast_in_dim3A_571 = arith.constant 0.000000e+00 : f32
      %broadcast_in_dim3A_572 = vector.broadcast %broadcast_in_dim3A_571 : f32 to vector<16xf32>
      %swap3A_573 = arith.index_cast %scan3A_565 : i32 to index
      %swap3A_574 = arith.constant 16 : index
      %swap3A_575 = tpu.vector_load %arg11[%swap3A_573, %swap3A_574] {strides = array<i32>} : memref<64x64xf32, #tpu.memory_space<vmem>>, vector<1x16xf32>,
      %swap3A_576 = vector.shape_cast %swap3A_575 : vector<1x16xf32> to vector<16xf32>
      %swap3A_577 = vector.shape_cast %broadcast_in_dim3A_572 : vector<16xf32> to vector<1x16xf32>
      tpu.vector_store %arg11[%swap3A_573, %swap3A_574], %swap3A_577 {strides = array<i32>} : memref<64x64xf32, #tpu.memory_space<vmem>>, vector<1x16xf32>,
      %broadcast_in_dim3A_578 = arith.constant 0.000000e+00 : f32
      %broadcast_in_dim3A_579 = vector.broadcast %broadcast_in_dim3A_578 : f32 to vector<16xf32>
      %swap3A_580 = arith.index_cast %scan3A_565 : i32 to index
      %swap3A_581 = arith.constant 32 : index
      %swap3A_582 = tpu.vector_load %arg11[%swap3A_580, %swap3A_581] {strides = array<i32>} : memref<64x64xf32, #tpu.memory_space<vmem>>, vector<1x16xf32>,
      %swap3A_583 = vector.shape_cast %swap3A_582 : vector<1x16xf32> to vector<16xf32>
      %swap3A_584 = vector.shape_cast %broadcast_in_dim3A_579 : vector<16xf32> to vector<1x16xf32>
      tpu.vector_store %arg11[%swap3A_580, %swap3A_581], %swap3A_584 {strides = array<i32>} : memref<64x64xf32, #tpu.memory_space<vmem>>, vector<1x16xf32>,
      %broadcast_in_dim3A_585 = arith.constant 0.000000e+00 : f32
      %broadcast_in_dim3A_586 = vector.broadcast %broadcast_in_dim3A_585 : f32 to vector<16xf32>
      %swap3A_587 = arith.index_cast %scan3A_565 : i32 to index
      %swap3A_588 = arith.constant 48 : index
      %swap3A_589 = tpu.vector_load %arg11[%swap3A_587, %swap3A_588] {strides = array<i32>} : memref<64x64xf32, #tpu.memory_space<vmem>>, vector<1x16xf32>,
      %swap3A_590 = vector.shape_cast %swap3A_589 : vector<1x16xf32> to vector<16xf32>
      %swap3A_591 = vector.shape_cast %broadcast_in_dim3A_586 : vector<16xf32> to vector<1x16xf32>
      tpu.vector_store %arg11[%swap3A_587, %swap3A_588], %swap3A_591 {strides = array<i32>} : memref<64x64xf32, #tpu.memory_space<vmem>>, vector<1x16xf32>,
    }
    %scan3A_4 = arith.constant 64 : i32
    %mul3A = arith.constant 640 : i32
    %mul3A_5 = arith.muli %arg1, %mul3A : i32
    %add3A = arith.constant 0 : i32
    %add3A_6 = arith.addi %mul3A_5, %add3A : i32
    "tpu.region"() ({
      %run_scoped3A_565 = tpu.sem_alloc : memref<!tpu.dma_semaphore, #tpu.memory_space<semaphore_mem>>
      %dma_start3A_566 = arith.constant 0 : i32
      %dma_start3A_567 = tpu.memref_slice %arg15[%add3A_6, %dma_start3A_566] : memref<10240x64xf32, #tpu.memory_space<vmem_shared>> -> memref<64x64xf32, #tpu.memory_space<vmem_shared>>
      %dma_start3A_568 = arith.constant 0 : i32
      %dma_start3A_569 = tpu.memref_slice %arg15[%add3A_6, %dma_start3A_568] : memref<10240x64xf32, #tpu.memory_space<vmem_shared>> -> memref<64x64xf32, #tpu.memory_space<vmem_shared>>
      tpu.enqueue_dma source(%arg11 : memref<64x64xf32, #tpu.memory_space<vmem>>) target(%dma_start3A_569 : memref<64x64xf32, #tpu.memory_space<vmem_shared>>) target_semaphore(%run_scoped3A_565 : memref<!tpu.dma_semaphore, #tpu.memory_space<semaphore_mem>>)
      %dma_wait3A_570 = arith.constant 0 : i32
      %dma_wait3A_571 = tpu.memref_slice %arg15[%add3A_6, %dma_wait3A_570] : memref<10240x64xf32, #tpu.memory_space<vmem_shared>> -> memref<64x64xf32, #tpu.memory_space<vmem_shared>>
      %dma_wait3A_572 = arith.constant 0 : i32
      %dma_wait3A_573 = tpu.memref_slice %arg15[%add3A_6, %dma_wait3A_572] : memref<10240x64xf32, #tpu.memory_space<vmem_shared>> -> memref<64x64xf32, #tpu.memory_space<vmem_shared>>
      tpu.wait_dma2 semaphore(%run_scoped3A_565 : memref<!tpu.dma_semaphore, #tpu.memory_space<semaphore_mem>>) src(%arg11 : memref<64x64xf32, #tpu.memory_space<vmem>>) dst(%dma_wait3A_573 : memref<64x64xf32, #tpu.memory_space<vmem_shared>>)
      tpu.yield
    }) : () -> ()
    %mul3A_7 = arith.constant 640 : i32
    %mul3A_8 = arith.muli %arg1, %mul3A_7 : i32
    %add3A_9 = arith.constant 64 : i32
    %add3A_10 = arith.addi %mul3A_8, %add3A_9 : i32
    "tpu.region"() ({
      %run_scoped3A_565 = tpu.sem_alloc : memref<!tpu.dma_semaphore, #tpu.memory_space<semaphore_mem>>
      %dma_start3A_566 = arith.constant 0 : i32
      %dma_start3A_567 = tpu.memref_slice %arg15[%add3A_10, %dma_start3A_566] : memref<10240x64xf32, #tpu.memory_space<vmem_shared>> -> memref<64x64xf32, #tpu.memory_space<vmem_shared>>
      %dma_start3A_568 = arith.constant 0 : i32
      %dma_start3A_569 = tpu.memref_slice %arg15[%add3A_10, %dma_start3A_568] : memref<10240x64xf32, #tpu.memory_space<vmem_shared>> -> memref<64x64xf32, #tpu.memory_space<vmem_shared>>
      tpu.enqueue_dma source(%arg11 : memref<64x64xf32, #tpu.memory_space<vmem>>) target(%dma_start3A_569 : memref<64x64xf32, #tpu.memory_space<vmem_shared>>) target_semaphore(%run_scoped3A_565 : memref<!tpu.dma_semaphore, #tpu.memory_space<semaphore_mem>>)
      %dma_wait3A_570 = arith.constant 0 : i32
      %dma_wait3A_571 = tpu.memref_slice %arg15[%add3A_10, %dma_wait3A_570] : memref<10240x64xf32, #tpu.memory_space<vmem_shared>> -> memref<64x64xf32, #tpu.memory_space<vmem_shared>>
      %dma_wait3A_572 = arith.constant 0 : i32
      %dma_wait3A_573 = tpu.memref_slice %arg15[%add3A_10, %dma_wait3A_572] : memref<10240x64xf32, #tpu.memory_space<vmem_shared>> -> memref<64x64xf32, #tpu.memory_space<vmem_shared>>
      tpu.wait_dma2 semaphore(%run_scoped3A_565 : memref<!tpu.dma_semaphore, #tpu.memory_space<semaphore_mem>>) src(%arg11 : memref<64x64xf32, #tpu.memory_space<vmem>>) dst(%dma_wait3A_573 : memref<64x64xf32, #tpu.memory_space<vmem_shared>>)
      tpu.yield
    }) : () -> ()
    %mul3A_11 = arith.constant 640 : i32
    %mul3A_12 = arith.muli %arg1, %mul3A_11 : i32
    %add3A_13 = arith.constant 128 : i32
    %add3A_14 = arith.addi %mul3A_12, %add3A_13 : i32
    "tpu.region"() ({
      %run_scoped3A_565 = tpu.sem_alloc : memref<!tpu.dma_semaphore, #tpu.memory_space<semaphore_mem>>
      %dma_start3A_566 = arith.constant 0 : i32
      %dma_start3A_567 = tpu.memref_slice %arg15[%add3A_14, %dma_start3A_566] : memref<10240x64xf32, #tpu.memory_space<vmem_shared>> -> memref<64x64xf32, #tpu.memory_space<vmem_shared>>
      %dma_start3A_568 = arith.constant 0 : i32
      %dma_start3A_569 = tpu.memref_slice %arg15[%add3A_14, %dma_start3A_568] : memref<10240x64xf32, #tpu.memory_space<vmem_shared>> -> memref<64x64xf32, #tpu.memory_space<vmem_shared>>
      tpu.enqueue_dma source(%arg11 : memref<64x64xf32, #tpu.memory_space<vmem>>) target(%dma_start3A_569 : memref<64x64xf32, #tpu.memory_space<vmem_shared>>) target_semaphore(%run_scoped3A_565 : memref<!tpu.dma_semaphore, #tpu.memory_space<semaphore_mem>>)
      %dma_wait3A_570 = arith.constant 0 : i32
      %dma_wait3A_571 = tpu.memref_slice %arg15[%add3A_14, %dma_wait3A_570] : memref<10240x64xf32, #tpu.memory_space<vmem_shared>> -> memref<64x64xf32, #tpu.memory_space<vmem_shared>>
      %dma_wait3A_572 = arith.constant 0 : i32
      %dma_wait3A_573 = tpu.memref_slice %arg15[%add3A_14, %dma_wait3A_572] : memref<10240x64xf32, #tpu.memory_space<vmem_shared>> -> memref<64x64xf32, #tpu.memory_space<vmem_shared>>
      tpu.wait_dma2 semaphore(%run_scoped3A_565 : memref<!tpu.dma_semaphore, #tpu.memory_space<semaphore_mem>>) src(%arg11 : memref<64x64xf32, #tpu.memory_space<vmem>>) dst(%dma_wait3A_573 : memref<64x64xf32, #tpu.memory_space<vmem_shared>>)
      tpu.yield
    }) : () -> ()
    %mul3A_15 = arith.constant 640 : i32
    %mul3A_16 = arith.muli %arg1, %mul3A_15 : i32
    %add3A_17 = arith.constant 192 : i32
    %add3A_18 = arith.addi %mul3A_16, %add3A_17 : i32
    "tpu.region"() ({
      %run_scoped3A_565 = tpu.sem_alloc : memref<!tpu.dma_semaphore, #tpu.memory_space<semaphore_mem>>
      %dma_start3A_566 = arith.constant 0 : i32
      %dma_start3A_567 = tpu.memref_slice %arg15[%add3A_18, %dma_start3A_566] : memref<10240x64xf32, #tpu.memory_space<vmem_shared>> -> memref<64x64xf32, #tpu.memory_space<vmem_shared>>
      %dma_start3A_568 = arith.constant 0 : i32
      %dma_start3A_569 = tpu.memref_slice %arg15[%add3A_18, %dma_start3A_568] : memref<10240x64xf32, #tpu.memory_space<vmem_shared>> -> memref<64x64xf32, #tpu.memory_space<vmem_shared>>
      tpu.enqueue_dma source(%arg11 : memref<64x64xf32, #tpu.memory_space<vmem>>) target(%dma_start3A_569 : memref<64x64xf32, #tpu.memory_space<vmem_shared>>) target_semaphore(%run_scoped3A_565 : memref<!tpu.dma_semaphore, #tpu.memory_space<semaphore_mem>>)
      %dma_wait3A_570 = arith.constant 0 : i32
      %dma_wait3A_571 = tpu.memref_slice %arg15[%add3A_18, %dma_wait3A_570] : memref<10240x64xf32, #tpu.memory_space<vmem_shared>> -> memref<64x64xf32, #tpu.memory_space<vmem_shared>>
      %dma_wait3A_572 = arith.constant 0 : i32
      %dma_wait3A_573 = tpu.memref_slice %arg15[%add3A_18, %dma_wait3A_572] : memref<10240x64xf32, #tpu.memory_space<vmem_shared>> -> memref<64x64xf32, #tpu.memory_space<vmem_shared>>
      tpu.wait_dma2 semaphore(%run_scoped3A_565 : memref<!tpu.dma_semaphore, #tpu.memory_space<semaphore_mem>>) src(%arg11 : memref<64x64xf32, #tpu.memory_space<vmem>>) dst(%dma_wait3A_573 : memref<64x64xf32, #tpu.memory_space<vmem_shared>>)
      tpu.yield
    }) : () -> ()
    %mul3A_19 = arith.constant 640 : i32
    %mul3A_20 = arith.muli %arg1, %mul3A_19 : i32
    %add3A_21 = arith.constant 256 : i32
    %add3A_22 = arith.addi %mul3A_20, %add3A_21 : i32
    "tpu.region"() ({
      %run_scoped3A_565 = tpu.sem_alloc : memref<!tpu.dma_semaphore, #tpu.memory_space<semaphore_mem>>
      %dma_start3A_566 = arith.constant 0 : i32
      %dma_start3A_567 = tpu.memref_slice %arg15[%add3A_22, %dma_start3A_566] : memref<10240x64xf32, #tpu.memory_space<vmem_shared>> -> memref<64x64xf32, #tpu.memory_space<vmem_shared>>
      %dma_start3A_568 = arith.constant 0 : i32
      %dma_start3A_569 = tpu.memref_slice %arg15[%add3A_22, %dma_start3A_568] : memref<10240x64xf32, #tpu.memory_space<vmem_shared>> -> memref<64x64xf32, #tpu.memory_space<vmem_shared>>
      tpu.enqueue_dma source(%arg11 : memref<64x64xf32, #tpu.memory_space<vmem>>) target(%dma_start3A_569 : memref<64x64xf32, #tpu.memory_space<vmem_shared>>) target_semaphore(%run_scoped3A_565 : memref<!tpu.dma_semaphore, #tpu.memory_space<semaphore_mem>>)
      %dma_wait3A_570 = arith.constant 0 : i32
      %dma_wait3A_571 = tpu.memref_slice %arg15[%add3A_22, %dma_wait3A_570] : memref<10240x64xf32, #tpu.memory_space<vmem_shared>> -> memref<64x64xf32, #tpu.memory_space<vmem_shared>>
      %dma_wait3A_572 = arith.constant 0 : i32
      %dma_wait3A_573 = tpu.memref_slice %arg15[%add3A_22, %dma_wait3A_572] : memref<10240x64xf32, #tpu.memory_space<vmem_shared>> -> memref<64x64xf32, #tpu.memory_space<vmem_shared>>
      tpu.wait_dma2 semaphore(%run_scoped3A_565 : memref<!tpu.dma_semaphore, #tpu.memory_space<semaphore_mem>>) src(%arg11 : memref<64x64xf32, #tpu.memory_space<vmem>>) dst(%dma_wait3A_573 : memref<64x64xf32, #tpu.memory_space<vmem_shared>>)
      tpu.yield
    }) : () -> ()
    %mul3A_23 = arith.constant 640 : i32
    %mul3A_24 = arith.muli %arg1, %mul3A_23 : i32
    %add3A_25 = arith.constant 320 : i32
    %add3A_26 = arith.addi %mul3A_24, %add3A_25 : i32
    "tpu.region"() ({
      %run_scoped3A_565 = tpu.sem_alloc : memref<!tpu.dma_semaphore, #tpu.memory_space<semaphore_mem>>
      %dma_start3A_566 = arith.constant 0 : i32
      %dma_start3A_567 = tpu.memref_slice %arg15[%add3A_26, %dma_start3A_566] : memref<10240x64xf32, #tpu.memory_space<vmem_shared>> -> memref<64x64xf32, #tpu.memory_space<vmem_shared>>
      %dma_start3A_568 = arith.constant 0 : i32
      %dma_start3A_569 = tpu.memref_slice %arg15[%add3A_26, %dma_start3A_568] : memref<10240x64xf32, #tpu.memory_space<vmem_shared>> -> memref<64x64xf32, #tpu.memory_space<vmem_shared>>
      tpu.enqueue_dma source(%arg11 : memref<64x64xf32, #tpu.memory_space<vmem>>) target(%dma_start3A_569 : memref<64x64xf32, #tpu.memory_space<vmem_shared>>) target_semaphore(%run_scoped3A_565 : memref<!tpu.dma_semaphore, #tpu.memory_space<semaphore_mem>>)
      %dma_wait3A_570 = arith.constant 0 : i32
      %dma_wait3A_571 = tpu.memref_slice %arg15[%add3A_26, %dma_wait3A_570] : memref<10240x64xf32, #tpu.memory_space<vmem_shared>> -> memref<64x64xf32, #tpu.memory_space<vmem_shared>>
      %dma_wait3A_572 = arith.constant 0 : i32
      %dma_wait3A_573 = tpu.memref_slice %arg15[%add3A_26, %dma_wait3A_572] : memref<10240x64xf32, #tpu.memory_space<vmem_shared>> -> memref<64x64xf32, #tpu.memory_space<vmem_shared>>
      tpu.wait_dma2 semaphore(%run_scoped3A_565 : memref<!tpu.dma_semaphore, #tpu.memory_space<semaphore_mem>>) src(%arg11 : memref<64x64xf32, #tpu.memory_space<vmem>>) dst(%dma_wait3A_573 : memref<64x64xf32, #tpu.memory_space<vmem_shared>>)
      tpu.yield
    }) : () -> ()
    %mul3A_27 = arith.constant 640 : i32
    %mul3A_28 = arith.muli %arg1, %mul3A_27 : i32
    %add3A_29 = arith.constant 384 : i32
    %add3A_30 = arith.addi %mul3A_28, %add3A_29 : i32
    "tpu.region"() ({
      %run_scoped3A_565 = tpu.sem_alloc : memref<!tpu.dma_semaphore, #tpu.memory_space<semaphore_mem>>
      %dma_start3A_566 = arith.constant 0 : i32
      %dma_start3A_567 = tpu.memref_slice %arg15[%add3A_30, %dma_start3A_566] : memref<10240x64xf32, #tpu.memory_space<vmem_shared>> -> memref<64x64xf32, #tpu.memory_space<vmem_shared>>
      %dma_start3A_568 = arith.constant 0 : i32
      %dma_start3A_569 = tpu.memref_slice %arg15[%add3A_30, %dma_start3A_568] : memref<10240x64xf32, #tpu.memory_space<vmem_shared>> -> memref<64x64xf32, #tpu.memory_space<vmem_shared>>
      tpu.enqueue_dma source(%arg11 : memref<64x64xf32, #tpu.memory_space<vmem>>) target(%dma_start3A_569 : memref<64x64xf32, #tpu.memory_space<vmem_shared>>) target_semaphore(%run_scoped3A_565 : memref<!tpu.dma_semaphore, #tpu.memory_space<semaphore_mem>>)
      %dma_wait3A_570 = arith.constant 0 : i32
      %dma_wait3A_571 = tpu.memref_slice %arg15[%add3A_30, %dma_wait3A_570] : memref<10240x64xf32, #tpu.memory_space<vmem_shared>> -> memref<64x64xf32, #tpu.memory_space<vmem_shared>>
      %dma_wait3A_572 = arith.constant 0 : i32
      %dma_wait3A_573 = tpu.memref_slice %arg15[%add3A_30, %dma_wait3A_572] : memref<10240x64xf32, #tpu.memory_space<vmem_shared>> -> memref<64x64xf32, #tpu.memory_space<vmem_shared>>
      tpu.wait_dma2 semaphore(%run_scoped3A_565 : memref<!tpu.dma_semaphore, #tpu.memory_space<semaphore_mem>>) src(%arg11 : memref<64x64xf32, #tpu.memory_space<vmem>>) dst(%dma_wait3A_573 : memref<64x64xf32, #tpu.memory_space<vmem_shared>>)
      tpu.yield
    }) : () -> ()
    %mul3A_31 = arith.constant 640 : i32
    %mul3A_32 = arith.muli %arg1, %mul3A_31 : i32
    %add3A_33 = arith.constant 448 : i32
    %add3A_34 = arith.addi %mul3A_32, %add3A_33 : i32
    "tpu.region"() ({
      %run_scoped3A_565 = tpu.sem_alloc : memref<!tpu.dma_semaphore, #tpu.memory_space<semaphore_mem>>
      %dma_start3A_566 = arith.constant 0 : i32
      %dma_start3A_567 = tpu.memref_slice %arg15[%add3A_34, %dma_start3A_566] : memref<10240x64xf32, #tpu.memory_space<vmem_shared>> -> memref<64x64xf32, #tpu.memory_space<vmem_shared>>
      %dma_start3A_568 = arith.constant 0 : i32
      %dma_start3A_569 = tpu.memref_slice %arg15[%add3A_34, %dma_start3A_568] : memref<10240x64xf32, #tpu.memory_space<vmem_shared>> -> memref<64x64xf32, #tpu.memory_space<vmem_shared>>
      tpu.enqueue_dma source(%arg11 : memref<64x64xf32, #tpu.memory_space<vmem>>) target(%dma_start3A_569 : memref<64x64xf32, #tpu.memory_space<vmem_shared>>) target_semaphore(%run_scoped3A_565 : memref<!tpu.dma_semaphore, #tpu.memory_space<semaphore_mem>>)
      %dma_wait3A_570 = arith.constant 0 : i32
      %dma_wait3A_571 = tpu.memref_slice %arg15[%add3A_34, %dma_wait3A_570] : memref<10240x64xf32, #tpu.memory_space<vmem_shared>> -> memref<64x64xf32, #tpu.memory_space<vmem_shared>>
      %dma_wait3A_572 = arith.constant 0 : i32
      %dma_wait3A_573 = tpu.memref_slice %arg15[%add3A_34, %dma_wait3A_572] : memref<10240x64xf32, #tpu.memory_space<vmem_shared>> -> memref<64x64xf32, #tpu.memory_space<vmem_shared>>
      tpu.wait_dma2 semaphore(%run_scoped3A_565 : memref<!tpu.dma_semaphore, #tpu.memory_space<semaphore_mem>>) src(%arg11 : memref<64x64xf32, #tpu.memory_space<vmem>>) dst(%dma_wait3A_573 : memref<64x64xf32, #tpu.memory_space<vmem_shared>>)
      tpu.yield
    }) : () -> ()
    %mul3A_35 = arith.constant 640 : i32
    %mul3A_36 = arith.muli %arg1, %mul3A_35 : i32
    %add3A_37 = arith.constant 512 : i32
    %add3A_38 = arith.addi %mul3A_36, %add3A_37 : i32
    "tpu.region"() ({
      %run_scoped3A_565 = tpu.sem_alloc : memref<!tpu.dma_semaphore, #tpu.memory_space<semaphore_mem>>
      %dma_start3A_566 = arith.constant 0 : i32
      %dma_start3A_567 = tpu.memref_slice %arg15[%add3A_38, %dma_start3A_566] : memref<10240x64xf32, #tpu.memory_space<vmem_shared>> -> memref<64x64xf32, #tpu.memory_space<vmem_shared>>
      %dma_start3A_568 = arith.constant 0 : i32
      %dma_start3A_569 = tpu.memref_slice %arg15[%add3A_38, %dma_start3A_568] : memref<10240x64xf32, #tpu.memory_space<vmem_shared>> -> memref<64x64xf32, #tpu.memory_space<vmem_shared>>
      tpu.enqueue_dma source(%arg11 : memref<64x64xf32, #tpu.memory_space<vmem>>) target(%dma_start3A_569 : memref<64x64xf32, #tpu.memory_space<vmem_shared>>) target_semaphore(%run_scoped3A_565 : memref<!tpu.dma_semaphore, #tpu.memory_space<semaphore_mem>>)
      %dma_wait3A_570 = arith.constant 0 : i32
      %dma_wait3A_571 = tpu.memref_slice %arg15[%add3A_38, %dma_wait3A_570] : memref<10240x64xf32, #tpu.memory_space<vmem_shared>> -> memref<64x64xf32, #tpu.memory_space<vmem_shared>>
      %dma_wait3A_572 = arith.constant 0 : i32
      %dma_wait3A_573 = tpu.memref_slice %arg15[%add3A_38, %dma_wait3A_572] : memref<10240x64xf32, #tpu.memory_space<vmem_shared>> -> memref<64x64xf32, #tpu.memory_space<vmem_shared>>
      tpu.wait_dma2 semaphore(%run_scoped3A_565 : memref<!tpu.dma_semaphore, #tpu.memory_space<semaphore_mem>>) src(%arg11 : memref<64x64xf32, #tpu.memory_space<vmem>>) dst(%dma_wait3A_573 : memref<64x64xf32, #tpu.memory_space<vmem_shared>>)
      tpu.yield
    }) : () -> ()
    %mul3A_39 = arith.constant 640 : i32
    %mul3A_40 = arith.muli %arg1, %mul3A_39 : i32
    %add3A_41 = arith.constant 576 : i32
    %add3A_42 = arith.addi %mul3A_40, %add3A_41 : i32
    "tpu.region"() ({
      %run_scoped3A_565 = tpu.sem_alloc : memref<!tpu.dma_semaphore, #tpu.memory_space<semaphore_mem>>
      %dma_start3A_566 = arith.constant 0 : i32
      %dma_start3A_567 = tpu.memref_slice %arg15[%add3A_42, %dma_start3A_566] : memref<10240x64xf32, #tpu.memory_space<vmem_shared>> -> memref<64x64xf32, #tpu.memory_space<vmem_shared>>
      %dma_start3A_568 = arith.constant 0 : i32
      %dma_start3A_569 = tpu.memref_slice %arg15[%add3A_42, %dma_start3A_568] : memref<10240x64xf32, #tpu.memory_space<vmem_shared>> -> memref<64x64xf32, #tpu.memory_space<vmem_shared>>
      tpu.enqueue_dma source(%arg11 : memref<64x64xf32, #tpu.memory_space<vmem>>) target(%dma_start3A_569 : memref<64x64xf32, #tpu.memory_space<vmem_shared>>) target_semaphore(%run_scoped3A_565 : memref<!tpu.dma_semaphore, #tpu.memory_space<semaphore_mem>>)
      %dma_wait3A_570 = arith.constant 0 : i32
      %dma_wait3A_571 = tpu.memref_slice %arg15[%add3A_42, %dma_wait3A_570] : memref<10240x64xf32, #tpu.memory_space<vmem_shared>> -> memref<64x64xf32, #tpu.memory_space<vmem_shared>>
      %dma_wait3A_572 = arith.constant 0 : i32
      %dma_wait3A_573 = tpu.memref_slice %arg15[%add3A_42, %dma_wait3A_572] : memref<10240x64xf32, #tpu.memory_space<vmem_shared>> -> memref<64x64xf32, #tpu.memory_space<vmem_shared>>
      tpu.wait_dma2 semaphore(%run_scoped3A_565 : memref<!tpu.dma_semaphore, #tpu.memory_space<semaphore_mem>>) src(%arg11 : memref<64x64xf32, #tpu.memory_space<vmem>>) dst(%dma_wait3A_573 : memref<64x64xf32, #tpu.memory_space<vmem_shared>>)
      tpu.yield
    }) : () -> ()
    %mul3A_43 = arith.constant 10000 : i32
    %mul3A_44 = arith.muli %arg0, %mul3A_43 : i32
    %run_scoped3A = arith.constant 0 : i32
    "tpu.region"() ({
      %run_scoped3A_565 = tpu.sem_alloc : memref<!tpu.dma_semaphore, #tpu.memory_space<semaphore_mem>>
      %dma_start3A_566 = arith.constant 0 : i32
      %dma_start3A_567 = arith.constant 0 : i32
      %dma_start3A_568 = tpu.memref_slice %arg5[%run_scoped3A, %arg1, %dma_start3A_566, %dma_start3A_567] : memref<2x16x250x80xi32, #tpu.memory_space<hbm>> -> memref<1x1x250x80xi32, #tpu.memory_space<hbm>>
      %dma_start3A_569 = tpu.memref_squeeze %dma_start3A_568 : memref<1x1x250x80xi32, #tpu.memory_space<hbm>> -> memref<250x80xi32, #tpu.memory_space<hbm>>
      %dma_start3A_570 = arith.constant 0 : i32
      %dma_start3A_571 = arith.constant 0 : i32
      %dma_start3A_572 = tpu.memref_slice %arg5[%run_scoped3A, %arg1, %dma_start3A_570, %dma_start3A_571] : memref<2x16x250x80xi32, #tpu.memory_space<hbm>> -> memref<1x1x250x80xi32, #tpu.memory_space<hbm>>
      %dma_start3A_573 = tpu.memref_squeeze %dma_start3A_572 : memref<1x1x250x80xi32, #tpu.memory_space<hbm>> -> memref<250x80xi32, #tpu.memory_space<hbm>>
      tpu.enqueue_dma source(%dma_start3A_573 : memref<250x80xi32, #tpu.memory_space<hbm>>) target(%arg8 : memref<250x80xi32, #tpu.memory_space<vmem>>) target_semaphore(%run_scoped3A_565 : memref<!tpu.dma_semaphore, #tpu.memory_space<semaphore_mem>>)
      %dma_wait3A_574 = arith.constant 0 : i32
      %dma_wait3A_575 = arith.constant 0 : i32
      %dma_wait3A_576 = tpu.memref_slice %arg5[%run_scoped3A, %arg1, %dma_wait3A_574, %dma_wait3A_575] : memref<2x16x250x80xi32, #tpu.memory_space<hbm>> -> memref<1x1x250x80xi32, #tpu.memory_space<hbm>>
      %dma_wait3A_577 = tpu.memref_squeeze %dma_wait3A_576 : memref<1x1x250x80xi32, #tpu.memory_space<hbm>> -> memref<250x80xi32, #tpu.memory_space<hbm>>
      %dma_wait3A_578 = arith.constant 0 : i32
      %dma_wait3A_579 = arith.constant 0 : i32
      %dma_wait3A_580 = tpu.memref_slice %arg5[%run_scoped3A, %arg1, %dma_wait3A_578, %dma_wait3A_579] : memref<2x16x250x80xi32, #tpu.memory_space<hbm>> -> memref<1x1x250x80xi32, #tpu.memory_space<hbm>>
      %dma_wait3A_581 = tpu.memref_squeeze %dma_wait3A_580 : memref<1x1x250x80xi32, #tpu.memory_space<hbm>> -> memref<250x80xi32, #tpu.memory_space<hbm>>
      tpu.wait_dma2 semaphore(%run_scoped3A_565 : memref<!tpu.dma_semaphore, #tpu.memory_space<semaphore_mem>>) src(%dma_wait3A_581 : memref<250x80xi32, #tpu.memory_space<hbm>>) dst(%arg8 : memref<250x80xi32, #tpu.memory_space<vmem>>)
      tpu.yield
    }) : () -> ()
    %run_scoped3A_45 = arith.constant 1 : i32
    "tpu.region"() ({
      %run_scoped3A_565 = tpu.sem_alloc : memref<!tpu.dma_semaphore, #tpu.memory_space<semaphore_mem>>
      %dma_start3A_566 = arith.constant 0 : i32
      %dma_start3A_567 = arith.constant 0 : i32
      %dma_start3A_568 = tpu.memref_slice %arg5[%run_scoped3A_45, %arg1, %dma_start3A_566, %dma_start3A_567] : memref<2x16x250x80xi32, #tpu.memory_space<hbm>> -> memref<1x1x250x80xi32, #tpu.memory_space<hbm>>
      %dma_start3A_569 = tpu.memref_squeeze %dma_start3A_568 : memref<1x1x250x80xi32, #tpu.memory_space<hbm>> -> memref<250x80xi32, #tpu.memory_space<hbm>>
      %dma_start3A_570 = arith.constant 0 : i32
      %dma_start3A_571 = arith.constant 0 : i32
      %dma_start3A_572 = tpu.memref_slice %arg5[%run_scoped3A_45, %arg1, %dma_start3A_570, %dma_start3A_571] : memref<2x16x250x80xi32, #tpu.memory_space<hbm>> -> memref<1x1x250x80xi32, #tpu.memory_space<hbm>>
      %dma_start3A_573 = tpu.memref_squeeze %dma_start3A_572 : memref<1x1x250x80xi32, #tpu.memory_space<hbm>> -> memref<250x80xi32, #tpu.memory_space<hbm>>
      tpu.enqueue_dma source(%dma_start3A_573 : memref<250x80xi32, #tpu.memory_space<hbm>>) target(%arg9 : memref<250x80xi32, #tpu.memory_space<vmem>>) target_semaphore(%run_scoped3A_565 : memref<!tpu.dma_semaphore, #tpu.memory_space<semaphore_mem>>)
      %dma_wait3A_574 = arith.constant 0 : i32
      %dma_wait3A_575 = arith.constant 0 : i32
      %dma_wait3A_576 = tpu.memref_slice %arg5[%run_scoped3A_45, %arg1, %dma_wait3A_574, %dma_wait3A_575] : memref<2x16x250x80xi32, #tpu.memory_space<hbm>> -> memref<1x1x250x80xi32, #tpu.memory_space<hbm>>
      %dma_wait3A_577 = tpu.memref_squeeze %dma_wait3A_576 : memref<1x1x250x80xi32, #tpu.memory_space<hbm>> -> memref<250x80xi32, #tpu.memory_space<hbm>>
      %dma_wait3A_578 = arith.constant 0 : i32
      %dma_wait3A_579 = arith.constant 0 : i32
      %dma_wait3A_580 = tpu.memref_slice %arg5[%run_scoped3A_45, %arg1, %dma_wait3A_578, %dma_wait3A_579] : memref<2x16x250x80xi32, #tpu.memory_space<hbm>> -> memref<1x1x250x80xi32, #tpu.memory_space<hbm>>
      %dma_wait3A_581 = tpu.memref_squeeze %dma_wait3A_580 : memref<1x1x250x80xi32, #tpu.memory_space<hbm>> -> memref<250x80xi32, #tpu.memory_space<hbm>>
      tpu.wait_dma2 semaphore(%run_scoped3A_565 : memref<!tpu.dma_semaphore, #tpu.memory_space<semaphore_mem>>) src(%dma_wait3A_581 : memref<250x80xi32, #tpu.memory_space<hbm>>) dst(%arg9 : memref<250x80xi32, #tpu.memory_space<vmem>>)
      tpu.yield
    }) : () -> ()
    %scan3A_46 = arith.constant 0 : i32
    %scan3A_47 = arith.constant 0 : i32
    %scan3A_48 = arith.constant 250 : i32
    %scan3A_49 = arith.addi %scan3A_47, %scan3A_48 : i32
    %scan3A_50 = arith.constant 1 : i32
    scf.for %scan3A_565 = %scan3A_47 to %scan3A_49 step %scan3A_50  : i32 {
      %get3A = arith.index_cast %scan3A_565 : i32 to index
      %get3A_566 = arith.constant 0 : index
      %get3A_567 = tpu.vector_load %arg8[%get3A, %get3A_566] {strides = array<i32>} : memref<250x80xi32, #tpu.memory_space<vmem>>, vector<1x16xi32>,
      %get3A_568 = vector.shape_cast %get3A_567 : vector<1x16xi32> to vector<16xi32>
      %add3A_569 = vector.broadcast %mul3A_44 : i32 to vector<16xi32>
      %add3A_570 = arith.addi %get3A_568, %add3A_569 : vector<16xi32>
      %swap3A = arith.index_cast %scan3A_565 : i32 to index
      %swap3A_571 = arith.constant 0 : index
      %swap3A_572 = tpu.vector_load %arg8[%swap3A, %swap3A_571] {strides = array<i32>} : memref<250x80xi32, #tpu.memory_space<vmem>>, vector<1x16xi32>,
      %swap3A_573 = vector.shape_cast %swap3A_572 : vector<1x16xi32> to vector<16xi32>
      %swap3A_574 = vector.shape_cast %add3A_570 : vector<16xi32> to vector<1x16xi32>
      tpu.vector_store %arg8[%swap3A, %swap3A_571], %swap3A_574 {strides = array<i32>} : memref<250x80xi32, #tpu.memory_space<vmem>>, vector<1x16xi32>,
      %get3A_575 = arith.index_cast %scan3A_565 : i32 to index
      %get3A_576 = arith.constant 16 : index
      %get3A_577 = tpu.vector_load %arg8[%get3A_575, %get3A_576] {strides = array<i32>} : memref<250x80xi32, #tpu.memory_space<vmem>>, vector<1x16xi32>,
      %get3A_578 = vector.shape_cast %get3A_577 : vector<1x16xi32> to vector<16xi32>
      %add3A_579 = vector.broadcast %mul3A_44 : i32 to vector<16xi32>
      %add3A_580 = arith.addi %get3A_578, %add3A_579 : vector<16xi32>
      %swap3A_581 = arith.index_cast %scan3A_565 : i32 to index
      %swap3A_582 = arith.constant 16 : index
      %swap3A_583 = tpu.vector_load %arg8[%swap3A_581, %swap3A_582] {strides = array<i32>} : memref<250x80xi32, #tpu.memory_space<vmem>>, vector<1x16xi32>,
      %swap3A_584 = vector.shape_cast %swap3A_583 : vector<1x16xi32> to vector<16xi32>
      %swap3A_585 = vector.shape_cast %add3A_580 : vector<16xi32> to vector<1x16xi32>
      tpu.vector_store %arg8[%swap3A_581, %swap3A_582], %swap3A_585 {strides = array<i32>} : memref<250x80xi32, #tpu.memory_space<vmem>>, vector<1x16xi32>,
      %get3A_586 = arith.index_cast %scan3A_565 : i32 to index
      %get3A_587 = arith.constant 32 : index
      %get3A_588 = tpu.vector_load %arg8[%get3A_586, %get3A_587] {strides = array<i32>} : memref<250x80xi32, #tpu.memory_space<vmem>>, vector<1x16xi32>,
      %get3A_589 = vector.shape_cast %get3A_588 : vector<1x16xi32> to vector<16xi32>
      %add3A_590 = vector.broadcast %mul3A_44 : i32 to vector<16xi32>
      %add3A_591 = arith.addi %get3A_589, %add3A_590 : vector<16xi32>
      %swap3A_592 = arith.index_cast %scan3A_565 : i32 to index
      %swap3A_593 = arith.constant 32 : index
      %swap3A_594 = tpu.vector_load %arg8[%swap3A_592, %swap3A_593] {strides = array<i32>} : memref<250x80xi32, #tpu.memory_space<vmem>>, vector<1x16xi32>,
      %swap3A_595 = vector.shape_cast %swap3A_594 : vector<1x16xi32> to vector<16xi32>
      %swap3A_596 = vector.shape_cast %add3A_591 : vector<16xi32> to vector<1x16xi32>
      tpu.vector_store %arg8[%swap3A_592, %swap3A_593], %swap3A_596 {strides = array<i32>} : memref<250x80xi32, #tpu.memory_space<vmem>>, vector<1x16xi32>,
      %get3A_597 = arith.index_cast %scan3A_565 : i32 to index
      %get3A_598 = arith.constant 48 : index
      %get3A_599 = tpu.vector_load %arg8[%get3A_597, %get3A_598] {strides = array<i32>} : memref<250x80xi32, #tpu.memory_space<vmem>>, vector<1x16xi32>,
      %get3A_600 = vector.shape_cast %get3A_599 : vector<1x16xi32> to vector<16xi32>
      %add3A_601 = vector.broadcast %mul3A_44 : i32 to vector<16xi32>
      %add3A_602 = arith.addi %get3A_600, %add3A_601 : vector<16xi32>
      %swap3A_603 = arith.index_cast %scan3A_565 : i32 to index
      %swap3A_604 = arith.constant 48 : index
      %swap3A_605 = tpu.vector_load %arg8[%swap3A_603, %swap3A_604] {strides = array<i32>} : memref<250x80xi32, #tpu.memory_space<vmem>>, vector<1x16xi32>,
      %swap3A_606 = vector.shape_cast %swap3A_605 : vector<1x16xi32> to vector<16xi32>
      %swap3A_607 = vector.shape_cast %add3A_602 : vector<16xi32> to vector<1x16xi32>
      tpu.vector_store %arg8[%swap3A_603, %swap3A_604], %swap3A_607 {strides = array<i32>} : memref<250x80xi32, #tpu.memory_space<vmem>>, vector<1x16xi32>,
      %get3A_608 = arith.index_cast %scan3A_565 : i32 to index
      %get3A_609 = arith.constant 64 : index
      %get3A_610 = tpu.vector_load %arg8[%get3A_608, %get3A_609] {strides = array<i32>} : memref<250x80xi32, #tpu.memory_space<vmem>>, vector<1x16xi32>,
      %get3A_611 = vector.shape_cast %get3A_610 : vector<1x16xi32> to vector<16xi32>
      %add3A_612 = vector.broadcast %mul3A_44 : i32 to vector<16xi32>
      %add3A_613 = arith.addi %get3A_611, %add3A_612 : vector<16xi32>
      %swap3A_614 = arith.index_cast %scan3A_565 : i32 to index
      %swap3A_615 = arith.constant 64 : index
      %swap3A_616 = tpu.vector_load %arg8[%swap3A_614, %swap3A_615] {strides = array<i32>} : memref<250x80xi32, #tpu.memory_space<vmem>>, vector<1x16xi32>,
      %swap3A_617 = vector.shape_cast %swap3A_616 : vector<1x16xi32> to vector<16xi32>
      %swap3A_618 = vector.shape_cast %add3A_613 : vector<16xi32> to vector<1x16xi32>
      tpu.vector_store %arg8[%swap3A_614, %swap3A_615], %swap3A_618 {strides = array<i32>} : memref<250x80xi32, #tpu.memory_space<vmem>>, vector<1x16xi32>,
    }
    %scan3A_51 = arith.constant 250 : i32
    %mul3A_52 = arith.constant 625 : i32
    %mul3A_53 = arith.muli %arg1, %mul3A_52 : i32
    %add3A_54 = arith.constant 0 : i32
    %add3A_55 = arith.addi %mul3A_53, %add3A_54 : i32
    %dma_start3A = arith.constant 0 : i32
    %dma_start3A_56 = tpu.memref_slice %arg2[%arg0, %add3A_55, %dma_start3A] : memref<2x10240x16xf32, #tpu.memory_space<hbm>> -> memref<1x125x16xf32, #tpu.memory_space<hbm>>
    %dma_start3A_57 = tpu.memref_squeeze %dma_start3A_56 : memref<1x125x16xf32, #tpu.memory_space<hbm>> -> memref<125x16xf32, #tpu.memory_space<hbm>>
    %dma_start3A_58 = arith.constant 0 : i32
    %dma_start3A_59 = tpu.memref_slice %arg2[%arg0, %add3A_55, %dma_start3A_58] : memref<2x10240x16xf32, #tpu.memory_space<hbm>> -> memref<1x125x16xf32, #tpu.memory_space<hbm>>
    %dma_start3A_60 = tpu.memref_squeeze %dma_start3A_59 : memref<1x125x16xf32, #tpu.memory_space<hbm>> -> memref<125x16xf32, #tpu.memory_space<hbm>>
    tpu.enqueue_dma source(%dma_start3A_60 : memref<125x16xf32, #tpu.memory_space<hbm>>) target(%arg12 : memref<125x16xf32, #tpu.memory_space<vmem>>) target_semaphore(%arg16 : memref<!tpu.dma_semaphore, #tpu.memory_space<semaphore_mem>>)
    %dma_start3A_61 = arith.constant 0 : i32
    %dma_start3A_62 = tpu.memref_slice %arg4[%arg0, %add3A_55, %dma_start3A_61] : memref<2x10240x64xf32, #tpu.memory_space<hbm>> -> memref<1x125x64xf32, #tpu.memory_space<hbm>>
    %dma_start3A_63 = tpu.memref_squeeze %dma_start3A_62 : memref<1x125x64xf32, #tpu.memory_space<hbm>> -> memref<125x64xf32, #tpu.memory_space<hbm>>
    %dma_start3A_64 = arith.constant 0 : i32
    %dma_start3A_65 = tpu.memref_slice %arg4[%arg0, %add3A_55, %dma_start3A_64] : memref<2x10240x64xf32, #tpu.memory_space<hbm>> -> memref<1x125x64xf32, #tpu.memory_space<hbm>>
    %dma_start3A_66 = tpu.memref_squeeze %dma_start3A_65 : memref<1x125x64xf32, #tpu.memory_space<hbm>> -> memref<125x64xf32, #tpu.memory_space<hbm>>
    tpu.enqueue_dma source(%dma_start3A_66 : memref<125x64xf32, #tpu.memory_space<hbm>>) target(%arg13 : memref<125x64xf32, #tpu.memory_space<vmem>>) target_semaphore(%arg17 : memref<!tpu.dma_semaphore, #tpu.memory_space<semaphore_mem>>)
    %mul3A_67 = arith.constant 10000 : i32
    %mul3A_68 = arith.muli %arg0, %mul3A_67 : i32
    %add3A_69 = arith.addi %mul3A_68, %add3A_55 : i32
    %dma_start3A_70 = arith.constant 0 : i32
    %dma_start3A_71 = tpu.memref_slice %arg3[%add3A_69, %dma_start3A_70] : memref<20000x64xf32, #tpu.memory_space<hbm>> -> memref<125x64xf32, #tpu.memory_space<hbm>>
    %dma_start3A_72 = arith.constant 0 : i32
    %dma_start3A_73 = tpu.memref_slice %arg3[%add3A_69, %dma_start3A_72] : memref<20000x64xf32, #tpu.memory_space<hbm>> -> memref<125x64xf32, #tpu.memory_space<hbm>>
    tpu.enqueue_dma source(%dma_start3A_73 : memref<125x64xf32, #tpu.memory_space<hbm>>) target(%arg14 : memref<125x64xf32, #tpu.memory_space<vmem>>) target_semaphore(%arg18 : memref<!tpu.dma_semaphore, #tpu.memory_space<semaphore_mem>>)
    %dma_wait3A = arith.constant 0 : i32
    %dma_wait3A_74 = tpu.memref_slice %arg2[%arg0, %add3A_55, %dma_wait3A] : memref<2x10240x16xf32, #tpu.memory_space<hbm>> -> memref<1x125x16xf32, #tpu.memory_space<hbm>>
    %dma_wait3A_75 = tpu.memref_squeeze %dma_wait3A_74 : memref<1x125x16xf32, #tpu.memory_space<hbm>> -> memref<125x16xf32, #tpu.memory_space<hbm>>
    %dma_wait3A_76 = arith.constant 0 : i32
    %dma_wait3A_77 = tpu.memref_slice %arg2[%arg0, %add3A_55, %dma_wait3A_76] : memref<2x10240x16xf32, #tpu.memory_space<hbm>> -> memref<1x125x16xf32, #tpu.memory_space<hbm>>
    %dma_wait3A_78 = tpu.memref_squeeze %dma_wait3A_77 : memref<1x125x16xf32, #tpu.memory_space<hbm>> -> memref<125x16xf32, #tpu.memory_space<hbm>>
    tpu.wait_dma2 semaphore(%arg16 : memref<!tpu.dma_semaphore, #tpu.memory_space<semaphore_mem>>) src(%dma_wait3A_78 : memref<125x16xf32, #tpu.memory_space<hbm>>) dst(%arg12 : memref<125x16xf32, #tpu.memory_space<vmem>>)
    %dma_wait3A_79 = arith.constant 0 : i32
    %dma_wait3A_80 = tpu.memref_slice %arg4[%arg0, %add3A_55, %dma_wait3A_79] : memref<2x10240x64xf32, #tpu.memory_space<hbm>> -> memref<1x125x64xf32, #tpu.memory_space<hbm>>
    %dma_wait3A_81 = tpu.memref_squeeze %dma_wait3A_80 : memref<1x125x64xf32, #tpu.memory_space<hbm>> -> memref<125x64xf32, #tpu.memory_space<hbm>>
    %dma_wait3A_82 = arith.constant 0 : i32
    %dma_wait3A_83 = tpu.memref_slice %arg4[%arg0, %add3A_55, %dma_wait3A_82] : memref<2x10240x64xf32, #tpu.memory_space<hbm>> -> memref<1x125x64xf32, #tpu.memory_space<hbm>>
    %dma_wait3A_84 = tpu.memref_squeeze %dma_wait3A_83 : memref<1x125x64xf32, #tpu.memory_space<hbm>> -> memref<125x64xf32, #tpu.memory_space<hbm>>
    tpu.wait_dma2 semaphore(%arg17 : memref<!tpu.dma_semaphore, #tpu.memory_space<semaphore_mem>>) src(%dma_wait3A_84 : memref<125x64xf32, #tpu.memory_space<hbm>>) dst(%arg13 : memref<125x64xf32, #tpu.memory_space<vmem>>)
    %dma_wait3A_85 = arith.constant 0 : i32
    %dma_wait3A_86 = tpu.memref_slice %arg3[%add3A_69, %dma_wait3A_85] : memref<20000x64xf32, #tpu.memory_space<hbm>> -> memref<125x64xf32, #tpu.memory_space<hbm>>
    %dma_wait3A_87 = arith.constant 0 : i32
    %dma_wait3A_88 = tpu.memref_slice %arg3[%add3A_69, %dma_wait3A_87] : memref<20000x64xf32, #tpu.memory_space<hbm>> -> memref<125x64xf32, #tpu.memory_space<hbm>>
    tpu.wait_dma2 semaphore(%arg18 : memref<!tpu.dma_semaphore, #tpu.memory_space<semaphore_mem>>) src(%dma_wait3A_88 : memref<125x64xf32, #tpu.memory_space<hbm>>) dst(%arg14 : memref<125x64xf32, #tpu.memory_space<vmem>>)
    %scan3A_89 = arith.constant 0 : i32
    %scan3A_90 = arith.constant 0 : i32
    %scan3A_91 = arith.constant 125 : i32
    %scan3A_92 = arith.addi %scan3A_90, %scan3A_91 : i32
    %scan3A_93 = arith.constant 1 : i32
    scf.for %scan3A_565 = %scan3A_90 to %scan3A_92 step %scan3A_93  : i32 {
      %get3A = arith.index_cast %scan3A_565 : i32 to index
      %get3A_566 = arith.constant 0 : index
      %get3A_567 = tpu.vector_load %arg12[%get3A, %get3A_566] {strides = array<i32>} : memref<125x16xf32, #tpu.memory_space<vmem>>, vector<1x16xf32>,
      %get3A_568 = vector.shape_cast %get3A_567 : vector<1x16xf32> to vector<16xf32>
      %add3A_569 = arith.constant 1.000000e+00 : f32
      %add3A_570 = vector.broadcast %add3A_569 : f32 to vector<16xf32>
      %add3A_571 = arith.addf %get3A_568, %add3A_570 : vector<16xf32>
      %div3A = arith.constant 1.000000e+00 : f32
      %div3A_572 = vector.broadcast %div3A : f32 to vector<16xf32>
      %div3A_573 = arith.divf %div3A_572, %add3A_571 : vector<16xf32>
      %get3A_574 = arith.index_cast %scan3A_565 : i32 to index
      %get3A_575 = arith.constant 0 : index
      %get3A_576 = tpu.vector_load %arg13[%get3A_574, %get3A_575] {strides = array<i32>} : memref<125x64xf32, #tpu.memory_space<vmem>>, vector<1x16xf32>,
      %get3A_577 = vector.shape_cast %get3A_576 : vector<1x16xf32> to vector<16xf32>
      %get3A_578 = arith.index_cast %scan3A_565 : i32 to index
      %get3A_579 = arith.constant 0 : index
      %get3A_580 = tpu.vector_load %arg14[%get3A_578, %get3A_579] {strides = array<i32>} : memref<125x64xf32, #tpu.memory_space<vmem>>, vector<1x16xf32>,
      %get3A_581 = vector.shape_cast %get3A_580 : vector<1x16xf32> to vector<16xf32>
      %add3A_582 = arith.addf %get3A_577, %get3A_581 : vector<16xf32>
      %mul3A_583 = arith.mulf %add3A_582, %div3A_573 : vector<16xf32>
      %swap3A = arith.index_cast %scan3A_565 : i32 to index
      %swap3A_584 = arith.constant 0 : index
      %swap3A_585 = tpu.vector_load %arg14[%swap3A, %swap3A_584] {strides = array<i32>} : memref<125x64xf32, #tpu.memory_space<vmem>>, vector<1x16xf32>,
      %swap3A_586 = vector.shape_cast %swap3A_585 : vector<1x16xf32> to vector<16xf32>
      %swap3A_587 = vector.shape_cast %mul3A_583 : vector<16xf32> to vector<1x16xf32>
      tpu.vector_store %arg14[%swap3A, %swap3A_584], %swap3A_587 {strides = array<i32>} : memref<125x64xf32, #tpu.memory_space<vmem>>, vector<1x16xf32>,
      %get3A_588 = arith.index_cast %scan3A_565 : i32 to index
      %get3A_589 = arith.constant 16 : index
      %get3A_590 = tpu.vector_load %arg13[%get3A_588, %get3A_589] {strides = array<i32>} : memref<125x64xf32, #tpu.memory_space<vmem>>, vector<1x16xf32>,
      %get3A_591 = vector.shape_cast %get3A_590 : vector<1x16xf32> to vector<16xf32>
      %get3A_592 = arith.index_cast %scan3A_565 : i32 to index
      %get3A_593 = arith.constant 16 : index
      %get3A_594 = tpu.vector_load %arg14[%get3A_592, %get3A_593] {strides = array<i32>} : memref<125x64xf32, #tpu.memory_space<vmem>>, vector<1x16xf32>,
      %get3A_595 = vector.shape_cast %get3A_594 : vector<1x16xf32> to vector<16xf32>
      %add3A_596 = arith.addf %get3A_591, %get3A_595 : vector<16xf32>
      %mul3A_597 = arith.mulf %add3A_596, %div3A_573 : vector<16xf32>
      %swap3A_598 = arith.index_cast %scan3A_565 : i32 to index
      %swap3A_599 = arith.constant 16 : index
      %swap3A_600 = tpu.vector_load %arg14[%swap3A_598, %swap3A_599] {strides = array<i32>} : memref<125x64xf32, #tpu.memory_space<vmem>>, vector<1x16xf32>,
      %swap3A_601 = vector.shape_cast %swap3A_600 : vector<1x16xf32> to vector<16xf32>
      %swap3A_602 = vector.shape_cast %mul3A_597 : vector<16xf32> to vector<1x16xf32>
      tpu.vector_store %arg14[%swap3A_598, %swap3A_599], %swap3A_602 {strides = array<i32>} : memref<125x64xf32, #tpu.memory_space<vmem>>, vector<1x16xf32>,
      %get3A_603 = arith.index_cast %scan3A_565 : i32 to index
      %get3A_604 = arith.constant 32 : index
      %get3A_605 = tpu.vector_load %arg13[%get3A_603, %get3A_604] {strides = array<i32>} : memref<125x64xf32, #tpu.memory_space<vmem>>, vector<1x16xf32>,
      %get3A_606 = vector.shape_cast %get3A_605 : vector<1x16xf32> to vector<16xf32>
      %get3A_607 = arith.index_cast %scan3A_565 : i32 to index
      %get3A_608 = arith.constant 32 : index
      %get3A_609 = tpu.vector_load %arg14[%get3A_607, %get3A_608] {strides = array<i32>} : memref<125x64xf32, #tpu.memory_space<vmem>>, vector<1x16xf32>,
      %get3A_610 = vector.shape_cast %get3A_609 : vector<1x16xf32> to vector<16xf32>
      %add3A_611 = arith.addf %get3A_606, %get3A_610 : vector<16xf32>
      %mul3A_612 = arith.mulf %add3A_611, %div3A_573 : vector<16xf32>
      %swap3A_613 = arith.index_cast %scan3A_565 : i32 to index
      %swap3A_614 = arith.constant 32 : index
      %swap3A_615 = tpu.vector_load %arg14[%swap3A_613, %swap3A_614] {strides = array<i32>} : memref<125x64xf32, #tpu.memory_space<vmem>>, vector<1x16xf32>,
      %swap3A_616 = vector.shape_cast %swap3A_615 : vector<1x16xf32> to vector<16xf32>
      %swap3A_617 = vector.shape_cast %mul3A_612 : vector<16xf32> to vector<1x16xf32>
      tpu.vector_store %arg14[%swap3A_613, %swap3A_614], %swap3A_617 {strides = array<i32>} : memref<125x64xf32, #tpu.memory_space<vmem>>, vector<1x16xf32>,
      %get3A_618 = arith.index_cast %scan3A_565 : i32 to index
      %get3A_619 = arith.constant 48 : index
      %get3A_620 = tpu.vector_load %arg13[%get3A_618, %get3A_619] {strides = array<i32>} : memref<125x64xf32, #tpu.memory_space<vmem>>, vector<1x16xf32>,
      %get3A_621 = vector.shape_cast %get3A_620 : vector<1x16xf32> to vector<16xf32>
      %get3A_622 = arith.index_cast %scan3A_565 : i32 to index
      %get3A_623 = arith.constant 48 : index
      %get3A_624 = tpu.vector_load %arg14[%get3A_622, %get3A_623] {strides = array<i32>} : memref<125x64xf32, #tpu.memory_space<vmem>>, vector<1x16xf32>,
      %get3A_625 = vector.shape_cast %get3A_624 : vector<1x16xf32> to vector<16xf32>
      %add3A_626 = arith.addf %get3A_621, %get3A_625 : vector<16xf32>
      %mul3A_627 = arith.mulf %add3A_626, %div3A_573 : vector<16xf32>
      %swap3A_628 = arith.index_cast %scan3A_565 : i32 to index
      %swap3A_629 = arith.constant 48 : index
      %swap3A_630 = tpu.vector_load %arg14[%swap3A_628, %swap3A_629] {strides = array<i32>} : memref<125x64xf32, #tpu.memory_space<vmem>>, vector<1x16xf32>,
      %swap3A_631 = vector.shape_cast %swap3A_630 : vector<1x16xf32> to vector<16xf32>
      %swap3A_632 = vector.shape_cast %mul3A_627 : vector<16xf32> to vector<1x16xf32>
      tpu.vector_store %arg14[%swap3A_628, %swap3A_629], %swap3A_632 {strides = array<i32>} : memref<125x64xf32, #tpu.memory_space<vmem>>, vector<1x16xf32>,
    }
    %scan3A_94 = arith.constant 125 : i32
    %mul3A_95 = arith.constant 10000 : i32
    %mul3A_96 = arith.muli %arg0, %mul3A_95 : i32
    %add3A_97 = arith.addi %mul3A_96, %add3A_55 : i32
    "tpu.region"() ({
      %run_scoped3A_565 = tpu.sem_alloc : memref<!tpu.dma_semaphore, #tpu.memory_space<semaphore_mem>>
      %dma_start3A_566 = arith.constant 0 : i32
      %dma_start3A_567 = tpu.memref_slice %arg6[%add3A_97, %dma_start3A_566] : memref<20000x64xf32, #tpu.memory_space<hbm>> -> memref<125x64xf32, #tpu.memory_space<hbm>>
      %dma_start3A_568 = arith.constant 0 : i32
      %dma_start3A_569 = tpu.memref_slice %arg6[%add3A_97, %dma_start3A_568] : memref<20000x64xf32, #tpu.memory_space<hbm>> -> memref<125x64xf32, #tpu.memory_space<hbm>>
      tpu.enqueue_dma source(%arg14 : memref<125x64xf32, #tpu.memory_space<vmem>>) target(%dma_start3A_569 : memref<125x64xf32, #tpu.memory_space<hbm>>) target_semaphore(%run_scoped3A_565 : memref<!tpu.dma_semaphore, #tpu.memory_space<semaphore_mem>>)
      %dma_wait3A_570 = arith.constant 0 : i32
      %dma_wait3A_571 = tpu.memref_slice %arg6[%add3A_97, %dma_wait3A_570] : memref<20000x64xf32, #tpu.memory_space<hbm>> -> memref<125x64xf32, #tpu.memory_space<hbm>>
      %dma_wait3A_572 = arith.constant 0 : i32
      %dma_wait3A_573 = tpu.memref_slice %arg6[%add3A_97, %dma_wait3A_572] : memref<20000x64xf32, #tpu.memory_space<hbm>> -> memref<125x64xf32, #tpu.memory_space<hbm>>
      tpu.wait_dma2 semaphore(%run_scoped3A_565 : memref<!tpu.dma_semaphore, #tpu.memory_space<semaphore_mem>>) src(%arg14 : memref<125x64xf32, #tpu.memory_space<vmem>>) dst(%dma_wait3A_573 : memref<125x64xf32, #tpu.memory_space<hbm>>)
      tpu.yield
    }) : () -> ()
    %mul3A_98 = arith.constant 625 : i32
    %mul3A_99 = arith.muli %arg1, %mul3A_98 : i32
    %add3A_100 = arith.constant 125 : i32
    %add3A_101 = arith.addi %mul3A_99, %add3A_100 : i32
    %dma_start3A_102 = arith.constant 0 : i32
    %dma_start3A_103 = tpu.memref_slice %arg2[%arg0, %add3A_101, %dma_start3A_102] : memref<2x10240x16xf32, #tpu.memory_space<hbm>> -> memref<1x125x16xf32, #tpu.memory_space<hbm>>
    %dma_start3A_104 = tpu.memref_squeeze %dma_start3A_103 : memref<1x125x16xf32, #tpu.memory_space<hbm>> -> memref<125x16xf32, #tpu.memory_space<hbm>>
    %dma_start3A_105 = arith.constant 0 : i32
    %dma_start3A_106 = tpu.memref_slice %arg2[%arg0, %add3A_101, %dma_start3A_105] : memref<2x10240x16xf32, #tpu.memory_space<hbm>> -> memref<1x125x16xf32, #tpu.memory_space<hbm>>
    %dma_start3A_107 = tpu.memref_squeeze %dma_start3A_106 : memref<1x125x16xf32, #tpu.memory_space<hbm>> -> memref<125x16xf32, #tpu.memory_space<hbm>>
    tpu.enqueue_dma source(%dma_start3A_107 : memref<125x16xf32, #tpu.memory_space<hbm>>) target(%arg12 : memref<125x16xf32, #tpu.memory_space<vmem>>) target_semaphore(%arg16 : memref<!tpu.dma_semaphore, #tpu.memory_space<semaphore_mem>>)
    %dma_start3A_108 = arith.constant 0 : i32
    %dma_start3A_109 = tpu.memref_slice %arg4[%arg0, %add3A_101, %dma_start3A_108] : memref<2x10240x64xf32, #tpu.memory_space<hbm>> -> memref<1x125x64xf32, #tpu.memory_space<hbm>>
    %dma_start3A_110 = tpu.memref_squeeze %dma_start3A_109 : memref<1x125x64xf32, #tpu.memory_space<hbm>> -> memref<125x64xf32, #tpu.memory_space<hbm>>
    %dma_start3A_111 = arith.constant 0 : i32
    %dma_start3A_112 = tpu.memref_slice %arg4[%arg0, %add3A_101, %dma_start3A_111] : memref<2x10240x64xf32, #tpu.memory_space<hbm>> -> memref<1x125x64xf32, #tpu.memory_space<hbm>>
    %dma_start3A_113 = tpu.memref_squeeze %dma_start3A_112 : memref<1x125x64xf32, #tpu.memory_space<hbm>> -> memref<125x64xf32, #tpu.memory_space<hbm>>
    tpu.enqueue_dma source(%dma_start3A_113 : memref<125x64xf32, #tpu.memory_space<hbm>>) target(%arg13 : memref<125x64xf32, #tpu.memory_space<vmem>>) target_semaphore(%arg17 : memref<!tpu.dma_semaphore, #tpu.memory_space<semaphore_mem>>)
    %mul3A_114 = arith.constant 10000 : i32
    %mul3A_115 = arith.muli %arg0, %mul3A_114 : i32
    %add3A_116 = arith.addi %mul3A_115, %add3A_101 : i32
    %dma_start3A_117 = arith.constant 0 : i32
    %dma_start3A_118 = tpu.memref_slice %arg3[%add3A_116, %dma_start3A_117] : memref<20000x64xf32, #tpu.memory_space<hbm>> -> memref<125x64xf32, #tpu.memory_space<hbm>>
    %dma_start3A_119 = arith.constant 0 : i32
    %dma_start3A_120 = tpu.memref_slice %arg3[%add3A_116, %dma_start3A_119] : memref<20000x64xf32, #tpu.memory_space<hbm>> -> memref<125x64xf32, #tpu.memory_space<hbm>>
    tpu.enqueue_dma source(%dma_start3A_120 : memref<125x64xf32, #tpu.memory_space<hbm>>) target(%arg14 : memref<125x64xf32, #tpu.memory_space<vmem>>) target_semaphore(%arg18 : memref<!tpu.dma_semaphore, #tpu.memory_space<semaphore_mem>>)
    %dma_wait3A_121 = arith.constant 0 : i32
    %dma_wait3A_122 = tpu.memref_slice %arg2[%arg0, %add3A_101, %dma_wait3A_121] : memref<2x10240x16xf32, #tpu.memory_space<hbm>> -> memref<1x125x16xf32, #tpu.memory_space<hbm>>
    %dma_wait3A_123 = tpu.memref_squeeze %dma_wait3A_122 : memref<1x125x16xf32, #tpu.memory_space<hbm>> -> memref<125x16xf32, #tpu.memory_space<hbm>>
    %dma_wait3A_124 = arith.constant 0 : i32
    %dma_wait3A_125 = tpu.memref_slice %arg2[%arg0, %add3A_101, %dma_wait3A_124] : memref<2x10240x16xf32, #tpu.memory_space<hbm>> -> memref<1x125x16xf32, #tpu.memory_space<hbm>>
    %dma_wait3A_126 = tpu.memref_squeeze %dma_wait3A_125 : memref<1x125x16xf32, #tpu.memory_space<hbm>> -> memref<125x16xf32, #tpu.memory_space<hbm>>
    tpu.wait_dma2 semaphore(%arg16 : memref<!tpu.dma_semaphore, #tpu.memory_space<semaphore_mem>>) src(%dma_wait3A_126 : memref<125x16xf32, #tpu.memory_space<hbm>>) dst(%arg12 : memref<125x16xf32, #tpu.memory_space<vmem>>)
    %dma_wait3A_127 = arith.constant 0 : i32
    %dma_wait3A_128 = tpu.memref_slice %arg4[%arg0, %add3A_101, %dma_wait3A_127] : memref<2x10240x64xf32, #tpu.memory_space<hbm>> -> memref<1x125x64xf32, #tpu.memory_space<hbm>>
    %dma_wait3A_129 = tpu.memref_squeeze %dma_wait3A_128 : memref<1x125x64xf32, #tpu.memory_space<hbm>> -> memref<125x64xf32, #tpu.memory_space<hbm>>
    %dma_wait3A_130 = arith.constant 0 : i32
    %dma_wait3A_131 = tpu.memref_slice %arg4[%arg0, %add3A_101, %dma_wait3A_130] : memref<2x10240x64xf32, #tpu.memory_space<hbm>> -> memref<1x125x64xf32, #tpu.memory_space<hbm>>
    %dma_wait3A_132 = tpu.memref_squeeze %dma_wait3A_131 : memref<1x125x64xf32, #tpu.memory_space<hbm>> -> memref<125x64xf32, #tpu.memory_space<hbm>>
    tpu.wait_dma2 semaphore(%arg17 : memref<!tpu.dma_semaphore, #tpu.memory_space<semaphore_mem>>) src(%dma_wait3A_132 : memref<125x64xf32, #tpu.memory_space<hbm>>) dst(%arg13 : memref<125x64xf32, #tpu.memory_space<vmem>>)
    %dma_wait3A_133 = arith.constant 0 : i32
    %dma_wait3A_134 = tpu.memref_slice %arg3[%add3A_116, %dma_wait3A_133] : memref<20000x64xf32, #tpu.memory_space<hbm>> -> memref<125x64xf32, #tpu.memory_space<hbm>>
    %dma_wait3A_135 = arith.constant 0 : i32
    %dma_wait3A_136 = tpu.memref_slice %arg3[%add3A_116, %dma_wait3A_135] : memref<20000x64xf32, #tpu.memory_space<hbm>> -> memref<125x64xf32, #tpu.memory_space<hbm>>
    tpu.wait_dma2 semaphore(%arg18 : memref<!tpu.dma_semaphore, #tpu.memory_space<semaphore_mem>>) src(%dma_wait3A_136 : memref<125x64xf32, #tpu.memory_space<hbm>>) dst(%arg14 : memref<125x64xf32, #tpu.memory_space<vmem>>)
    %scan3A_137 = arith.constant 0 : i32
    %scan3A_138 = arith.constant 0 : i32
    %scan3A_139 = arith.constant 125 : i32
    %scan3A_140 = arith.addi %scan3A_138, %scan3A_139 : i32
    %scan3A_141 = arith.constant 1 : i32
    scf.for %scan3A_565 = %scan3A_138 to %scan3A_140 step %scan3A_141  : i32 {
      %get3A = arith.index_cast %scan3A_565 : i32 to index
      %get3A_566 = arith.constant 0 : index
      %get3A_567 = tpu.vector_load %arg12[%get3A, %get3A_566] {strides = array<i32>} : memref<125x16xf32, #tpu.memory_space<vmem>>, vector<1x16xf32>,
      %get3A_568 = vector.shape_cast %get3A_567 : vector<1x16xf32> to vector<16xf32>
      %add3A_569 = arith.constant 1.000000e+00 : f32
      %add3A_570 = vector.broadcast %add3A_569 : f32 to vector<16xf32>
      %add3A_571 = arith.addf %get3A_568, %add3A_570 : vector<16xf32>
      %div3A = arith.constant 1.000000e+00 : f32
      %div3A_572 = vector.broadcast %div3A : f32 to vector<16xf32>
      %div3A_573 = arith.divf %div3A_572, %add3A_571 : vector<16xf32>
      %get3A_574 = arith.index_cast %scan3A_565 : i32 to index
      %get3A_575 = arith.constant 0 : index
      %get3A_576 = tpu.vector_load %arg13[%get3A_574, %get3A_575] {strides = array<i32>} : memref<125x64xf32, #tpu.memory_space<vmem>>, vector<1x16xf32>,
      %get3A_577 = vector.shape_cast %get3A_576 : vector<1x16xf32> to vector<16xf32>
      %get3A_578 = arith.index_cast %scan3A_565 : i32 to index
      %get3A_579 = arith.constant 0 : index
      %get3A_580 = tpu.vector_load %arg14[%get3A_578, %get3A_579] {strides = array<i32>} : memref<125x64xf32, #tpu.memory_space<vmem>>, vector<1x16xf32>,
      %get3A_581 = vector.shape_cast %get3A_580 : vector<1x16xf32> to vector<16xf32>
      %add3A_582 = arith.addf %get3A_577, %get3A_581 : vector<16xf32>
      %mul3A_583 = arith.mulf %add3A_582, %div3A_573 : vector<16xf32>
      %swap3A = arith.index_cast %scan3A_565 : i32 to index
      %swap3A_584 = arith.constant 0 : index
      %swap3A_585 = tpu.vector_load %arg14[%swap3A, %swap3A_584] {strides = array<i32>} : memref<125x64xf32, #tpu.memory_space<vmem>>, vector<1x16xf32>,
      %swap3A_586 = vector.shape_cast %swap3A_585 : vector<1x16xf32> to vector<16xf32>
      %swap3A_587 = vector.shape_cast %mul3A_583 : vector<16xf32> to vector<1x16xf32>
      tpu.vector_store %arg14[%swap3A, %swap3A_584], %swap3A_587 {strides = array<i32>} : memref<125x64xf32, #tpu.memory_space<vmem>>, vector<1x16xf32>,
      %get3A_588 = arith.index_cast %scan3A_565 : i32 to index
      %get3A_589 = arith.constant 16 : index
      %get3A_590 = tpu.vector_load %arg13[%get3A_588, %get3A_589] {strides = array<i32>} : memref<125x64xf32, #tpu.memory_space<vmem>>, vector<1x16xf32>,
      %get3A_591 = vector.shape_cast %get3A_590 : vector<1x16xf32> to vector<16xf32>
      %get3A_592 = arith.index_cast %scan3A_565 : i32 to index
      %get3A_593 = arith.constant 16 : index
      %get3A_594 = tpu.vector_load %arg14[%get3A_592, %get3A_593] {strides = array<i32>} : memref<125x64xf32, #tpu.memory_space<vmem>>, vector<1x16xf32>,
      %get3A_595 = vector.shape_cast %get3A_594 : vector<1x16xf32> to vector<16xf32>
      %add3A_596 = arith.addf %get3A_591, %get3A_595 : vector<16xf32>
      %mul3A_597 = arith.mulf %add3A_596, %div3A_573 : vector<16xf32>
      %swap3A_598 = arith.index_cast %scan3A_565 : i32 to index
      %swap3A_599 = arith.constant 16 : index
      %swap3A_600 = tpu.vector_load %arg14[%swap3A_598, %swap3A_599] {strides = array<i32>} : memref<125x64xf32, #tpu.memory_space<vmem>>, vector<1x16xf32>,
      %swap3A_601 = vector.shape_cast %swap3A_600 : vector<1x16xf32> to vector<16xf32>
      %swap3A_602 = vector.shape_cast %mul3A_597 : vector<16xf32> to vector<1x16xf32>
      tpu.vector_store %arg14[%swap3A_598, %swap3A_599], %swap3A_602 {strides = array<i32>} : memref<125x64xf32, #tpu.memory_space<vmem>>, vector<1x16xf32>,
      %get3A_603 = arith.index_cast %scan3A_565 : i32 to index
      %get3A_604 = arith.constant 32 : index
      %get3A_605 = tpu.vector_load %arg13[%get3A_603, %get3A_604] {strides = array<i32>} : memref<125x64xf32, #tpu.memory_space<vmem>>, vector<1x16xf32>,
      %get3A_606 = vector.shape_cast %get3A_605 : vector<1x16xf32> to vector<16xf32>
      %get3A_607 = arith.index_cast %scan3A_565 : i32 to index
      %get3A_608 = arith.constant 32 : index
      %get3A_609 = tpu.vector_load %arg14[%get3A_607, %get3A_608] {strides = array<i32>} : memref<125x64xf32, #tpu.memory_space<vmem>>, vector<1x16xf32>,
      %get3A_610 = vector.shape_cast %get3A_609 : vector<1x16xf32> to vector<16xf32>
      %add3A_611 = arith.addf %get3A_606, %get3A_610 : vector<16xf32>
      %mul3A_612 = arith.mulf %add3A_611, %div3A_573 : vector<16xf32>
      %swap3A_613 = arith.index_cast %scan3A_565 : i32 to index
      %swap3A_614 = arith.constant 32 : index
      %swap3A_615 = tpu.vector_load %arg14[%swap3A_613, %swap3A_614] {strides = array<i32>} : memref<125x64xf32, #tpu.memory_space<vmem>>, vector<1x16xf32>,
      %swap3A_616 = vector.shape_cast %swap3A_615 : vector<1x16xf32> to vector<16xf32>
      %swap3A_617 = vector.shape_cast %mul3A_612 : vector<16xf32> to vector<1x16xf32>
      tpu.vector_store %arg14[%swap3A_613, %swap3A_614], %swap3A_617 {strides = array<i32>} : memref<125x64xf32, #tpu.memory_space<vmem>>, vector<1x16xf32>,
      %get3A_618 = arith.index_cast %scan3A_565 : i32 to index
      %get3A_619 = arith.constant 48 : index
      %get3A_620 = tpu.vector_load %arg13[%get3A_618, %get3A_619] {strides = array<i32>} : memref<125x64xf32, #tpu.memory_space<vmem>>, vector<1x16xf32>,
      %get3A_621 = vector.shape_cast %get3A_620 : vector<1x16xf32> to vector<16xf32>
      %get3A_622 = arith.index_cast %scan3A_565 : i32 to index
      %get3A_623 = arith.constant 48 : index
      %get3A_624 = tpu.vector_load %arg14[%get3A_622, %get3A_623] {strides = array<i32>} : memref<125x64xf32, #tpu.memory_space<vmem>>, vector<1x16xf32>,
      %get3A_625 = vector.shape_cast %get3A_624 : vector<1x16xf32> to vector<16xf32>
      %add3A_626 = arith.addf %get3A_621, %get3A_625 : vector<16xf32>
      %mul3A_627 = arith.mulf %add3A_626, %div3A_573 : vector<16xf32>
      %swap3A_628 = arith.index_cast %scan3A_565 : i32 to index
      %swap3A_629 = arith.constant 48 : index
      %swap3A_630 = tpu.vector_load %arg14[%swap3A_628, %swap3A_629] {strides = array<i32>} : memref<125x64xf32, #tpu.memory_space<vmem>>, vector<1x16xf32>,
      %swap3A_631 = vector.shape_cast %swap3A_630 : vector<1x16xf32> to vector<16xf32>
      %swap3A_632 = vector.shape_cast %mul3A_627 : vector<16xf32> to vector<1x16xf32>
      tpu.vector_store %arg14[%swap3A_628, %swap3A_629], %swap3A_632 {strides = array<i32>} : memref<125x64xf32, #tpu.memory_space<vmem>>, vector<1x16xf32>,
    }
    %scan3A_142 = arith.constant 125 : i32
    %mul3A_143 = arith.constant 10000 : i32
    %mul3A_144 = arith.muli %arg0, %mul3A_143 : i32
    %add3A_145 = arith.addi %mul3A_144, %add3A_101 : i32
    "tpu.region"() ({
      %run_scoped3A_565 = tpu.sem_alloc : memref<!tpu.dma_semaphore, #tpu.memory_space<semaphore_mem>>
      %dma_start3A_566 = arith.constant 0 : i32
      %dma_start3A_567 = tpu.memref_slice %arg6[%add3A_145, %dma_start3A_566] : memref<20000x64xf32, #tpu.memory_space<hbm>> -> memref<125x64xf32, #tpu.memory_space<hbm>>
      %dma_start3A_568 = arith.constant 0 : i32
      %dma_start3A_569 = tpu.memref_slice %arg6[%add3A_145, %dma_start3A_568] : memref<20000x64xf32, #tpu.memory_space<hbm>> -> memref<125x64xf32, #tpu.memory_space<hbm>>
      tpu.enqueue_dma source(%arg14 : memref<125x64xf32, #tpu.memory_space<vmem>>) target(%dma_start3A_569 : memref<125x64xf32, #tpu.memory_space<hbm>>) target_semaphore(%run_scoped3A_565 : memref<!tpu.dma_semaphore, #tpu.memory_space<semaphore_mem>>)
      %dma_wait3A_570 = arith.constant 0 : i32
      %dma_wait3A_571 = tpu.memref_slice %arg6[%add3A_145, %dma_wait3A_570] : memref<20000x64xf32, #tpu.memory_space<hbm>> -> memref<125x64xf32, #tpu.memory_space<hbm>>
      %dma_wait3A_572 = arith.constant 0 : i32
      %dma_wait3A_573 = tpu.memref_slice %arg6[%add3A_145, %dma_wait3A_572] : memref<20000x64xf32, #tpu.memory_space<hbm>> -> memref<125x64xf32, #tpu.memory_space<hbm>>
      tpu.wait_dma2 semaphore(%run_scoped3A_565 : memref<!tpu.dma_semaphore, #tpu.memory_space<semaphore_mem>>) src(%arg14 : memref<125x64xf32, #tpu.memory_space<vmem>>) dst(%dma_wait3A_573 : memref<125x64xf32, #tpu.memory_space<hbm>>)
      tpu.yield
    }) : () -> ()
    %mul3A_146 = arith.constant 625 : i32
    %mul3A_147 = arith.muli %arg1, %mul3A_146 : i32
    %add3A_148 = arith.constant 250 : i32
    %add3A_149 = arith.addi %mul3A_147, %add3A_148 : i32
    %dma_start3A_150 = arith.constant 0 : i32
    %dma_start3A_151 = tpu.memref_slice %arg2[%arg0, %add3A_149, %dma_start3A_150] : memref<2x10240x16xf32, #tpu.memory_space<hbm>> -> memref<1x125x16xf32, #tpu.memory_space<hbm>>
    %dma_start3A_152 = tpu.memref_squeeze %dma_start3A_151 : memref<1x125x16xf32, #tpu.memory_space<hbm>> -> memref<125x16xf32, #tpu.memory_space<hbm>>
    %dma_start3A_153 = arith.constant 0 : i32
    %dma_start3A_154 = tpu.memref_slice %arg2[%arg0, %add3A_149, %dma_start3A_153] : memref<2x10240x16xf32, #tpu.memory_space<hbm>> -> memref<1x125x16xf32, #tpu.memory_space<hbm>>
    %dma_start3A_155 = tpu.memref_squeeze %dma_start3A_154 : memref<1x125x16xf32, #tpu.memory_space<hbm>> -> memref<125x16xf32, #tpu.memory_space<hbm>>
    tpu.enqueue_dma source(%dma_start3A_155 : memref<125x16xf32, #tpu.memory_space<hbm>>) target(%arg12 : memref<125x16xf32, #tpu.memory_space<vmem>>) target_semaphore(%arg16 : memref<!tpu.dma_semaphore, #tpu.memory_space<semaphore_mem>>)
    %dma_start3A_156 = arith.constant 0 : i32
    %dma_start3A_157 = tpu.memref_slice %arg4[%arg0, %add3A_149, %dma_start3A_156] : memref<2x10240x64xf32, #tpu.memory_space<hbm>> -> memref<1x125x64xf32, #tpu.memory_space<hbm>>
    %dma_start3A_158 = tpu.memref_squeeze %dma_start3A_157 : memref<1x125x64xf32, #tpu.memory_space<hbm>> -> memref<125x64xf32, #tpu.memory_space<hbm>>
    %dma_start3A_159 = arith.constant 0 : i32
    %dma_start3A_160 = tpu.memref_slice %arg4[%arg0, %add3A_149, %dma_start3A_159] : memref<2x10240x64xf32, #tpu.memory_space<hbm>> -> memref<1x125x64xf32, #tpu.memory_space<hbm>>
    %dma_start3A_161 = tpu.memref_squeeze %dma_start3A_160 : memref<1x125x64xf32, #tpu.memory_space<hbm>> -> memref<125x64xf32, #tpu.memory_space<hbm>>
    tpu.enqueue_dma source(%dma_start3A_161 : memref<125x64xf32, #tpu.memory_space<hbm>>) target(%arg13 : memref<125x64xf32, #tpu.memory_space<vmem>>) target_semaphore(%arg17 : memref<!tpu.dma_semaphore, #tpu.memory_space<semaphore_mem>>)
    %mul3A_162 = arith.constant 10000 : i32
    %mul3A_163 = arith.muli %arg0, %mul3A_162 : i32
    %add3A_164 = arith.addi %mul3A_163, %add3A_149 : i32
    %dma_start3A_165 = arith.constant 0 : i32
    %dma_start3A_166 = tpu.memref_slice %arg3[%add3A_164, %dma_start3A_165] : memref<20000x64xf32, #tpu.memory_space<hbm>> -> memref<125x64xf32, #tpu.memory_space<hbm>>
    %dma_start3A_167 = arith.constant 0 : i32
    %dma_start3A_168 = tpu.memref_slice %arg3[%add3A_164, %dma_start3A_167] : memref<20000x64xf32, #tpu.memory_space<hbm>> -> memref<125x64xf32, #tpu.memory_space<hbm>>
    tpu.enqueue_dma source(%dma_start3A_168 : memref<125x64xf32, #tpu.memory_space<hbm>>) target(%arg14 : memref<125x64xf32, #tpu.memory_space<vmem>>) target_semaphore(%arg18 : memref<!tpu.dma_semaphore, #tpu.memory_space<semaphore_mem>>)
    %dma_wait3A_169 = arith.constant 0 : i32
    %dma_wait3A_170 = tpu.memref_slice %arg2[%arg0, %add3A_149, %dma_wait3A_169] : memref<2x10240x16xf32, #tpu.memory_space<hbm>> -> memref<1x125x16xf32, #tpu.memory_space<hbm>>
    %dma_wait3A_171 = tpu.memref_squeeze %dma_wait3A_170 : memref<1x125x16xf32, #tpu.memory_space<hbm>> -> memref<125x16xf32, #tpu.memory_space<hbm>>
    %dma_wait3A_172 = arith.constant 0 : i32
    %dma_wait3A_173 = tpu.memref_slice %arg2[%arg0, %add3A_149, %dma_wait3A_172] : memref<2x10240x16xf32, #tpu.memory_space<hbm>> -> memref<1x125x16xf32, #tpu.memory_space<hbm>>
    %dma_wait3A_174 = tpu.memref_squeeze %dma_wait3A_173 : memref<1x125x16xf32, #tpu.memory_space<hbm>> -> memref<125x16xf32, #tpu.memory_space<hbm>>
    tpu.wait_dma2 semaphore(%arg16 : memref<!tpu.dma_semaphore, #tpu.memory_space<semaphore_mem>>) src(%dma_wait3A_174 : memref<125x16xf32, #tpu.memory_space<hbm>>) dst(%arg12 : memref<125x16xf32, #tpu.memory_space<vmem>>)
    %dma_wait3A_175 = arith.constant 0 : i32
    %dma_wait3A_176 = tpu.memref_slice %arg4[%arg0, %add3A_149, %dma_wait3A_175] : memref<2x10240x64xf32, #tpu.memory_space<hbm>> -> memref<1x125x64xf32, #tpu.memory_space<hbm>>
    %dma_wait3A_177 = tpu.memref_squeeze %dma_wait3A_176 : memref<1x125x64xf32, #tpu.memory_space<hbm>> -> memref<125x64xf32, #tpu.memory_space<hbm>>
    %dma_wait3A_178 = arith.constant 0 : i32
    %dma_wait3A_179 = tpu.memref_slice %arg4[%arg0, %add3A_149, %dma_wait3A_178] : memref<2x10240x64xf32, #tpu.memory_space<hbm>> -> memref<1x125x64xf32, #tpu.memory_space<hbm>>
    %dma_wait3A_180 = tpu.memref_squeeze %dma_wait3A_179 : memref<1x125x64xf32, #tpu.memory_space<hbm>> -> memref<125x64xf32, #tpu.memory_space<hbm>>
    tpu.wait_dma2 semaphore(%arg17 : memref<!tpu.dma_semaphore, #tpu.memory_space<semaphore_mem>>) src(%dma_wait3A_180 : memref<125x64xf32, #tpu.memory_space<hbm>>) dst(%arg13 : memref<125x64xf32, #tpu.memory_space<vmem>>)
    %dma_wait3A_181 = arith.constant 0 : i32
    %dma_wait3A_182 = tpu.memref_slice %arg3[%add3A_164, %dma_wait3A_181] : memref<20000x64xf32, #tpu.memory_space<hbm>> -> memref<125x64xf32, #tpu.memory_space<hbm>>
    %dma_wait3A_183 = arith.constant 0 : i32
    %dma_wait3A_184 = tpu.memref_slice %arg3[%add3A_164, %dma_wait3A_183] : memref<20000x64xf32, #tpu.memory_space<hbm>> -> memref<125x64xf32, #tpu.memory_space<hbm>>
    tpu.wait_dma2 semaphore(%arg18 : memref<!tpu.dma_semaphore, #tpu.memory_space<semaphore_mem>>) src(%dma_wait3A_184 : memref<125x64xf32, #tpu.memory_space<hbm>>) dst(%arg14 : memref<125x64xf32, #tpu.memory_space<vmem>>)
    %scan3A_185 = arith.constant 0 : i32
    %scan3A_186 = arith.constant 0 : i32
    %scan3A_187 = arith.constant 125 : i32
    %scan3A_188 = arith.addi %scan3A_186, %scan3A_187 : i32
    %scan3A_189 = arith.constant 1 : i32
    scf.for %scan3A_565 = %scan3A_186 to %scan3A_188 step %scan3A_189  : i32 {
      %get3A = arith.index_cast %scan3A_565 : i32 to index
      %get3A_566 = arith.constant 0 : index
      %get3A_567 = tpu.vector_load %arg12[%get3A, %get3A_566] {strides = array<i32>} : memref<125x16xf32, #tpu.memory_space<vmem>>, vector<1x16xf32>,
      %get3A_568 = vector.shape_cast %get3A_567 : vector<1x16xf32> to vector<16xf32>
      %add3A_569 = arith.constant 1.000000e+00 : f32
      %add3A_570 = vector.broadcast %add3A_569 : f32 to vector<16xf32>
      %add3A_571 = arith.addf %get3A_568, %add3A_570 : vector<16xf32>
      %div3A = arith.constant 1.000000e+00 : f32
      %div3A_572 = vector.broadcast %div3A : f32 to vector<16xf32>
      %div3A_573 = arith.divf %div3A_572, %add3A_571 : vector<16xf32>
      %get3A_574 = arith.index_cast %scan3A_565 : i32 to index
      %get3A_575 = arith.constant 0 : index
      %get3A_576 = tpu.vector_load %arg13[%get3A_574, %get3A_575] {strides = array<i32>} : memref<125x64xf32, #tpu.memory_space<vmem>>, vector<1x16xf32>,
      %get3A_577 = vector.shape_cast %get3A_576 : vector<1x16xf32> to vector<16xf32>
      %get3A_578 = arith.index_cast %scan3A_565 : i32 to index
      %get3A_579 = arith.constant 0 : index
      %get3A_580 = tpu.vector_load %arg14[%get3A_578, %get3A_579] {strides = array<i32>} : memref<125x64xf32, #tpu.memory_space<vmem>>, vector<1x16xf32>,
      %get3A_581 = vector.shape_cast %get3A_580 : vector<1x16xf32> to vector<16xf32>
      %add3A_582 = arith.addf %get3A_577, %get3A_581 : vector<16xf32>
      %mul3A_583 = arith.mulf %add3A_582, %div3A_573 : vector<16xf32>
      %swap3A = arith.index_cast %scan3A_565 : i32 to index
      %swap3A_584 = arith.constant 0 : index
      %swap3A_585 = tpu.vector_load %arg14[%swap3A, %swap3A_584] {strides = array<i32>} : memref<125x64xf32, #tpu.memory_space<vmem>>, vector<1x16xf32>,
      %swap3A_586 = vector.shape_cast %swap3A_585 : vector<1x16xf32> to vector<16xf32>
      %swap3A_587 = vector.shape_cast %mul3A_583 : vector<16xf32> to vector<1x16xf32>
      tpu.vector_store %arg14[%swap3A, %swap3A_584], %swap3A_587 {strides = array<i32>} : memref<125x64xf32, #tpu.memory_space<vmem>>, vector<1x16xf32>,
      %get3A_588 = arith.index_cast %scan3A_565 : i32 to index
      %get3A_589 = arith.constant 16 : index
      %get3A_590 = tpu.vector_load %arg13[%get3A_588, %get3A_589] {strides = array<i32>} : memref<125x64xf32, #tpu.memory_space<vmem>>, vector<1x16xf32>,
      %get3A_591 = vector.shape_cast %get3A_590 : vector<1x16xf32> to vector<16xf32>
      %get3A_592 = arith.index_cast %scan3A_565 : i32 to index
      %get3A_593 = arith.constant 16 : index
      %get3A_594 = tpu.vector_load %arg14[%get3A_592, %get3A_593] {strides = array<i32>} : memref<125x64xf32, #tpu.memory_space<vmem>>, vector<1x16xf32>,
      %get3A_595 = vector.shape_cast %get3A_594 : vector<1x16xf32> to vector<16xf32>
      %add3A_596 = arith.addf %get3A_591, %get3A_595 : vector<16xf32>
      %mul3A_597 = arith.mulf %add3A_596, %div3A_573 : vector<16xf32>
      %swap3A_598 = arith.index_cast %scan3A_565 : i32 to index
      %swap3A_599 = arith.constant 16 : index
      %swap3A_600 = tpu.vector_load %arg14[%swap3A_598, %swap3A_599] {strides = array<i32>} : memref<125x64xf32, #tpu.memory_space<vmem>>, vector<1x16xf32>,
      %swap3A_601 = vector.shape_cast %swap3A_600 : vector<1x16xf32> to vector<16xf32>
      %swap3A_602 = vector.shape_cast %mul3A_597 : vector<16xf32> to vector<1x16xf32>
      tpu.vector_store %arg14[%swap3A_598, %swap3A_599], %swap3A_602 {strides = array<i32>} : memref<125x64xf32, #tpu.memory_space<vmem>>, vector<1x16xf32>,
      %get3A_603 = arith.index_cast %scan3A_565 : i32 to index
      %get3A_604 = arith.constant 32 : index
      %get3A_605 = tpu.vector_load %arg13[%get3A_603, %get3A_604] {strides = array<i32>} : memref<125x64xf32, #tpu.memory_space<vmem>>, vector<1x16xf32>,
      %get3A_606 = vector.shape_cast %get3A_605 : vector<1x16xf32> to vector<16xf32>
      %get3A_607 = arith.index_cast %scan3A_565 : i32 to index
      %get3A_608 = arith.constant 32 : index
      %get3A_609 = tpu.vector_load %arg14[%get3A_607, %get3A_608] {strides = array<i32>} : memref<125x64xf32, #tpu.memory_space<vmem>>, vector<1x16xf32>,
      %get3A_610 = vector.shape_cast %get3A_609 : vector<1x16xf32> to vector<16xf32>
      %add3A_611 = arith.addf %get3A_606, %get3A_610 : vector<16xf32>
      %mul3A_612 = arith.mulf %add3A_611, %div3A_573 : vector<16xf32>
      %swap3A_613 = arith.index_cast %scan3A_565 : i32 to index
      %swap3A_614 = arith.constant 32 : index
      %swap3A_615 = tpu.vector_load %arg14[%swap3A_613, %swap3A_614] {strides = array<i32>} : memref<125x64xf32, #tpu.memory_space<vmem>>, vector<1x16xf32>,
      %swap3A_616 = vector.shape_cast %swap3A_615 : vector<1x16xf32> to vector<16xf32>
      %swap3A_617 = vector.shape_cast %mul3A_612 : vector<16xf32> to vector<1x16xf32>
      tpu.vector_store %arg14[%swap3A_613, %swap3A_614], %swap3A_617 {strides = array<i32>} : memref<125x64xf32, #tpu.memory_space<vmem>>, vector<1x16xf32>,
      %get3A_618 = arith.index_cast %scan3A_565 : i32 to index
      %get3A_619 = arith.constant 48 : index
      %get3A_620 = tpu.vector_load %arg13[%get3A_618, %get3A_619] {strides = array<i32>} : memref<125x64xf32, #tpu.memory_space<vmem>>, vector<1x16xf32>,
      %get3A_621 = vector.shape_cast %get3A_620 : vector<1x16xf32> to vector<16xf32>
      %get3A_622 = arith.index_cast %scan3A_565 : i32 to index
      %get3A_623 = arith.constant 48 : index
      %get3A_624 = tpu.vector_load %arg14[%get3A_622, %get3A_623] {strides = array<i32>} : memref<125x64xf32, #tpu.memory_space<vmem>>, vector<1x16xf32>,
      %get3A_625 = vector.shape_cast %get3A_624 : vector<1x16xf32> to vector<16xf32>
      %add3A_626 = arith.addf %get3A_621, %get3A_625 : vector<16xf32>
      %mul3A_627 = arith.mulf %add3A_626, %div3A_573 : vector<16xf32>
      %swap3A_628 = arith.index_cast %scan3A_565 : i32 to index
      %swap3A_629 = arith.constant 48 : index
      %swap3A_630 = tpu.vector_load %arg14[%swap3A_628, %swap3A_629] {strides = array<i32>} : memref<125x64xf32, #tpu.memory_space<vmem>>, vector<1x16xf32>,
      %swap3A_631 = vector.shape_cast %swap3A_630 : vector<1x16xf32> to vector<16xf32>
      %swap3A_632 = vector.shape_cast %mul3A_627 : vector<16xf32> to vector<1x16xf32>
      tpu.vector_store %arg14[%swap3A_628, %swap3A_629], %swap3A_632 {strides = array<i32>} : memref<125x64xf32, #tpu.memory_space<vmem>>, vector<1x16xf32>,
    }
    %scan3A_190 = arith.constant 125 : i32
    %mul3A_191 = arith.constant 10000 : i32
    %mul3A_192 = arith.muli %arg0, %mul3A_191 : i32
    %add3A_193 = arith.addi %mul3A_192, %add3A_149 : i32
    "tpu.region"() ({
      %run_scoped3A_565 = tpu.sem_alloc : memref<!tpu.dma_semaphore, #tpu.memory_space<semaphore_mem>>
      %dma_start3A_566 = arith.constant 0 : i32
      %dma_start3A_567 = tpu.memref_slice %arg6[%add3A_193, %dma_start3A_566] : memref<20000x64xf32, #tpu.memory_space<hbm>> -> memref<125x64xf32, #tpu.memory_space<hbm>>
      %dma_start3A_568 = arith.constant 0 : i32
      %dma_start3A_569 = tpu.memref_slice %arg6[%add3A_193, %dma_start3A_568] : memref<20000x64xf32, #tpu.memory_space<hbm>> -> memref<125x64xf32, #tpu.memory_space<hbm>>
      tpu.enqueue_dma source(%arg14 : memref<125x64xf32, #tpu.memory_space<vmem>>) target(%dma_start3A_569 : memref<125x64xf32, #tpu.memory_space<hbm>>) target_semaphore(%run_scoped3A_565 : memref<!tpu.dma_semaphore, #tpu.memory_space<semaphore_mem>>)
      %dma_wait3A_570 = arith.constant 0 : i32
      %dma_wait3A_571 = tpu.memref_slice %arg6[%add3A_193, %dma_wait3A_570] : memref<20000x64xf32, #tpu.memory_space<hbm>> -> memref<125x64xf32, #tpu.memory_space<hbm>>
      %dma_wait3A_572 = arith.constant 0 : i32
      %dma_wait3A_573 = tpu.memref_slice %arg6[%add3A_193, %dma_wait3A_572] : memref<20000x64xf32, #tpu.memory_space<hbm>> -> memref<125x64xf32, #tpu.memory_space<hbm>>
      tpu.wait_dma2 semaphore(%run_scoped3A_565 : memref<!tpu.dma_semaphore, #tpu.memory_space<semaphore_mem>>) src(%arg14 : memref<125x64xf32, #tpu.memory_space<vmem>>) dst(%dma_wait3A_573 : memref<125x64xf32, #tpu.memory_space<hbm>>)
      tpu.yield
    }) : () -> ()
    %mul3A_194 = arith.constant 625 : i32
    %mul3A_195 = arith.muli %arg1, %mul3A_194 : i32
    %add3A_196 = arith.constant 375 : i32
    %add3A_197 = arith.addi %mul3A_195, %add3A_196 : i32
    %dma_start3A_198 = arith.constant 0 : i32
    %dma_start3A_199 = tpu.memref_slice %arg2[%arg0, %add3A_197, %dma_start3A_198] : memref<2x10240x16xf32, #tpu.memory_space<hbm>> -> memref<1x125x16xf32, #tpu.memory_space<hbm>>
    %dma_start3A_200 = tpu.memref_squeeze %dma_start3A_199 : memref<1x125x16xf32, #tpu.memory_space<hbm>> -> memref<125x16xf32, #tpu.memory_space<hbm>>
    %dma_start3A_201 = arith.constant 0 : i32
    %dma_start3A_202 = tpu.memref_slice %arg2[%arg0, %add3A_197, %dma_start3A_201] : memref<2x10240x16xf32, #tpu.memory_space<hbm>> -> memref<1x125x16xf32, #tpu.memory_space<hbm>>
    %dma_start3A_203 = tpu.memref_squeeze %dma_start3A_202 : memref<1x125x16xf32, #tpu.memory_space<hbm>> -> memref<125x16xf32, #tpu.memory_space<hbm>>
    tpu.enqueue_dma source(%dma_start3A_203 : memref<125x16xf32, #tpu.memory_space<hbm>>) target(%arg12 : memref<125x16xf32, #tpu.memory_space<vmem>>) target_semaphore(%arg16 : memref<!tpu.dma_semaphore, #tpu.memory_space<semaphore_mem>>)
    %dma_start3A_204 = arith.constant 0 : i32
    %dma_start3A_205 = tpu.memref_slice %arg4[%arg0, %add3A_197, %dma_start3A_204] : memref<2x10240x64xf32, #tpu.memory_space<hbm>> -> memref<1x125x64xf32, #tpu.memory_space<hbm>>
    %dma_start3A_206 = tpu.memref_squeeze %dma_start3A_205 : memref<1x125x64xf32, #tpu.memory_space<hbm>> -> memref<125x64xf32, #tpu.memory_space<hbm>>
    %dma_start3A_207 = arith.constant 0 : i32
    %dma_start3A_208 = tpu.memref_slice %arg4[%arg0, %add3A_197, %dma_start3A_207] : memref<2x10240x64xf32, #tpu.memory_space<hbm>> -> memref<1x125x64xf32, #tpu.memory_space<hbm>>
    %dma_start3A_209 = tpu.memref_squeeze %dma_start3A_208 : memref<1x125x64xf32, #tpu.memory_space<hbm>> -> memref<125x64xf32, #tpu.memory_space<hbm>>
    tpu.enqueue_dma source(%dma_start3A_209 : memref<125x64xf32, #tpu.memory_space<hbm>>) target(%arg13 : memref<125x64xf32, #tpu.memory_space<vmem>>) target_semaphore(%arg17 : memref<!tpu.dma_semaphore, #tpu.memory_space<semaphore_mem>>)
    %mul3A_210 = arith.constant 10000 : i32
    %mul3A_211 = arith.muli %arg0, %mul3A_210 : i32
    %add3A_212 = arith.addi %mul3A_211, %add3A_197 : i32
    %dma_start3A_213 = arith.constant 0 : i32
    %dma_start3A_214 = tpu.memref_slice %arg3[%add3A_212, %dma_start3A_213] : memref<20000x64xf32, #tpu.memory_space<hbm>> -> memref<125x64xf32, #tpu.memory_space<hbm>>
    %dma_start3A_215 = arith.constant 0 : i32
    %dma_start3A_216 = tpu.memref_slice %arg3[%add3A_212, %dma_start3A_215] : memref<20000x64xf32, #tpu.memory_space<hbm>> -> memref<125x64xf32, #tpu.memory_space<hbm>>
    tpu.enqueue_dma source(%dma_start3A_216 : memref<125x64xf32, #tpu.memory_space<hbm>>) target(%arg14 : memref<125x64xf32, #tpu.memory_space<vmem>>) target_semaphore(%arg18 : memref<!tpu.dma_semaphore, #tpu.memory_space<semaphore_mem>>)
    %dma_wait3A_217 = arith.constant 0 : i32
    %dma_wait3A_218 = tpu.memref_slice %arg2[%arg0, %add3A_197, %dma_wait3A_217] : memref<2x10240x16xf32, #tpu.memory_space<hbm>> -> memref<1x125x16xf32, #tpu.memory_space<hbm>>
    %dma_wait3A_219 = tpu.memref_squeeze %dma_wait3A_218 : memref<1x125x16xf32, #tpu.memory_space<hbm>> -> memref<125x16xf32, #tpu.memory_space<hbm>>
    %dma_wait3A_220 = arith.constant 0 : i32
    %dma_wait3A_221 = tpu.memref_slice %arg2[%arg0, %add3A_197, %dma_wait3A_220] : memref<2x10240x16xf32, #tpu.memory_space<hbm>> -> memref<1x125x16xf32, #tpu.memory_space<hbm>>
    %dma_wait3A_222 = tpu.memref_squeeze %dma_wait3A_221 : memref<1x125x16xf32, #tpu.memory_space<hbm>> -> memref<125x16xf32, #tpu.memory_space<hbm>>
    tpu.wait_dma2 semaphore(%arg16 : memref<!tpu.dma_semaphore, #tpu.memory_space<semaphore_mem>>) src(%dma_wait3A_222 : memref<125x16xf32, #tpu.memory_space<hbm>>) dst(%arg12 : memref<125x16xf32, #tpu.memory_space<vmem>>)
    %dma_wait3A_223 = arith.constant 0 : i32
    %dma_wait3A_224 = tpu.memref_slice %arg4[%arg0, %add3A_197, %dma_wait3A_223] : memref<2x10240x64xf32, #tpu.memory_space<hbm>> -> memref<1x125x64xf32, #tpu.memory_space<hbm>>
    %dma_wait3A_225 = tpu.memref_squeeze %dma_wait3A_224 : memref<1x125x64xf32, #tpu.memory_space<hbm>> -> memref<125x64xf32, #tpu.memory_space<hbm>>
    %dma_wait3A_226 = arith.constant 0 : i32
    %dma_wait3A_227 = tpu.memref_slice %arg4[%arg0, %add3A_197, %dma_wait3A_226] : memref<2x10240x64xf32, #tpu.memory_space<hbm>> -> memref<1x125x64xf32, #tpu.memory_space<hbm>>
    %dma_wait3A_228 = tpu.memref_squeeze %dma_wait3A_227 : memref<1x125x64xf32, #tpu.memory_space<hbm>> -> memref<125x64xf32, #tpu.memory_space<hbm>>
    tpu.wait_dma2 semaphore(%arg17 : memref<!tpu.dma_semaphore, #tpu.memory_space<semaphore_mem>>) src(%dma_wait3A_228 : memref<125x64xf32, #tpu.memory_space<hbm>>) dst(%arg13 : memref<125x64xf32, #tpu.memory_space<vmem>>)
    %dma_wait3A_229 = arith.constant 0 : i32
    %dma_wait3A_230 = tpu.memref_slice %arg3[%add3A_212, %dma_wait3A_229] : memref<20000x64xf32, #tpu.memory_space<hbm>> -> memref<125x64xf32, #tpu.memory_space<hbm>>
    %dma_wait3A_231 = arith.constant 0 : i32
    %dma_wait3A_232 = tpu.memref_slice %arg3[%add3A_212, %dma_wait3A_231] : memref<20000x64xf32, #tpu.memory_space<hbm>> -> memref<125x64xf32, #tpu.memory_space<hbm>>
    tpu.wait_dma2 semaphore(%arg18 : memref<!tpu.dma_semaphore, #tpu.memory_space<semaphore_mem>>) src(%dma_wait3A_232 : memref<125x64xf32, #tpu.memory_space<hbm>>) dst(%arg14 : memref<125x64xf32, #tpu.memory_space<vmem>>)
    %scan3A_233 = arith.constant 0 : i32
    %scan3A_234 = arith.constant 0 : i32
    %scan3A_235 = arith.constant 125 : i32
    %scan3A_236 = arith.addi %scan3A_234, %scan3A_235 : i32
    %scan3A_237 = arith.constant 1 : i32
    scf.for %scan3A_565 = %scan3A_234 to %scan3A_236 step %scan3A_237  : i32 {
      %get3A = arith.index_cast %scan3A_565 : i32 to index
      %get3A_566 = arith.constant 0 : index
      %get3A_567 = tpu.vector_load %arg12[%get3A, %get3A_566] {strides = array<i32>} : memref<125x16xf32, #tpu.memory_space<vmem>>, vector<1x16xf32>,
      %get3A_568 = vector.shape_cast %get3A_567 : vector<1x16xf32> to vector<16xf32>
      %add3A_569 = arith.constant 1.000000e+00 : f32
      %add3A_570 = vector.broadcast %add3A_569 : f32 to vector<16xf32>
      %add3A_571 = arith.addf %get3A_568, %add3A_570 : vector<16xf32>
      %div3A = arith.constant 1.000000e+00 : f32
      %div3A_572 = vector.broadcast %div3A : f32 to vector<16xf32>
      %div3A_573 = arith.divf %div3A_572, %add3A_571 : vector<16xf32>
      %get3A_574 = arith.index_cast %scan3A_565 : i32 to index
      %get3A_575 = arith.constant 0 : index
      %get3A_576 = tpu.vector_load %arg13[%get3A_574, %get3A_575] {strides = array<i32>} : memref<125x64xf32, #tpu.memory_space<vmem>>, vector<1x16xf32>,
      %get3A_577 = vector.shape_cast %get3A_576 : vector<1x16xf32> to vector<16xf32>
      %get3A_578 = arith.index_cast %scan3A_565 : i32 to index
      %get3A_579 = arith.constant 0 : index
      %get3A_580 = tpu.vector_load %arg14[%get3A_578, %get3A_579] {strides = array<i32>} : memref<125x64xf32, #tpu.memory_space<vmem>>, vector<1x16xf32>,
      %get3A_581 = vector.shape_cast %get3A_580 : vector<1x16xf32> to vector<16xf32>
      %add3A_582 = arith.addf %get3A_577, %get3A_581 : vector<16xf32>
      %mul3A_583 = arith.mulf %add3A_582, %div3A_573 : vector<16xf32>
      %swap3A = arith.index_cast %scan3A_565 : i32 to index
      %swap3A_584 = arith.constant 0 : index
      %swap3A_585 = tpu.vector_load %arg14[%swap3A, %swap3A_584] {strides = array<i32>} : memref<125x64xf32, #tpu.memory_space<vmem>>, vector<1x16xf32>,
      %swap3A_586 = vector.shape_cast %swap3A_585 : vector<1x16xf32> to vector<16xf32>
      %swap3A_587 = vector.shape_cast %mul3A_583 : vector<16xf32> to vector<1x16xf32>
      tpu.vector_store %arg14[%swap3A, %swap3A_584], %swap3A_587 {strides = array<i32>} : memref<125x64xf32, #tpu.memory_space<vmem>>, vector<1x16xf32>,
      %get3A_588 = arith.index_cast %scan3A_565 : i32 to index
      %get3A_589 = arith.constant 16 : index
      %get3A_590 = tpu.vector_load %arg13[%get3A_588, %get3A_589] {strides = array<i32>} : memref<125x64xf32, #tpu.memory_space<vmem>>, vector<1x16xf32>,
      %get3A_591 = vector.shape_cast %get3A_590 : vector<1x16xf32> to vector<16xf32>
      %get3A_592 = arith.index_cast %scan3A_565 : i32 to index
      %get3A_593 = arith.constant 16 : index
      %get3A_594 = tpu.vector_load %arg14[%get3A_592, %get3A_593] {strides = array<i32>} : memref<125x64xf32, #tpu.memory_space<vmem>>, vector<1x16xf32>,
      %get3A_595 = vector.shape_cast %get3A_594 : vector<1x16xf32> to vector<16xf32>
      %add3A_596 = arith.addf %get3A_591, %get3A_595 : vector<16xf32>
      %mul3A_597 = arith.mulf %add3A_596, %div3A_573 : vector<16xf32>
      %swap3A_598 = arith.index_cast %scan3A_565 : i32 to index
      %swap3A_599 = arith.constant 16 : index
      %swap3A_600 = tpu.vector_load %arg14[%swap3A_598, %swap3A_599] {strides = array<i32>} : memref<125x64xf32, #tpu.memory_space<vmem>>, vector<1x16xf32>,
      %swap3A_601 = vector.shape_cast %swap3A_600 : vector<1x16xf32> to vector<16xf32>
      %swap3A_602 = vector.shape_cast %mul3A_597 : vector<16xf32> to vector<1x16xf32>
      tpu.vector_store %arg14[%swap3A_598, %swap3A_599], %swap3A_602 {strides = array<i32>} : memref<125x64xf32, #tpu.memory_space<vmem>>, vector<1x16xf32>,
      %get3A_603 = arith.index_cast %scan3A_565 : i32 to index
      %get3A_604 = arith.constant 32 : index
      %get3A_605 = tpu.vector_load %arg13[%get3A_603, %get3A_604] {strides = array<i32>} : memref<125x64xf32, #tpu.memory_space<vmem>>, vector<1x16xf32>,
      %get3A_606 = vector.shape_cast %get3A_605 : vector<1x16xf32> to vector<16xf32>
      %get3A_607 = arith.index_cast %scan3A_565 : i32 to index
      %get3A_608 = arith.constant 32 : index
      %get3A_609 = tpu.vector_load %arg14[%get3A_607, %get3A_608] {strides = array<i32>} : memref<125x64xf32, #tpu.memory_space<vmem>>, vector<1x16xf32>,
      %get3A_610 = vector.shape_cast %get3A_609 : vector<1x16xf32> to vector<16xf32>
      %add3A_611 = arith.addf %get3A_606, %get3A_610 : vector<16xf32>
      %mul3A_612 = arith.mulf %add3A_611, %div3A_573 : vector<16xf32>
      %swap3A_613 = arith.index_cast %scan3A_565 : i32 to index
      %swap3A_614 = arith.constant 32 : index
      %swap3A_615 = tpu.vector_load %arg14[%swap3A_613, %swap3A_614] {strides = array<i32>} : memref<125x64xf32, #tpu.memory_space<vmem>>, vector<1x16xf32>,
      %swap3A_616 = vector.shape_cast %swap3A_615 : vector<1x16xf32> to vector<16xf32>
      %swap3A_617 = vector.shape_cast %mul3A_612 : vector<16xf32> to vector<1x16xf32>
      tpu.vector_store %arg14[%swap3A_613, %swap3A_614], %swap3A_617 {strides = array<i32>} : memref<125x64xf32, #tpu.memory_space<vmem>>, vector<1x16xf32>,
      %get3A_618 = arith.index_cast %scan3A_565 : i32 to index
      %get3A_619 = arith.constant 48 : index
      %get3A_620 = tpu.vector_load %arg13[%get3A_618, %get3A_619] {strides = array<i32>} : memref<125x64xf32, #tpu.memory_space<vmem>>, vector<1x16xf32>,
      %get3A_621 = vector.shape_cast %get3A_620 : vector<1x16xf32> to vector<16xf32>
      %get3A_622 = arith.index_cast %scan3A_565 : i32 to index
      %get3A_623 = arith.constant 48 : index
      %get3A_624 = tpu.vector_load %arg14[%get3A_622, %get3A_623] {strides = array<i32>} : memref<125x64xf32, #tpu.memory_space<vmem>>, vector<1x16xf32>,
      %get3A_625 = vector.shape_cast %get3A_624 : vector<1x16xf32> to vector<16xf32>
      %add3A_626 = arith.addf %get3A_621, %get3A_625 : vector<16xf32>
      %mul3A_627 = arith.mulf %add3A_626, %div3A_573 : vector<16xf32>
      %swap3A_628 = arith.index_cast %scan3A_565 : i32 to index
      %swap3A_629 = arith.constant 48 : index
      %swap3A_630 = tpu.vector_load %arg14[%swap3A_628, %swap3A_629] {strides = array<i32>} : memref<125x64xf32, #tpu.memory_space<vmem>>, vector<1x16xf32>,
      %swap3A_631 = vector.shape_cast %swap3A_630 : vector<1x16xf32> to vector<16xf32>
      %swap3A_632 = vector.shape_cast %mul3A_627 : vector<16xf32> to vector<1x16xf32>
      tpu.vector_store %arg14[%swap3A_628, %swap3A_629], %swap3A_632 {strides = array<i32>} : memref<125x64xf32, #tpu.memory_space<vmem>>, vector<1x16xf32>,
    }
    %scan3A_238 = arith.constant 125 : i32
    %mul3A_239 = arith.constant 10000 : i32
    %mul3A_240 = arith.muli %arg0, %mul3A_239 : i32
    %add3A_241 = arith.addi %mul3A_240, %add3A_197 : i32
    "tpu.region"() ({
      %run_scoped3A_565 = tpu.sem_alloc : memref<!tpu.dma_semaphore, #tpu.memory_space<semaphore_mem>>
      %dma_start3A_566 = arith.constant 0 : i32
      %dma_start3A_567 = tpu.memref_slice %arg6[%add3A_241, %dma_start3A_566] : memref<20000x64xf32, #tpu.memory_space<hbm>> -> memref<125x64xf32, #tpu.memory_space<hbm>>
      %dma_start3A_568 = arith.constant 0 : i32
      %dma_start3A_569 = tpu.memref_slice %arg6[%add3A_241, %dma_start3A_568] : memref<20000x64xf32, #tpu.memory_space<hbm>> -> memref<125x64xf32, #tpu.memory_space<hbm>>
      tpu.enqueue_dma source(%arg14 : memref<125x64xf32, #tpu.memory_space<vmem>>) target(%dma_start3A_569 : memref<125x64xf32, #tpu.memory_space<hbm>>) target_semaphore(%run_scoped3A_565 : memref<!tpu.dma_semaphore, #tpu.memory_space<semaphore_mem>>)
      %dma_wait3A_570 = arith.constant 0 : i32
      %dma_wait3A_571 = tpu.memref_slice %arg6[%add3A_241, %dma_wait3A_570] : memref<20000x64xf32, #tpu.memory_space<hbm>> -> memref<125x64xf32, #tpu.memory_space<hbm>>
      %dma_wait3A_572 = arith.constant 0 : i32
      %dma_wait3A_573 = tpu.memref_slice %arg6[%add3A_241, %dma_wait3A_572] : memref<20000x64xf32, #tpu.memory_space<hbm>> -> memref<125x64xf32, #tpu.memory_space<hbm>>
      tpu.wait_dma2 semaphore(%run_scoped3A_565 : memref<!tpu.dma_semaphore, #tpu.memory_space<semaphore_mem>>) src(%arg14 : memref<125x64xf32, #tpu.memory_space<vmem>>) dst(%dma_wait3A_573 : memref<125x64xf32, #tpu.memory_space<hbm>>)
      tpu.yield
    }) : () -> ()
    %mul3A_242 = arith.constant 625 : i32
    %mul3A_243 = arith.muli %arg1, %mul3A_242 : i32
    %add3A_244 = arith.constant 500 : i32
    %add3A_245 = arith.addi %mul3A_243, %add3A_244 : i32
    %dma_start3A_246 = arith.constant 0 : i32
    %dma_start3A_247 = tpu.memref_slice %arg2[%arg0, %add3A_245, %dma_start3A_246] : memref<2x10240x16xf32, #tpu.memory_space<hbm>> -> memref<1x125x16xf32, #tpu.memory_space<hbm>>
    %dma_start3A_248 = tpu.memref_squeeze %dma_start3A_247 : memref<1x125x16xf32, #tpu.memory_space<hbm>> -> memref<125x16xf32, #tpu.memory_space<hbm>>
    %dma_start3A_249 = arith.constant 0 : i32
    %dma_start3A_250 = tpu.memref_slice %arg2[%arg0, %add3A_245, %dma_start3A_249] : memref<2x10240x16xf32, #tpu.memory_space<hbm>> -> memref<1x125x16xf32, #tpu.memory_space<hbm>>
    %dma_start3A_251 = tpu.memref_squeeze %dma_start3A_250 : memref<1x125x16xf32, #tpu.memory_space<hbm>> -> memref<125x16xf32, #tpu.memory_space<hbm>>
    tpu.enqueue_dma source(%dma_start3A_251 : memref<125x16xf32, #tpu.memory_space<hbm>>) target(%arg12 : memref<125x16xf32, #tpu.memory_space<vmem>>) target_semaphore(%arg16 : memref<!tpu.dma_semaphore, #tpu.memory_space<semaphore_mem>>)
    %dma_start3A_252 = arith.constant 0 : i32
    %dma_start3A_253 = tpu.memref_slice %arg4[%arg0, %add3A_245, %dma_start3A_252] : memref<2x10240x64xf32, #tpu.memory_space<hbm>> -> memref<1x125x64xf32, #tpu.memory_space<hbm>>
    %dma_start3A_254 = tpu.memref_squeeze %dma_start3A_253 : memref<1x125x64xf32, #tpu.memory_space<hbm>> -> memref<125x64xf32, #tpu.memory_space<hbm>>
    %dma_start3A_255 = arith.constant 0 : i32
    %dma_start3A_256 = tpu.memref_slice %arg4[%arg0, %add3A_245, %dma_start3A_255] : memref<2x10240x64xf32, #tpu.memory_space<hbm>> -> memref<1x125x64xf32, #tpu.memory_space<hbm>>
    %dma_start3A_257 = tpu.memref_squeeze %dma_start3A_256 : memref<1x125x64xf32, #tpu.memory_space<hbm>> -> memref<125x64xf32, #tpu.memory_space<hbm>>
    tpu.enqueue_dma source(%dma_start3A_257 : memref<125x64xf32, #tpu.memory_space<hbm>>) target(%arg13 : memref<125x64xf32, #tpu.memory_space<vmem>>) target_semaphore(%arg17 : memref<!tpu.dma_semaphore, #tpu.memory_space<semaphore_mem>>)
    %mul3A_258 = arith.constant 10000 : i32
    %mul3A_259 = arith.muli %arg0, %mul3A_258 : i32
    %add3A_260 = arith.addi %mul3A_259, %add3A_245 : i32
    %dma_start3A_261 = arith.constant 0 : i32
    %dma_start3A_262 = tpu.memref_slice %arg3[%add3A_260, %dma_start3A_261] : memref<20000x64xf32, #tpu.memory_space<hbm>> -> memref<125x64xf32, #tpu.memory_space<hbm>>
    %dma_start3A_263 = arith.constant 0 : i32
    %dma_start3A_264 = tpu.memref_slice %arg3[%add3A_260, %dma_start3A_263] : memref<20000x64xf32, #tpu.memory_space<hbm>> -> memref<125x64xf32, #tpu.memory_space<hbm>>
    tpu.enqueue_dma source(%dma_start3A_264 : memref<125x64xf32, #tpu.memory_space<hbm>>) target(%arg14 : memref<125x64xf32, #tpu.memory_space<vmem>>) target_semaphore(%arg18 : memref<!tpu.dma_semaphore, #tpu.memory_space<semaphore_mem>>)
    %dma_wait3A_265 = arith.constant 0 : i32
    %dma_wait3A_266 = tpu.memref_slice %arg2[%arg0, %add3A_245, %dma_wait3A_265] : memref<2x10240x16xf32, #tpu.memory_space<hbm>> -> memref<1x125x16xf32, #tpu.memory_space<hbm>>
    %dma_wait3A_267 = tpu.memref_squeeze %dma_wait3A_266 : memref<1x125x16xf32, #tpu.memory_space<hbm>> -> memref<125x16xf32, #tpu.memory_space<hbm>>
    %dma_wait3A_268 = arith.constant 0 : i32
    %dma_wait3A_269 = tpu.memref_slice %arg2[%arg0, %add3A_245, %dma_wait3A_268] : memref<2x10240x16xf32, #tpu.memory_space<hbm>> -> memref<1x125x16xf32, #tpu.memory_space<hbm>>
    %dma_wait3A_270 = tpu.memref_squeeze %dma_wait3A_269 : memref<1x125x16xf32, #tpu.memory_space<hbm>> -> memref<125x16xf32, #tpu.memory_space<hbm>>
    tpu.wait_dma2 semaphore(%arg16 : memref<!tpu.dma_semaphore, #tpu.memory_space<semaphore_mem>>) src(%dma_wait3A_270 : memref<125x16xf32, #tpu.memory_space<hbm>>) dst(%arg12 : memref<125x16xf32, #tpu.memory_space<vmem>>)
    %dma_wait3A_271 = arith.constant 0 : i32
    %dma_wait3A_272 = tpu.memref_slice %arg4[%arg0, %add3A_245, %dma_wait3A_271] : memref<2x10240x64xf32, #tpu.memory_space<hbm>> -> memref<1x125x64xf32, #tpu.memory_space<hbm>>
    %dma_wait3A_273 = tpu.memref_squeeze %dma_wait3A_272 : memref<1x125x64xf32, #tpu.memory_space<hbm>> -> memref<125x64xf32, #tpu.memory_space<hbm>>
    %dma_wait3A_274 = arith.constant 0 : i32
    %dma_wait3A_275 = tpu.memref_slice %arg4[%arg0, %add3A_245, %dma_wait3A_274] : memref<2x10240x64xf32, #tpu.memory_space<hbm>> -> memref<1x125x64xf32, #tpu.memory_space<hbm>>
    %dma_wait3A_276 = tpu.memref_squeeze %dma_wait3A_275 : memref<1x125x64xf32, #tpu.memory_space<hbm>> -> memref<125x64xf32, #tpu.memory_space<hbm>>
    tpu.wait_dma2 semaphore(%arg17 : memref<!tpu.dma_semaphore, #tpu.memory_space<semaphore_mem>>) src(%dma_wait3A_276 : memref<125x64xf32, #tpu.memory_space<hbm>>) dst(%arg13 : memref<125x64xf32, #tpu.memory_space<vmem>>)
    %dma_wait3A_277 = arith.constant 0 : i32
    %dma_wait3A_278 = tpu.memref_slice %arg3[%add3A_260, %dma_wait3A_277] : memref<20000x64xf32, #tpu.memory_space<hbm>> -> memref<125x64xf32, #tpu.memory_space<hbm>>
    %dma_wait3A_279 = arith.constant 0 : i32
    %dma_wait3A_280 = tpu.memref_slice %arg3[%add3A_260, %dma_wait3A_279] : memref<20000x64xf32, #tpu.memory_space<hbm>> -> memref<125x64xf32, #tpu.memory_space<hbm>>
    tpu.wait_dma2 semaphore(%arg18 : memref<!tpu.dma_semaphore, #tpu.memory_space<semaphore_mem>>) src(%dma_wait3A_280 : memref<125x64xf32, #tpu.memory_space<hbm>>) dst(%arg14 : memref<125x64xf32, #tpu.memory_space<vmem>>)
    %scan3A_281 = arith.constant 0 : i32
    %scan3A_282 = arith.constant 0 : i32
    %scan3A_283 = arith.constant 125 : i32
    %scan3A_284 = arith.addi %scan3A_282, %scan3A_283 : i32
    %scan3A_285 = arith.constant 1 : i32
    scf.for %scan3A_565 = %scan3A_282 to %scan3A_284 step %scan3A_285  : i32 {
      %get3A = arith.index_cast %scan3A_565 : i32 to index
      %get3A_566 = arith.constant 0 : index
      %get3A_567 = tpu.vector_load %arg12[%get3A, %get3A_566] {strides = array<i32>} : memref<125x16xf32, #tpu.memory_space<vmem>>, vector<1x16xf32>,
      %get3A_568 = vector.shape_cast %get3A_567 : vector<1x16xf32> to vector<16xf32>
      %add3A_569 = arith.constant 1.000000e+00 : f32
      %add3A_570 = vector.broadcast %add3A_569 : f32 to vector<16xf32>
      %add3A_571 = arith.addf %get3A_568, %add3A_570 : vector<16xf32>
      %div3A = arith.constant 1.000000e+00 : f32
      %div3A_572 = vector.broadcast %div3A : f32 to vector<16xf32>
      %div3A_573 = arith.divf %div3A_572, %add3A_571 : vector<16xf32>
      %get3A_574 = arith.index_cast %scan3A_565 : i32 to index
      %get3A_575 = arith.constant 0 : index
      %get3A_576 = tpu.vector_load %arg13[%get3A_574, %get3A_575] {strides = array<i32>} : memref<125x64xf32, #tpu.memory_space<vmem>>, vector<1x16xf32>,
      %get3A_577 = vector.shape_cast %get3A_576 : vector<1x16xf32> to vector<16xf32>
      %get3A_578 = arith.index_cast %scan3A_565 : i32 to index
      %get3A_579 = arith.constant 0 : index
      %get3A_580 = tpu.vector_load %arg14[%get3A_578, %get3A_579] {strides = array<i32>} : memref<125x64xf32, #tpu.memory_space<vmem>>, vector<1x16xf32>,
      %get3A_581 = vector.shape_cast %get3A_580 : vector<1x16xf32> to vector<16xf32>
      %add3A_582 = arith.addf %get3A_577, %get3A_581 : vector<16xf32>
      %mul3A_583 = arith.mulf %add3A_582, %div3A_573 : vector<16xf32>
      %swap3A = arith.index_cast %scan3A_565 : i32 to index
      %swap3A_584 = arith.constant 0 : index
      %swap3A_585 = tpu.vector_load %arg14[%swap3A, %swap3A_584] {strides = array<i32>} : memref<125x64xf32, #tpu.memory_space<vmem>>, vector<1x16xf32>,
      %swap3A_586 = vector.shape_cast %swap3A_585 : vector<1x16xf32> to vector<16xf32>
      %swap3A_587 = vector.shape_cast %mul3A_583 : vector<16xf32> to vector<1x16xf32>
      tpu.vector_store %arg14[%swap3A, %swap3A_584], %swap3A_587 {strides = array<i32>} : memref<125x64xf32, #tpu.memory_space<vmem>>, vector<1x16xf32>,
      %get3A_588 = arith.index_cast %scan3A_565 : i32 to index
      %get3A_589 = arith.constant 16 : index
      %get3A_590 = tpu.vector_load %arg13[%get3A_588, %get3A_589] {strides = array<i32>} : memref<125x64xf32, #tpu.memory_space<vmem>>, vector<1x16xf32>,
      %get3A_591 = vector.shape_cast %get3A_590 : vector<1x16xf32> to vector<16xf32>
      %get3A_592 = arith.index_cast %scan3A_565 : i32 to index
      %get3A_593 = arith.constant 16 : index
      %get3A_594 = tpu.vector_load %arg14[%get3A_592, %get3A_593] {strides = array<i32>} : memref<125x64xf32, #tpu.memory_space<vmem>>, vector<1x16xf32>,
      %get3A_595 = vector.shape_cast %get3A_594 : vector<1x16xf32> to vector<16xf32>
      %add3A_596 = arith.addf %get3A_591, %get3A_595 : vector<16xf32>
      %mul3A_597 = arith.mulf %add3A_596, %div3A_573 : vector<16xf32>
      %swap3A_598 = arith.index_cast %scan3A_565 : i32 to index
      %swap3A_599 = arith.constant 16 : index
      %swap3A_600 = tpu.vector_load %arg14[%swap3A_598, %swap3A_599] {strides = array<i32>} : memref<125x64xf32, #tpu.memory_space<vmem>>, vector<1x16xf32>,
      %swap3A_601 = vector.shape_cast %swap3A_600 : vector<1x16xf32> to vector<16xf32>
      %swap3A_602 = vector.shape_cast %mul3A_597 : vector<16xf32> to vector<1x16xf32>
      tpu.vector_store %arg14[%swap3A_598, %swap3A_599], %swap3A_602 {strides = array<i32>} : memref<125x64xf32, #tpu.memory_space<vmem>>, vector<1x16xf32>,
      %get3A_603 = arith.index_cast %scan3A_565 : i32 to index
      %get3A_604 = arith.constant 32 : index
      %get3A_605 = tpu.vector_load %arg13[%get3A_603, %get3A_604] {strides = array<i32>} : memref<125x64xf32, #tpu.memory_space<vmem>>, vector<1x16xf32>,
      %get3A_606 = vector.shape_cast %get3A_605 : vector<1x16xf32> to vector<16xf32>
      %get3A_607 = arith.index_cast %scan3A_565 : i32 to index
      %get3A_608 = arith.constant 32 : index
      %get3A_609 = tpu.vector_load %arg14[%get3A_607, %get3A_608] {strides = array<i32>} : memref<125x64xf32, #tpu.memory_space<vmem>>, vector<1x16xf32>,
      %get3A_610 = vector.shape_cast %get3A_609 : vector<1x16xf32> to vector<16xf32>
      %add3A_611 = arith.addf %get3A_606, %get3A_610 : vector<16xf32>
      %mul3A_612 = arith.mulf %add3A_611, %div3A_573 : vector<16xf32>
      %swap3A_613 = arith.index_cast %scan3A_565 : i32 to index
      %swap3A_614 = arith.constant 32 : index
      %swap3A_615 = tpu.vector_load %arg14[%swap3A_613, %swap3A_614] {strides = array<i32>} : memref<125x64xf32, #tpu.memory_space<vmem>>, vector<1x16xf32>,
      %swap3A_616 = vector.shape_cast %swap3A_615 : vector<1x16xf32> to vector<16xf32>
      %swap3A_617 = vector.shape_cast %mul3A_612 : vector<16xf32> to vector<1x16xf32>
      tpu.vector_store %arg14[%swap3A_613, %swap3A_614], %swap3A_617 {strides = array<i32>} : memref<125x64xf32, #tpu.memory_space<vmem>>, vector<1x16xf32>,
      %get3A_618 = arith.index_cast %scan3A_565 : i32 to index
      %get3A_619 = arith.constant 48 : index
      %get3A_620 = tpu.vector_load %arg13[%get3A_618, %get3A_619] {strides = array<i32>} : memref<125x64xf32, #tpu.memory_space<vmem>>, vector<1x16xf32>,
      %get3A_621 = vector.shape_cast %get3A_620 : vector<1x16xf32> to vector<16xf32>
      %get3A_622 = arith.index_cast %scan3A_565 : i32 to index
      %get3A_623 = arith.constant 48 : index
      %get3A_624 = tpu.vector_load %arg14[%get3A_622, %get3A_623] {strides = array<i32>} : memref<125x64xf32, #tpu.memory_space<vmem>>, vector<1x16xf32>,
      %get3A_625 = vector.shape_cast %get3A_624 : vector<1x16xf32> to vector<16xf32>
      %add3A_626 = arith.addf %get3A_621, %get3A_625 : vector<16xf32>
      %mul3A_627 = arith.mulf %add3A_626, %div3A_573 : vector<16xf32>
      %swap3A_628 = arith.index_cast %scan3A_565 : i32 to index
      %swap3A_629 = arith.constant 48 : index
      %swap3A_630 = tpu.vector_load %arg14[%swap3A_628, %swap3A_629] {strides = array<i32>} : memref<125x64xf32, #tpu.memory_space<vmem>>, vector<1x16xf32>,
      %swap3A_631 = vector.shape_cast %swap3A_630 : vector<1x16xf32> to vector<16xf32>
      %swap3A_632 = vector.shape_cast %mul3A_627 : vector<16xf32> to vector<1x16xf32>
      tpu.vector_store %arg14[%swap3A_628, %swap3A_629], %swap3A_632 {strides = array<i32>} : memref<125x64xf32, #tpu.memory_space<vmem>>, vector<1x16xf32>,
    }
    %scan3A_286 = arith.constant 125 : i32
    %mul3A_287 = arith.constant 10000 : i32
    %mul3A_288 = arith.muli %arg0, %mul3A_287 : i32
    %add3A_289 = arith.addi %mul3A_288, %add3A_245 : i32
    "tpu.region"() ({
      %run_scoped3A_565 = tpu.sem_alloc : memref<!tpu.dma_semaphore, #tpu.memory_space<semaphore_mem>>
      %dma_start3A_566 = arith.constant 0 : i32
      %dma_start3A_567 = tpu.memref_slice %arg6[%add3A_289, %dma_start3A_566] : memref<20000x64xf32, #tpu.memory_space<hbm>> -> memref<125x64xf32, #tpu.memory_space<hbm>>
      %dma_start3A_568 = arith.constant 0 : i32
      %dma_start3A_569 = tpu.memref_slice %arg6[%add3A_289, %dma_start3A_568] : memref<20000x64xf32, #tpu.memory_space<hbm>> -> memref<125x64xf32, #tpu.memory_space<hbm>>
      tpu.enqueue_dma source(%arg14 : memref<125x64xf32, #tpu.memory_space<vmem>>) target(%dma_start3A_569 : memref<125x64xf32, #tpu.memory_space<hbm>>) target_semaphore(%run_scoped3A_565 : memref<!tpu.dma_semaphore, #tpu.memory_space<semaphore_mem>>)
      %dma_wait3A_570 = arith.constant 0 : i32
      %dma_wait3A_571 = tpu.memref_slice %arg6[%add3A_289, %dma_wait3A_570] : memref<20000x64xf32, #tpu.memory_space<hbm>> -> memref<125x64xf32, #tpu.memory_space<hbm>>
      %dma_wait3A_572 = arith.constant 0 : i32
      %dma_wait3A_573 = tpu.memref_slice %arg6[%add3A_289, %dma_wait3A_572] : memref<20000x64xf32, #tpu.memory_space<hbm>> -> memref<125x64xf32, #tpu.memory_space<hbm>>
      tpu.wait_dma2 semaphore(%run_scoped3A_565 : memref<!tpu.dma_semaphore, #tpu.memory_space<semaphore_mem>>) src(%arg14 : memref<125x64xf32, #tpu.memory_space<vmem>>) dst(%dma_wait3A_573 : memref<125x64xf32, #tpu.memory_space<hbm>>)
      tpu.yield
    }) : () -> ()
    %barrier3A = arith.constant 0 : index
    tpu.barrier barrier_id(%barrier3A)
    %dma_start3A_290 = arith.constant 0 : i32
    %dma_start3A_291 = arith.constant 0 : i32
    %dma_start3A_292 = arith.constant 0 : i32
    %dma_start3A_293 = arith.constant 0 : i32
    %dma_start3A_294 = tpu.memref_slice %arg10[%dma_start3A_291, %dma_start3A_292, %dma_start3A_293] : memref<5x80x64xf32, #tpu.memory_space<vmem>> -> memref<1x80x64xf32, #tpu.memory_space<vmem>>
    %dma_start3A_295 = tpu.memref_squeeze %dma_start3A_294 : memref<1x80x64xf32, #tpu.memory_space<vmem>> -> memref<80x64xf32, #tpu.memory_space<vmem>>
    %dma_start3A_296 = arith.constant 0 : i32
    %dma_start3A_297 = tpu.memref_slice %arg8[%dma_start3A_290, %dma_start3A_296] : memref<250x80xi32, #tpu.memory_space<vmem>> -> memref<1x80xi32, #tpu.memory_space<vmem>>
    %dma_start3A_298 = tpu.memref_squeeze %dma_start3A_297 : memref<1x80xi32, #tpu.memory_space<vmem>> -> memref<80xi32, #tpu.memory_space<vmem>>
    %dma_start3A_299 = arith.constant 0 : i32
    %dma_start3A_300 = arith.constant 0 : i32
    %dma_start3A_301 = tpu.memref_slice %arg6[%dma_start3A_299, %dma_start3A_300] : memref<20000x64xf32, #tpu.memory_space<hbm>> -> memref<20000x64xf32, #tpu.memory_space<hbm>>
    tpu.enqueue_indirect_dma source(%dma_start3A_301 : memref<20000x64xf32, #tpu.memory_space<hbm>>) target(%dma_start3A_295 : memref<80x64xf32, #tpu.memory_space<vmem>>) offsets(%dma_start3A_298 : memref<80xi32, #tpu.memory_space<vmem>>) semaphore(%arg16 : memref<!tpu.dma_semaphore, #tpu.memory_space<semaphore_mem>>)
    %dma_start3A_302 = arith.constant 1 : i32
    %dma_start3A_303 = arith.constant 1 : i32
    %dma_start3A_304 = arith.constant 0 : i32
    %dma_start3A_305 = arith.constant 0 : i32
    %dma_start3A_306 = tpu.memref_slice %arg10[%dma_start3A_303, %dma_start3A_304, %dma_start3A_305] : memref<5x80x64xf32, #tpu.memory_space<vmem>> -> memref<1x80x64xf32, #tpu.memory_space<vmem>>
    %dma_start3A_307 = tpu.memref_squeeze %dma_start3A_306 : memref<1x80x64xf32, #tpu.memory_space<vmem>> -> memref<80x64xf32, #tpu.memory_space<vmem>>
    %dma_start3A_308 = arith.constant 0 : i32
    %dma_start3A_309 = tpu.memref_slice %arg8[%dma_start3A_302, %dma_start3A_308] : memref<250x80xi32, #tpu.memory_space<vmem>> -> memref<1x80xi32, #tpu.memory_space<vmem>>
    %dma_start3A_310 = tpu.memref_squeeze %dma_start3A_309 : memref<1x80xi32, #tpu.memory_space<vmem>> -> memref<80xi32, #tpu.memory_space<vmem>>
    %dma_start3A_311 = arith.constant 0 : i32
    %dma_start3A_312 = arith.constant 0 : i32
    %dma_start3A_313 = tpu.memref_slice %arg6[%dma_start3A_311, %dma_start3A_312] : memref<20000x64xf32, #tpu.memory_space<hbm>> -> memref<20000x64xf32, #tpu.memory_space<hbm>>
    tpu.enqueue_indirect_dma source(%dma_start3A_313 : memref<20000x64xf32, #tpu.memory_space<hbm>>) target(%dma_start3A_307 : memref<80x64xf32, #tpu.memory_space<vmem>>) offsets(%dma_start3A_310 : memref<80xi32, #tpu.memory_space<vmem>>) semaphore(%arg17 : memref<!tpu.dma_semaphore, #tpu.memory_space<semaphore_mem>>)
    %dma_start3A_314 = arith.constant 2 : i32
    %dma_start3A_315 = arith.constant 2 : i32
    %dma_start3A_316 = arith.constant 0 : i32
    %dma_start3A_317 = arith.constant 0 : i32
    %dma_start3A_318 = tpu.memref_slice %arg10[%dma_start3A_315, %dma_start3A_316, %dma_start3A_317] : memref<5x80x64xf32, #tpu.memory_space<vmem>> -> memref<1x80x64xf32, #tpu.memory_space<vmem>>
    %dma_start3A_319 = tpu.memref_squeeze %dma_start3A_318 : memref<1x80x64xf32, #tpu.memory_space<vmem>> -> memref<80x64xf32, #tpu.memory_space<vmem>>
    %dma_start3A_320 = arith.constant 0 : i32
    %dma_start3A_321 = tpu.memref_slice %arg8[%dma_start3A_314, %dma_start3A_320] : memref<250x80xi32, #tpu.memory_space<vmem>> -> memref<1x80xi32, #tpu.memory_space<vmem>>
    %dma_start3A_322 = tpu.memref_squeeze %dma_start3A_321 : memref<1x80xi32, #tpu.memory_space<vmem>> -> memref<80xi32, #tpu.memory_space<vmem>>
    %dma_start3A_323 = arith.constant 0 : i32
    %dma_start3A_324 = arith.constant 0 : i32
    %dma_start3A_325 = tpu.memref_slice %arg6[%dma_start3A_323, %dma_start3A_324] : memref<20000x64xf32, #tpu.memory_space<hbm>> -> memref<20000x64xf32, #tpu.memory_space<hbm>>
    tpu.enqueue_indirect_dma source(%dma_start3A_325 : memref<20000x64xf32, #tpu.memory_space<hbm>>) target(%dma_start3A_319 : memref<80x64xf32, #tpu.memory_space<vmem>>) offsets(%dma_start3A_322 : memref<80xi32, #tpu.memory_space<vmem>>) semaphore(%arg18 : memref<!tpu.dma_semaphore, #tpu.memory_space<semaphore_mem>>)
    %dma_start3A_326 = arith.constant 3 : i32
    %dma_start3A_327 = arith.constant 3 : i32
    %dma_start3A_328 = arith.constant 0 : i32
    %dma_start3A_329 = arith.constant 0 : i32
    %dma_start3A_330 = tpu.memref_slice %arg10[%dma_start3A_327, %dma_start3A_328, %dma_start3A_329] : memref<5x80x64xf32, #tpu.memory_space<vmem>> -> memref<1x80x64xf32, #tpu.memory_space<vmem>>
    %dma_start3A_331 = tpu.memref_squeeze %dma_start3A_330 : memref<1x80x64xf32, #tpu.memory_space<vmem>> -> memref<80x64xf32, #tpu.memory_space<vmem>>
    %dma_start3A_332 = arith.constant 0 : i32
    %dma_start3A_333 = tpu.memref_slice %arg8[%dma_start3A_326, %dma_start3A_332] : memref<250x80xi32, #tpu.memory_space<vmem>> -> memref<1x80xi32, #tpu.memory_space<vmem>>
    %dma_start3A_334 = tpu.memref_squeeze %dma_start3A_333 : memref<1x80xi32, #tpu.memory_space<vmem>> -> memref<80xi32, #tpu.memory_space<vmem>>
    %dma_start3A_335 = arith.constant 0 : i32
    %dma_start3A_336 = arith.constant 0 : i32
    %dma_start3A_337 = tpu.memref_slice %arg6[%dma_start3A_335, %dma_start3A_336] : memref<20000x64xf32, #tpu.memory_space<hbm>> -> memref<20000x64xf32, #tpu.memory_space<hbm>>
    tpu.enqueue_indirect_dma source(%dma_start3A_337 : memref<20000x64xf32, #tpu.memory_space<hbm>>) target(%dma_start3A_331 : memref<80x64xf32, #tpu.memory_space<vmem>>) offsets(%dma_start3A_334 : memref<80xi32, #tpu.memory_space<vmem>>) semaphore(%arg19 : memref<!tpu.dma_semaphore, #tpu.memory_space<semaphore_mem>>)
    %scan3A_338 = arith.constant 0 : i32
    %scan3A_339 = arith.constant 0 : i32
    %scan3A_340 = arith.constant 50 : i32
    %scan3A_341 = arith.addi %scan3A_339, %scan3A_340 : i32
    %scan3A_342 = arith.constant 1 : i32
    scf.for %scan3A_565 = %scan3A_339 to %scan3A_341 step %scan3A_342  : i32 {
      %mul3A_566 = arith.constant 5 : i32
      %mul3A_567 = arith.muli %scan3A_565, %mul3A_566 : i32
      %add3A_568 = arith.constant 0 : i32
      %add3A_569 = arith.addi %mul3A_567, %add3A_568 : i32
      %dma_wait3A_570 = arith.constant 0 : i32
      %dma_wait3A_571 = arith.constant 0 : i32
      %dma_wait3A_572 = arith.constant 0 : i32
      %dma_wait3A_573 = tpu.memref_slice %arg10[%dma_wait3A_570, %dma_wait3A_571, %dma_wait3A_572] : memref<5x80x64xf32, #tpu.memory_space<vmem>> -> memref<1x80x64xf32, #tpu.memory_space<vmem>>
      %dma_wait3A_574 = tpu.memref_squeeze %dma_wait3A_573 : memref<1x80x64xf32, #tpu.memory_space<vmem>> -> memref<80x64xf32, #tpu.memory_space<vmem>>
      %dma_wait3A_575 = arith.constant 0 : i32
      %dma_wait3A_576 = tpu.memref_slice %arg8[%add3A_569, %dma_wait3A_575] : memref<250x80xi32, #tpu.memory_space<vmem>> -> memref<1x80xi32, #tpu.memory_space<vmem>>
      %dma_wait3A_577 = tpu.memref_squeeze %dma_wait3A_576 : memref<1x80xi32, #tpu.memory_space<vmem>> -> memref<80xi32, #tpu.memory_space<vmem>>
      %dma_wait3A_578 = arith.constant 0 : i32
      %dma_wait3A_579 = arith.constant 0 : i32
      %dma_wait3A_580 = tpu.memref_slice %arg6[%dma_wait3A_578, %dma_wait3A_579] : memref<20000x64xf32, #tpu.memory_space<hbm>> -> memref<20000x64xf32, #tpu.memory_space<hbm>>
      tpu.wait_indirect_dma semaphore(%arg16 : memref<!tpu.dma_semaphore, #tpu.memory_space<semaphore_mem>>) src(%dma_wait3A_580 : memref<20000x64xf32, #tpu.memory_space<hbm>>) dst(%dma_wait3A_574 : memref<80x64xf32, #tpu.memory_space<vmem>>)
      %dma_start3A_581 = arith.constant 0 : i32
      %dma_start3A_582 = arith.constant 0 : i32
      %dma_start3A_583 = arith.constant 0 : i32
      %dma_start3A_584 = tpu.memref_slice %arg10[%dma_start3A_581, %dma_start3A_582, %dma_start3A_583] : memref<5x80x64xf32, #tpu.memory_space<vmem>> -> memref<1x80x64xf32, #tpu.memory_space<vmem>>
      %dma_start3A_585 = tpu.memref_squeeze %dma_start3A_584 : memref<1x80x64xf32, #tpu.memory_space<vmem>> -> memref<80x64xf32, #tpu.memory_space<vmem>>
      %dma_start3A_586 = arith.constant 0 : i32
      %dma_start3A_587 = tpu.memref_slice %arg9[%add3A_569, %dma_start3A_586] : memref<250x80xi32, #tpu.memory_space<vmem>> -> memref<1x80xi32, #tpu.memory_space<vmem>>
      %dma_start3A_588 = tpu.memref_squeeze %dma_start3A_587 : memref<1x80xi32, #tpu.memory_space<vmem>> -> memref<80xi32, #tpu.memory_space<vmem>>
      %dma_start3A_589 = arith.constant 0 : i32
      %dma_start3A_590 = arith.constant 0 : i32
      %dma_start3A_591 = tpu.memref_slice %arg15[%dma_start3A_589, %dma_start3A_590] : memref<10240x64xf32, #tpu.memory_space<vmem_shared>> -> memref<10240x64xf32, #tpu.memory_space<vmem_shared>>
      tpu.enqueue_indirect_dma source(%dma_start3A_585 : memref<80x64xf32, #tpu.memory_space<vmem>>) target(%dma_start3A_591 : memref<10240x64xf32, #tpu.memory_space<vmem_shared>>) offsets(%dma_start3A_588 : memref<80xi32, #tpu.memory_space<vmem>>) semaphore(%arg21 : memref<!tpu.dma_semaphore, #tpu.memory_space<semaphore_mem>>) {add = true}
      %add3A_592 = arith.constant 5 : i32
      %add3A_593 = arith.addi %add3A_569, %add3A_592 : i32
      %sub3A = arith.constant 1 : i32
      %sub3A_594 = arith.subi %add3A_593, %sub3A : i32
      %lt3A = arith.constant 250 : i32
      %lt3A_595 = arith.cmpi slt, %sub3A_594, %lt3A : i32
      %convert_element_type3A = arith.extui %lt3A_595 : i1 to i32
      %cond3A = arith.constant 0 : i32
      %cond3A_596 = arith.cmpi ne, %convert_element_type3A, %cond3A : i32
      scf.if %cond3A_596 {
        %gt3A = arith.constant 0 : i32
        %gt3A_729 = arith.cmpi sgt, %add3A_569, %gt3A : i32
        %convert_element_type3A_730 = arith.extui %gt3A_729 : i1 to i32
        %cond3A_731 = arith.constant 0 : i32
        %cond3A_732 = arith.cmpi ne, %convert_element_type3A_730, %cond3A_731 : i32
        scf.if %cond3A_732 {
          %sub3A_744 = arith.constant 1 : i32
          %sub3A_745 = arith.subi %add3A_569, %sub3A_744 : i32
          %dma_wait3A_746 = arith.constant 4 : i32
          %dma_wait3A_747 = arith.constant 0 : i32
          %dma_wait3A_748 = arith.constant 0 : i32
          %dma_wait3A_749 = tpu.memref_slice %arg10[%dma_wait3A_746, %dma_wait3A_747, %dma_wait3A_748] : memref<5x80x64xf32, #tpu.memory_space<vmem>> -> memref<1x80x64xf32, #tpu.memory_space<vmem>>
          %dma_wait3A_750 = tpu.memref_squeeze %dma_wait3A_749 : memref<1x80x64xf32, #tpu.memory_space<vmem>> -> memref<80x64xf32, #tpu.memory_space<vmem>>
          %dma_wait3A_751 = arith.constant 0 : i32
          %dma_wait3A_752 = tpu.memref_slice %arg9[%sub3A_745, %dma_wait3A_751] : memref<250x80xi32, #tpu.memory_space<vmem>> -> memref<1x80xi32, #tpu.memory_space<vmem>>
          %dma_wait3A_753 = tpu.memref_squeeze %dma_wait3A_752 : memref<1x80xi32, #tpu.memory_space<vmem>> -> memref<80xi32, #tpu.memory_space<vmem>>
          %dma_wait3A_754 = arith.constant 0 : i32
          %dma_wait3A_755 = arith.constant 0 : i32
          %dma_wait3A_756 = tpu.memref_slice %arg15[%dma_wait3A_754, %dma_wait3A_755] : memref<10240x64xf32, #tpu.memory_space<vmem_shared>> -> memref<10240x64xf32, #tpu.memory_space<vmem_shared>>
          tpu.wait_indirect_dma semaphore(%arg25 : memref<!tpu.dma_semaphore, #tpu.memory_space<semaphore_mem>>) src(%dma_wait3A_750 : memref<80x64xf32, #tpu.memory_space<vmem>>) dst(%dma_wait3A_756 : memref<10240x64xf32, #tpu.memory_space<vmem_shared>>)
        } else {
        }
        %dma_start3A_733 = arith.constant 4 : i32
        %dma_start3A_734 = arith.constant 0 : i32
        %dma_start3A_735 = arith.constant 0 : i32
        %dma_start3A_736 = tpu.memref_slice %arg10[%dma_start3A_733, %dma_start3A_734, %dma_start3A_735] : memref<5x80x64xf32, #tpu.memory_space<vmem>> -> memref<1x80x64xf32, #tpu.memory_space<vmem>>
        %dma_start3A_737 = tpu.memref_squeeze %dma_start3A_736 : memref<1x80x64xf32, #tpu.memory_space<vmem>> -> memref<80x64xf32, #tpu.memory_space<vmem>>
        %dma_start3A_738 = arith.constant 0 : i32
        %dma_start3A_739 = tpu.memref_slice %arg8[%sub3A_594, %dma_start3A_738] : memref<250x80xi32, #tpu.memory_space<vmem>> -> memref<1x80xi32, #tpu.memory_space<vmem>>
        %dma_start3A_740 = tpu.memref_squeeze %dma_start3A_739 : memref<1x80xi32, #tpu.memory_space<vmem>> -> memref<80xi32, #tpu.memory_space<vmem>>
        %dma_start3A_741 = arith.constant 0 : i32
        %dma_start3A_742 = arith.constant 0 : i32
        %dma_start3A_743 = tpu.memref_slice %arg6[%dma_start3A_741, %dma_start3A_742] : memref<20000x64xf32, #tpu.memory_space<hbm>> -> memref<20000x64xf32, #tpu.memory_space<hbm>>
        tpu.enqueue_indirect_dma source(%dma_start3A_743 : memref<20000x64xf32, #tpu.memory_space<hbm>>) target(%dma_start3A_737 : memref<80x64xf32, #tpu.memory_space<vmem>>) offsets(%dma_start3A_740 : memref<80xi32, #tpu.memory_space<vmem>>) semaphore(%arg20 : memref<!tpu.dma_semaphore, #tpu.memory_space<semaphore_mem>>)
      } else {
      }
      %add3A_597 = arith.constant 1 : i32
      %add3A_598 = arith.addi %mul3A_567, %add3A_597 : i32
      %dma_wait3A_599 = arith.constant 1 : i32
      %dma_wait3A_600 = arith.constant 0 : i32
      %dma_wait3A_601 = arith.constant 0 : i32
      %dma_wait3A_602 = tpu.memref_slice %arg10[%dma_wait3A_599, %dma_wait3A_600, %dma_wait3A_601] : memref<5x80x64xf32, #tpu.memory_space<vmem>> -> memref<1x80x64xf32, #tpu.memory_space<vmem>>
      %dma_wait3A_603 = tpu.memref_squeeze %dma_wait3A_602 : memref<1x80x64xf32, #tpu.memory_space<vmem>> -> memref<80x64xf32, #tpu.memory_space<vmem>>
      %dma_wait3A_604 = arith.constant 0 : i32
      %dma_wait3A_605 = tpu.memref_slice %arg8[%add3A_598, %dma_wait3A_604] : memref<250x80xi32, #tpu.memory_space<vmem>> -> memref<1x80xi32, #tpu.memory_space<vmem>>
      %dma_wait3A_606 = tpu.memref_squeeze %dma_wait3A_605 : memref<1x80xi32, #tpu.memory_space<vmem>> -> memref<80xi32, #tpu.memory_space<vmem>>
      %dma_wait3A_607 = arith.constant 0 : i32
      %dma_wait3A_608 = arith.constant 0 : i32
      %dma_wait3A_609 = tpu.memref_slice %arg6[%dma_wait3A_607, %dma_wait3A_608] : memref<20000x64xf32, #tpu.memory_space<hbm>> -> memref<20000x64xf32, #tpu.memory_space<hbm>>
      tpu.wait_indirect_dma semaphore(%arg17 : memref<!tpu.dma_semaphore, #tpu.memory_space<semaphore_mem>>) src(%dma_wait3A_609 : memref<20000x64xf32, #tpu.memory_space<hbm>>) dst(%dma_wait3A_603 : memref<80x64xf32, #tpu.memory_space<vmem>>)
      %dma_start3A_610 = arith.constant 1 : i32
      %dma_start3A_611 = arith.constant 0 : i32
      %dma_start3A_612 = arith.constant 0 : i32
      %dma_start3A_613 = tpu.memref_slice %arg10[%dma_start3A_610, %dma_start3A_611, %dma_start3A_612] : memref<5x80x64xf32, #tpu.memory_space<vmem>> -> memref<1x80x64xf32, #tpu.memory_space<vmem>>
      %dma_start3A_614 = tpu.memref_squeeze %dma_start3A_613 : memref<1x80x64xf32, #tpu.memory_space<vmem>> -> memref<80x64xf32, #tpu.memory_space<vmem>>
      %dma_start3A_615 = arith.constant 0 : i32
      %dma_start3A_616 = tpu.memref_slice %arg9[%add3A_598, %dma_start3A_615] : memref<250x80xi32, #tpu.memory_space<vmem>> -> memref<1x80xi32, #tpu.memory_space<vmem>>
      %dma_start3A_617 = tpu.memref_squeeze %dma_start3A_616 : memref<1x80xi32, #tpu.memory_space<vmem>> -> memref<80xi32, #tpu.memory_space<vmem>>
      %dma_start3A_618 = arith.constant 0 : i32
      %dma_start3A_619 = arith.constant 0 : i32
      %dma_start3A_620 = tpu.memref_slice %arg15[%dma_start3A_618, %dma_start3A_619] : memref<10240x64xf32, #tpu.memory_space<vmem_shared>> -> memref<10240x64xf32, #tpu.memory_space<vmem_shared>>
      tpu.enqueue_indirect_dma source(%dma_start3A_614 : memref<80x64xf32, #tpu.memory_space<vmem>>) target(%dma_start3A_620 : memref<10240x64xf32, #tpu.memory_space<vmem_shared>>) offsets(%dma_start3A_617 : memref<80xi32, #tpu.memory_space<vmem>>) semaphore(%arg22 : memref<!tpu.dma_semaphore, #tpu.memory_space<semaphore_mem>>) {add = true}
      %add3A_621 = arith.constant 5 : i32
      %add3A_622 = arith.addi %add3A_598, %add3A_621 : i32
      %sub3A_623 = arith.constant 1 : i32
      %sub3A_624 = arith.subi %add3A_622, %sub3A_623 : i32
      %lt3A_625 = arith.constant 250 : i32
      %lt3A_626 = arith.cmpi slt, %sub3A_624, %lt3A_625 : i32
      %convert_element_type3A_627 = arith.extui %lt3A_626 : i1 to i32
      %cond3A_628 = arith.constant 0 : i32
      %cond3A_629 = arith.cmpi ne, %convert_element_type3A_627, %cond3A_628 : i32
      scf.if %cond3A_629 {
        %gt3A = arith.constant 0 : i32
        %gt3A_729 = arith.cmpi sgt, %add3A_598, %gt3A : i32
        %convert_element_type3A_730 = arith.extui %gt3A_729 : i1 to i32
        %cond3A_731 = arith.constant 0 : i32
        %cond3A_732 = arith.cmpi ne, %convert_element_type3A_730, %cond3A_731 : i32
        scf.if %cond3A_732 {
          %sub3A_744 = arith.constant 1 : i32
          %sub3A_745 = arith.subi %add3A_598, %sub3A_744 : i32
          %dma_wait3A_746 = arith.constant 0 : i32
          %dma_wait3A_747 = arith.constant 0 : i32
          %dma_wait3A_748 = arith.constant 0 : i32
          %dma_wait3A_749 = tpu.memref_slice %arg10[%dma_wait3A_746, %dma_wait3A_747, %dma_wait3A_748] : memref<5x80x64xf32, #tpu.memory_space<vmem>> -> memref<1x80x64xf32, #tpu.memory_space<vmem>>
          %dma_wait3A_750 = tpu.memref_squeeze %dma_wait3A_749 : memref<1x80x64xf32, #tpu.memory_space<vmem>> -> memref<80x64xf32, #tpu.memory_space<vmem>>
          %dma_wait3A_751 = arith.constant 0 : i32
          %dma_wait3A_752 = tpu.memref_slice %arg9[%sub3A_745, %dma_wait3A_751] : memref<250x80xi32, #tpu.memory_space<vmem>> -> memref<1x80xi32, #tpu.memory_space<vmem>>
          %dma_wait3A_753 = tpu.memref_squeeze %dma_wait3A_752 : memref<1x80xi32, #tpu.memory_space<vmem>> -> memref<80xi32, #tpu.memory_space<vmem>>
          %dma_wait3A_754 = arith.constant 0 : i32
          %dma_wait3A_755 = arith.constant 0 : i32
          %dma_wait3A_756 = tpu.memref_slice %arg15[%dma_wait3A_754, %dma_wait3A_755] : memref<10240x64xf32, #tpu.memory_space<vmem_shared>> -> memref<10240x64xf32, #tpu.memory_space<vmem_shared>>
          tpu.wait_indirect_dma semaphore(%arg21 : memref<!tpu.dma_semaphore, #tpu.memory_space<semaphore_mem>>) src(%dma_wait3A_750 : memref<80x64xf32, #tpu.memory_space<vmem>>) dst(%dma_wait3A_756 : memref<10240x64xf32, #tpu.memory_space<vmem_shared>>)
        } else {
        }
        %dma_start3A_733 = arith.constant 0 : i32
        %dma_start3A_734 = arith.constant 0 : i32
        %dma_start3A_735 = arith.constant 0 : i32
        %dma_start3A_736 = tpu.memref_slice %arg10[%dma_start3A_733, %dma_start3A_734, %dma_start3A_735] : memref<5x80x64xf32, #tpu.memory_space<vmem>> -> memref<1x80x64xf32, #tpu.memory_space<vmem>>
        %dma_start3A_737 = tpu.memref_squeeze %dma_start3A_736 : memref<1x80x64xf32, #tpu.memory_space<vmem>> -> memref<80x64xf32, #tpu.memory_space<vmem>>
        %dma_start3A_738 = arith.constant 0 : i32
        %dma_start3A_739 = tpu.memref_slice %arg8[%sub3A_624, %dma_start3A_738] : memref<250x80xi32, #tpu.memory_space<vmem>> -> memref<1x80xi32, #tpu.memory_space<vmem>>
        %dma_start3A_740 = tpu.memref_squeeze %dma_start3A_739 : memref<1x80xi32, #tpu.memory_space<vmem>> -> memref<80xi32, #tpu.memory_space<vmem>>
        %dma_start3A_741 = arith.constant 0 : i32
        %dma_start3A_742 = arith.constant 0 : i32
        %dma_start3A_743 = tpu.memref_slice %arg6[%dma_start3A_741, %dma_start3A_742] : memref<20000x64xf32, #tpu.memory_space<hbm>> -> memref<20000x64xf32, #tpu.memory_space<hbm>>
        tpu.enqueue_indirect_dma source(%dma_start3A_743 : memref<20000x64xf32, #tpu.memory_space<hbm>>) target(%dma_start3A_737 : memref<80x64xf32, #tpu.memory_space<vmem>>) offsets(%dma_start3A_740 : memref<80xi32, #tpu.memory_space<vmem>>) semaphore(%arg16 : memref<!tpu.dma_semaphore, #tpu.memory_space<semaphore_mem>>)
      } else {
      }
      %add3A_630 = arith.constant 2 : i32
      %add3A_631 = arith.addi %mul3A_567, %add3A_630 : i32
      %dma_wait3A_632 = arith.constant 2 : i32
      %dma_wait3A_633 = arith.constant 0 : i32
      %dma_wait3A_634 = arith.constant 0 : i32
      %dma_wait3A_635 = tpu.memref_slice %arg10[%dma_wait3A_632, %dma_wait3A_633, %dma_wait3A_634] : memref<5x80x64xf32, #tpu.memory_space<vmem>> -> memref<1x80x64xf32, #tpu.memory_space<vmem>>
      %dma_wait3A_636 = tpu.memref_squeeze %dma_wait3A_635 : memref<1x80x64xf32, #tpu.memory_space<vmem>> -> memref<80x64xf32, #tpu.memory_space<vmem>>
      %dma_wait3A_637 = arith.constant 0 : i32
      %dma_wait3A_638 = tpu.memref_slice %arg8[%add3A_631, %dma_wait3A_637] : memref<250x80xi32, #tpu.memory_space<vmem>> -> memref<1x80xi32, #tpu.memory_space<vmem>>
      %dma_wait3A_639 = tpu.memref_squeeze %dma_wait3A_638 : memref<1x80xi32, #tpu.memory_space<vmem>> -> memref<80xi32, #tpu.memory_space<vmem>>
      %dma_wait3A_640 = arith.constant 0 : i32
      %dma_wait3A_641 = arith.constant 0 : i32
      %dma_wait3A_642 = tpu.memref_slice %arg6[%dma_wait3A_640, %dma_wait3A_641] : memref<20000x64xf32, #tpu.memory_space<hbm>> -> memref<20000x64xf32, #tpu.memory_space<hbm>>
      tpu.wait_indirect_dma semaphore(%arg18 : memref<!tpu.dma_semaphore, #tpu.memory_space<semaphore_mem>>) src(%dma_wait3A_642 : memref<20000x64xf32, #tpu.memory_space<hbm>>) dst(%dma_wait3A_636 : memref<80x64xf32, #tpu.memory_space<vmem>>)
      %dma_start3A_643 = arith.constant 2 : i32
      %dma_start3A_644 = arith.constant 0 : i32
      %dma_start3A_645 = arith.constant 0 : i32
      %dma_start3A_646 = tpu.memref_slice %arg10[%dma_start3A_643, %dma_start3A_644, %dma_start3A_645] : memref<5x80x64xf32, #tpu.memory_space<vmem>> -> memref<1x80x64xf32, #tpu.memory_space<vmem>>
      %dma_start3A_647 = tpu.memref_squeeze %dma_start3A_646 : memref<1x80x64xf32, #tpu.memory_space<vmem>> -> memref<80x64xf32, #tpu.memory_space<vmem>>
      %dma_start3A_648 = arith.constant 0 : i32
      %dma_start3A_649 = tpu.memref_slice %arg9[%add3A_631, %dma_start3A_648] : memref<250x80xi32, #tpu.memory_space<vmem>> -> memref<1x80xi32, #tpu.memory_space<vmem>>
      %dma_start3A_650 = tpu.memref_squeeze %dma_start3A_649 : memref<1x80xi32, #tpu.memory_space<vmem>> -> memref<80xi32, #tpu.memory_space<vmem>>
      %dma_start3A_651 = arith.constant 0 : i32
      %dma_start3A_652 = arith.constant 0 : i32
      %dma_start3A_653 = tpu.memref_slice %arg15[%dma_start3A_651, %dma_start3A_652] : memref<10240x64xf32, #tpu.memory_space<vmem_shared>> -> memref<10240x64xf32, #tpu.memory_space<vmem_shared>>
      tpu.enqueue_indirect_dma source(%dma_start3A_647 : memref<80x64xf32, #tpu.memory_space<vmem>>) target(%dma_start3A_653 : memref<10240x64xf32, #tpu.memory_space<vmem_shared>>) offsets(%dma_start3A_650 : memref<80xi32, #tpu.memory_space<vmem>>) semaphore(%arg23 : memref<!tpu.dma_semaphore, #tpu.memory_space<semaphore_mem>>) {add = true}
      %add3A_654 = arith.constant 5 : i32
      %add3A_655 = arith.addi %add3A_631, %add3A_654 : i32
      %sub3A_656 = arith.constant 1 : i32
      %sub3A_657 = arith.subi %add3A_655, %sub3A_656 : i32
      %lt3A_658 = arith.constant 250 : i32
      %lt3A_659 = arith.cmpi slt, %sub3A_657, %lt3A_658 : i32
      %convert_element_type3A_660 = arith.extui %lt3A_659 : i1 to i32
      %cond3A_661 = arith.constant 0 : i32
      %cond3A_662 = arith.cmpi ne, %convert_element_type3A_660, %cond3A_661 : i32
      scf.if %cond3A_662 {
        %gt3A = arith.constant 0 : i32
        %gt3A_729 = arith.cmpi sgt, %add3A_631, %gt3A : i32
        %convert_element_type3A_730 = arith.extui %gt3A_729 : i1 to i32
        %cond3A_731 = arith.constant 0 : i32
        %cond3A_732 = arith.cmpi ne, %convert_element_type3A_730, %cond3A_731 : i32
        scf.if %cond3A_732 {
          %sub3A_744 = arith.constant 1 : i32
          %sub3A_745 = arith.subi %add3A_631, %sub3A_744 : i32
          %dma_wait3A_746 = arith.constant 1 : i32
          %dma_wait3A_747 = arith.constant 0 : i32
          %dma_wait3A_748 = arith.constant 0 : i32
          %dma_wait3A_749 = tpu.memref_slice %arg10[%dma_wait3A_746, %dma_wait3A_747, %dma_wait3A_748] : memref<5x80x64xf32, #tpu.memory_space<vmem>> -> memref<1x80x64xf32, #tpu.memory_space<vmem>>
          %dma_wait3A_750 = tpu.memref_squeeze %dma_wait3A_749 : memref<1x80x64xf32, #tpu.memory_space<vmem>> -> memref<80x64xf32, #tpu.memory_space<vmem>>
          %dma_wait3A_751 = arith.constant 0 : i32
          %dma_wait3A_752 = tpu.memref_slice %arg9[%sub3A_745, %dma_wait3A_751] : memref<250x80xi32, #tpu.memory_space<vmem>> -> memref<1x80xi32, #tpu.memory_space<vmem>>
          %dma_wait3A_753 = tpu.memref_squeeze %dma_wait3A_752 : memref<1x80xi32, #tpu.memory_space<vmem>> -> memref<80xi32, #tpu.memory_space<vmem>>
          %dma_wait3A_754 = arith.constant 0 : i32
          %dma_wait3A_755 = arith.constant 0 : i32
          %dma_wait3A_756 = tpu.memref_slice %arg15[%dma_wait3A_754, %dma_wait3A_755] : memref<10240x64xf32, #tpu.memory_space<vmem_shared>> -> memref<10240x64xf32, #tpu.memory_space<vmem_shared>>
          tpu.wait_indirect_dma semaphore(%arg22 : memref<!tpu.dma_semaphore, #tpu.memory_space<semaphore_mem>>) src(%dma_wait3A_750 : memref<80x64xf32, #tpu.memory_space<vmem>>) dst(%dma_wait3A_756 : memref<10240x64xf32, #tpu.memory_space<vmem_shared>>)
        } else {
        }
        %dma_start3A_733 = arith.constant 1 : i32
        %dma_start3A_734 = arith.constant 0 : i32
        %dma_start3A_735 = arith.constant 0 : i32
        %dma_start3A_736 = tpu.memref_slice %arg10[%dma_start3A_733, %dma_start3A_734, %dma_start3A_735] : memref<5x80x64xf32, #tpu.memory_space<vmem>> -> memref<1x80x64xf32, #tpu.memory_space<vmem>>
        %dma_start3A_737 = tpu.memref_squeeze %dma_start3A_736 : memref<1x80x64xf32, #tpu.memory_space<vmem>> -> memref<80x64xf32, #tpu.memory_space<vmem>>
        %dma_start3A_738 = arith.constant 0 : i32
        %dma_start3A_739 = tpu.memref_slice %arg8[%sub3A_657, %dma_start3A_738] : memref<250x80xi32, #tpu.memory_space<vmem>> -> memref<1x80xi32, #tpu.memory_space<vmem>>
        %dma_start3A_740 = tpu.memref_squeeze %dma_start3A_739 : memref<1x80xi32, #tpu.memory_space<vmem>> -> memref<80xi32, #tpu.memory_space<vmem>>
        %dma_start3A_741 = arith.constant 0 : i32
        %dma_start3A_742 = arith.constant 0 : i32
        %dma_start3A_743 = tpu.memref_slice %arg6[%dma_start3A_741, %dma_start3A_742] : memref<20000x64xf32, #tpu.memory_space<hbm>> -> memref<20000x64xf32, #tpu.memory_space<hbm>>
        tpu.enqueue_indirect_dma source(%dma_start3A_743 : memref<20000x64xf32, #tpu.memory_space<hbm>>) target(%dma_start3A_737 : memref<80x64xf32, #tpu.memory_space<vmem>>) offsets(%dma_start3A_740 : memref<80xi32, #tpu.memory_space<vmem>>) semaphore(%arg17 : memref<!tpu.dma_semaphore, #tpu.memory_space<semaphore_mem>>)
      } else {
      }
      %add3A_663 = arith.constant 3 : i32
      %add3A_664 = arith.addi %mul3A_567, %add3A_663 : i32
      %dma_wait3A_665 = arith.constant 3 : i32
      %dma_wait3A_666 = arith.constant 0 : i32
      %dma_wait3A_667 = arith.constant 0 : i32
      %dma_wait3A_668 = tpu.memref_slice %arg10[%dma_wait3A_665, %dma_wait3A_666, %dma_wait3A_667] : memref<5x80x64xf32, #tpu.memory_space<vmem>> -> memref<1x80x64xf32, #tpu.memory_space<vmem>>
      %dma_wait3A_669 = tpu.memref_squeeze %dma_wait3A_668 : memref<1x80x64xf32, #tpu.memory_space<vmem>> -> memref<80x64xf32, #tpu.memory_space<vmem>>
      %dma_wait3A_670 = arith.constant 0 : i32
      %dma_wait3A_671 = tpu.memref_slice %arg8[%add3A_664, %dma_wait3A_670] : memref<250x80xi32, #tpu.memory_space<vmem>> -> memref<1x80xi32, #tpu.memory_space<vmem>>
      %dma_wait3A_672 = tpu.memref_squeeze %dma_wait3A_671 : memref<1x80xi32, #tpu.memory_space<vmem>> -> memref<80xi32, #tpu.memory_space<vmem>>
      %dma_wait3A_673 = arith.constant 0 : i32
      %dma_wait3A_674 = arith.constant 0 : i32
      %dma_wait3A_675 = tpu.memref_slice %arg6[%dma_wait3A_673, %dma_wait3A_674] : memref<20000x64xf32, #tpu.memory_space<hbm>> -> memref<20000x64xf32, #tpu.memory_space<hbm>>
      tpu.wait_indirect_dma semaphore(%arg19 : memref<!tpu.dma_semaphore, #tpu.memory_space<semaphore_mem>>) src(%dma_wait3A_675 : memref<20000x64xf32, #tpu.memory_space<hbm>>) dst(%dma_wait3A_669 : memref<80x64xf32, #tpu.memory_space<vmem>>)
      %dma_start3A_676 = arith.constant 3 : i32
      %dma_start3A_677 = arith.constant 0 : i32
      %dma_start3A_678 = arith.constant 0 : i32
      %dma_start3A_679 = tpu.memref_slice %arg10[%dma_start3A_676, %dma_start3A_677, %dma_start3A_678] : memref<5x80x64xf32, #tpu.memory_space<vmem>> -> memref<1x80x64xf32, #tpu.memory_space<vmem>>
      %dma_start3A_680 = tpu.memref_squeeze %dma_start3A_679 : memref<1x80x64xf32, #tpu.memory_space<vmem>> -> memref<80x64xf32, #tpu.memory_space<vmem>>
      %dma_start3A_681 = arith.constant 0 : i32
      %dma_start3A_682 = tpu.memref_slice %arg9[%add3A_664, %dma_start3A_681] : memref<250x80xi32, #tpu.memory_space<vmem>> -> memref<1x80xi32, #tpu.memory_space<vmem>>
      %dma_start3A_683 = tpu.memref_squeeze %dma_start3A_682 : memref<1x80xi32, #tpu.memory_space<vmem>> -> memref<80xi32, #tpu.memory_space<vmem>>
      %dma_start3A_684 = arith.constant 0 : i32
      %dma_start3A_685 = arith.constant 0 : i32
      %dma_start3A_686 = tpu.memref_slice %arg15[%dma_start3A_684, %dma_start3A_685] : memref<10240x64xf32, #tpu.memory_space<vmem_shared>> -> memref<10240x64xf32, #tpu.memory_space<vmem_shared>>
      tpu.enqueue_indirect_dma source(%dma_start3A_680 : memref<80x64xf32, #tpu.memory_space<vmem>>) target(%dma_start3A_686 : memref<10240x64xf32, #tpu.memory_space<vmem_shared>>) offsets(%dma_start3A_683 : memref<80xi32, #tpu.memory_space<vmem>>) semaphore(%arg24 : memref<!tpu.dma_semaphore, #tpu.memory_space<semaphore_mem>>) {add = true}
      %add3A_687 = arith.constant 5 : i32
      %add3A_688 = arith.addi %add3A_664, %add3A_687 : i32
      %sub3A_689 = arith.constant 1 : i32
      %sub3A_690 = arith.subi %add3A_688, %sub3A_689 : i32
      %lt3A_691 = arith.constant 250 : i32
      %lt3A_692 = arith.cmpi slt, %sub3A_690, %lt3A_691 : i32
      %convert_element_type3A_693 = arith.extui %lt3A_692 : i1 to i32
      %cond3A_694 = arith.constant 0 : i32
      %cond3A_695 = arith.cmpi ne, %convert_element_type3A_693, %cond3A_694 : i32
      scf.if %cond3A_695 {
        %gt3A = arith.constant 0 : i32
        %gt3A_729 = arith.cmpi sgt, %add3A_664, %gt3A : i32
        %convert_element_type3A_730 = arith.extui %gt3A_729 : i1 to i32
        %cond3A_731 = arith.constant 0 : i32
        %cond3A_732 = arith.cmpi ne, %convert_element_type3A_730, %cond3A_731 : i32
        scf.if %cond3A_732 {
          %sub3A_744 = arith.constant 1 : i32
          %sub3A_745 = arith.subi %add3A_664, %sub3A_744 : i32
          %dma_wait3A_746 = arith.constant 2 : i32
          %dma_wait3A_747 = arith.constant 0 : i32
          %dma_wait3A_748 = arith.constant 0 : i32
          %dma_wait3A_749 = tpu.memref_slice %arg10[%dma_wait3A_746, %dma_wait3A_747, %dma_wait3A_748] : memref<5x80x64xf32, #tpu.memory_space<vmem>> -> memref<1x80x64xf32, #tpu.memory_space<vmem>>
          %dma_wait3A_750 = tpu.memref_squeeze %dma_wait3A_749 : memref<1x80x64xf32, #tpu.memory_space<vmem>> -> memref<80x64xf32, #tpu.memory_space<vmem>>
          %dma_wait3A_751 = arith.constant 0 : i32
          %dma_wait3A_752 = tpu.memref_slice %arg9[%sub3A_745, %dma_wait3A_751] : memref<250x80xi32, #tpu.memory_space<vmem>> -> memref<1x80xi32, #tpu.memory_space<vmem>>
          %dma_wait3A_753 = tpu.memref_squeeze %dma_wait3A_752 : memref<1x80xi32, #tpu.memory_space<vmem>> -> memref<80xi32, #tpu.memory_space<vmem>>
          %dma_wait3A_754 = arith.constant 0 : i32
          %dma_wait3A_755 = arith.constant 0 : i32
          %dma_wait3A_756 = tpu.memref_slice %arg15[%dma_wait3A_754, %dma_wait3A_755] : memref<10240x64xf32, #tpu.memory_space<vmem_shared>> -> memref<10240x64xf32, #tpu.memory_space<vmem_shared>>
          tpu.wait_indirect_dma semaphore(%arg23 : memref<!tpu.dma_semaphore, #tpu.memory_space<semaphore_mem>>) src(%dma_wait3A_750 : memref<80x64xf32, #tpu.memory_space<vmem>>) dst(%dma_wait3A_756 : memref<10240x64xf32, #tpu.memory_space<vmem_shared>>)
        } else {
        }
        %dma_start3A_733 = arith.constant 2 : i32
        %dma_start3A_734 = arith.constant 0 : i32
        %dma_start3A_735 = arith.constant 0 : i32
        %dma_start3A_736 = tpu.memref_slice %arg10[%dma_start3A_733, %dma_start3A_734, %dma_start3A_735] : memref<5x80x64xf32, #tpu.memory_space<vmem>> -> memref<1x80x64xf32, #tpu.memory_space<vmem>>
        %dma_start3A_737 = tpu.memref_squeeze %dma_start3A_736 : memref<1x80x64xf32, #tpu.memory_space<vmem>> -> memref<80x64xf32, #tpu.memory_space<vmem>>
        %dma_start3A_738 = arith.constant 0 : i32
        %dma_start3A_739 = tpu.memref_slice %arg8[%sub3A_690, %dma_start3A_738] : memref<250x80xi32, #tpu.memory_space<vmem>> -> memref<1x80xi32, #tpu.memory_space<vmem>>
        %dma_start3A_740 = tpu.memref_squeeze %dma_start3A_739 : memref<1x80xi32, #tpu.memory_space<vmem>> -> memref<80xi32, #tpu.memory_space<vmem>>
        %dma_start3A_741 = arith.constant 0 : i32
        %dma_start3A_742 = arith.constant 0 : i32
        %dma_start3A_743 = tpu.memref_slice %arg6[%dma_start3A_741, %dma_start3A_742] : memref<20000x64xf32, #tpu.memory_space<hbm>> -> memref<20000x64xf32, #tpu.memory_space<hbm>>
        tpu.enqueue_indirect_dma source(%dma_start3A_743 : memref<20000x64xf32, #tpu.memory_space<hbm>>) target(%dma_start3A_737 : memref<80x64xf32, #tpu.memory_space<vmem>>) offsets(%dma_start3A_740 : memref<80xi32, #tpu.memory_space<vmem>>) semaphore(%arg18 : memref<!tpu.dma_semaphore, #tpu.memory_space<semaphore_mem>>)
      } else {
      }
      %add3A_696 = arith.constant 4 : i32
      %add3A_697 = arith.addi %mul3A_567, %add3A_696 : i32
      %dma_wait3A_698 = arith.constant 4 : i32
      %dma_wait3A_699 = arith.constant 0 : i32
      %dma_wait3A_700 = arith.constant 0 : i32
      %dma_wait3A_701 = tpu.memref_slice %arg10[%dma_wait3A_698, %dma_wait3A_699, %dma_wait3A_700] : memref<5x80x64xf32, #tpu.memory_space<vmem>> -> memref<1x80x64xf32, #tpu.memory_space<vmem>>
      %dma_wait3A_702 = tpu.memref_squeeze %dma_wait3A_701 : memref<1x80x64xf32, #tpu.memory_space<vmem>> -> memref<80x64xf32, #tpu.memory_space<vmem>>
      %dma_wait3A_703 = arith.constant 0 : i32
      %dma_wait3A_704 = tpu.memref_slice %arg8[%add3A_697, %dma_wait3A_703] : memref<250x80xi32, #tpu.memory_space<vmem>> -> memref<1x80xi32, #tpu.memory_space<vmem>>
      %dma_wait3A_705 = tpu.memref_squeeze %dma_wait3A_704 : memref<1x80xi32, #tpu.memory_space<vmem>> -> memref<80xi32, #tpu.memory_space<vmem>>
      %dma_wait3A_706 = arith.constant 0 : i32
      %dma_wait3A_707 = arith.constant 0 : i32
      %dma_wait3A_708 = tpu.memref_slice %arg6[%dma_wait3A_706, %dma_wait3A_707] : memref<20000x64xf32, #tpu.memory_space<hbm>> -> memref<20000x64xf32, #tpu.memory_space<hbm>>
      tpu.wait_indirect_dma semaphore(%arg20 : memref<!tpu.dma_semaphore, #tpu.memory_space<semaphore_mem>>) src(%dma_wait3A_708 : memref<20000x64xf32, #tpu.memory_space<hbm>>) dst(%dma_wait3A_702 : memref<80x64xf32, #tpu.memory_space<vmem>>)
      %dma_start3A_709 = arith.constant 4 : i32
      %dma_start3A_710 = arith.constant 0 : i32
      %dma_start3A_711 = arith.constant 0 : i32
      %dma_start3A_712 = tpu.memref_slice %arg10[%dma_start3A_709, %dma_start3A_710, %dma_start3A_711] : memref<5x80x64xf32, #tpu.memory_space<vmem>> -> memref<1x80x64xf32, #tpu.memory_space<vmem>>
      %dma_start3A_713 = tpu.memref_squeeze %dma_start3A_712 : memref<1x80x64xf32, #tpu.memory_space<vmem>> -> memref<80x64xf32, #tpu.memory_space<vmem>>
      %dma_start3A_714 = arith.constant 0 : i32
      %dma_start3A_715 = tpu.memref_slice %arg9[%add3A_697, %dma_start3A_714] : memref<250x80xi32, #tpu.memory_space<vmem>> -> memref<1x80xi32, #tpu.memory_space<vmem>>
      %dma_start3A_716 = tpu.memref_squeeze %dma_start3A_715 : memref<1x80xi32, #tpu.memory_space<vmem>> -> memref<80xi32, #tpu.memory_space<vmem>>
      %dma_start3A_717 = arith.constant 0 : i32
      %dma_start3A_718 = arith.constant 0 : i32
      %dma_start3A_719 = tpu.memref_slice %arg15[%dma_start3A_717, %dma_start3A_718] : memref<10240x64xf32, #tpu.memory_space<vmem_shared>> -> memref<10240x64xf32, #tpu.memory_space<vmem_shared>>
      tpu.enqueue_indirect_dma source(%dma_start3A_713 : memref<80x64xf32, #tpu.memory_space<vmem>>) target(%dma_start3A_719 : memref<10240x64xf32, #tpu.memory_space<vmem_shared>>) offsets(%dma_start3A_716 : memref<80xi32, #tpu.memory_space<vmem>>) semaphore(%arg25 : memref<!tpu.dma_semaphore, #tpu.memory_space<semaphore_mem>>) {add = true}
      %add3A_720 = arith.constant 5 : i32
      %add3A_721 = arith.addi %add3A_697, %add3A_720 : i32
      %sub3A_722 = arith.constant 1 : i32
      %sub3A_723 = arith.subi %add3A_721, %sub3A_722 : i32
      %lt3A_724 = arith.constant 250 : i32
      %lt3A_725 = arith.cmpi slt, %sub3A_723, %lt3A_724 : i32
      %convert_element_type3A_726 = arith.extui %lt3A_725 : i1 to i32
      %cond3A_727 = arith.constant 0 : i32
      %cond3A_728 = arith.cmpi ne, %convert_element_type3A_726, %cond3A_727 : i32
      scf.if %cond3A_728 {
        %gt3A = arith.constant 0 : i32
        %gt3A_729 = arith.cmpi sgt, %add3A_697, %gt3A : i32
        %convert_element_type3A_730 = arith.extui %gt3A_729 : i1 to i32
        %cond3A_731 = arith.constant 0 : i32
        %cond3A_732 = arith.cmpi ne, %convert_element_type3A_730, %cond3A_731 : i32
        scf.if %cond3A_732 {
          %sub3A_744 = arith.constant 1 : i32
          %sub3A_745 = arith.subi %add3A_697, %sub3A_744 : i32
          %dma_wait3A_746 = arith.constant 3 : i32
          %dma_wait3A_747 = arith.constant 0 : i32
          %dma_wait3A_748 = arith.constant 0 : i32
          %dma_wait3A_749 = tpu.memref_slice %arg10[%dma_wait3A_746, %dma_wait3A_747, %dma_wait3A_748] : memref<5x80x64xf32, #tpu.memory_space<vmem>> -> memref<1x80x64xf32, #tpu.memory_space<vmem>>
          %dma_wait3A_750 = tpu.memref_squeeze %dma_wait3A_749 : memref<1x80x64xf32, #tpu.memory_space<vmem>> -> memref<80x64xf32, #tpu.memory_space<vmem>>
          %dma_wait3A_751 = arith.constant 0 : i32
          %dma_wait3A_752 = tpu.memref_slice %arg9[%sub3A_745, %dma_wait3A_751] : memref<250x80xi32, #tpu.memory_space<vmem>> -> memref<1x80xi32, #tpu.memory_space<vmem>>
          %dma_wait3A_753 = tpu.memref_squeeze %dma_wait3A_752 : memref<1x80xi32, #tpu.memory_space<vmem>> -> memref<80xi32, #tpu.memory_space<vmem>>
          %dma_wait3A_754 = arith.constant 0 : i32
          %dma_wait3A_755 = arith.constant 0 : i32
          %dma_wait3A_756 = tpu.memref_slice %arg15[%dma_wait3A_754, %dma_wait3A_755] : memref<10240x64xf32, #tpu.memory_space<vmem_shared>> -> memref<10240x64xf32, #tpu.memory_space<vmem_shared>>
          tpu.wait_indirect_dma semaphore(%arg24 : memref<!tpu.dma_semaphore, #tpu.memory_space<semaphore_mem>>) src(%dma_wait3A_750 : memref<80x64xf32, #tpu.memory_space<vmem>>) dst(%dma_wait3A_756 : memref<10240x64xf32, #tpu.memory_space<vmem_shared>>)
        } else {
        }
        %dma_start3A_733 = arith.constant 3 : i32
        %dma_start3A_734 = arith.constant 0 : i32
        %dma_start3A_735 = arith.constant 0 : i32
        %dma_start3A_736 = tpu.memref_slice %arg10[%dma_start3A_733, %dma_start3A_734, %dma_start3A_735] : memref<5x80x64xf32, #tpu.memory_space<vmem>> -> memref<1x80x64xf32, #tpu.memory_space<vmem>>
        %dma_start3A_737 = tpu.memref_squeeze %dma_start3A_736 : memref<1x80x64xf32, #tpu.memory_space<vmem>> -> memref<80x64xf32, #tpu.memory_space<vmem>>
        %dma_start3A_738 = arith.constant 0 : i32
        %dma_start3A_739 = tpu.memref_slice %arg8[%sub3A_723, %dma_start3A_738] : memref<250x80xi32, #tpu.memory_space<vmem>> -> memref<1x80xi32, #tpu.memory_space<vmem>>
        %dma_start3A_740 = tpu.memref_squeeze %dma_start3A_739 : memref<1x80xi32, #tpu.memory_space<vmem>> -> memref<80xi32, #tpu.memory_space<vmem>>
        %dma_start3A_741 = arith.constant 0 : i32
        %dma_start3A_742 = arith.constant 0 : i32
        %dma_start3A_743 = tpu.memref_slice %arg6[%dma_start3A_741, %dma_start3A_742] : memref<20000x64xf32, #tpu.memory_space<hbm>> -> memref<20000x64xf32, #tpu.memory_space<hbm>>
        tpu.enqueue_indirect_dma source(%dma_start3A_743 : memref<20000x64xf32, #tpu.memory_space<hbm>>) target(%dma_start3A_737 : memref<80x64xf32, #tpu.memory_space<vmem>>) offsets(%dma_start3A_740 : memref<80xi32, #tpu.memory_space<vmem>>) semaphore(%arg19 : memref<!tpu.dma_semaphore, #tpu.memory_space<semaphore_mem>>)
      } else {
      }
    }
    %scan3A_343 = arith.constant 50 : i32
    %dma_wait3A_344 = arith.constant 0 : i32
    %dma_wait3A_345 = arith.constant 245 : i32
    %dma_wait3A_346 = arith.constant 0 : i32
    %dma_wait3A_347 = arith.constant 0 : i32
    %dma_wait3A_348 = tpu.memref_slice %arg10[%dma_wait3A_344, %dma_wait3A_346, %dma_wait3A_347] : memref<5x80x64xf32, #tpu.memory_space<vmem>> -> memref<1x80x64xf32, #tpu.memory_space<vmem>>
    %dma_wait3A_349 = tpu.memref_squeeze %dma_wait3A_348 : memref<1x80x64xf32, #tpu.memory_space<vmem>> -> memref<80x64xf32, #tpu.memory_space<vmem>>
    %dma_wait3A_350 = arith.constant 0 : i32
    %dma_wait3A_351 = tpu.memref_slice %arg9[%dma_wait3A_345, %dma_wait3A_350] : memref<250x80xi32, #tpu.memory_space<vmem>> -> memref<1x80xi32, #tpu.memory_space<vmem>>
    %dma_wait3A_352 = tpu.memref_squeeze %dma_wait3A_351 : memref<1x80xi32, #tpu.memory_space<vmem>> -> memref<80xi32, #tpu.memory_space<vmem>>
    %dma_wait3A_353 = arith.constant 0 : i32
    %dma_wait3A_354 = arith.constant 0 : i32
    %dma_wait3A_355 = tpu.memref_slice %arg15[%dma_wait3A_353, %dma_wait3A_354] : memref<10240x64xf32, #tpu.memory_space<vmem_shared>> -> memref<10240x64xf32, #tpu.memory_space<vmem_shared>>
    tpu.wait_indirect_dma semaphore(%arg21 : memref<!tpu.dma_semaphore, #tpu.memory_space<semaphore_mem>>) src(%dma_wait3A_349 : memref<80x64xf32, #tpu.memory_space<vmem>>) dst(%dma_wait3A_355 : memref<10240x64xf32, #tpu.memory_space<vmem_shared>>)
    %dma_wait3A_356 = arith.constant 1 : i32
    %dma_wait3A_357 = arith.constant 246 : i32
    %dma_wait3A_358 = arith.constant 0 : i32
    %dma_wait3A_359 = arith.constant 0 : i32
    %dma_wait3A_360 = tpu.memref_slice %arg10[%dma_wait3A_356, %dma_wait3A_358, %dma_wait3A_359] : memref<5x80x64xf32, #tpu.memory_space<vmem>> -> memref<1x80x64xf32, #tpu.memory_space<vmem>>
    %dma_wait3A_361 = tpu.memref_squeeze %dma_wait3A_360 : memref<1x80x64xf32, #tpu.memory_space<vmem>> -> memref<80x64xf32, #tpu.memory_space<vmem>>
    %dma_wait3A_362 = arith.constant 0 : i32
    %dma_wait3A_363 = tpu.memref_slice %arg9[%dma_wait3A_357, %dma_wait3A_362] : memref<250x80xi32, #tpu.memory_space<vmem>> -> memref<1x80xi32, #tpu.memory_space<vmem>>
    %dma_wait3A_364 = tpu.memref_squeeze %dma_wait3A_363 : memref<1x80xi32, #tpu.memory_space<vmem>> -> memref<80xi32, #tpu.memory_space<vmem>>
    %dma_wait3A_365 = arith.constant 0 : i32
    %dma_wait3A_366 = arith.constant 0 : i32
    %dma_wait3A_367 = tpu.memref_slice %arg15[%dma_wait3A_365, %dma_wait3A_366] : memref<10240x64xf32, #tpu.memory_space<vmem_shared>> -> memref<10240x64xf32, #tpu.memory_space<vmem_shared>>
    tpu.wait_indirect_dma semaphore(%arg22 : memref<!tpu.dma_semaphore, #tpu.memory_space<semaphore_mem>>) src(%dma_wait3A_361 : memref<80x64xf32, #tpu.memory_space<vmem>>) dst(%dma_wait3A_367 : memref<10240x64xf32, #tpu.memory_space<vmem_shared>>)
    %dma_wait3A_368 = arith.constant 2 : i32
    %dma_wait3A_369 = arith.constant 247 : i32
    %dma_wait3A_370 = arith.constant 0 : i32
    %dma_wait3A_371 = arith.constant 0 : i32
    %dma_wait3A_372 = tpu.memref_slice %arg10[%dma_wait3A_368, %dma_wait3A_370, %dma_wait3A_371] : memref<5x80x64xf32, #tpu.memory_space<vmem>> -> memref<1x80x64xf32, #tpu.memory_space<vmem>>
    %dma_wait3A_373 = tpu.memref_squeeze %dma_wait3A_372 : memref<1x80x64xf32, #tpu.memory_space<vmem>> -> memref<80x64xf32, #tpu.memory_space<vmem>>
    %dma_wait3A_374 = arith.constant 0 : i32
    %dma_wait3A_375 = tpu.memref_slice %arg9[%dma_wait3A_369, %dma_wait3A_374] : memref<250x80xi32, #tpu.memory_space<vmem>> -> memref<1x80xi32, #tpu.memory_space<vmem>>
    %dma_wait3A_376 = tpu.memref_squeeze %dma_wait3A_375 : memref<1x80xi32, #tpu.memory_space<vmem>> -> memref<80xi32, #tpu.memory_space<vmem>>
    %dma_wait3A_377 = arith.constant 0 : i32
    %dma_wait3A_378 = arith.constant 0 : i32
    %dma_wait3A_379 = tpu.memref_slice %arg15[%dma_wait3A_377, %dma_wait3A_378] : memref<10240x64xf32, #tpu.memory_space<vmem_shared>> -> memref<10240x64xf32, #tpu.memory_space<vmem_shared>>
    tpu.wait_indirect_dma semaphore(%arg23 : memref<!tpu.dma_semaphore, #tpu.memory_space<semaphore_mem>>) src(%dma_wait3A_373 : memref<80x64xf32, #tpu.memory_space<vmem>>) dst(%dma_wait3A_379 : memref<10240x64xf32, #tpu.memory_space<vmem_shared>>)
    %dma_wait3A_380 = arith.constant 3 : i32
    %dma_wait3A_381 = arith.constant 248 : i32
    %dma_wait3A_382 = arith.constant 0 : i32
    %dma_wait3A_383 = arith.constant 0 : i32
    %dma_wait3A_384 = tpu.memref_slice %arg10[%dma_wait3A_380, %dma_wait3A_382, %dma_wait3A_383] : memref<5x80x64xf32, #tpu.memory_space<vmem>> -> memref<1x80x64xf32, #tpu.memory_space<vmem>>
    %dma_wait3A_385 = tpu.memref_squeeze %dma_wait3A_384 : memref<1x80x64xf32, #tpu.memory_space<vmem>> -> memref<80x64xf32, #tpu.memory_space<vmem>>
    %dma_wait3A_386 = arith.constant 0 : i32
    %dma_wait3A_387 = tpu.memref_slice %arg9[%dma_wait3A_381, %dma_wait3A_386] : memref<250x80xi32, #tpu.memory_space<vmem>> -> memref<1x80xi32, #tpu.memory_space<vmem>>
    %dma_wait3A_388 = tpu.memref_squeeze %dma_wait3A_387 : memref<1x80xi32, #tpu.memory_space<vmem>> -> memref<80xi32, #tpu.memory_space<vmem>>
    %dma_wait3A_389 = arith.constant 0 : i32
    %dma_wait3A_390 = arith.constant 0 : i32
    %dma_wait3A_391 = tpu.memref_slice %arg15[%dma_wait3A_389, %dma_wait3A_390] : memref<10240x64xf32, #tpu.memory_space<vmem_shared>> -> memref<10240x64xf32, #tpu.memory_space<vmem_shared>>
    tpu.wait_indirect_dma semaphore(%arg24 : memref<!tpu.dma_semaphore, #tpu.memory_space<semaphore_mem>>) src(%dma_wait3A_385 : memref<80x64xf32, #tpu.memory_space<vmem>>) dst(%dma_wait3A_391 : memref<10240x64xf32, #tpu.memory_space<vmem_shared>>)
    %dma_wait3A_392 = arith.constant 4 : i32
    %dma_wait3A_393 = arith.constant 249 : i32
    %dma_wait3A_394 = arith.constant 0 : i32
    %dma_wait3A_395 = arith.constant 0 : i32
    %dma_wait3A_396 = tpu.memref_slice %arg10[%dma_wait3A_392, %dma_wait3A_394, %dma_wait3A_395] : memref<5x80x64xf32, #tpu.memory_space<vmem>> -> memref<1x80x64xf32, #tpu.memory_space<vmem>>
    %dma_wait3A_397 = tpu.memref_squeeze %dma_wait3A_396 : memref<1x80x64xf32, #tpu.memory_space<vmem>> -> memref<80x64xf32, #tpu.memory_space<vmem>>
    %dma_wait3A_398 = arith.constant 0 : i32
    %dma_wait3A_399 = tpu.memref_slice %arg9[%dma_wait3A_393, %dma_wait3A_398] : memref<250x80xi32, #tpu.memory_space<vmem>> -> memref<1x80xi32, #tpu.memory_space<vmem>>
    %dma_wait3A_400 = tpu.memref_squeeze %dma_wait3A_399 : memref<1x80xi32, #tpu.memory_space<vmem>> -> memref<80xi32, #tpu.memory_space<vmem>>
    %dma_wait3A_401 = arith.constant 0 : i32
    %dma_wait3A_402 = arith.constant 0 : i32
    %dma_wait3A_403 = tpu.memref_slice %arg15[%dma_wait3A_401, %dma_wait3A_402] : memref<10240x64xf32, #tpu.memory_space<vmem_shared>> -> memref<10240x64xf32, #tpu.memory_space<vmem_shared>>
    tpu.wait_indirect_dma semaphore(%arg25 : memref<!tpu.dma_semaphore, #tpu.memory_space<semaphore_mem>>) src(%dma_wait3A_397 : memref<80x64xf32, #tpu.memory_space<vmem>>) dst(%dma_wait3A_403 : memref<10240x64xf32, #tpu.memory_space<vmem_shared>>)
    %barrier3A_404 = arith.constant 0 : index
    tpu.barrier barrier_id(%barrier3A_404)
    %mul3A_405 = arith.constant 625 : i32
    %mul3A_406 = arith.muli %arg1, %mul3A_405 : i32
    %add3A_407 = arith.constant 0 : i32
    %add3A_408 = arith.addi %mul3A_406, %add3A_407 : i32
    %dma_start3A_409 = arith.constant 0 : i32
    %dma_start3A_410 = tpu.memref_slice %arg15[%add3A_408, %dma_start3A_409] : memref<10240x64xf32, #tpu.memory_space<vmem_shared>> -> memref<125x64xf32, #tpu.memory_space<vmem_shared>>
    %dma_start3A_411 = arith.constant 0 : i32
    %dma_start3A_412 = tpu.memref_slice %arg15[%add3A_408, %dma_start3A_411] : memref<10240x64xf32, #tpu.memory_space<vmem_shared>> -> memref<125x64xf32, #tpu.memory_space<vmem_shared>>
    tpu.enqueue_dma source(%dma_start3A_412 : memref<125x64xf32, #tpu.memory_space<vmem_shared>>) target(%arg13 : memref<125x64xf32, #tpu.memory_space<vmem>>) target_semaphore(%arg16 : memref<!tpu.dma_semaphore, #tpu.memory_space<semaphore_mem>>)
    %mul3A_413 = arith.constant 10000 : i32
    %mul3A_414 = arith.muli %arg0, %mul3A_413 : i32
    %add3A_415 = arith.addi %mul3A_414, %add3A_408 : i32
    %dma_start3A_416 = arith.constant 0 : i32
    %dma_start3A_417 = tpu.memref_slice %arg6[%add3A_415, %dma_start3A_416] : memref<20000x64xf32, #tpu.memory_space<hbm>> -> memref<125x64xf32, #tpu.memory_space<hbm>>
    %dma_start3A_418 = arith.constant 0 : i32
    %dma_start3A_419 = tpu.memref_slice %arg6[%add3A_415, %dma_start3A_418] : memref<20000x64xf32, #tpu.memory_space<hbm>> -> memref<125x64xf32, #tpu.memory_space<hbm>>
    tpu.enqueue_dma source(%dma_start3A_419 : memref<125x64xf32, #tpu.memory_space<hbm>>) target(%arg14 : memref<125x64xf32, #tpu.memory_space<vmem>>) target_semaphore(%arg17 : memref<!tpu.dma_semaphore, #tpu.memory_space<semaphore_mem>>)
    %dma_wait3A_420 = arith.constant 0 : i32
    %dma_wait3A_421 = tpu.memref_slice %arg15[%add3A_408, %dma_wait3A_420] : memref<10240x64xf32, #tpu.memory_space<vmem_shared>> -> memref<125x64xf32, #tpu.memory_space<vmem_shared>>
    %dma_wait3A_422 = arith.constant 0 : i32
    %dma_wait3A_423 = tpu.memref_slice %arg15[%add3A_408, %dma_wait3A_422] : memref<10240x64xf32, #tpu.memory_space<vmem_shared>> -> memref<125x64xf32, #tpu.memory_space<vmem_shared>>
    tpu.wait_dma2 semaphore(%arg16 : memref<!tpu.dma_semaphore, #tpu.memory_space<semaphore_mem>>) src(%dma_wait3A_423 : memref<125x64xf32, #tpu.memory_space<vmem_shared>>) dst(%arg13 : memref<125x64xf32, #tpu.memory_space<vmem>>)
    %dma_wait3A_424 = arith.constant 0 : i32
    %dma_wait3A_425 = tpu.memref_slice %arg6[%add3A_415, %dma_wait3A_424] : memref<20000x64xf32, #tpu.memory_space<hbm>> -> memref<125x64xf32, #tpu.memory_space<hbm>>
    %dma_wait3A_426 = arith.constant 0 : i32
    %dma_wait3A_427 = tpu.memref_slice %arg6[%add3A_415, %dma_wait3A_426] : memref<20000x64xf32, #tpu.memory_space<hbm>> -> memref<125x64xf32, #tpu.memory_space<hbm>>
    tpu.wait_dma2 semaphore(%arg17 : memref<!tpu.dma_semaphore, #tpu.memory_space<semaphore_mem>>) src(%dma_wait3A_427 : memref<125x64xf32, #tpu.memory_space<hbm>>) dst(%arg14 : memref<125x64xf32, #tpu.memory_space<vmem>>)
    %scan3A_428 = arith.constant 0 : i32
    %scan3A_429 = arith.constant 0 : i32
    %scan3A_430 = arith.constant 125 : i32
    %scan3A_431 = arith.addi %scan3A_429, %scan3A_430 : i32
    %scan3A_432 = arith.constant 1 : i32
    scf.for %scan3A_565 = %scan3A_429 to %scan3A_431 step %scan3A_432  : i32 {
      %get3A = arith.index_cast %scan3A_565 : i32 to index
      %get3A_566 = arith.constant 0 : index
      %get3A_567 = tpu.vector_load %arg13[%get3A, %get3A_566] {strides = array<i32>} : memref<125x64xf32, #tpu.memory_space<vmem>>, vector<1x16xf32>,
      %get3A_568 = vector.shape_cast %get3A_567 : vector<1x16xf32> to vector<16xf32>
      %get3A_569 = arith.index_cast %scan3A_565 : i32 to index
      %get3A_570 = arith.constant 0 : index
      %get3A_571 = tpu.vector_load %arg14[%get3A_569, %get3A_570] {strides = array<i32>} : memref<125x64xf32, #tpu.memory_space<vmem>>, vector<1x16xf32>,
      %get3A_572 = vector.shape_cast %get3A_571 : vector<1x16xf32> to vector<16xf32>
      %add3A_573 = arith.addf %get3A_568, %get3A_572 : vector<16xf32>
      %swap3A = arith.index_cast %scan3A_565 : i32 to index
      %swap3A_574 = arith.constant 0 : index
      %swap3A_575 = tpu.vector_load %arg13[%swap3A, %swap3A_574] {strides = array<i32>} : memref<125x64xf32, #tpu.memory_space<vmem>>, vector<1x16xf32>,
      %swap3A_576 = vector.shape_cast %swap3A_575 : vector<1x16xf32> to vector<16xf32>
      %swap3A_577 = vector.shape_cast %add3A_573 : vector<16xf32> to vector<1x16xf32>
      tpu.vector_store %arg13[%swap3A, %swap3A_574], %swap3A_577 {strides = array<i32>} : memref<125x64xf32, #tpu.memory_space<vmem>>, vector<1x16xf32>,
      %get3A_578 = arith.index_cast %scan3A_565 : i32 to index
      %get3A_579 = arith.constant 16 : index
      %get3A_580 = tpu.vector_load %arg13[%get3A_578, %get3A_579] {strides = array<i32>} : memref<125x64xf32, #tpu.memory_space<vmem>>, vector<1x16xf32>,
      %get3A_581 = vector.shape_cast %get3A_580 : vector<1x16xf32> to vector<16xf32>
      %get3A_582 = arith.index_cast %scan3A_565 : i32 to index
      %get3A_583 = arith.constant 16 : index
      %get3A_584 = tpu.vector_load %arg14[%get3A_582, %get3A_583] {strides = array<i32>} : memref<125x64xf32, #tpu.memory_space<vmem>>, vector<1x16xf32>,
      %get3A_585 = vector.shape_cast %get3A_584 : vector<1x16xf32> to vector<16xf32>
      %add3A_586 = arith.addf %get3A_581, %get3A_585 : vector<16xf32>
      %swap3A_587 = arith.index_cast %scan3A_565 : i32 to index
      %swap3A_588 = arith.constant 16 : index
      %swap3A_589 = tpu.vector_load %arg13[%swap3A_587, %swap3A_588] {strides = array<i32>} : memref<125x64xf32, #tpu.memory_space<vmem>>, vector<1x16xf32>,
      %swap3A_590 = vector.shape_cast %swap3A_589 : vector<1x16xf32> to vector<16xf32>
      %swap3A_591 = vector.shape_cast %add3A_586 : vector<16xf32> to vector<1x16xf32>
      tpu.vector_store %arg13[%swap3A_587, %swap3A_588], %swap3A_591 {strides = array<i32>} : memref<125x64xf32, #tpu.memory_space<vmem>>, vector<1x16xf32>,
      %get3A_592 = arith.index_cast %scan3A_565 : i32 to index
      %get3A_593 = arith.constant 32 : index
      %get3A_594 = tpu.vector_load %arg13[%get3A_592, %get3A_593] {strides = array<i32>} : memref<125x64xf32, #tpu.memory_space<vmem>>, vector<1x16xf32>,
      %get3A_595 = vector.shape_cast %get3A_594 : vector<1x16xf32> to vector<16xf32>
      %get3A_596 = arith.index_cast %scan3A_565 : i32 to index
      %get3A_597 = arith.constant 32 : index
      %get3A_598 = tpu.vector_load %arg14[%get3A_596, %get3A_597] {strides = array<i32>} : memref<125x64xf32, #tpu.memory_space<vmem>>, vector<1x16xf32>,
      %get3A_599 = vector.shape_cast %get3A_598 : vector<1x16xf32> to vector<16xf32>
      %add3A_600 = arith.addf %get3A_595, %get3A_599 : vector<16xf32>
      %swap3A_601 = arith.index_cast %scan3A_565 : i32 to index
      %swap3A_602 = arith.constant 32 : index
      %swap3A_603 = tpu.vector_load %arg13[%swap3A_601, %swap3A_602] {strides = array<i32>} : memref<125x64xf32, #tpu.memory_space<vmem>>, vector<1x16xf32>,
      %swap3A_604 = vector.shape_cast %swap3A_603 : vector<1x16xf32> to vector<16xf32>
      %swap3A_605 = vector.shape_cast %add3A_600 : vector<16xf32> to vector<1x16xf32>
      tpu.vector_store %arg13[%swap3A_601, %swap3A_602], %swap3A_605 {strides = array<i32>} : memref<125x64xf32, #tpu.memory_space<vmem>>, vector<1x16xf32>,
      %get3A_606 = arith.index_cast %scan3A_565 : i32 to index
      %get3A_607 = arith.constant 48 : index
      %get3A_608 = tpu.vector_load %arg13[%get3A_606, %get3A_607] {strides = array<i32>} : memref<125x64xf32, #tpu.memory_space<vmem>>, vector<1x16xf32>,
      %get3A_609 = vector.shape_cast %get3A_608 : vector<1x16xf32> to vector<16xf32>
      %get3A_610 = arith.index_cast %scan3A_565 : i32 to index
      %get3A_611 = arith.constant 48 : index
      %get3A_612 = tpu.vector_load %arg14[%get3A_610, %get3A_611] {strides = array<i32>} : memref<125x64xf32, #tpu.memory_space<vmem>>, vector<1x16xf32>,
      %get3A_613 = vector.shape_cast %get3A_612 : vector<1x16xf32> to vector<16xf32>
      %add3A_614 = arith.addf %get3A_609, %get3A_613 : vector<16xf32>
      %swap3A_615 = arith.index_cast %scan3A_565 : i32 to index
      %swap3A_616 = arith.constant 48 : index
      %swap3A_617 = tpu.vector_load %arg13[%swap3A_615, %swap3A_616] {strides = array<i32>} : memref<125x64xf32, #tpu.memory_space<vmem>>, vector<1x16xf32>,
      %swap3A_618 = vector.shape_cast %swap3A_617 : vector<1x16xf32> to vector<16xf32>
      %swap3A_619 = vector.shape_cast %add3A_614 : vector<16xf32> to vector<1x16xf32>
      tpu.vector_store %arg13[%swap3A_615, %swap3A_616], %swap3A_619 {strides = array<i32>} : memref<125x64xf32, #tpu.memory_space<vmem>>, vector<1x16xf32>,
    }
    %scan3A_433 = arith.constant 125 : i32
    %mul3A_434 = arith.constant 10000 : i32
    %mul3A_435 = arith.muli %arg0, %mul3A_434 : i32
    %add3A_436 = arith.addi %mul3A_435, %add3A_408 : i32
    "tpu.region"() ({
      %run_scoped3A_565 = tpu.sem_alloc : memref<!tpu.dma_semaphore, #tpu.memory_space<semaphore_mem>>
      %dma_start3A_566 = arith.constant 0 : i32
      %dma_start3A_567 = tpu.memref_slice %arg7[%add3A_436, %dma_start3A_566] : memref<20000x64xf32, #tpu.memory_space<hbm>> -> memref<125x64xf32, #tpu.memory_space<hbm>>
      %dma_start3A_568 = arith.constant 0 : i32
      %dma_start3A_569 = tpu.memref_slice %arg7[%add3A_436, %dma_start3A_568] : memref<20000x64xf32, #tpu.memory_space<hbm>> -> memref<125x64xf32, #tpu.memory_space<hbm>>
      tpu.enqueue_dma source(%arg13 : memref<125x64xf32, #tpu.memory_space<vmem>>) target(%dma_start3A_569 : memref<125x64xf32, #tpu.memory_space<hbm>>) target_semaphore(%run_scoped3A_565 : memref<!tpu.dma_semaphore, #tpu.memory_space<semaphore_mem>>)
      %dma_wait3A_570 = arith.constant 0 : i32
      %dma_wait3A_571 = tpu.memref_slice %arg7[%add3A_436, %dma_wait3A_570] : memref<20000x64xf32, #tpu.memory_space<hbm>> -> memref<125x64xf32, #tpu.memory_space<hbm>>
      %dma_wait3A_572 = arith.constant 0 : i32
      %dma_wait3A_573 = tpu.memref_slice %arg7[%add3A_436, %dma_wait3A_572] : memref<20000x64xf32, #tpu.memory_space<hbm>> -> memref<125x64xf32, #tpu.memory_space<hbm>>
      tpu.wait_dma2 semaphore(%run_scoped3A_565 : memref<!tpu.dma_semaphore, #tpu.memory_space<semaphore_mem>>) src(%arg13 : memref<125x64xf32, #tpu.memory_space<vmem>>) dst(%dma_wait3A_573 : memref<125x64xf32, #tpu.memory_space<hbm>>)
      tpu.yield
    }) : () -> ()
    %mul3A_437 = arith.constant 625 : i32
    %mul3A_438 = arith.muli %arg1, %mul3A_437 : i32
    %add3A_439 = arith.constant 125 : i32
    %add3A_440 = arith.addi %mul3A_438, %add3A_439 : i32
    %dma_start3A_441 = arith.constant 0 : i32
    %dma_start3A_442 = tpu.memref_slice %arg15[%add3A_440, %dma_start3A_441] : memref<10240x64xf32, #tpu.memory_space<vmem_shared>> -> memref<125x64xf32, #tpu.memory_space<vmem_shared>>
    %dma_start3A_443 = arith.constant 0 : i32
    %dma_start3A_444 = tpu.memref_slice %arg15[%add3A_440, %dma_start3A_443] : memref<10240x64xf32, #tpu.memory_space<vmem_shared>> -> memref<125x64xf32, #tpu.memory_space<vmem_shared>>
    tpu.enqueue_dma source(%dma_start3A_444 : memref<125x64xf32, #tpu.memory_space<vmem_shared>>) target(%arg13 : memref<125x64xf32, #tpu.memory_space<vmem>>) target_semaphore(%arg16 : memref<!tpu.dma_semaphore, #tpu.memory_space<semaphore_mem>>)
    %mul3A_445 = arith.constant 10000 : i32
    %mul3A_446 = arith.muli %arg0, %mul3A_445 : i32
    %add3A_447 = arith.addi %mul3A_446, %add3A_440 : i32
    %dma_start3A_448 = arith.constant 0 : i32
    %dma_start3A_449 = tpu.memref_slice %arg6[%add3A_447, %dma_start3A_448] : memref<20000x64xf32, #tpu.memory_space<hbm>> -> memref<125x64xf32, #tpu.memory_space<hbm>>
    %dma_start3A_450 = arith.constant 0 : i32
    %dma_start3A_451 = tpu.memref_slice %arg6[%add3A_447, %dma_start3A_450] : memref<20000x64xf32, #tpu.memory_space<hbm>> -> memref<125x64xf32, #tpu.memory_space<hbm>>
    tpu.enqueue_dma source(%dma_start3A_451 : memref<125x64xf32, #tpu.memory_space<hbm>>) target(%arg14 : memref<125x64xf32, #tpu.memory_space<vmem>>) target_semaphore(%arg17 : memref<!tpu.dma_semaphore, #tpu.memory_space<semaphore_mem>>)
    %dma_wait3A_452 = arith.constant 0 : i32
    %dma_wait3A_453 = tpu.memref_slice %arg15[%add3A_440, %dma_wait3A_452] : memref<10240x64xf32, #tpu.memory_space<vmem_shared>> -> memref<125x64xf32, #tpu.memory_space<vmem_shared>>
    %dma_wait3A_454 = arith.constant 0 : i32
    %dma_wait3A_455 = tpu.memref_slice %arg15[%add3A_440, %dma_wait3A_454] : memref<10240x64xf32, #tpu.memory_space<vmem_shared>> -> memref<125x64xf32, #tpu.memory_space<vmem_shared>>
    tpu.wait_dma2 semaphore(%arg16 : memref<!tpu.dma_semaphore, #tpu.memory_space<semaphore_mem>>) src(%dma_wait3A_455 : memref<125x64xf32, #tpu.memory_space<vmem_shared>>) dst(%arg13 : memref<125x64xf32, #tpu.memory_space<vmem>>)
    %dma_wait3A_456 = arith.constant 0 : i32
    %dma_wait3A_457 = tpu.memref_slice %arg6[%add3A_447, %dma_wait3A_456] : memref<20000x64xf32, #tpu.memory_space<hbm>> -> memref<125x64xf32, #tpu.memory_space<hbm>>
    %dma_wait3A_458 = arith.constant 0 : i32
    %dma_wait3A_459 = tpu.memref_slice %arg6[%add3A_447, %dma_wait3A_458] : memref<20000x64xf32, #tpu.memory_space<hbm>> -> memref<125x64xf32, #tpu.memory_space<hbm>>
    tpu.wait_dma2 semaphore(%arg17 : memref<!tpu.dma_semaphore, #tpu.memory_space<semaphore_mem>>) src(%dma_wait3A_459 : memref<125x64xf32, #tpu.memory_space<hbm>>) dst(%arg14 : memref<125x64xf32, #tpu.memory_space<vmem>>)
    %scan3A_460 = arith.constant 0 : i32
    %scan3A_461 = arith.constant 0 : i32
    %scan3A_462 = arith.constant 125 : i32
    %scan3A_463 = arith.addi %scan3A_461, %scan3A_462 : i32
    %scan3A_464 = arith.constant 1 : i32
    scf.for %scan3A_565 = %scan3A_461 to %scan3A_463 step %scan3A_464  : i32 {
      %get3A = arith.index_cast %scan3A_565 : i32 to index
      %get3A_566 = arith.constant 0 : index
      %get3A_567 = tpu.vector_load %arg13[%get3A, %get3A_566] {strides = array<i32>} : memref<125x64xf32, #tpu.memory_space<vmem>>, vector<1x16xf32>,
      %get3A_568 = vector.shape_cast %get3A_567 : vector<1x16xf32> to vector<16xf32>
      %get3A_569 = arith.index_cast %scan3A_565 : i32 to index
      %get3A_570 = arith.constant 0 : index
      %get3A_571 = tpu.vector_load %arg14[%get3A_569, %get3A_570] {strides = array<i32>} : memref<125x64xf32, #tpu.memory_space<vmem>>, vector<1x16xf32>,
      %get3A_572 = vector.shape_cast %get3A_571 : vector<1x16xf32> to vector<16xf32>
      %add3A_573 = arith.addf %get3A_568, %get3A_572 : vector<16xf32>
      %swap3A = arith.index_cast %scan3A_565 : i32 to index
      %swap3A_574 = arith.constant 0 : index
      %swap3A_575 = tpu.vector_load %arg13[%swap3A, %swap3A_574] {strides = array<i32>} : memref<125x64xf32, #tpu.memory_space<vmem>>, vector<1x16xf32>,
      %swap3A_576 = vector.shape_cast %swap3A_575 : vector<1x16xf32> to vector<16xf32>
      %swap3A_577 = vector.shape_cast %add3A_573 : vector<16xf32> to vector<1x16xf32>
      tpu.vector_store %arg13[%swap3A, %swap3A_574], %swap3A_577 {strides = array<i32>} : memref<125x64xf32, #tpu.memory_space<vmem>>, vector<1x16xf32>,
      %get3A_578 = arith.index_cast %scan3A_565 : i32 to index
      %get3A_579 = arith.constant 16 : index
      %get3A_580 = tpu.vector_load %arg13[%get3A_578, %get3A_579] {strides = array<i32>} : memref<125x64xf32, #tpu.memory_space<vmem>>, vector<1x16xf32>,
      %get3A_581 = vector.shape_cast %get3A_580 : vector<1x16xf32> to vector<16xf32>
      %get3A_582 = arith.index_cast %scan3A_565 : i32 to index
      %get3A_583 = arith.constant 16 : index
      %get3A_584 = tpu.vector_load %arg14[%get3A_582, %get3A_583] {strides = array<i32>} : memref<125x64xf32, #tpu.memory_space<vmem>>, vector<1x16xf32>,
      %get3A_585 = vector.shape_cast %get3A_584 : vector<1x16xf32> to vector<16xf32>
      %add3A_586 = arith.addf %get3A_581, %get3A_585 : vector<16xf32>
      %swap3A_587 = arith.index_cast %scan3A_565 : i32 to index
      %swap3A_588 = arith.constant 16 : index
      %swap3A_589 = tpu.vector_load %arg13[%swap3A_587, %swap3A_588] {strides = array<i32>} : memref<125x64xf32, #tpu.memory_space<vmem>>, vector<1x16xf32>,
      %swap3A_590 = vector.shape_cast %swap3A_589 : vector<1x16xf32> to vector<16xf32>
      %swap3A_591 = vector.shape_cast %add3A_586 : vector<16xf32> to vector<1x16xf32>
      tpu.vector_store %arg13[%swap3A_587, %swap3A_588], %swap3A_591 {strides = array<i32>} : memref<125x64xf32, #tpu.memory_space<vmem>>, vector<1x16xf32>,
      %get3A_592 = arith.index_cast %scan3A_565 : i32 to index
      %get3A_593 = arith.constant 32 : index
      %get3A_594 = tpu.vector_load %arg13[%get3A_592, %get3A_593] {strides = array<i32>} : memref<125x64xf32, #tpu.memory_space<vmem>>, vector<1x16xf32>,
      %get3A_595 = vector.shape_cast %get3A_594 : vector<1x16xf32> to vector<16xf32>
      %get3A_596 = arith.index_cast %scan3A_565 : i32 to index
      %get3A_597 = arith.constant 32 : index
      %get3A_598 = tpu.vector_load %arg14[%get3A_596, %get3A_597] {strides = array<i32>} : memref<125x64xf32, #tpu.memory_space<vmem>>, vector<1x16xf32>,
      %get3A_599 = vector.shape_cast %get3A_598 : vector<1x16xf32> to vector<16xf32>
      %add3A_600 = arith.addf %get3A_595, %get3A_599 : vector<16xf32>
      %swap3A_601 = arith.index_cast %scan3A_565 : i32 to index
      %swap3A_602 = arith.constant 32 : index
      %swap3A_603 = tpu.vector_load %arg13[%swap3A_601, %swap3A_602] {strides = array<i32>} : memref<125x64xf32, #tpu.memory_space<vmem>>, vector<1x16xf32>,
      %swap3A_604 = vector.shape_cast %swap3A_603 : vector<1x16xf32> to vector<16xf32>
      %swap3A_605 = vector.shape_cast %add3A_600 : vector<16xf32> to vector<1x16xf32>
      tpu.vector_store %arg13[%swap3A_601, %swap3A_602], %swap3A_605 {strides = array<i32>} : memref<125x64xf32, #tpu.memory_space<vmem>>, vector<1x16xf32>,
      %get3A_606 = arith.index_cast %scan3A_565 : i32 to index
      %get3A_607 = arith.constant 48 : index
      %get3A_608 = tpu.vector_load %arg13[%get3A_606, %get3A_607] {strides = array<i32>} : memref<125x64xf32, #tpu.memory_space<vmem>>, vector<1x16xf32>,
      %get3A_609 = vector.shape_cast %get3A_608 : vector<1x16xf32> to vector<16xf32>
      %get3A_610 = arith.index_cast %scan3A_565 : i32 to index
      %get3A_611 = arith.constant 48 : index
      %get3A_612 = tpu.vector_load %arg14[%get3A_610, %get3A_611] {strides = array<i32>} : memref<125x64xf32, #tpu.memory_space<vmem>>, vector<1x16xf32>,
      %get3A_613 = vector.shape_cast %get3A_612 : vector<1x16xf32> to vector<16xf32>
      %add3A_614 = arith.addf %get3A_609, %get3A_613 : vector<16xf32>
      %swap3A_615 = arith.index_cast %scan3A_565 : i32 to index
      %swap3A_616 = arith.constant 48 : index
      %swap3A_617 = tpu.vector_load %arg13[%swap3A_615, %swap3A_616] {strides = array<i32>} : memref<125x64xf32, #tpu.memory_space<vmem>>, vector<1x16xf32>,
      %swap3A_618 = vector.shape_cast %swap3A_617 : vector<1x16xf32> to vector<16xf32>
      %swap3A_619 = vector.shape_cast %add3A_614 : vector<16xf32> to vector<1x16xf32>
      tpu.vector_store %arg13[%swap3A_615, %swap3A_616], %swap3A_619 {strides = array<i32>} : memref<125x64xf32, #tpu.memory_space<vmem>>, vector<1x16xf32>,
    }
    %scan3A_465 = arith.constant 125 : i32
    %mul3A_466 = arith.constant 10000 : i32
    %mul3A_467 = arith.muli %arg0, %mul3A_466 : i32
    %add3A_468 = arith.addi %mul3A_467, %add3A_440 : i32
    "tpu.region"() ({
      %run_scoped3A_565 = tpu.sem_alloc : memref<!tpu.dma_semaphore, #tpu.memory_space<semaphore_mem>>
      %dma_start3A_566 = arith.constant 0 : i32
      %dma_start3A_567 = tpu.memref_slice %arg7[%add3A_468, %dma_start3A_566] : memref<20000x64xf32, #tpu.memory_space<hbm>> -> memref<125x64xf32, #tpu.memory_space<hbm>>
      %dma_start3A_568 = arith.constant 0 : i32
      %dma_start3A_569 = tpu.memref_slice %arg7[%add3A_468, %dma_start3A_568] : memref<20000x64xf32, #tpu.memory_space<hbm>> -> memref<125x64xf32, #tpu.memory_space<hbm>>
      tpu.enqueue_dma source(%arg13 : memref<125x64xf32, #tpu.memory_space<vmem>>) target(%dma_start3A_569 : memref<125x64xf32, #tpu.memory_space<hbm>>) target_semaphore(%run_scoped3A_565 : memref<!tpu.dma_semaphore, #tpu.memory_space<semaphore_mem>>)
      %dma_wait3A_570 = arith.constant 0 : i32
      %dma_wait3A_571 = tpu.memref_slice %arg7[%add3A_468, %dma_wait3A_570] : memref<20000x64xf32, #tpu.memory_space<hbm>> -> memref<125x64xf32, #tpu.memory_space<hbm>>
      %dma_wait3A_572 = arith.constant 0 : i32
      %dma_wait3A_573 = tpu.memref_slice %arg7[%add3A_468, %dma_wait3A_572] : memref<20000x64xf32, #tpu.memory_space<hbm>> -> memref<125x64xf32, #tpu.memory_space<hbm>>
      tpu.wait_dma2 semaphore(%run_scoped3A_565 : memref<!tpu.dma_semaphore, #tpu.memory_space<semaphore_mem>>) src(%arg13 : memref<125x64xf32, #tpu.memory_space<vmem>>) dst(%dma_wait3A_573 : memref<125x64xf32, #tpu.memory_space<hbm>>)
      tpu.yield
    }) : () -> ()
    %mul3A_469 = arith.constant 625 : i32
    %mul3A_470 = arith.muli %arg1, %mul3A_469 : i32
    %add3A_471 = arith.constant 250 : i32
    %add3A_472 = arith.addi %mul3A_470, %add3A_471 : i32
    %dma_start3A_473 = arith.constant 0 : i32
    %dma_start3A_474 = tpu.memref_slice %arg15[%add3A_472, %dma_start3A_473] : memref<10240x64xf32, #tpu.memory_space<vmem_shared>> -> memref<125x64xf32, #tpu.memory_space<vmem_shared>>
    %dma_start3A_475 = arith.constant 0 : i32
    %dma_start3A_476 = tpu.memref_slice %arg15[%add3A_472, %dma_start3A_475] : memref<10240x64xf32, #tpu.memory_space<vmem_shared>> -> memref<125x64xf32, #tpu.memory_space<vmem_shared>>
    tpu.enqueue_dma source(%dma_start3A_476 : memref<125x64xf32, #tpu.memory_space<vmem_shared>>) target(%arg13 : memref<125x64xf32, #tpu.memory_space<vmem>>) target_semaphore(%arg16 : memref<!tpu.dma_semaphore, #tpu.memory_space<semaphore_mem>>)
    %mul3A_477 = arith.constant 10000 : i32
    %mul3A_478 = arith.muli %arg0, %mul3A_477 : i32
    %add3A_479 = arith.addi %mul3A_478, %add3A_472 : i32
    %dma_start3A_480 = arith.constant 0 : i32
    %dma_start3A_481 = tpu.memref_slice %arg6[%add3A_479, %dma_start3A_480] : memref<20000x64xf32, #tpu.memory_space<hbm>> -> memref<125x64xf32, #tpu.memory_space<hbm>>
    %dma_start3A_482 = arith.constant 0 : i32
    %dma_start3A_483 = tpu.memref_slice %arg6[%add3A_479, %dma_start3A_482] : memref<20000x64xf32, #tpu.memory_space<hbm>> -> memref<125x64xf32, #tpu.memory_space<hbm>>
    tpu.enqueue_dma source(%dma_start3A_483 : memref<125x64xf32, #tpu.memory_space<hbm>>) target(%arg14 : memref<125x64xf32, #tpu.memory_space<vmem>>) target_semaphore(%arg17 : memref<!tpu.dma_semaphore, #tpu.memory_space<semaphore_mem>>)
    %dma_wait3A_484 = arith.constant 0 : i32
    %dma_wait3A_485 = tpu.memref_slice %arg15[%add3A_472, %dma_wait3A_484] : memref<10240x64xf32, #tpu.memory_space<vmem_shared>> -> memref<125x64xf32, #tpu.memory_space<vmem_shared>>
    %dma_wait3A_486 = arith.constant 0 : i32
    %dma_wait3A_487 = tpu.memref_slice %arg15[%add3A_472, %dma_wait3A_486] : memref<10240x64xf32, #tpu.memory_space<vmem_shared>> -> memref<125x64xf32, #tpu.memory_space<vmem_shared>>
    tpu.wait_dma2 semaphore(%arg16 : memref<!tpu.dma_semaphore, #tpu.memory_space<semaphore_mem>>) src(%dma_wait3A_487 : memref<125x64xf32, #tpu.memory_space<vmem_shared>>) dst(%arg13 : memref<125x64xf32, #tpu.memory_space<vmem>>)
    %dma_wait3A_488 = arith.constant 0 : i32
    %dma_wait3A_489 = tpu.memref_slice %arg6[%add3A_479, %dma_wait3A_488] : memref<20000x64xf32, #tpu.memory_space<hbm>> -> memref<125x64xf32, #tpu.memory_space<hbm>>
    %dma_wait3A_490 = arith.constant 0 : i32
    %dma_wait3A_491 = tpu.memref_slice %arg6[%add3A_479, %dma_wait3A_490] : memref<20000x64xf32, #tpu.memory_space<hbm>> -> memref<125x64xf32, #tpu.memory_space<hbm>>
    tpu.wait_dma2 semaphore(%arg17 : memref<!tpu.dma_semaphore, #tpu.memory_space<semaphore_mem>>) src(%dma_wait3A_491 : memref<125x64xf32, #tpu.memory_space<hbm>>) dst(%arg14 : memref<125x64xf32, #tpu.memory_space<vmem>>)
    %scan3A_492 = arith.constant 0 : i32
    %scan3A_493 = arith.constant 0 : i32
    %scan3A_494 = arith.constant 125 : i32
    %scan3A_495 = arith.addi %scan3A_493, %scan3A_494 : i32
    %scan3A_496 = arith.constant 1 : i32
    scf.for %scan3A_565 = %scan3A_493 to %scan3A_495 step %scan3A_496  : i32 {
      %get3A = arith.index_cast %scan3A_565 : i32 to index
      %get3A_566 = arith.constant 0 : index
      %get3A_567 = tpu.vector_load %arg13[%get3A, %get3A_566] {strides = array<i32>} : memref<125x64xf32, #tpu.memory_space<vmem>>, vector<1x16xf32>,
      %get3A_568 = vector.shape_cast %get3A_567 : vector<1x16xf32> to vector<16xf32>
      %get3A_569 = arith.index_cast %scan3A_565 : i32 to index
      %get3A_570 = arith.constant 0 : index
      %get3A_571 = tpu.vector_load %arg14[%get3A_569, %get3A_570] {strides = array<i32>} : memref<125x64xf32, #tpu.memory_space<vmem>>, vector<1x16xf32>,
      %get3A_572 = vector.shape_cast %get3A_571 : vector<1x16xf32> to vector<16xf32>
      %add3A_573 = arith.addf %get3A_568, %get3A_572 : vector<16xf32>
      %swap3A = arith.index_cast %scan3A_565 : i32 to index
      %swap3A_574 = arith.constant 0 : index
      %swap3A_575 = tpu.vector_load %arg13[%swap3A, %swap3A_574] {strides = array<i32>} : memref<125x64xf32, #tpu.memory_space<vmem>>, vector<1x16xf32>,
      %swap3A_576 = vector.shape_cast %swap3A_575 : vector<1x16xf32> to vector<16xf32>
      %swap3A_577 = vector.shape_cast %add3A_573 : vector<16xf32> to vector<1x16xf32>
      tpu.vector_store %arg13[%swap3A, %swap3A_574], %swap3A_577 {strides = array<i32>} : memref<125x64xf32, #tpu.memory_space<vmem>>, vector<1x16xf32>,
      %get3A_578 = arith.index_cast %scan3A_565 : i32 to index
      %get3A_579 = arith.constant 16 : index
      %get3A_580 = tpu.vector_load %arg13[%get3A_578, %get3A_579] {strides = array<i32>} : memref<125x64xf32, #tpu.memory_space<vmem>>, vector<1x16xf32>,
      %get3A_581 = vector.shape_cast %get3A_580 : vector<1x16xf32> to vector<16xf32>
      %get3A_582 = arith.index_cast %scan3A_565 : i32 to index
      %get3A_583 = arith.constant 16 : index
      %get3A_584 = tpu.vector_load %arg14[%get3A_582, %get3A_583] {strides = array<i32>} : memref<125x64xf32, #tpu.memory_space<vmem>>, vector<1x16xf32>,
      %get3A_585 = vector.shape_cast %get3A_584 : vector<1x16xf32> to vector<16xf32>
      %add3A_586 = arith.addf %get3A_581, %get3A_585 : vector<16xf32>
      %swap3A_587 = arith.index_cast %scan3A_565 : i32 to index
      %swap3A_588 = arith.constant 16 : index
      %swap3A_589 = tpu.vector_load %arg13[%swap3A_587, %swap3A_588] {strides = array<i32>} : memref<125x64xf32, #tpu.memory_space<vmem>>, vector<1x16xf32>,
      %swap3A_590 = vector.shape_cast %swap3A_589 : vector<1x16xf32> to vector<16xf32>
      %swap3A_591 = vector.shape_cast %add3A_586 : vector<16xf32> to vector<1x16xf32>
      tpu.vector_store %arg13[%swap3A_587, %swap3A_588], %swap3A_591 {strides = array<i32>} : memref<125x64xf32, #tpu.memory_space<vmem>>, vector<1x16xf32>,
      %get3A_592 = arith.index_cast %scan3A_565 : i32 to index
      %get3A_593 = arith.constant 32 : index
      %get3A_594 = tpu.vector_load %arg13[%get3A_592, %get3A_593] {strides = array<i32>} : memref<125x64xf32, #tpu.memory_space<vmem>>, vector<1x16xf32>,
      %get3A_595 = vector.shape_cast %get3A_594 : vector<1x16xf32> to vector<16xf32>
      %get3A_596 = arith.index_cast %scan3A_565 : i32 to index
      %get3A_597 = arith.constant 32 : index
      %get3A_598 = tpu.vector_load %arg14[%get3A_596, %get3A_597] {strides = array<i32>} : memref<125x64xf32, #tpu.memory_space<vmem>>, vector<1x16xf32>,
      %get3A_599 = vector.shape_cast %get3A_598 : vector<1x16xf32> to vector<16xf32>
      %add3A_600 = arith.addf %get3A_595, %get3A_599 : vector<16xf32>
      %swap3A_601 = arith.index_cast %scan3A_565 : i32 to index
      %swap3A_602 = arith.constant 32 : index
      %swap3A_603 = tpu.vector_load %arg13[%swap3A_601, %swap3A_602] {strides = array<i32>} : memref<125x64xf32, #tpu.memory_space<vmem>>, vector<1x16xf32>,
      %swap3A_604 = vector.shape_cast %swap3A_603 : vector<1x16xf32> to vector<16xf32>
      %swap3A_605 = vector.shape_cast %add3A_600 : vector<16xf32> to vector<1x16xf32>
      tpu.vector_store %arg13[%swap3A_601, %swap3A_602], %swap3A_605 {strides = array<i32>} : memref<125x64xf32, #tpu.memory_space<vmem>>, vector<1x16xf32>,
      %get3A_606 = arith.index_cast %scan3A_565 : i32 to index
      %get3A_607 = arith.constant 48 : index
      %get3A_608 = tpu.vector_load %arg13[%get3A_606, %get3A_607] {strides = array<i32>} : memref<125x64xf32, #tpu.memory_space<vmem>>, vector<1x16xf32>,
      %get3A_609 = vector.shape_cast %get3A_608 : vector<1x16xf32> to vector<16xf32>
      %get3A_610 = arith.index_cast %scan3A_565 : i32 to index
      %get3A_611 = arith.constant 48 : index
      %get3A_612 = tpu.vector_load %arg14[%get3A_610, %get3A_611] {strides = array<i32>} : memref<125x64xf32, #tpu.memory_space<vmem>>, vector<1x16xf32>,
      %get3A_613 = vector.shape_cast %get3A_612 : vector<1x16xf32> to vector<16xf32>
      %add3A_614 = arith.addf %get3A_609, %get3A_613 : vector<16xf32>
      %swap3A_615 = arith.index_cast %scan3A_565 : i32 to index
      %swap3A_616 = arith.constant 48 : index
      %swap3A_617 = tpu.vector_load %arg13[%swap3A_615, %swap3A_616] {strides = array<i32>} : memref<125x64xf32, #tpu.memory_space<vmem>>, vector<1x16xf32>,
      %swap3A_618 = vector.shape_cast %swap3A_617 : vector<1x16xf32> to vector<16xf32>
      %swap3A_619 = vector.shape_cast %add3A_614 : vector<16xf32> to vector<1x16xf32>
      tpu.vector_store %arg13[%swap3A_615, %swap3A_616], %swap3A_619 {strides = array<i32>} : memref<125x64xf32, #tpu.memory_space<vmem>>, vector<1x16xf32>,
    }
    %scan3A_497 = arith.constant 125 : i32
    %mul3A_498 = arith.constant 10000 : i32
    %mul3A_499 = arith.muli %arg0, %mul3A_498 : i32
    %add3A_500 = arith.addi %mul3A_499, %add3A_472 : i32
    "tpu.region"() ({
      %run_scoped3A_565 = tpu.sem_alloc : memref<!tpu.dma_semaphore, #tpu.memory_space<semaphore_mem>>
      %dma_start3A_566 = arith.constant 0 : i32
      %dma_start3A_567 = tpu.memref_slice %arg7[%add3A_500, %dma_start3A_566] : memref<20000x64xf32, #tpu.memory_space<hbm>> -> memref<125x64xf32, #tpu.memory_space<hbm>>
      %dma_start3A_568 = arith.constant 0 : i32
      %dma_start3A_569 = tpu.memref_slice %arg7[%add3A_500, %dma_start3A_568] : memref<20000x64xf32, #tpu.memory_space<hbm>> -> memref<125x64xf32, #tpu.memory_space<hbm>>
      tpu.enqueue_dma source(%arg13 : memref<125x64xf32, #tpu.memory_space<vmem>>) target(%dma_start3A_569 : memref<125x64xf32, #tpu.memory_space<hbm>>) target_semaphore(%run_scoped3A_565 : memref<!tpu.dma_semaphore, #tpu.memory_space<semaphore_mem>>)
      %dma_wait3A_570 = arith.constant 0 : i32
      %dma_wait3A_571 = tpu.memref_slice %arg7[%add3A_500, %dma_wait3A_570] : memref<20000x64xf32, #tpu.memory_space<hbm>> -> memref<125x64xf32, #tpu.memory_space<hbm>>
      %dma_wait3A_572 = arith.constant 0 : i32
      %dma_wait3A_573 = tpu.memref_slice %arg7[%add3A_500, %dma_wait3A_572] : memref<20000x64xf32, #tpu.memory_space<hbm>> -> memref<125x64xf32, #tpu.memory_space<hbm>>
      tpu.wait_dma2 semaphore(%run_scoped3A_565 : memref<!tpu.dma_semaphore, #tpu.memory_space<semaphore_mem>>) src(%arg13 : memref<125x64xf32, #tpu.memory_space<vmem>>) dst(%dma_wait3A_573 : memref<125x64xf32, #tpu.memory_space<hbm>>)
      tpu.yield
    }) : () -> ()
    %mul3A_501 = arith.constant 625 : i32
    %mul3A_502 = arith.muli %arg1, %mul3A_501 : i32
    %add3A_503 = arith.constant 375 : i32
    %add3A_504 = arith.addi %mul3A_502, %add3A_503 : i32
    %dma_start3A_505 = arith.constant 0 : i32
    %dma_start3A_506 = tpu.memref_slice %arg15[%add3A_504, %dma_start3A_505] : memref<10240x64xf32, #tpu.memory_space<vmem_shared>> -> memref<125x64xf32, #tpu.memory_space<vmem_shared>>
    %dma_start3A_507 = arith.constant 0 : i32
    %dma_start3A_508 = tpu.memref_slice %arg15[%add3A_504, %dma_start3A_507] : memref<10240x64xf32, #tpu.memory_space<vmem_shared>> -> memref<125x64xf32, #tpu.memory_space<vmem_shared>>
    tpu.enqueue_dma source(%dma_start3A_508 : memref<125x64xf32, #tpu.memory_space<vmem_shared>>) target(%arg13 : memref<125x64xf32, #tpu.memory_space<vmem>>) target_semaphore(%arg16 : memref<!tpu.dma_semaphore, #tpu.memory_space<semaphore_mem>>)
    %mul3A_509 = arith.constant 10000 : i32
    %mul3A_510 = arith.muli %arg0, %mul3A_509 : i32
    %add3A_511 = arith.addi %mul3A_510, %add3A_504 : i32
    %dma_start3A_512 = arith.constant 0 : i32
    %dma_start3A_513 = tpu.memref_slice %arg6[%add3A_511, %dma_start3A_512] : memref<20000x64xf32, #tpu.memory_space<hbm>> -> memref<125x64xf32, #tpu.memory_space<hbm>>
    %dma_start3A_514 = arith.constant 0 : i32
    %dma_start3A_515 = tpu.memref_slice %arg6[%add3A_511, %dma_start3A_514] : memref<20000x64xf32, #tpu.memory_space<hbm>> -> memref<125x64xf32, #tpu.memory_space<hbm>>
    tpu.enqueue_dma source(%dma_start3A_515 : memref<125x64xf32, #tpu.memory_space<hbm>>) target(%arg14 : memref<125x64xf32, #tpu.memory_space<vmem>>) target_semaphore(%arg17 : memref<!tpu.dma_semaphore, #tpu.memory_space<semaphore_mem>>)
    %dma_wait3A_516 = arith.constant 0 : i32
    %dma_wait3A_517 = tpu.memref_slice %arg15[%add3A_504, %dma_wait3A_516] : memref<10240x64xf32, #tpu.memory_space<vmem_shared>> -> memref<125x64xf32, #tpu.memory_space<vmem_shared>>
    %dma_wait3A_518 = arith.constant 0 : i32
    %dma_wait3A_519 = tpu.memref_slice %arg15[%add3A_504, %dma_wait3A_518] : memref<10240x64xf32, #tpu.memory_space<vmem_shared>> -> memref<125x64xf32, #tpu.memory_space<vmem_shared>>
    tpu.wait_dma2 semaphore(%arg16 : memref<!tpu.dma_semaphore, #tpu.memory_space<semaphore_mem>>) src(%dma_wait3A_519 : memref<125x64xf32, #tpu.memory_space<vmem_shared>>) dst(%arg13 : memref<125x64xf32, #tpu.memory_space<vmem>>)
    %dma_wait3A_520 = arith.constant 0 : i32
    %dma_wait3A_521 = tpu.memref_slice %arg6[%add3A_511, %dma_wait3A_520] : memref<20000x64xf32, #tpu.memory_space<hbm>> -> memref<125x64xf32, #tpu.memory_space<hbm>>
    %dma_wait3A_522 = arith.constant 0 : i32
    %dma_wait3A_523 = tpu.memref_slice %arg6[%add3A_511, %dma_wait3A_522] : memref<20000x64xf32, #tpu.memory_space<hbm>> -> memref<125x64xf32, #tpu.memory_space<hbm>>
    tpu.wait_dma2 semaphore(%arg17 : memref<!tpu.dma_semaphore, #tpu.memory_space<semaphore_mem>>) src(%dma_wait3A_523 : memref<125x64xf32, #tpu.memory_space<hbm>>) dst(%arg14 : memref<125x64xf32, #tpu.memory_space<vmem>>)
    %scan3A_524 = arith.constant 0 : i32
    %scan3A_525 = arith.constant 0 : i32
    %scan3A_526 = arith.constant 125 : i32
    %scan3A_527 = arith.addi %scan3A_525, %scan3A_526 : i32
    %scan3A_528 = arith.constant 1 : i32
    scf.for %scan3A_565 = %scan3A_525 to %scan3A_527 step %scan3A_528  : i32 {
      %get3A = arith.index_cast %scan3A_565 : i32 to index
      %get3A_566 = arith.constant 0 : index
      %get3A_567 = tpu.vector_load %arg13[%get3A, %get3A_566] {strides = array<i32>} : memref<125x64xf32, #tpu.memory_space<vmem>>, vector<1x16xf32>,
      %get3A_568 = vector.shape_cast %get3A_567 : vector<1x16xf32> to vector<16xf32>
      %get3A_569 = arith.index_cast %scan3A_565 : i32 to index
      %get3A_570 = arith.constant 0 : index
      %get3A_571 = tpu.vector_load %arg14[%get3A_569, %get3A_570] {strides = array<i32>} : memref<125x64xf32, #tpu.memory_space<vmem>>, vector<1x16xf32>,
      %get3A_572 = vector.shape_cast %get3A_571 : vector<1x16xf32> to vector<16xf32>
      %add3A_573 = arith.addf %get3A_568, %get3A_572 : vector<16xf32>
      %swap3A = arith.index_cast %scan3A_565 : i32 to index
      %swap3A_574 = arith.constant 0 : index
      %swap3A_575 = tpu.vector_load %arg13[%swap3A, %swap3A_574] {strides = array<i32>} : memref<125x64xf32, #tpu.memory_space<vmem>>, vector<1x16xf32>,
      %swap3A_576 = vector.shape_cast %swap3A_575 : vector<1x16xf32> to vector<16xf32>
      %swap3A_577 = vector.shape_cast %add3A_573 : vector<16xf32> to vector<1x16xf32>
      tpu.vector_store %arg13[%swap3A, %swap3A_574], %swap3A_577 {strides = array<i32>} : memref<125x64xf32, #tpu.memory_space<vmem>>, vector<1x16xf32>,
      %get3A_578 = arith.index_cast %scan3A_565 : i32 to index
      %get3A_579 = arith.constant 16 : index
      %get3A_580 = tpu.vector_load %arg13[%get3A_578, %get3A_579] {strides = array<i32>} : memref<125x64xf32, #tpu.memory_space<vmem>>, vector<1x16xf32>,
      %get3A_581 = vector.shape_cast %get3A_580 : vector<1x16xf32> to vector<16xf32>
      %get3A_582 = arith.index_cast %scan3A_565 : i32 to index
      %get3A_583 = arith.constant 16 : index
      %get3A_584 = tpu.vector_load %arg14[%get3A_582, %get3A_583] {strides = array<i32>} : memref<125x64xf32, #tpu.memory_space<vmem>>, vector<1x16xf32>,
      %get3A_585 = vector.shape_cast %get3A_584 : vector<1x16xf32> to vector<16xf32>
      %add3A_586 = arith.addf %get3A_581, %get3A_585 : vector<16xf32>
      %swap3A_587 = arith.index_cast %scan3A_565 : i32 to index
      %swap3A_588 = arith.constant 16 : index
      %swap3A_589 = tpu.vector_load %arg13[%swap3A_587, %swap3A_588] {strides = array<i32>} : memref<125x64xf32, #tpu.memory_space<vmem>>, vector<1x16xf32>,
      %swap3A_590 = vector.shape_cast %swap3A_589 : vector<1x16xf32> to vector<16xf32>
      %swap3A_591 = vector.shape_cast %add3A_586 : vector<16xf32> to vector<1x16xf32>
      tpu.vector_store %arg13[%swap3A_587, %swap3A_588], %swap3A_591 {strides = array<i32>} : memref<125x64xf32, #tpu.memory_space<vmem>>, vector<1x16xf32>,
      %get3A_592 = arith.index_cast %scan3A_565 : i32 to index
      %get3A_593 = arith.constant 32 : index
      %get3A_594 = tpu.vector_load %arg13[%get3A_592, %get3A_593] {strides = array<i32>} : memref<125x64xf32, #tpu.memory_space<vmem>>, vector<1x16xf32>,
      %get3A_595 = vector.shape_cast %get3A_594 : vector<1x16xf32> to vector<16xf32>
      %get3A_596 = arith.index_cast %scan3A_565 : i32 to index
      %get3A_597 = arith.constant 32 : index
      %get3A_598 = tpu.vector_load %arg14[%get3A_596, %get3A_597] {strides = array<i32>} : memref<125x64xf32, #tpu.memory_space<vmem>>, vector<1x16xf32>,
      %get3A_599 = vector.shape_cast %get3A_598 : vector<1x16xf32> to vector<16xf32>
      %add3A_600 = arith.addf %get3A_595, %get3A_599 : vector<16xf32>
      %swap3A_601 = arith.index_cast %scan3A_565 : i32 to index
      %swap3A_602 = arith.constant 32 : index
      %swap3A_603 = tpu.vector_load %arg13[%swap3A_601, %swap3A_602] {strides = array<i32>} : memref<125x64xf32, #tpu.memory_space<vmem>>, vector<1x16xf32>,
      %swap3A_604 = vector.shape_cast %swap3A_603 : vector<1x16xf32> to vector<16xf32>
      %swap3A_605 = vector.shape_cast %add3A_600 : vector<16xf32> to vector<1x16xf32>
      tpu.vector_store %arg13[%swap3A_601, %swap3A_602], %swap3A_605 {strides = array<i32>} : memref<125x64xf32, #tpu.memory_space<vmem>>, vector<1x16xf32>,
      %get3A_606 = arith.index_cast %scan3A_565 : i32 to index
      %get3A_607 = arith.constant 48 : index
      %get3A_608 = tpu.vector_load %arg13[%get3A_606, %get3A_607] {strides = array<i32>} : memref<125x64xf32, #tpu.memory_space<vmem>>, vector<1x16xf32>,
      %get3A_609 = vector.shape_cast %get3A_608 : vector<1x16xf32> to vector<16xf32>
      %get3A_610 = arith.index_cast %scan3A_565 : i32 to index
      %get3A_611 = arith.constant 48 : index
      %get3A_612 = tpu.vector_load %arg14[%get3A_610, %get3A_611] {strides = array<i32>} : memref<125x64xf32, #tpu.memory_space<vmem>>, vector<1x16xf32>,
      %get3A_613 = vector.shape_cast %get3A_612 : vector<1x16xf32> to vector<16xf32>
      %add3A_614 = arith.addf %get3A_609, %get3A_613 : vector<16xf32>
      %swap3A_615 = arith.index_cast %scan3A_565 : i32 to index
      %swap3A_616 = arith.constant 48 : index
      %swap3A_617 = tpu.vector_load %arg13[%swap3A_615, %swap3A_616] {strides = array<i32>} : memref<125x64xf32, #tpu.memory_space<vmem>>, vector<1x16xf32>,
      %swap3A_618 = vector.shape_cast %swap3A_617 : vector<1x16xf32> to vector<16xf32>
      %swap3A_619 = vector.shape_cast %add3A_614 : vector<16xf32> to vector<1x16xf32>
      tpu.vector_store %arg13[%swap3A_615, %swap3A_616], %swap3A_619 {strides = array<i32>} : memref<125x64xf32, #tpu.memory_space<vmem>>, vector<1x16xf32>,
    }
    %scan3A_529 = arith.constant 125 : i32
    %mul3A_530 = arith.constant 10000 : i32
    %mul3A_531 = arith.muli %arg0, %mul3A_530 : i32
    %add3A_532 = arith.addi %mul3A_531, %add3A_504 : i32
    "tpu.region"() ({
      %run_scoped3A_565 = tpu.sem_alloc : memref<!tpu.dma_semaphore, #tpu.memory_space<semaphore_mem>>
      %dma_start3A_566 = arith.constant 0 : i32
      %dma_start3A_567 = tpu.memref_slice %arg7[%add3A_532, %dma_start3A_566] : memref<20000x64xf32, #tpu.memory_space<hbm>> -> memref<125x64xf32, #tpu.memory_space<hbm>>
      %dma_start3A_568 = arith.constant 0 : i32
      %dma_start3A_569 = tpu.memref_slice %arg7[%add3A_532, %dma_start3A_568] : memref<20000x64xf32, #tpu.memory_space<hbm>> -> memref<125x64xf32, #tpu.memory_space<hbm>>
      tpu.enqueue_dma source(%arg13 : memref<125x64xf32, #tpu.memory_space<vmem>>) target(%dma_start3A_569 : memref<125x64xf32, #tpu.memory_space<hbm>>) target_semaphore(%run_scoped3A_565 : memref<!tpu.dma_semaphore, #tpu.memory_space<semaphore_mem>>)
      %dma_wait3A_570 = arith.constant 0 : i32
      %dma_wait3A_571 = tpu.memref_slice %arg7[%add3A_532, %dma_wait3A_570] : memref<20000x64xf32, #tpu.memory_space<hbm>> -> memref<125x64xf32, #tpu.memory_space<hbm>>
      %dma_wait3A_572 = arith.constant 0 : i32
      %dma_wait3A_573 = tpu.memref_slice %arg7[%add3A_532, %dma_wait3A_572] : memref<20000x64xf32, #tpu.memory_space<hbm>> -> memref<125x64xf32, #tpu.memory_space<hbm>>
      tpu.wait_dma2 semaphore(%run_scoped3A_565 : memref<!tpu.dma_semaphore, #tpu.memory_space<semaphore_mem>>) src(%arg13 : memref<125x64xf32, #tpu.memory_space<vmem>>) dst(%dma_wait3A_573 : memref<125x64xf32, #tpu.memory_space<hbm>>)
      tpu.yield
    }) : () -> ()
    %mul3A_533 = arith.constant 625 : i32
    %mul3A_534 = arith.muli %arg1, %mul3A_533 : i32
    %add3A_535 = arith.constant 500 : i32
    %add3A_536 = arith.addi %mul3A_534, %add3A_535 : i32
    %dma_start3A_537 = arith.constant 0 : i32
    %dma_start3A_538 = tpu.memref_slice %arg15[%add3A_536, %dma_start3A_537] : memref<10240x64xf32, #tpu.memory_space<vmem_shared>> -> memref<125x64xf32, #tpu.memory_space<vmem_shared>>
    %dma_start3A_539 = arith.constant 0 : i32
    %dma_start3A_540 = tpu.memref_slice %arg15[%add3A_536, %dma_start3A_539] : memref<10240x64xf32, #tpu.memory_space<vmem_shared>> -> memref<125x64xf32, #tpu.memory_space<vmem_shared>>
    tpu.enqueue_dma source(%dma_start3A_540 : memref<125x64xf32, #tpu.memory_space<vmem_shared>>) target(%arg13 : memref<125x64xf32, #tpu.memory_space<vmem>>) target_semaphore(%arg16 : memref<!tpu.dma_semaphore, #tpu.memory_space<semaphore_mem>>)
    %mul3A_541 = arith.constant 10000 : i32
    %mul3A_542 = arith.muli %arg0, %mul3A_541 : i32
    %add3A_543 = arith.addi %mul3A_542, %add3A_536 : i32
    %dma_start3A_544 = arith.constant 0 : i32
    %dma_start3A_545 = tpu.memref_slice %arg6[%add3A_543, %dma_start3A_544] : memref<20000x64xf32, #tpu.memory_space<hbm>> -> memref<125x64xf32, #tpu.memory_space<hbm>>
    %dma_start3A_546 = arith.constant 0 : i32
    %dma_start3A_547 = tpu.memref_slice %arg6[%add3A_543, %dma_start3A_546] : memref<20000x64xf32, #tpu.memory_space<hbm>> -> memref<125x64xf32, #tpu.memory_space<hbm>>
    tpu.enqueue_dma source(%dma_start3A_547 : memref<125x64xf32, #tpu.memory_space<hbm>>) target(%arg14 : memref<125x64xf32, #tpu.memory_space<vmem>>) target_semaphore(%arg17 : memref<!tpu.dma_semaphore, #tpu.memory_space<semaphore_mem>>)
    %dma_wait3A_548 = arith.constant 0 : i32
    %dma_wait3A_549 = tpu.memref_slice %arg15[%add3A_536, %dma_wait3A_548] : memref<10240x64xf32, #tpu.memory_space<vmem_shared>> -> memref<125x64xf32, #tpu.memory_space<vmem_shared>>
    %dma_wait3A_550 = arith.constant 0 : i32
    %dma_wait3A_551 = tpu.memref_slice %arg15[%add3A_536, %dma_wait3A_550] : memref<10240x64xf32, #tpu.memory_space<vmem_shared>> -> memref<125x64xf32, #tpu.memory_space<vmem_shared>>
    tpu.wait_dma2 semaphore(%arg16 : memref<!tpu.dma_semaphore, #tpu.memory_space<semaphore_mem>>) src(%dma_wait3A_551 : memref<125x64xf32, #tpu.memory_space<vmem_shared>>) dst(%arg13 : memref<125x64xf32, #tpu.memory_space<vmem>>)
    %dma_wait3A_552 = arith.constant 0 : i32
    %dma_wait3A_553 = tpu.memref_slice %arg6[%add3A_543, %dma_wait3A_552] : memref<20000x64xf32, #tpu.memory_space<hbm>> -> memref<125x64xf32, #tpu.memory_space<hbm>>
    %dma_wait3A_554 = arith.constant 0 : i32
    %dma_wait3A_555 = tpu.memref_slice %arg6[%add3A_543, %dma_wait3A_554] : memref<20000x64xf32, #tpu.memory_space<hbm>> -> memref<125x64xf32, #tpu.memory_space<hbm>>
    tpu.wait_dma2 semaphore(%arg17 : memref<!tpu.dma_semaphore, #tpu.memory_space<semaphore_mem>>) src(%dma_wait3A_555 : memref<125x64xf32, #tpu.memory_space<hbm>>) dst(%arg14 : memref<125x64xf32, #tpu.memory_space<vmem>>)
    %scan3A_556 = arith.constant 0 : i32
    %scan3A_557 = arith.constant 0 : i32
    %scan3A_558 = arith.constant 125 : i32
    %scan3A_559 = arith.addi %scan3A_557, %scan3A_558 : i32
    %scan3A_560 = arith.constant 1 : i32
    scf.for %scan3A_565 = %scan3A_557 to %scan3A_559 step %scan3A_560  : i32 {
      %get3A = arith.index_cast %scan3A_565 : i32 to index
      %get3A_566 = arith.constant 0 : index
      %get3A_567 = tpu.vector_load %arg13[%get3A, %get3A_566] {strides = array<i32>} : memref<125x64xf32, #tpu.memory_space<vmem>>, vector<1x16xf32>,
      %get3A_568 = vector.shape_cast %get3A_567 : vector<1x16xf32> to vector<16xf32>
      %get3A_569 = arith.index_cast %scan3A_565 : i32 to index
      %get3A_570 = arith.constant 0 : index
      %get3A_571 = tpu.vector_load %arg14[%get3A_569, %get3A_570] {strides = array<i32>} : memref<125x64xf32, #tpu.memory_space<vmem>>, vector<1x16xf32>,
      %get3A_572 = vector.shape_cast %get3A_571 : vector<1x16xf32> to vector<16xf32>
      %add3A_573 = arith.addf %get3A_568, %get3A_572 : vector<16xf32>
      %swap3A = arith.index_cast %scan3A_565 : i32 to index
      %swap3A_574 = arith.constant 0 : index
      %swap3A_575 = tpu.vector_load %arg13[%swap3A, %swap3A_574] {strides = array<i32>} : memref<125x64xf32, #tpu.memory_space<vmem>>, vector<1x16xf32>,
      %swap3A_576 = vector.shape_cast %swap3A_575 : vector<1x16xf32> to vector<16xf32>
      %swap3A_577 = vector.shape_cast %add3A_573 : vector<16xf32> to vector<1x16xf32>
      tpu.vector_store %arg13[%swap3A, %swap3A_574], %swap3A_577 {strides = array<i32>} : memref<125x64xf32, #tpu.memory_space<vmem>>, vector<1x16xf32>,
      %get3A_578 = arith.index_cast %scan3A_565 : i32 to index
      %get3A_579 = arith.constant 16 : index
      %get3A_580 = tpu.vector_load %arg13[%get3A_578, %get3A_579] {strides = array<i32>} : memref<125x64xf32, #tpu.memory_space<vmem>>, vector<1x16xf32>,
      %get3A_581 = vector.shape_cast %get3A_580 : vector<1x16xf32> to vector<16xf32>
      %get3A_582 = arith.index_cast %scan3A_565 : i32 to index
      %get3A_583 = arith.constant 16 : index
      %get3A_584 = tpu.vector_load %arg14[%get3A_582, %get3A_583] {strides = array<i32>} : memref<125x64xf32, #tpu.memory_space<vmem>>, vector<1x16xf32>,
      %get3A_585 = vector.shape_cast %get3A_584 : vector<1x16xf32> to vector<16xf32>
      %add3A_586 = arith.addf %get3A_581, %get3A_585 : vector<16xf32>
      %swap3A_587 = arith.index_cast %scan3A_565 : i32 to index
      %swap3A_588 = arith.constant 16 : index
      %swap3A_589 = tpu.vector_load %arg13[%swap3A_587, %swap3A_588] {strides = array<i32>} : memref<125x64xf32, #tpu.memory_space<vmem>>, vector<1x16xf32>,
      %swap3A_590 = vector.shape_cast %swap3A_589 : vector<1x16xf32> to vector<16xf32>
      %swap3A_591 = vector.shape_cast %add3A_586 : vector<16xf32> to vector<1x16xf32>
      tpu.vector_store %arg13[%swap3A_587, %swap3A_588], %swap3A_591 {strides = array<i32>} : memref<125x64xf32, #tpu.memory_space<vmem>>, vector<1x16xf32>,
      %get3A_592 = arith.index_cast %scan3A_565 : i32 to index
      %get3A_593 = arith.constant 32 : index
      %get3A_594 = tpu.vector_load %arg13[%get3A_592, %get3A_593] {strides = array<i32>} : memref<125x64xf32, #tpu.memory_space<vmem>>, vector<1x16xf32>,
      %get3A_595 = vector.shape_cast %get3A_594 : vector<1x16xf32> to vector<16xf32>
      %get3A_596 = arith.index_cast %scan3A_565 : i32 to index
      %get3A_597 = arith.constant 32 : index
      %get3A_598 = tpu.vector_load %arg14[%get3A_596, %get3A_597] {strides = array<i32>} : memref<125x64xf32, #tpu.memory_space<vmem>>, vector<1x16xf32>,
      %get3A_599 = vector.shape_cast %get3A_598 : vector<1x16xf32> to vector<16xf32>
      %add3A_600 = arith.addf %get3A_595, %get3A_599 : vector<16xf32>
      %swap3A_601 = arith.index_cast %scan3A_565 : i32 to index
      %swap3A_602 = arith.constant 32 : index
      %swap3A_603 = tpu.vector_load %arg13[%swap3A_601, %swap3A_602] {strides = array<i32>} : memref<125x64xf32, #tpu.memory_space<vmem>>, vector<1x16xf32>,
      %swap3A_604 = vector.shape_cast %swap3A_603 : vector<1x16xf32> to vector<16xf32>
      %swap3A_605 = vector.shape_cast %add3A_600 : vector<16xf32> to vector<1x16xf32>
      tpu.vector_store %arg13[%swap3A_601, %swap3A_602], %swap3A_605 {strides = array<i32>} : memref<125x64xf32, #tpu.memory_space<vmem>>, vector<1x16xf32>,
      %get3A_606 = arith.index_cast %scan3A_565 : i32 to index
      %get3A_607 = arith.constant 48 : index
      %get3A_608 = tpu.vector_load %arg13[%get3A_606, %get3A_607] {strides = array<i32>} : memref<125x64xf32, #tpu.memory_space<vmem>>, vector<1x16xf32>,
      %get3A_609 = vector.shape_cast %get3A_608 : vector<1x16xf32> to vector<16xf32>
      %get3A_610 = arith.index_cast %scan3A_565 : i32 to index
      %get3A_611 = arith.constant 48 : index
      %get3A_612 = tpu.vector_load %arg14[%get3A_610, %get3A_611] {strides = array<i32>} : memref<125x64xf32, #tpu.memory_space<vmem>>, vector<1x16xf32>,
      %get3A_613 = vector.shape_cast %get3A_612 : vector<1x16xf32> to vector<16xf32>
      %add3A_614 = arith.addf %get3A_609, %get3A_613 : vector<16xf32>
      %swap3A_615 = arith.index_cast %scan3A_565 : i32 to index
      %swap3A_616 = arith.constant 48 : index
      %swap3A_617 = tpu.vector_load %arg13[%swap3A_615, %swap3A_616] {strides = array<i32>} : memref<125x64xf32, #tpu.memory_space<vmem>>, vector<1x16xf32>,
      %swap3A_618 = vector.shape_cast %swap3A_617 : vector<1x16xf32> to vector<16xf32>
      %swap3A_619 = vector.shape_cast %add3A_614 : vector<16xf32> to vector<1x16xf32>
      tpu.vector_store %arg13[%swap3A_615, %swap3A_616], %swap3A_619 {strides = array<i32>} : memref<125x64xf32, #tpu.memory_space<vmem>>, vector<1x16xf32>,
    }
    %scan3A_561 = arith.constant 125 : i32
    %mul3A_562 = arith.constant 10000 : i32
    %mul3A_563 = arith.muli %arg0, %mul3A_562 : i32
    %add3A_564 = arith.addi %mul3A_563, %add3A_536 : i32
    "tpu.region"() ({
      %run_scoped3A_565 = tpu.sem_alloc : memref<!tpu.dma_semaphore, #tpu.memory_space<semaphore_mem>>
      %dma_start3A_566 = arith.constant 0 : i32
      %dma_start3A_567 = tpu.memref_slice %arg7[%add3A_564, %dma_start3A_566] : memref<20000x64xf32, #tpu.memory_space<hbm>> -> memref<125x64xf32, #tpu.memory_space<hbm>>
      %dma_start3A_568 = arith.constant 0 : i32
      %dma_start3A_569 = tpu.memref_slice %arg7[%add3A_564, %dma_start3A_568] : memref<20000x64xf32, #tpu.memory_space<hbm>> -> memref<125x64xf32, #tpu.memory_space<hbm>>
      tpu.enqueue_dma source(%arg13 : memref<125x64xf32, #tpu.memory_space<vmem>>) target(%dma_start3A_569 : memref<125x64xf32, #tpu.memory_space<hbm>>) target_semaphore(%run_scoped3A_565 : memref<!tpu.dma_semaphore, #tpu.memory_space<semaphore_mem>>)
      %dma_wait3A_570 = arith.constant 0 : i32
      %dma_wait3A_571 = tpu.memref_slice %arg7[%add3A_564, %dma_wait3A_570] : memref<20000x64xf32, #tpu.memory_space<hbm>> -> memref<125x64xf32, #tpu.memory_space<hbm>>
      %dma_wait3A_572 = arith.constant 0 : i32
      %dma_wait3A_573 = tpu.memref_slice %arg7[%add3A_564, %dma_wait3A_572] : memref<20000x64xf32, #tpu.memory_space<hbm>> -> memref<125x64xf32, #tpu.memory_space<hbm>>
      tpu.wait_dma2 semaphore(%run_scoped3A_565 : memref<!tpu.dma_semaphore, #tpu.memory_space<semaphore_mem>>) src(%arg13 : memref<125x64xf32, #tpu.memory_space<vmem>>) dst(%dma_wait3A_573 : memref<125x64xf32, #tpu.memory_space<hbm>>)
      tpu.yield
    }) : () -> ()
    return
  }
}

#map = affine_map<(d0, d1) -> (0, 0, 0, 0)>
#map1 = affine_map<(d0, d1) -> (0, 0, 0)>
module attributes {stable_mosaic.version = 14 : i64} {
  func.func @_deg_sc(%arg0: i32, %arg1: i32, %arg2: memref<2x16x250x80xi32, #tpu.memory_space<hbm>>, %arg3: memref<2x10240x16xf32, #tpu.memory_space<hbm>>, %arg4: memref<250x80xi32, #tpu.memory_space<vmem>>, %arg5: memref<80x16xf32, #tpu.memory_space<vmem>>, %arg6: memref<64x16xf32, #tpu.memory_space<vmem>>, %arg7: memref<10240x16xf32, #tpu.memory_space<vmem_shared>>, %arg8: memref<!tpu.dma_semaphore, #tpu.memory_space<semaphore_mem>>, %arg9: memref<!tpu.dma_semaphore, #tpu.memory_space<semaphore_mem>>, %arg10: memref<!tpu.dma_semaphore, #tpu.memory_space<semaphore_mem>>, %arg11: memref<!tpu.dma_semaphore, #tpu.memory_space<semaphore_mem>>, %arg12: memref<!tpu.dma_semaphore, #tpu.memory_space<semaphore_mem>>) attributes {dimension_semantics = [#tpu.dimension_semantics<core_parallel>, #tpu.dimension_semantics<subcore_parallel>], iteration_bounds = array<i64: 2, 16>, scalar_prefetch = 0 : i64, scratch_operands = 9 : i64, tpu.core_type = #tpu.core_type<sc_vector_subcore>, window_params = [{transform_indices = #map}, {transform_indices = #map1}]} {
    %scan3A = arith.constant 0 : i32
    %scan3A_0 = arith.constant 0 : i32
    %scan3A_1 = arith.constant 64 : i32
    %scan3A_2 = arith.addi %scan3A_0, %scan3A_1 : i32
    %scan3A_3 = arith.constant 1 : i32
    scf.for %scan3A_94 = %scan3A_0 to %scan3A_2 step %scan3A_3  : i32 {
      %broadcast_in_dim3A = arith.constant 0.000000e+00 : f32
      %broadcast_in_dim3A_95 = vector.broadcast %broadcast_in_dim3A : f32 to vector<16xf32>
      %swap3A = arith.index_cast %scan3A_94 : i32 to index
      %swap3A_96 = arith.constant 0 : index
      %swap3A_97 = tpu.vector_load %arg6[%swap3A, %swap3A_96] {strides = array<i32>} : memref<64x16xf32, #tpu.memory_space<vmem>>, vector<1x16xf32>,
      %swap3A_98 = vector.shape_cast %swap3A_97 : vector<1x16xf32> to vector<16xf32>
      %swap3A_99 = vector.shape_cast %broadcast_in_dim3A_95 : vector<16xf32> to vector<1x16xf32>
      tpu.vector_store %arg6[%swap3A, %swap3A_96], %swap3A_99 {strides = array<i32>} : memref<64x16xf32, #tpu.memory_space<vmem>>, vector<1x16xf32>,
    }
    %scan3A_4 = arith.constant 64 : i32
    %scan3A_5 = arith.constant 0 : i32
    %scan3A_6 = arith.constant 0 : i32
    %scan3A_7 = arith.constant 80 : i32
    %scan3A_8 = arith.addi %scan3A_6, %scan3A_7 : i32
    %scan3A_9 = arith.constant 1 : i32
    scf.for %scan3A_94 = %scan3A_6 to %scan3A_8 step %scan3A_9  : i32 {
      %broadcast_in_dim3A = arith.constant 1.000000e+00 : f32
      %broadcast_in_dim3A_95 = vector.broadcast %broadcast_in_dim3A : f32 to vector<16xf32>
      %swap3A = arith.index_cast %scan3A_94 : i32 to index
      %swap3A_96 = arith.constant 0 : index
      %swap3A_97 = tpu.vector_load %arg5[%swap3A, %swap3A_96] {strides = array<i32>} : memref<80x16xf32, #tpu.memory_space<vmem>>, vector<1x16xf32>,
      %swap3A_98 = vector.shape_cast %swap3A_97 : vector<1x16xf32> to vector<16xf32>
      %swap3A_99 = vector.shape_cast %broadcast_in_dim3A_95 : vector<16xf32> to vector<1x16xf32>
      tpu.vector_store %arg5[%swap3A, %swap3A_96], %swap3A_99 {strides = array<i32>} : memref<80x16xf32, #tpu.memory_space<vmem>>, vector<1x16xf32>,
    }
    %scan3A_10 = arith.constant 80 : i32
    %mul3A = arith.constant 640 : i32
    %mul3A_11 = arith.muli %arg1, %mul3A : i32
    %add3A = arith.constant 0 : i32
    %add3A_12 = arith.addi %mul3A_11, %add3A : i32
    "tpu.region"() ({
      %run_scoped3A_94 = tpu.sem_alloc : memref<!tpu.dma_semaphore, #tpu.memory_space<semaphore_mem>>
      %dma_start3A = arith.constant 0 : i32
      %dma_start3A_95 = tpu.memref_slice %arg7[%add3A_12, %dma_start3A] : memref<10240x16xf32, #tpu.memory_space<vmem_shared>> -> memref<64x16xf32, #tpu.memory_space<vmem_shared>>
      %dma_start3A_96 = arith.constant 0 : i32
      %dma_start3A_97 = tpu.memref_slice %arg7[%add3A_12, %dma_start3A_96] : memref<10240x16xf32, #tpu.memory_space<vmem_shared>> -> memref<64x16xf32, #tpu.memory_space<vmem_shared>>
      tpu.enqueue_dma source(%arg6 : memref<64x16xf32, #tpu.memory_space<vmem>>) target(%dma_start3A_97 : memref<64x16xf32, #tpu.memory_space<vmem_shared>>) target_semaphore(%run_scoped3A_94 : memref<!tpu.dma_semaphore, #tpu.memory_space<semaphore_mem>>)
      %dma_wait3A_98 = arith.constant 0 : i32
      %dma_wait3A_99 = tpu.memref_slice %arg7[%add3A_12, %dma_wait3A_98] : memref<10240x16xf32, #tpu.memory_space<vmem_shared>> -> memref<64x16xf32, #tpu.memory_space<vmem_shared>>
      %dma_wait3A_100 = arith.constant 0 : i32
      %dma_wait3A_101 = tpu.memref_slice %arg7[%add3A_12, %dma_wait3A_100] : memref<10240x16xf32, #tpu.memory_space<vmem_shared>> -> memref<64x16xf32, #tpu.memory_space<vmem_shared>>
      tpu.wait_dma2 semaphore(%run_scoped3A_94 : memref<!tpu.dma_semaphore, #tpu.memory_space<semaphore_mem>>) src(%arg6 : memref<64x16xf32, #tpu.memory_space<vmem>>) dst(%dma_wait3A_101 : memref<64x16xf32, #tpu.memory_space<vmem_shared>>)
      tpu.yield
    }) : () -> ()
    %mul3A_13 = arith.constant 640 : i32
    %mul3A_14 = arith.muli %arg1, %mul3A_13 : i32
    %add3A_15 = arith.constant 64 : i32
    %add3A_16 = arith.addi %mul3A_14, %add3A_15 : i32
    "tpu.region"() ({
      %run_scoped3A_94 = tpu.sem_alloc : memref<!tpu.dma_semaphore, #tpu.memory_space<semaphore_mem>>
      %dma_start3A = arith.constant 0 : i32
      %dma_start3A_95 = tpu.memref_slice %arg7[%add3A_16, %dma_start3A] : memref<10240x16xf32, #tpu.memory_space<vmem_shared>> -> memref<64x16xf32, #tpu.memory_space<vmem_shared>>
      %dma_start3A_96 = arith.constant 0 : i32
      %dma_start3A_97 = tpu.memref_slice %arg7[%add3A_16, %dma_start3A_96] : memref<10240x16xf32, #tpu.memory_space<vmem_shared>> -> memref<64x16xf32, #tpu.memory_space<vmem_shared>>
      tpu.enqueue_dma source(%arg6 : memref<64x16xf32, #tpu.memory_space<vmem>>) target(%dma_start3A_97 : memref<64x16xf32, #tpu.memory_space<vmem_shared>>) target_semaphore(%run_scoped3A_94 : memref<!tpu.dma_semaphore, #tpu.memory_space<semaphore_mem>>)
      %dma_wait3A_98 = arith.constant 0 : i32
      %dma_wait3A_99 = tpu.memref_slice %arg7[%add3A_16, %dma_wait3A_98] : memref<10240x16xf32, #tpu.memory_space<vmem_shared>> -> memref<64x16xf32, #tpu.memory_space<vmem_shared>>
      %dma_wait3A_100 = arith.constant 0 : i32
      %dma_wait3A_101 = tpu.memref_slice %arg7[%add3A_16, %dma_wait3A_100] : memref<10240x16xf32, #tpu.memory_space<vmem_shared>> -> memref<64x16xf32, #tpu.memory_space<vmem_shared>>
      tpu.wait_dma2 semaphore(%run_scoped3A_94 : memref<!tpu.dma_semaphore, #tpu.memory_space<semaphore_mem>>) src(%arg6 : memref<64x16xf32, #tpu.memory_space<vmem>>) dst(%dma_wait3A_101 : memref<64x16xf32, #tpu.memory_space<vmem_shared>>)
      tpu.yield
    }) : () -> ()
    %mul3A_17 = arith.constant 640 : i32
    %mul3A_18 = arith.muli %arg1, %mul3A_17 : i32
    %add3A_19 = arith.constant 128 : i32
    %add3A_20 = arith.addi %mul3A_18, %add3A_19 : i32
    "tpu.region"() ({
      %run_scoped3A_94 = tpu.sem_alloc : memref<!tpu.dma_semaphore, #tpu.memory_space<semaphore_mem>>
      %dma_start3A = arith.constant 0 : i32
      %dma_start3A_95 = tpu.memref_slice %arg7[%add3A_20, %dma_start3A] : memref<10240x16xf32, #tpu.memory_space<vmem_shared>> -> memref<64x16xf32, #tpu.memory_space<vmem_shared>>
      %dma_start3A_96 = arith.constant 0 : i32
      %dma_start3A_97 = tpu.memref_slice %arg7[%add3A_20, %dma_start3A_96] : memref<10240x16xf32, #tpu.memory_space<vmem_shared>> -> memref<64x16xf32, #tpu.memory_space<vmem_shared>>
      tpu.enqueue_dma source(%arg6 : memref<64x16xf32, #tpu.memory_space<vmem>>) target(%dma_start3A_97 : memref<64x16xf32, #tpu.memory_space<vmem_shared>>) target_semaphore(%run_scoped3A_94 : memref<!tpu.dma_semaphore, #tpu.memory_space<semaphore_mem>>)
      %dma_wait3A_98 = arith.constant 0 : i32
      %dma_wait3A_99 = tpu.memref_slice %arg7[%add3A_20, %dma_wait3A_98] : memref<10240x16xf32, #tpu.memory_space<vmem_shared>> -> memref<64x16xf32, #tpu.memory_space<vmem_shared>>
      %dma_wait3A_100 = arith.constant 0 : i32
      %dma_wait3A_101 = tpu.memref_slice %arg7[%add3A_20, %dma_wait3A_100] : memref<10240x16xf32, #tpu.memory_space<vmem_shared>> -> memref<64x16xf32, #tpu.memory_space<vmem_shared>>
      tpu.wait_dma2 semaphore(%run_scoped3A_94 : memref<!tpu.dma_semaphore, #tpu.memory_space<semaphore_mem>>) src(%arg6 : memref<64x16xf32, #tpu.memory_space<vmem>>) dst(%dma_wait3A_101 : memref<64x16xf32, #tpu.memory_space<vmem_shared>>)
      tpu.yield
    }) : () -> ()
    %mul3A_21 = arith.constant 640 : i32
    %mul3A_22 = arith.muli %arg1, %mul3A_21 : i32
    %add3A_23 = arith.constant 192 : i32
    %add3A_24 = arith.addi %mul3A_22, %add3A_23 : i32
    "tpu.region"() ({
      %run_scoped3A_94 = tpu.sem_alloc : memref<!tpu.dma_semaphore, #tpu.memory_space<semaphore_mem>>
      %dma_start3A = arith.constant 0 : i32
      %dma_start3A_95 = tpu.memref_slice %arg7[%add3A_24, %dma_start3A] : memref<10240x16xf32, #tpu.memory_space<vmem_shared>> -> memref<64x16xf32, #tpu.memory_space<vmem_shared>>
      %dma_start3A_96 = arith.constant 0 : i32
      %dma_start3A_97 = tpu.memref_slice %arg7[%add3A_24, %dma_start3A_96] : memref<10240x16xf32, #tpu.memory_space<vmem_shared>> -> memref<64x16xf32, #tpu.memory_space<vmem_shared>>
      tpu.enqueue_dma source(%arg6 : memref<64x16xf32, #tpu.memory_space<vmem>>) target(%dma_start3A_97 : memref<64x16xf32, #tpu.memory_space<vmem_shared>>) target_semaphore(%run_scoped3A_94 : memref<!tpu.dma_semaphore, #tpu.memory_space<semaphore_mem>>)
      %dma_wait3A_98 = arith.constant 0 : i32
      %dma_wait3A_99 = tpu.memref_slice %arg7[%add3A_24, %dma_wait3A_98] : memref<10240x16xf32, #tpu.memory_space<vmem_shared>> -> memref<64x16xf32, #tpu.memory_space<vmem_shared>>
      %dma_wait3A_100 = arith.constant 0 : i32
      %dma_wait3A_101 = tpu.memref_slice %arg7[%add3A_24, %dma_wait3A_100] : memref<10240x16xf32, #tpu.memory_space<vmem_shared>> -> memref<64x16xf32, #tpu.memory_space<vmem_shared>>
      tpu.wait_dma2 semaphore(%run_scoped3A_94 : memref<!tpu.dma_semaphore, #tpu.memory_space<semaphore_mem>>) src(%arg6 : memref<64x16xf32, #tpu.memory_space<vmem>>) dst(%dma_wait3A_101 : memref<64x16xf32, #tpu.memory_space<vmem_shared>>)
      tpu.yield
    }) : () -> ()
    %mul3A_25 = arith.constant 640 : i32
    %mul3A_26 = arith.muli %arg1, %mul3A_25 : i32
    %add3A_27 = arith.constant 256 : i32
    %add3A_28 = arith.addi %mul3A_26, %add3A_27 : i32
    "tpu.region"() ({
      %run_scoped3A_94 = tpu.sem_alloc : memref<!tpu.dma_semaphore, #tpu.memory_space<semaphore_mem>>
      %dma_start3A = arith.constant 0 : i32
      %dma_start3A_95 = tpu.memref_slice %arg7[%add3A_28, %dma_start3A] : memref<10240x16xf32, #tpu.memory_space<vmem_shared>> -> memref<64x16xf32, #tpu.memory_space<vmem_shared>>
      %dma_start3A_96 = arith.constant 0 : i32
      %dma_start3A_97 = tpu.memref_slice %arg7[%add3A_28, %dma_start3A_96] : memref<10240x16xf32, #tpu.memory_space<vmem_shared>> -> memref<64x16xf32, #tpu.memory_space<vmem_shared>>
      tpu.enqueue_dma source(%arg6 : memref<64x16xf32, #tpu.memory_space<vmem>>) target(%dma_start3A_97 : memref<64x16xf32, #tpu.memory_space<vmem_shared>>) target_semaphore(%run_scoped3A_94 : memref<!tpu.dma_semaphore, #tpu.memory_space<semaphore_mem>>)
      %dma_wait3A_98 = arith.constant 0 : i32
      %dma_wait3A_99 = tpu.memref_slice %arg7[%add3A_28, %dma_wait3A_98] : memref<10240x16xf32, #tpu.memory_space<vmem_shared>> -> memref<64x16xf32, #tpu.memory_space<vmem_shared>>
      %dma_wait3A_100 = arith.constant 0 : i32
      %dma_wait3A_101 = tpu.memref_slice %arg7[%add3A_28, %dma_wait3A_100] : memref<10240x16xf32, #tpu.memory_space<vmem_shared>> -> memref<64x16xf32, #tpu.memory_space<vmem_shared>>
      tpu.wait_dma2 semaphore(%run_scoped3A_94 : memref<!tpu.dma_semaphore, #tpu.memory_space<semaphore_mem>>) src(%arg6 : memref<64x16xf32, #tpu.memory_space<vmem>>) dst(%dma_wait3A_101 : memref<64x16xf32, #tpu.memory_space<vmem_shared>>)
      tpu.yield
    }) : () -> ()
    %mul3A_29 = arith.constant 640 : i32
    %mul3A_30 = arith.muli %arg1, %mul3A_29 : i32
    %add3A_31 = arith.constant 320 : i32
    %add3A_32 = arith.addi %mul3A_30, %add3A_31 : i32
    "tpu.region"() ({
      %run_scoped3A_94 = tpu.sem_alloc : memref<!tpu.dma_semaphore, #tpu.memory_space<semaphore_mem>>
      %dma_start3A = arith.constant 0 : i32
      %dma_start3A_95 = tpu.memref_slice %arg7[%add3A_32, %dma_start3A] : memref<10240x16xf32, #tpu.memory_space<vmem_shared>> -> memref<64x16xf32, #tpu.memory_space<vmem_shared>>
      %dma_start3A_96 = arith.constant 0 : i32
      %dma_start3A_97 = tpu.memref_slice %arg7[%add3A_32, %dma_start3A_96] : memref<10240x16xf32, #tpu.memory_space<vmem_shared>> -> memref<64x16xf32, #tpu.memory_space<vmem_shared>>
      tpu.enqueue_dma source(%arg6 : memref<64x16xf32, #tpu.memory_space<vmem>>) target(%dma_start3A_97 : memref<64x16xf32, #tpu.memory_space<vmem_shared>>) target_semaphore(%run_scoped3A_94 : memref<!tpu.dma_semaphore, #tpu.memory_space<semaphore_mem>>)
      %dma_wait3A_98 = arith.constant 0 : i32
      %dma_wait3A_99 = tpu.memref_slice %arg7[%add3A_32, %dma_wait3A_98] : memref<10240x16xf32, #tpu.memory_space<vmem_shared>> -> memref<64x16xf32, #tpu.memory_space<vmem_shared>>
      %dma_wait3A_100 = arith.constant 0 : i32
      %dma_wait3A_101 = tpu.memref_slice %arg7[%add3A_32, %dma_wait3A_100] : memref<10240x16xf32, #tpu.memory_space<vmem_shared>> -> memref<64x16xf32, #tpu.memory_space<vmem_shared>>
      tpu.wait_dma2 semaphore(%run_scoped3A_94 : memref<!tpu.dma_semaphore, #tpu.memory_space<semaphore_mem>>) src(%arg6 : memref<64x16xf32, #tpu.memory_space<vmem>>) dst(%dma_wait3A_101 : memref<64x16xf32, #tpu.memory_space<vmem_shared>>)
      tpu.yield
    }) : () -> ()
    %mul3A_33 = arith.constant 640 : i32
    %mul3A_34 = arith.muli %arg1, %mul3A_33 : i32
    %add3A_35 = arith.constant 384 : i32
    %add3A_36 = arith.addi %mul3A_34, %add3A_35 : i32
    "tpu.region"() ({
      %run_scoped3A_94 = tpu.sem_alloc : memref<!tpu.dma_semaphore, #tpu.memory_space<semaphore_mem>>
      %dma_start3A = arith.constant 0 : i32
      %dma_start3A_95 = tpu.memref_slice %arg7[%add3A_36, %dma_start3A] : memref<10240x16xf32, #tpu.memory_space<vmem_shared>> -> memref<64x16xf32, #tpu.memory_space<vmem_shared>>
      %dma_start3A_96 = arith.constant 0 : i32
      %dma_start3A_97 = tpu.memref_slice %arg7[%add3A_36, %dma_start3A_96] : memref<10240x16xf32, #tpu.memory_space<vmem_shared>> -> memref<64x16xf32, #tpu.memory_space<vmem_shared>>
      tpu.enqueue_dma source(%arg6 : memref<64x16xf32, #tpu.memory_space<vmem>>) target(%dma_start3A_97 : memref<64x16xf32, #tpu.memory_space<vmem_shared>>) target_semaphore(%run_scoped3A_94 : memref<!tpu.dma_semaphore, #tpu.memory_space<semaphore_mem>>)
      %dma_wait3A_98 = arith.constant 0 : i32
      %dma_wait3A_99 = tpu.memref_slice %arg7[%add3A_36, %dma_wait3A_98] : memref<10240x16xf32, #tpu.memory_space<vmem_shared>> -> memref<64x16xf32, #tpu.memory_space<vmem_shared>>
      %dma_wait3A_100 = arith.constant 0 : i32
      %dma_wait3A_101 = tpu.memref_slice %arg7[%add3A_36, %dma_wait3A_100] : memref<10240x16xf32, #tpu.memory_space<vmem_shared>> -> memref<64x16xf32, #tpu.memory_space<vmem_shared>>
      tpu.wait_dma2 semaphore(%run_scoped3A_94 : memref<!tpu.dma_semaphore, #tpu.memory_space<semaphore_mem>>) src(%arg6 : memref<64x16xf32, #tpu.memory_space<vmem>>) dst(%dma_wait3A_101 : memref<64x16xf32, #tpu.memory_space<vmem_shared>>)
      tpu.yield
    }) : () -> ()
    %mul3A_37 = arith.constant 640 : i32
    %mul3A_38 = arith.muli %arg1, %mul3A_37 : i32
    %add3A_39 = arith.constant 448 : i32
    %add3A_40 = arith.addi %mul3A_38, %add3A_39 : i32
    "tpu.region"() ({
      %run_scoped3A_94 = tpu.sem_alloc : memref<!tpu.dma_semaphore, #tpu.memory_space<semaphore_mem>>
      %dma_start3A = arith.constant 0 : i32
      %dma_start3A_95 = tpu.memref_slice %arg7[%add3A_40, %dma_start3A] : memref<10240x16xf32, #tpu.memory_space<vmem_shared>> -> memref<64x16xf32, #tpu.memory_space<vmem_shared>>
      %dma_start3A_96 = arith.constant 0 : i32
      %dma_start3A_97 = tpu.memref_slice %arg7[%add3A_40, %dma_start3A_96] : memref<10240x16xf32, #tpu.memory_space<vmem_shared>> -> memref<64x16xf32, #tpu.memory_space<vmem_shared>>
      tpu.enqueue_dma source(%arg6 : memref<64x16xf32, #tpu.memory_space<vmem>>) target(%dma_start3A_97 : memref<64x16xf32, #tpu.memory_space<vmem_shared>>) target_semaphore(%run_scoped3A_94 : memref<!tpu.dma_semaphore, #tpu.memory_space<semaphore_mem>>)
      %dma_wait3A_98 = arith.constant 0 : i32
      %dma_wait3A_99 = tpu.memref_slice %arg7[%add3A_40, %dma_wait3A_98] : memref<10240x16xf32, #tpu.memory_space<vmem_shared>> -> memref<64x16xf32, #tpu.memory_space<vmem_shared>>
      %dma_wait3A_100 = arith.constant 0 : i32
      %dma_wait3A_101 = tpu.memref_slice %arg7[%add3A_40, %dma_wait3A_100] : memref<10240x16xf32, #tpu.memory_space<vmem_shared>> -> memref<64x16xf32, #tpu.memory_space<vmem_shared>>
      tpu.wait_dma2 semaphore(%run_scoped3A_94 : memref<!tpu.dma_semaphore, #tpu.memory_space<semaphore_mem>>) src(%arg6 : memref<64x16xf32, #tpu.memory_space<vmem>>) dst(%dma_wait3A_101 : memref<64x16xf32, #tpu.memory_space<vmem_shared>>)
      tpu.yield
    }) : () -> ()
    %mul3A_41 = arith.constant 640 : i32
    %mul3A_42 = arith.muli %arg1, %mul3A_41 : i32
    %add3A_43 = arith.constant 512 : i32
    %add3A_44 = arith.addi %mul3A_42, %add3A_43 : i32
    "tpu.region"() ({
      %run_scoped3A_94 = tpu.sem_alloc : memref<!tpu.dma_semaphore, #tpu.memory_space<semaphore_mem>>
      %dma_start3A = arith.constant 0 : i32
      %dma_start3A_95 = tpu.memref_slice %arg7[%add3A_44, %dma_start3A] : memref<10240x16xf32, #tpu.memory_space<vmem_shared>> -> memref<64x16xf32, #tpu.memory_space<vmem_shared>>
      %dma_start3A_96 = arith.constant 0 : i32
      %dma_start3A_97 = tpu.memref_slice %arg7[%add3A_44, %dma_start3A_96] : memref<10240x16xf32, #tpu.memory_space<vmem_shared>> -> memref<64x16xf32, #tpu.memory_space<vmem_shared>>
      tpu.enqueue_dma source(%arg6 : memref<64x16xf32, #tpu.memory_space<vmem>>) target(%dma_start3A_97 : memref<64x16xf32, #tpu.memory_space<vmem_shared>>) target_semaphore(%run_scoped3A_94 : memref<!tpu.dma_semaphore, #tpu.memory_space<semaphore_mem>>)
      %dma_wait3A_98 = arith.constant 0 : i32
      %dma_wait3A_99 = tpu.memref_slice %arg7[%add3A_44, %dma_wait3A_98] : memref<10240x16xf32, #tpu.memory_space<vmem_shared>> -> memref<64x16xf32, #tpu.memory_space<vmem_shared>>
      %dma_wait3A_100 = arith.constant 0 : i32
      %dma_wait3A_101 = tpu.memref_slice %arg7[%add3A_44, %dma_wait3A_100] : memref<10240x16xf32, #tpu.memory_space<vmem_shared>> -> memref<64x16xf32, #tpu.memory_space<vmem_shared>>
      tpu.wait_dma2 semaphore(%run_scoped3A_94 : memref<!tpu.dma_semaphore, #tpu.memory_space<semaphore_mem>>) src(%arg6 : memref<64x16xf32, #tpu.memory_space<vmem>>) dst(%dma_wait3A_101 : memref<64x16xf32, #tpu.memory_space<vmem_shared>>)
      tpu.yield
    }) : () -> ()
    %mul3A_45 = arith.constant 640 : i32
    %mul3A_46 = arith.muli %arg1, %mul3A_45 : i32
    %add3A_47 = arith.constant 576 : i32
    %add3A_48 = arith.addi %mul3A_46, %add3A_47 : i32
    "tpu.region"() ({
      %run_scoped3A_94 = tpu.sem_alloc : memref<!tpu.dma_semaphore, #tpu.memory_space<semaphore_mem>>
      %dma_start3A = arith.constant 0 : i32
      %dma_start3A_95 = tpu.memref_slice %arg7[%add3A_48, %dma_start3A] : memref<10240x16xf32, #tpu.memory_space<vmem_shared>> -> memref<64x16xf32, #tpu.memory_space<vmem_shared>>
      %dma_start3A_96 = arith.constant 0 : i32
      %dma_start3A_97 = tpu.memref_slice %arg7[%add3A_48, %dma_start3A_96] : memref<10240x16xf32, #tpu.memory_space<vmem_shared>> -> memref<64x16xf32, #tpu.memory_space<vmem_shared>>
      tpu.enqueue_dma source(%arg6 : memref<64x16xf32, #tpu.memory_space<vmem>>) target(%dma_start3A_97 : memref<64x16xf32, #tpu.memory_space<vmem_shared>>) target_semaphore(%run_scoped3A_94 : memref<!tpu.dma_semaphore, #tpu.memory_space<semaphore_mem>>)
      %dma_wait3A_98 = arith.constant 0 : i32
      %dma_wait3A_99 = tpu.memref_slice %arg7[%add3A_48, %dma_wait3A_98] : memref<10240x16xf32, #tpu.memory_space<vmem_shared>> -> memref<64x16xf32, #tpu.memory_space<vmem_shared>>
      %dma_wait3A_100 = arith.constant 0 : i32
      %dma_wait3A_101 = tpu.memref_slice %arg7[%add3A_48, %dma_wait3A_100] : memref<10240x16xf32, #tpu.memory_space<vmem_shared>> -> memref<64x16xf32, #tpu.memory_space<vmem_shared>>
      tpu.wait_dma2 semaphore(%run_scoped3A_94 : memref<!tpu.dma_semaphore, #tpu.memory_space<semaphore_mem>>) src(%arg6 : memref<64x16xf32, #tpu.memory_space<vmem>>) dst(%dma_wait3A_101 : memref<64x16xf32, #tpu.memory_space<vmem_shared>>)
      tpu.yield
    }) : () -> ()
    %barrier3A = arith.constant 0 : index
    tpu.barrier barrier_id(%barrier3A)
    %run_scoped3A = arith.constant 1 : i32
    "tpu.region"() ({
      %run_scoped3A_94 = tpu.sem_alloc : memref<!tpu.dma_semaphore, #tpu.memory_space<semaphore_mem>>
      %dma_start3A = arith.constant 0 : i32
      %dma_start3A_95 = arith.constant 0 : i32
      %dma_start3A_96 = tpu.memref_slice %arg2[%run_scoped3A, %arg1, %dma_start3A, %dma_start3A_95] : memref<2x16x250x80xi32, #tpu.memory_space<hbm>> -> memref<1x1x250x80xi32, #tpu.memory_space<hbm>>
      %dma_start3A_97 = tpu.memref_squeeze %dma_start3A_96 : memref<1x1x250x80xi32, #tpu.memory_space<hbm>> -> memref<250x80xi32, #tpu.memory_space<hbm>>
      %dma_start3A_98 = arith.constant 0 : i32
      %dma_start3A_99 = arith.constant 0 : i32
      %dma_start3A_100 = tpu.memref_slice %arg2[%run_scoped3A, %arg1, %dma_start3A_98, %dma_start3A_99] : memref<2x16x250x80xi32, #tpu.memory_space<hbm>> -> memref<1x1x250x80xi32, #tpu.memory_space<hbm>>
      %dma_start3A_101 = tpu.memref_squeeze %dma_start3A_100 : memref<1x1x250x80xi32, #tpu.memory_space<hbm>> -> memref<250x80xi32, #tpu.memory_space<hbm>>
      tpu.enqueue_dma source(%dma_start3A_101 : memref<250x80xi32, #tpu.memory_space<hbm>>) target(%arg4 : memref<250x80xi32, #tpu.memory_space<vmem>>) target_semaphore(%run_scoped3A_94 : memref<!tpu.dma_semaphore, #tpu.memory_space<semaphore_mem>>)
      %dma_wait3A_102 = arith.constant 0 : i32
      %dma_wait3A_103 = arith.constant 0 : i32
      %dma_wait3A_104 = tpu.memref_slice %arg2[%run_scoped3A, %arg1, %dma_wait3A_102, %dma_wait3A_103] : memref<2x16x250x80xi32, #tpu.memory_space<hbm>> -> memref<1x1x250x80xi32, #tpu.memory_space<hbm>>
      %dma_wait3A_105 = tpu.memref_squeeze %dma_wait3A_104 : memref<1x1x250x80xi32, #tpu.memory_space<hbm>> -> memref<250x80xi32, #tpu.memory_space<hbm>>
      %dma_wait3A_106 = arith.constant 0 : i32
      %dma_wait3A_107 = arith.constant 0 : i32
      %dma_wait3A_108 = tpu.memref_slice %arg2[%run_scoped3A, %arg1, %dma_wait3A_106, %dma_wait3A_107] : memref<2x16x250x80xi32, #tpu.memory_space<hbm>> -> memref<1x1x250x80xi32, #tpu.memory_space<hbm>>
      %dma_wait3A_109 = tpu.memref_squeeze %dma_wait3A_108 : memref<1x1x250x80xi32, #tpu.memory_space<hbm>> -> memref<250x80xi32, #tpu.memory_space<hbm>>
      tpu.wait_dma2 semaphore(%run_scoped3A_94 : memref<!tpu.dma_semaphore, #tpu.memory_space<semaphore_mem>>) src(%dma_wait3A_109 : memref<250x80xi32, #tpu.memory_space<hbm>>) dst(%arg4 : memref<250x80xi32, #tpu.memory_space<vmem>>)
      tpu.yield
    }) : () -> ()
    %scan3A_49 = arith.constant 0 : i32
    %scan3A_50 = arith.constant 0 : i32
    %scan3A_51 = arith.constant 50 : i32
    %scan3A_52 = arith.addi %scan3A_50, %scan3A_51 : i32
    %scan3A_53 = arith.constant 1 : i32
    scf.for %scan3A_94 = %scan3A_50 to %scan3A_52 step %scan3A_53  : i32 {
      %mul3A_95 = arith.constant 5 : i32
      %mul3A_96 = arith.muli %scan3A_94, %mul3A_95 : i32
      %add3A_97 = arith.constant 0 : i32
      %add3A_98 = arith.addi %mul3A_96, %add3A_97 : i32
      %ge3A = arith.constant 5 : i32
      %ge3A_99 = arith.cmpi sge, %add3A_98, %ge3A : i32
      %convert_element_type3A = arith.extui %ge3A_99 : i1 to i32
      %cond3A = arith.constant 0 : i32
      %cond3A_100 = arith.cmpi ne, %convert_element_type3A, %cond3A : i32
      scf.if %cond3A_100 {
        %sub3A = arith.constant 5 : i32
        %sub3A_158 = arith.subi %add3A_98, %sub3A : i32
        %dma_wait3A_159 = arith.constant 0 : i32
        %dma_wait3A_160 = tpu.memref_slice %arg4[%sub3A_158, %dma_wait3A_159] : memref<250x80xi32, #tpu.memory_space<vmem>> -> memref<1x80xi32, #tpu.memory_space<vmem>>
        %dma_wait3A_161 = tpu.memref_squeeze %dma_wait3A_160 : memref<1x80xi32, #tpu.memory_space<vmem>> -> memref<80xi32, #tpu.memory_space<vmem>>
        %dma_wait3A_162 = arith.constant 0 : i32
        %dma_wait3A_163 = arith.constant 0 : i32
        %dma_wait3A_164 = tpu.memref_slice %arg7[%dma_wait3A_162, %dma_wait3A_163] : memref<10240x16xf32, #tpu.memory_space<vmem_shared>> -> memref<10240x16xf32, #tpu.memory_space<vmem_shared>>
        tpu.wait_indirect_dma semaphore(%arg8 : memref<!tpu.dma_semaphore, #tpu.memory_space<semaphore_mem>>) src(%arg5 : memref<80x16xf32, #tpu.memory_space<vmem>>) dst(%dma_wait3A_164 : memref<10240x16xf32, #tpu.memory_space<vmem_shared>>)
      } else {
      }
      %dma_start3A = arith.constant 0 : i32
      %dma_start3A_101 = tpu.memref_slice %arg4[%add3A_98, %dma_start3A] : memref<250x80xi32, #tpu.memory_space<vmem>> -> memref<1x80xi32, #tpu.memory_space<vmem>>
      %dma_start3A_102 = tpu.memref_squeeze %dma_start3A_101 : memref<1x80xi32, #tpu.memory_space<vmem>> -> memref<80xi32, #tpu.memory_space<vmem>>
      %dma_start3A_103 = arith.constant 0 : i32
      %dma_start3A_104 = arith.constant 0 : i32
      %dma_start3A_105 = tpu.memref_slice %arg7[%dma_start3A_103, %dma_start3A_104] : memref<10240x16xf32, #tpu.memory_space<vmem_shared>> -> memref<10240x16xf32, #tpu.memory_space<vmem_shared>>
      tpu.enqueue_indirect_dma source(%arg5 : memref<80x16xf32, #tpu.memory_space<vmem>>) target(%dma_start3A_105 : memref<10240x16xf32, #tpu.memory_space<vmem_shared>>) offsets(%dma_start3A_102 : memref<80xi32, #tpu.memory_space<vmem>>) semaphore(%arg8 : memref<!tpu.dma_semaphore, #tpu.memory_space<semaphore_mem>>) {add = true}
      %add3A_106 = arith.constant 1 : i32
      %add3A_107 = arith.addi %mul3A_96, %add3A_106 : i32
      %ge3A_108 = arith.constant 5 : i32
      %ge3A_109 = arith.cmpi sge, %add3A_107, %ge3A_108 : i32
      %convert_element_type3A_110 = arith.extui %ge3A_109 : i1 to i32
      %cond3A_111 = arith.constant 0 : i32
      %cond3A_112 = arith.cmpi ne, %convert_element_type3A_110, %cond3A_111 : i32
      scf.if %cond3A_112 {
        %sub3A = arith.constant 5 : i32
        %sub3A_158 = arith.subi %add3A_107, %sub3A : i32
        %dma_wait3A_159 = arith.constant 0 : i32
        %dma_wait3A_160 = tpu.memref_slice %arg4[%sub3A_158, %dma_wait3A_159] : memref<250x80xi32, #tpu.memory_space<vmem>> -> memref<1x80xi32, #tpu.memory_space<vmem>>
        %dma_wait3A_161 = tpu.memref_squeeze %dma_wait3A_160 : memref<1x80xi32, #tpu.memory_space<vmem>> -> memref<80xi32, #tpu.memory_space<vmem>>
        %dma_wait3A_162 = arith.constant 0 : i32
        %dma_wait3A_163 = arith.constant 0 : i32
        %dma_wait3A_164 = tpu.memref_slice %arg7[%dma_wait3A_162, %dma_wait3A_163] : memref<10240x16xf32, #tpu.memory_space<vmem_shared>> -> memref<10240x16xf32, #tpu.memory_space<vmem_shared>>
        tpu.wait_indirect_dma semaphore(%arg9 : memref<!tpu.dma_semaphore, #tpu.memory_space<semaphore_mem>>) src(%arg5 : memref<80x16xf32, #tpu.memory_space<vmem>>) dst(%dma_wait3A_164 : memref<10240x16xf32, #tpu.memory_space<vmem_shared>>)
      } else {
      }
      %dma_start3A_113 = arith.constant 0 : i32
      %dma_start3A_114 = tpu.memref_slice %arg4[%add3A_107, %dma_start3A_113] : memref<250x80xi32, #tpu.memory_space<vmem>> -> memref<1x80xi32, #tpu.memory_space<vmem>>
      %dma_start3A_115 = tpu.memref_squeeze %dma_start3A_114 : memref<1x80xi32, #tpu.memory_space<vmem>> -> memref<80xi32, #tpu.memory_space<vmem>>
      %dma_start3A_116 = arith.constant 0 : i32
      %dma_start3A_117 = arith.constant 0 : i32
      %dma_start3A_118 = tpu.memref_slice %arg7[%dma_start3A_116, %dma_start3A_117] : memref<10240x16xf32, #tpu.memory_space<vmem_shared>> -> memref<10240x16xf32, #tpu.memory_space<vmem_shared>>
      tpu.enqueue_indirect_dma source(%arg5 : memref<80x16xf32, #tpu.memory_space<vmem>>) target(%dma_start3A_118 : memref<10240x16xf32, #tpu.memory_space<vmem_shared>>) offsets(%dma_start3A_115 : memref<80xi32, #tpu.memory_space<vmem>>) semaphore(%arg9 : memref<!tpu.dma_semaphore, #tpu.memory_space<semaphore_mem>>) {add = true}
      %add3A_119 = arith.constant 2 : i32
      %add3A_120 = arith.addi %mul3A_96, %add3A_119 : i32
      %ge3A_121 = arith.constant 5 : i32
      %ge3A_122 = arith.cmpi sge, %add3A_120, %ge3A_121 : i32
      %convert_element_type3A_123 = arith.extui %ge3A_122 : i1 to i32
      %cond3A_124 = arith.constant 0 : i32
      %cond3A_125 = arith.cmpi ne, %convert_element_type3A_123, %cond3A_124 : i32
      scf.if %cond3A_125 {
        %sub3A = arith.constant 5 : i32
        %sub3A_158 = arith.subi %add3A_120, %sub3A : i32
        %dma_wait3A_159 = arith.constant 0 : i32
        %dma_wait3A_160 = tpu.memref_slice %arg4[%sub3A_158, %dma_wait3A_159] : memref<250x80xi32, #tpu.memory_space<vmem>> -> memref<1x80xi32, #tpu.memory_space<vmem>>
        %dma_wait3A_161 = tpu.memref_squeeze %dma_wait3A_160 : memref<1x80xi32, #tpu.memory_space<vmem>> -> memref<80xi32, #tpu.memory_space<vmem>>
        %dma_wait3A_162 = arith.constant 0 : i32
        %dma_wait3A_163 = arith.constant 0 : i32
        %dma_wait3A_164 = tpu.memref_slice %arg7[%dma_wait3A_162, %dma_wait3A_163] : memref<10240x16xf32, #tpu.memory_space<vmem_shared>> -> memref<10240x16xf32, #tpu.memory_space<vmem_shared>>
        tpu.wait_indirect_dma semaphore(%arg10 : memref<!tpu.dma_semaphore, #tpu.memory_space<semaphore_mem>>) src(%arg5 : memref<80x16xf32, #tpu.memory_space<vmem>>) dst(%dma_wait3A_164 : memref<10240x16xf32, #tpu.memory_space<vmem_shared>>)
      } else {
      }
      %dma_start3A_126 = arith.constant 0 : i32
      %dma_start3A_127 = tpu.memref_slice %arg4[%add3A_120, %dma_start3A_126] : memref<250x80xi32, #tpu.memory_space<vmem>> -> memref<1x80xi32, #tpu.memory_space<vmem>>
      %dma_start3A_128 = tpu.memref_squeeze %dma_start3A_127 : memref<1x80xi32, #tpu.memory_space<vmem>> -> memref<80xi32, #tpu.memory_space<vmem>>
      %dma_start3A_129 = arith.constant 0 : i32
      %dma_start3A_130 = arith.constant 0 : i32
      %dma_start3A_131 = tpu.memref_slice %arg7[%dma_start3A_129, %dma_start3A_130] : memref<10240x16xf32, #tpu.memory_space<vmem_shared>> -> memref<10240x16xf32, #tpu.memory_space<vmem_shared>>
      tpu.enqueue_indirect_dma source(%arg5 : memref<80x16xf32, #tpu.memory_space<vmem>>) target(%dma_start3A_131 : memref<10240x16xf32, #tpu.memory_space<vmem_shared>>) offsets(%dma_start3A_128 : memref<80xi32, #tpu.memory_space<vmem>>) semaphore(%arg10 : memref<!tpu.dma_semaphore, #tpu.memory_space<semaphore_mem>>) {add = true}
      %add3A_132 = arith.constant 3 : i32
      %add3A_133 = arith.addi %mul3A_96, %add3A_132 : i32
      %ge3A_134 = arith.constant 5 : i32
      %ge3A_135 = arith.cmpi sge, %add3A_133, %ge3A_134 : i32
      %convert_element_type3A_136 = arith.extui %ge3A_135 : i1 to i32
      %cond3A_137 = arith.constant 0 : i32
      %cond3A_138 = arith.cmpi ne, %convert_element_type3A_136, %cond3A_137 : i32
      scf.if %cond3A_138 {
        %sub3A = arith.constant 5 : i32
        %sub3A_158 = arith.subi %add3A_133, %sub3A : i32
        %dma_wait3A_159 = arith.constant 0 : i32
        %dma_wait3A_160 = tpu.memref_slice %arg4[%sub3A_158, %dma_wait3A_159] : memref<250x80xi32, #tpu.memory_space<vmem>> -> memref<1x80xi32, #tpu.memory_space<vmem>>
        %dma_wait3A_161 = tpu.memref_squeeze %dma_wait3A_160 : memref<1x80xi32, #tpu.memory_space<vmem>> -> memref<80xi32, #tpu.memory_space<vmem>>
        %dma_wait3A_162 = arith.constant 0 : i32
        %dma_wait3A_163 = arith.constant 0 : i32
        %dma_wait3A_164 = tpu.memref_slice %arg7[%dma_wait3A_162, %dma_wait3A_163] : memref<10240x16xf32, #tpu.memory_space<vmem_shared>> -> memref<10240x16xf32, #tpu.memory_space<vmem_shared>>
        tpu.wait_indirect_dma semaphore(%arg11 : memref<!tpu.dma_semaphore, #tpu.memory_space<semaphore_mem>>) src(%arg5 : memref<80x16xf32, #tpu.memory_space<vmem>>) dst(%dma_wait3A_164 : memref<10240x16xf32, #tpu.memory_space<vmem_shared>>)
      } else {
      }
      %dma_start3A_139 = arith.constant 0 : i32
      %dma_start3A_140 = tpu.memref_slice %arg4[%add3A_133, %dma_start3A_139] : memref<250x80xi32, #tpu.memory_space<vmem>> -> memref<1x80xi32, #tpu.memory_space<vmem>>
      %dma_start3A_141 = tpu.memref_squeeze %dma_start3A_140 : memref<1x80xi32, #tpu.memory_space<vmem>> -> memref<80xi32, #tpu.memory_space<vmem>>
      %dma_start3A_142 = arith.constant 0 : i32
      %dma_start3A_143 = arith.constant 0 : i32
      %dma_start3A_144 = tpu.memref_slice %arg7[%dma_start3A_142, %dma_start3A_143] : memref<10240x16xf32, #tpu.memory_space<vmem_shared>> -> memref<10240x16xf32, #tpu.memory_space<vmem_shared>>
      tpu.enqueue_indirect_dma source(%arg5 : memref<80x16xf32, #tpu.memory_space<vmem>>) target(%dma_start3A_144 : memref<10240x16xf32, #tpu.memory_space<vmem_shared>>) offsets(%dma_start3A_141 : memref<80xi32, #tpu.memory_space<vmem>>) semaphore(%arg11 : memref<!tpu.dma_semaphore, #tpu.memory_space<semaphore_mem>>) {add = true}
      %add3A_145 = arith.constant 4 : i32
      %add3A_146 = arith.addi %mul3A_96, %add3A_145 : i32
      %ge3A_147 = arith.constant 5 : i32
      %ge3A_148 = arith.cmpi sge, %add3A_146, %ge3A_147 : i32
      %convert_element_type3A_149 = arith.extui %ge3A_148 : i1 to i32
      %cond3A_150 = arith.constant 0 : i32
      %cond3A_151 = arith.cmpi ne, %convert_element_type3A_149, %cond3A_150 : i32
      scf.if %cond3A_151 {
        %sub3A = arith.constant 5 : i32
        %sub3A_158 = arith.subi %add3A_146, %sub3A : i32
        %dma_wait3A_159 = arith.constant 0 : i32
        %dma_wait3A_160 = tpu.memref_slice %arg4[%sub3A_158, %dma_wait3A_159] : memref<250x80xi32, #tpu.memory_space<vmem>> -> memref<1x80xi32, #tpu.memory_space<vmem>>
        %dma_wait3A_161 = tpu.memref_squeeze %dma_wait3A_160 : memref<1x80xi32, #tpu.memory_space<vmem>> -> memref<80xi32, #tpu.memory_space<vmem>>
        %dma_wait3A_162 = arith.constant 0 : i32
        %dma_wait3A_163 = arith.constant 0 : i32
        %dma_wait3A_164 = tpu.memref_slice %arg7[%dma_wait3A_162, %dma_wait3A_163] : memref<10240x16xf32, #tpu.memory_space<vmem_shared>> -> memref<10240x16xf32, #tpu.memory_space<vmem_shared>>
        tpu.wait_indirect_dma semaphore(%arg12 : memref<!tpu.dma_semaphore, #tpu.memory_space<semaphore_mem>>) src(%arg5 : memref<80x16xf32, #tpu.memory_space<vmem>>) dst(%dma_wait3A_164 : memref<10240x16xf32, #tpu.memory_space<vmem_shared>>)
      } else {
      }
      %dma_start3A_152 = arith.constant 0 : i32
      %dma_start3A_153 = tpu.memref_slice %arg4[%add3A_146, %dma_start3A_152] : memref<250x80xi32, #tpu.memory_space<vmem>> -> memref<1x80xi32, #tpu.memory_space<vmem>>
      %dma_start3A_154 = tpu.memref_squeeze %dma_start3A_153 : memref<1x80xi32, #tpu.memory_space<vmem>> -> memref<80xi32, #tpu.memory_space<vmem>>
      %dma_start3A_155 = arith.constant 0 : i32
      %dma_start3A_156 = arith.constant 0 : i32
      %dma_start3A_157 = tpu.memref_slice %arg7[%dma_start3A_155, %dma_start3A_156] : memref<10240x16xf32, #tpu.memory_space<vmem_shared>> -> memref<10240x16xf32, #tpu.memory_space<vmem_shared>>
      tpu.enqueue_indirect_dma source(%arg5 : memref<80x16xf32, #tpu.memory_space<vmem>>) target(%dma_start3A_157 : memref<10240x16xf32, #tpu.memory_space<vmem_shared>>) offsets(%dma_start3A_154 : memref<80xi32, #tpu.memory_space<vmem>>) semaphore(%arg12 : memref<!tpu.dma_semaphore, #tpu.memory_space<semaphore_mem>>) {add = true}
    }
    %scan3A_54 = arith.constant 50 : i32
    %dma_wait3A = arith.constant 245 : i32
    %dma_wait3A_55 = arith.constant 0 : i32
    %dma_wait3A_56 = tpu.memref_slice %arg4[%dma_wait3A, %dma_wait3A_55] : memref<250x80xi32, #tpu.memory_space<vmem>> -> memref<1x80xi32, #tpu.memory_space<vmem>>
    %dma_wait3A_57 = tpu.memref_squeeze %dma_wait3A_56 : memref<1x80xi32, #tpu.memory_space<vmem>> -> memref<80xi32, #tpu.memory_space<vmem>>
    %dma_wait3A_58 = arith.constant 0 : i32
    %dma_wait3A_59 = arith.constant 0 : i32
    %dma_wait3A_60 = tpu.memref_slice %arg7[%dma_wait3A_58, %dma_wait3A_59] : memref<10240x16xf32, #tpu.memory_space<vmem_shared>> -> memref<10240x16xf32, #tpu.memory_space<vmem_shared>>
    tpu.wait_indirect_dma semaphore(%arg8 : memref<!tpu.dma_semaphore, #tpu.memory_space<semaphore_mem>>) src(%arg5 : memref<80x16xf32, #tpu.memory_space<vmem>>) dst(%dma_wait3A_60 : memref<10240x16xf32, #tpu.memory_space<vmem_shared>>)
    %dma_wait3A_61 = arith.constant 246 : i32
    %dma_wait3A_62 = arith.constant 0 : i32
    %dma_wait3A_63 = tpu.memref_slice %arg4[%dma_wait3A_61, %dma_wait3A_62] : memref<250x80xi32, #tpu.memory_space<vmem>> -> memref<1x80xi32, #tpu.memory_space<vmem>>
    %dma_wait3A_64 = tpu.memref_squeeze %dma_wait3A_63 : memref<1x80xi32, #tpu.memory_space<vmem>> -> memref<80xi32, #tpu.memory_space<vmem>>
    %dma_wait3A_65 = arith.constant 0 : i32
    %dma_wait3A_66 = arith.constant 0 : i32
    %dma_wait3A_67 = tpu.memref_slice %arg7[%dma_wait3A_65, %dma_wait3A_66] : memref<10240x16xf32, #tpu.memory_space<vmem_shared>> -> memref<10240x16xf32, #tpu.memory_space<vmem_shared>>
    tpu.wait_indirect_dma semaphore(%arg9 : memref<!tpu.dma_semaphore, #tpu.memory_space<semaphore_mem>>) src(%arg5 : memref<80x16xf32, #tpu.memory_space<vmem>>) dst(%dma_wait3A_67 : memref<10240x16xf32, #tpu.memory_space<vmem_shared>>)
    %dma_wait3A_68 = arith.constant 247 : i32
    %dma_wait3A_69 = arith.constant 0 : i32
    %dma_wait3A_70 = tpu.memref_slice %arg4[%dma_wait3A_68, %dma_wait3A_69] : memref<250x80xi32, #tpu.memory_space<vmem>> -> memref<1x80xi32, #tpu.memory_space<vmem>>
    %dma_wait3A_71 = tpu.memref_squeeze %dma_wait3A_70 : memref<1x80xi32, #tpu.memory_space<vmem>> -> memref<80xi32, #tpu.memory_space<vmem>>
    %dma_wait3A_72 = arith.constant 0 : i32
    %dma_wait3A_73 = arith.constant 0 : i32
    %dma_wait3A_74 = tpu.memref_slice %arg7[%dma_wait3A_72, %dma_wait3A_73] : memref<10240x16xf32, #tpu.memory_space<vmem_shared>> -> memref<10240x16xf32, #tpu.memory_space<vmem_shared>>
    tpu.wait_indirect_dma semaphore(%arg10 : memref<!tpu.dma_semaphore, #tpu.memory_space<semaphore_mem>>) src(%arg5 : memref<80x16xf32, #tpu.memory_space<vmem>>) dst(%dma_wait3A_74 : memref<10240x16xf32, #tpu.memory_space<vmem_shared>>)
    %dma_wait3A_75 = arith.constant 248 : i32
    %dma_wait3A_76 = arith.constant 0 : i32
    %dma_wait3A_77 = tpu.memref_slice %arg4[%dma_wait3A_75, %dma_wait3A_76] : memref<250x80xi32, #tpu.memory_space<vmem>> -> memref<1x80xi32, #tpu.memory_space<vmem>>
    %dma_wait3A_78 = tpu.memref_squeeze %dma_wait3A_77 : memref<1x80xi32, #tpu.memory_space<vmem>> -> memref<80xi32, #tpu.memory_space<vmem>>
    %dma_wait3A_79 = arith.constant 0 : i32
    %dma_wait3A_80 = arith.constant 0 : i32
    %dma_wait3A_81 = tpu.memref_slice %arg7[%dma_wait3A_79, %dma_wait3A_80] : memref<10240x16xf32, #tpu.memory_space<vmem_shared>> -> memref<10240x16xf32, #tpu.memory_space<vmem_shared>>
    tpu.wait_indirect_dma semaphore(%arg11 : memref<!tpu.dma_semaphore, #tpu.memory_space<semaphore_mem>>) src(%arg5 : memref<80x16xf32, #tpu.memory_space<vmem>>) dst(%dma_wait3A_81 : memref<10240x16xf32, #tpu.memory_space<vmem_shared>>)
    %dma_wait3A_82 = arith.constant 249 : i32
    %dma_wait3A_83 = arith.constant 0 : i32
    %dma_wait3A_84 = tpu.memref_slice %arg4[%dma_wait3A_82, %dma_wait3A_83] : memref<250x80xi32, #tpu.memory_space<vmem>> -> memref<1x80xi32, #tpu.memory_space<vmem>>
    %dma_wait3A_85 = tpu.memref_squeeze %dma_wait3A_84 : memref<1x80xi32, #tpu.memory_space<vmem>> -> memref<80xi32, #tpu.memory_space<vmem>>
    %dma_wait3A_86 = arith.constant 0 : i32
    %dma_wait3A_87 = arith.constant 0 : i32
    %dma_wait3A_88 = tpu.memref_slice %arg7[%dma_wait3A_86, %dma_wait3A_87] : memref<10240x16xf32, #tpu.memory_space<vmem_shared>> -> memref<10240x16xf32, #tpu.memory_space<vmem_shared>>
    tpu.wait_indirect_dma semaphore(%arg12 : memref<!tpu.dma_semaphore, #tpu.memory_space<semaphore_mem>>) src(%arg5 : memref<80x16xf32, #tpu.memory_space<vmem>>) dst(%dma_wait3A_88 : memref<10240x16xf32, #tpu.memory_space<vmem_shared>>)
    %barrier3A_89 = arith.constant 0 : index
    tpu.barrier barrier_id(%barrier3A_89)
    %mul3A_90 = arith.constant 640 : i32
    %mul3A_91 = arith.muli %arg1, %mul3A_90 : i32
    %mul3A_92 = arith.constant 640 : i32
    %mul3A_93 = arith.muli %arg1, %mul3A_92 : i32
    "tpu.region"() ({
      %run_scoped3A_94 = tpu.sem_alloc : memref<!tpu.dma_semaphore, #tpu.memory_space<semaphore_mem>>
      %dma_start3A = arith.constant 0 : i32
      %dma_start3A_95 = tpu.memref_slice %arg3[%arg0, %mul3A_93, %dma_start3A] : memref<2x10240x16xf32, #tpu.memory_space<hbm>> -> memref<1x640x16xf32, #tpu.memory_space<hbm>>
      %dma_start3A_96 = tpu.memref_squeeze %dma_start3A_95 : memref<1x640x16xf32, #tpu.memory_space<hbm>> -> memref<640x16xf32, #tpu.memory_space<hbm>>
      %dma_start3A_97 = arith.constant 0 : i32
      %dma_start3A_98 = tpu.memref_slice %arg7[%mul3A_91, %dma_start3A_97] : memref<10240x16xf32, #tpu.memory_space<vmem_shared>> -> memref<640x16xf32, #tpu.memory_space<vmem_shared>>
      tpu.enqueue_dma source(%dma_start3A_98 : memref<640x16xf32, #tpu.memory_space<vmem_shared>>) target(%dma_start3A_96 : memref<640x16xf32, #tpu.memory_space<hbm>>) target_semaphore(%run_scoped3A_94 : memref<!tpu.dma_semaphore, #tpu.memory_space<semaphore_mem>>)
      %dma_wait3A_99 = arith.constant 0 : i32
      %dma_wait3A_100 = tpu.memref_slice %arg3[%arg0, %mul3A_93, %dma_wait3A_99] : memref<2x10240x16xf32, #tpu.memory_space<hbm>> -> memref<1x640x16xf32, #tpu.memory_space<hbm>>
      %dma_wait3A_101 = tpu.memref_squeeze %dma_wait3A_100 : memref<1x640x16xf32, #tpu.memory_space<hbm>> -> memref<640x16xf32, #tpu.memory_space<hbm>>
      %dma_wait3A_102 = arith.constant 0 : i32
      %dma_wait3A_103 = tpu.memref_slice %arg7[%mul3A_91, %dma_wait3A_102] : memref<10240x16xf32, #tpu.memory_space<vmem_shared>> -> memref<640x16xf32, #tpu.memory_space<vmem_shared>>
      tpu.wait_dma2 semaphore(%run_scoped3A_94 : memref<!tpu.dma_semaphore, #tpu.memory_space<semaphore_mem>>) src(%dma_wait3A_103 : memref<640x16xf32, #tpu.memory_space<vmem_shared>>) dst(%dma_wait3A_101 : memref<640x16xf32, #tpu.memory_space<hbm>>)
      tpu.yield
    }) : () -> ()
    return
  }
}

#map = affine_map<(d0, d1) -> (0, 0)>
#map1 = affine_map<(d0, d1) -> (0, 0, 0, 0)>
#map2 = affine_map<(d0, d1) -> (0, 0, 0)>
module attributes {stable_mosaic.version = 14 : i64} {
  func.func @_hop_sc(%arg0: i32, %arg1: i32, %arg2: memref<20000x64xf32, #tpu.memory_space<hbm>>, %arg3: memref<2x16x250x80xi32, #tpu.memory_space<hbm>>, %arg4: memref<2x10240x64xf32, #tpu.memory_space<hbm>>, %arg5: memref<250x80xi32, #tpu.memory_space<vmem>>, %arg6: memref<250x80xi32, #tpu.memory_space<vmem>>, %arg7: memref<5x80x64xf32, #tpu.memory_space<vmem>>, %arg8: memref<64x64xf32, #tpu.memory_space<vmem>>, %arg9: memref<10240x64xf32, #tpu.memory_space<vmem_shared>>, %arg10: memref<!tpu.dma_semaphore, #tpu.memory_space<semaphore_mem>>, %arg11: memref<!tpu.dma_semaphore, #tpu.memory_space<semaphore_mem>>, %arg12: memref<!tpu.dma_semaphore, #tpu.memory_space<semaphore_mem>>, %arg13: memref<!tpu.dma_semaphore, #tpu.memory_space<semaphore_mem>>, %arg14: memref<!tpu.dma_semaphore, #tpu.memory_space<semaphore_mem>>, %arg15: memref<!tpu.dma_semaphore, #tpu.memory_space<semaphore_mem>>, %arg16: memref<!tpu.dma_semaphore, #tpu.memory_space<semaphore_mem>>, %arg17: memref<!tpu.dma_semaphore, #tpu.memory_space<semaphore_mem>>, %arg18: memref<!tpu.dma_semaphore, #tpu.memory_space<semaphore_mem>>, %arg19: memref<!tpu.dma_semaphore, #tpu.memory_space<semaphore_mem>>) attributes {dimension_semantics = [#tpu.dimension_semantics<core_parallel>, #tpu.dimension_semantics<subcore_parallel>], iteration_bounds = array<i64: 2, 16>, scalar_prefetch = 0 : i64, scratch_operands = 15 : i64, tpu.core_type = #tpu.core_type<sc_vector_subcore>, window_params = [{transform_indices = #map}, {transform_indices = #map1}, {transform_indices = #map2}]} {
    %scan3A = arith.constant 0 : i32
    %scan3A_0 = arith.constant 0 : i32
    %scan3A_1 = arith.constant 64 : i32
    %scan3A_2 = arith.addi %scan3A_0, %scan3A_1 : i32
    %scan3A_3 = arith.constant 1 : i32
    scf.for %scan3A_169 = %scan3A_0 to %scan3A_2 step %scan3A_3  : i32 {
      %broadcast_in_dim3A = arith.constant 0.000000e+00 : f32
      %broadcast_in_dim3A_170 = vector.broadcast %broadcast_in_dim3A : f32 to vector<16xf32>
      %swap3A = arith.index_cast %scan3A_169 : i32 to index
      %swap3A_171 = arith.constant 0 : index
      %swap3A_172 = tpu.vector_load %arg8[%swap3A, %swap3A_171] {strides = array<i32>} : memref<64x64xf32, #tpu.memory_space<vmem>>, vector<1x16xf32>,
      %swap3A_173 = vector.shape_cast %swap3A_172 : vector<1x16xf32> to vector<16xf32>
      %swap3A_174 = vector.shape_cast %broadcast_in_dim3A_170 : vector<16xf32> to vector<1x16xf32>
      tpu.vector_store %arg8[%swap3A, %swap3A_171], %swap3A_174 {strides = array<i32>} : memref<64x64xf32, #tpu.memory_space<vmem>>, vector<1x16xf32>,
      %broadcast_in_dim3A_175 = arith.constant 0.000000e+00 : f32
      %broadcast_in_dim3A_176 = vector.broadcast %broadcast_in_dim3A_175 : f32 to vector<16xf32>
      %swap3A_177 = arith.index_cast %scan3A_169 : i32 to index
      %swap3A_178 = arith.constant 16 : index
      %swap3A_179 = tpu.vector_load %arg8[%swap3A_177, %swap3A_178] {strides = array<i32>} : memref<64x64xf32, #tpu.memory_space<vmem>>, vector<1x16xf32>,
      %swap3A_180 = vector.shape_cast %swap3A_179 : vector<1x16xf32> to vector<16xf32>
      %swap3A_181 = vector.shape_cast %broadcast_in_dim3A_176 : vector<16xf32> to vector<1x16xf32>
      tpu.vector_store %arg8[%swap3A_177, %swap3A_178], %swap3A_181 {strides = array<i32>} : memref<64x64xf32, #tpu.memory_space<vmem>>, vector<1x16xf32>,
      %broadcast_in_dim3A_182 = arith.constant 0.000000e+00 : f32
      %broadcast_in_dim3A_183 = vector.broadcast %broadcast_in_dim3A_182 : f32 to vector<16xf32>
      %swap3A_184 = arith.index_cast %scan3A_169 : i32 to index
      %swap3A_185 = arith.constant 32 : index
      %swap3A_186 = tpu.vector_load %arg8[%swap3A_184, %swap3A_185] {strides = array<i32>} : memref<64x64xf32, #tpu.memory_space<vmem>>, vector<1x16xf32>,
      %swap3A_187 = vector.shape_cast %swap3A_186 : vector<1x16xf32> to vector<16xf32>
      %swap3A_188 = vector.shape_cast %broadcast_in_dim3A_183 : vector<16xf32> to vector<1x16xf32>
      tpu.vector_store %arg8[%swap3A_184, %swap3A_185], %swap3A_188 {strides = array<i32>} : memref<64x64xf32, #tpu.memory_space<vmem>>, vector<1x16xf32>,
      %broadcast_in_dim3A_189 = arith.constant 0.000000e+00 : f32
      %broadcast_in_dim3A_190 = vector.broadcast %broadcast_in_dim3A_189 : f32 to vector<16xf32>
      %swap3A_191 = arith.index_cast %scan3A_169 : i32 to index
      %swap3A_192 = arith.constant 48 : index
      %swap3A_193 = tpu.vector_load %arg8[%swap3A_191, %swap3A_192] {strides = array<i32>} : memref<64x64xf32, #tpu.memory_space<vmem>>, vector<1x16xf32>,
      %swap3A_194 = vector.shape_cast %swap3A_193 : vector<1x16xf32> to vector<16xf32>
      %swap3A_195 = vector.shape_cast %broadcast_in_dim3A_190 : vector<16xf32> to vector<1x16xf32>
      tpu.vector_store %arg8[%swap3A_191, %swap3A_192], %swap3A_195 {strides = array<i32>} : memref<64x64xf32, #tpu.memory_space<vmem>>, vector<1x16xf32>,
    }
    %scan3A_4 = arith.constant 64 : i32
    %mul3A = arith.constant 640 : i32
    %mul3A_5 = arith.muli %arg1, %mul3A : i32
    %add3A = arith.constant 0 : i32
    %add3A_6 = arith.addi %mul3A_5, %add3A : i32
    "tpu.region"() ({
      %run_scoped3A_169 = tpu.sem_alloc : memref<!tpu.dma_semaphore, #tpu.memory_space<semaphore_mem>>
      %dma_start3A_170 = arith.constant 0 : i32
      %dma_start3A_171 = tpu.memref_slice %arg9[%add3A_6, %dma_start3A_170] : memref<10240x64xf32, #tpu.memory_space<vmem_shared>> -> memref<64x64xf32, #tpu.memory_space<vmem_shared>>
      %dma_start3A_172 = arith.constant 0 : i32
      %dma_start3A_173 = tpu.memref_slice %arg9[%add3A_6, %dma_start3A_172] : memref<10240x64xf32, #tpu.memory_space<vmem_shared>> -> memref<64x64xf32, #tpu.memory_space<vmem_shared>>
      tpu.enqueue_dma source(%arg8 : memref<64x64xf32, #tpu.memory_space<vmem>>) target(%dma_start3A_173 : memref<64x64xf32, #tpu.memory_space<vmem_shared>>) target_semaphore(%run_scoped3A_169 : memref<!tpu.dma_semaphore, #tpu.memory_space<semaphore_mem>>)
      %dma_wait3A_174 = arith.constant 0 : i32
      %dma_wait3A_175 = tpu.memref_slice %arg9[%add3A_6, %dma_wait3A_174] : memref<10240x64xf32, #tpu.memory_space<vmem_shared>> -> memref<64x64xf32, #tpu.memory_space<vmem_shared>>
      %dma_wait3A_176 = arith.constant 0 : i32
      %dma_wait3A_177 = tpu.memref_slice %arg9[%add3A_6, %dma_wait3A_176] : memref<10240x64xf32, #tpu.memory_space<vmem_shared>> -> memref<64x64xf32, #tpu.memory_space<vmem_shared>>
      tpu.wait_dma2 semaphore(%run_scoped3A_169 : memref<!tpu.dma_semaphore, #tpu.memory_space<semaphore_mem>>) src(%arg8 : memref<64x64xf32, #tpu.memory_space<vmem>>) dst(%dma_wait3A_177 : memref<64x64xf32, #tpu.memory_space<vmem_shared>>)
      tpu.yield
    }) : () -> ()
    %mul3A_7 = arith.constant 640 : i32
    %mul3A_8 = arith.muli %arg1, %mul3A_7 : i32
    %add3A_9 = arith.constant 64 : i32
    %add3A_10 = arith.addi %mul3A_8, %add3A_9 : i32
    "tpu.region"() ({
      %run_scoped3A_169 = tpu.sem_alloc : memref<!tpu.dma_semaphore, #tpu.memory_space<semaphore_mem>>
      %dma_start3A_170 = arith.constant 0 : i32
      %dma_start3A_171 = tpu.memref_slice %arg9[%add3A_10, %dma_start3A_170] : memref<10240x64xf32, #tpu.memory_space<vmem_shared>> -> memref<64x64xf32, #tpu.memory_space<vmem_shared>>
      %dma_start3A_172 = arith.constant 0 : i32
      %dma_start3A_173 = tpu.memref_slice %arg9[%add3A_10, %dma_start3A_172] : memref<10240x64xf32, #tpu.memory_space<vmem_shared>> -> memref<64x64xf32, #tpu.memory_space<vmem_shared>>
      tpu.enqueue_dma source(%arg8 : memref<64x64xf32, #tpu.memory_space<vmem>>) target(%dma_start3A_173 : memref<64x64xf32, #tpu.memory_space<vmem_shared>>) target_semaphore(%run_scoped3A_169 : memref<!tpu.dma_semaphore, #tpu.memory_space<semaphore_mem>>)
      %dma_wait3A_174 = arith.constant 0 : i32
      %dma_wait3A_175 = tpu.memref_slice %arg9[%add3A_10, %dma_wait3A_174] : memref<10240x64xf32, #tpu.memory_space<vmem_shared>> -> memref<64x64xf32, #tpu.memory_space<vmem_shared>>
      %dma_wait3A_176 = arith.constant 0 : i32
      %dma_wait3A_177 = tpu.memref_slice %arg9[%add3A_10, %dma_wait3A_176] : memref<10240x64xf32, #tpu.memory_space<vmem_shared>> -> memref<64x64xf32, #tpu.memory_space<vmem_shared>>
      tpu.wait_dma2 semaphore(%run_scoped3A_169 : memref<!tpu.dma_semaphore, #tpu.memory_space<semaphore_mem>>) src(%arg8 : memref<64x64xf32, #tpu.memory_space<vmem>>) dst(%dma_wait3A_177 : memref<64x64xf32, #tpu.memory_space<vmem_shared>>)
      tpu.yield
    }) : () -> ()
    %mul3A_11 = arith.constant 640 : i32
    %mul3A_12 = arith.muli %arg1, %mul3A_11 : i32
    %add3A_13 = arith.constant 128 : i32
    %add3A_14 = arith.addi %mul3A_12, %add3A_13 : i32
    "tpu.region"() ({
      %run_scoped3A_169 = tpu.sem_alloc : memref<!tpu.dma_semaphore, #tpu.memory_space<semaphore_mem>>
      %dma_start3A_170 = arith.constant 0 : i32
      %dma_start3A_171 = tpu.memref_slice %arg9[%add3A_14, %dma_start3A_170] : memref<10240x64xf32, #tpu.memory_space<vmem_shared>> -> memref<64x64xf32, #tpu.memory_space<vmem_shared>>
      %dma_start3A_172 = arith.constant 0 : i32
      %dma_start3A_173 = tpu.memref_slice %arg9[%add3A_14, %dma_start3A_172] : memref<10240x64xf32, #tpu.memory_space<vmem_shared>> -> memref<64x64xf32, #tpu.memory_space<vmem_shared>>
      tpu.enqueue_dma source(%arg8 : memref<64x64xf32, #tpu.memory_space<vmem>>) target(%dma_start3A_173 : memref<64x64xf32, #tpu.memory_space<vmem_shared>>) target_semaphore(%run_scoped3A_169 : memref<!tpu.dma_semaphore, #tpu.memory_space<semaphore_mem>>)
      %dma_wait3A_174 = arith.constant 0 : i32
      %dma_wait3A_175 = tpu.memref_slice %arg9[%add3A_14, %dma_wait3A_174] : memref<10240x64xf32, #tpu.memory_space<vmem_shared>> -> memref<64x64xf32, #tpu.memory_space<vmem_shared>>
      %dma_wait3A_176 = arith.constant 0 : i32
      %dma_wait3A_177 = tpu.memref_slice %arg9[%add3A_14, %dma_wait3A_176] : memref<10240x64xf32, #tpu.memory_space<vmem_shared>> -> memref<64x64xf32, #tpu.memory_space<vmem_shared>>
      tpu.wait_dma2 semaphore(%run_scoped3A_169 : memref<!tpu.dma_semaphore, #tpu.memory_space<semaphore_mem>>) src(%arg8 : memref<64x64xf32, #tpu.memory_space<vmem>>) dst(%dma_wait3A_177 : memref<64x64xf32, #tpu.memory_space<vmem_shared>>)
      tpu.yield
    }) : () -> ()
    %mul3A_15 = arith.constant 640 : i32
    %mul3A_16 = arith.muli %arg1, %mul3A_15 : i32
    %add3A_17 = arith.constant 192 : i32
    %add3A_18 = arith.addi %mul3A_16, %add3A_17 : i32
    "tpu.region"() ({
      %run_scoped3A_169 = tpu.sem_alloc : memref<!tpu.dma_semaphore, #tpu.memory_space<semaphore_mem>>
      %dma_start3A_170 = arith.constant 0 : i32
      %dma_start3A_171 = tpu.memref_slice %arg9[%add3A_18, %dma_start3A_170] : memref<10240x64xf32, #tpu.memory_space<vmem_shared>> -> memref<64x64xf32, #tpu.memory_space<vmem_shared>>
      %dma_start3A_172 = arith.constant 0 : i32
      %dma_start3A_173 = tpu.memref_slice %arg9[%add3A_18, %dma_start3A_172] : memref<10240x64xf32, #tpu.memory_space<vmem_shared>> -> memref<64x64xf32, #tpu.memory_space<vmem_shared>>
      tpu.enqueue_dma source(%arg8 : memref<64x64xf32, #tpu.memory_space<vmem>>) target(%dma_start3A_173 : memref<64x64xf32, #tpu.memory_space<vmem_shared>>) target_semaphore(%run_scoped3A_169 : memref<!tpu.dma_semaphore, #tpu.memory_space<semaphore_mem>>)
      %dma_wait3A_174 = arith.constant 0 : i32
      %dma_wait3A_175 = tpu.memref_slice %arg9[%add3A_18, %dma_wait3A_174] : memref<10240x64xf32, #tpu.memory_space<vmem_shared>> -> memref<64x64xf32, #tpu.memory_space<vmem_shared>>
      %dma_wait3A_176 = arith.constant 0 : i32
      %dma_wait3A_177 = tpu.memref_slice %arg9[%add3A_18, %dma_wait3A_176] : memref<10240x64xf32, #tpu.memory_space<vmem_shared>> -> memref<64x64xf32, #tpu.memory_space<vmem_shared>>
      tpu.wait_dma2 semaphore(%run_scoped3A_169 : memref<!tpu.dma_semaphore, #tpu.memory_space<semaphore_mem>>) src(%arg8 : memref<64x64xf32, #tpu.memory_space<vmem>>) dst(%dma_wait3A_177 : memref<64x64xf32, #tpu.memory_space<vmem_shared>>)
      tpu.yield
    }) : () -> ()
    %mul3A_19 = arith.constant 640 : i32
    %mul3A_20 = arith.muli %arg1, %mul3A_19 : i32
    %add3A_21 = arith.constant 256 : i32
    %add3A_22 = arith.addi %mul3A_20, %add3A_21 : i32
    "tpu.region"() ({
      %run_scoped3A_169 = tpu.sem_alloc : memref<!tpu.dma_semaphore, #tpu.memory_space<semaphore_mem>>
      %dma_start3A_170 = arith.constant 0 : i32
      %dma_start3A_171 = tpu.memref_slice %arg9[%add3A_22, %dma_start3A_170] : memref<10240x64xf32, #tpu.memory_space<vmem_shared>> -> memref<64x64xf32, #tpu.memory_space<vmem_shared>>
      %dma_start3A_172 = arith.constant 0 : i32
      %dma_start3A_173 = tpu.memref_slice %arg9[%add3A_22, %dma_start3A_172] : memref<10240x64xf32, #tpu.memory_space<vmem_shared>> -> memref<64x64xf32, #tpu.memory_space<vmem_shared>>
      tpu.enqueue_dma source(%arg8 : memref<64x64xf32, #tpu.memory_space<vmem>>) target(%dma_start3A_173 : memref<64x64xf32, #tpu.memory_space<vmem_shared>>) target_semaphore(%run_scoped3A_169 : memref<!tpu.dma_semaphore, #tpu.memory_space<semaphore_mem>>)
      %dma_wait3A_174 = arith.constant 0 : i32
      %dma_wait3A_175 = tpu.memref_slice %arg9[%add3A_22, %dma_wait3A_174] : memref<10240x64xf32, #tpu.memory_space<vmem_shared>> -> memref<64x64xf32, #tpu.memory_space<vmem_shared>>
      %dma_wait3A_176 = arith.constant 0 : i32
      %dma_wait3A_177 = tpu.memref_slice %arg9[%add3A_22, %dma_wait3A_176] : memref<10240x64xf32, #tpu.memory_space<vmem_shared>> -> memref<64x64xf32, #tpu.memory_space<vmem_shared>>
      tpu.wait_dma2 semaphore(%run_scoped3A_169 : memref<!tpu.dma_semaphore, #tpu.memory_space<semaphore_mem>>) src(%arg8 : memref<64x64xf32, #tpu.memory_space<vmem>>) dst(%dma_wait3A_177 : memref<64x64xf32, #tpu.memory_space<vmem_shared>>)
      tpu.yield
    }) : () -> ()
    %mul3A_23 = arith.constant 640 : i32
    %mul3A_24 = arith.muli %arg1, %mul3A_23 : i32
    %add3A_25 = arith.constant 320 : i32
    %add3A_26 = arith.addi %mul3A_24, %add3A_25 : i32
    "tpu.region"() ({
      %run_scoped3A_169 = tpu.sem_alloc : memref<!tpu.dma_semaphore, #tpu.memory_space<semaphore_mem>>
      %dma_start3A_170 = arith.constant 0 : i32
      %dma_start3A_171 = tpu.memref_slice %arg9[%add3A_26, %dma_start3A_170] : memref<10240x64xf32, #tpu.memory_space<vmem_shared>> -> memref<64x64xf32, #tpu.memory_space<vmem_shared>>
      %dma_start3A_172 = arith.constant 0 : i32
      %dma_start3A_173 = tpu.memref_slice %arg9[%add3A_26, %dma_start3A_172] : memref<10240x64xf32, #tpu.memory_space<vmem_shared>> -> memref<64x64xf32, #tpu.memory_space<vmem_shared>>
      tpu.enqueue_dma source(%arg8 : memref<64x64xf32, #tpu.memory_space<vmem>>) target(%dma_start3A_173 : memref<64x64xf32, #tpu.memory_space<vmem_shared>>) target_semaphore(%run_scoped3A_169 : memref<!tpu.dma_semaphore, #tpu.memory_space<semaphore_mem>>)
      %dma_wait3A_174 = arith.constant 0 : i32
      %dma_wait3A_175 = tpu.memref_slice %arg9[%add3A_26, %dma_wait3A_174] : memref<10240x64xf32, #tpu.memory_space<vmem_shared>> -> memref<64x64xf32, #tpu.memory_space<vmem_shared>>
      %dma_wait3A_176 = arith.constant 0 : i32
      %dma_wait3A_177 = tpu.memref_slice %arg9[%add3A_26, %dma_wait3A_176] : memref<10240x64xf32, #tpu.memory_space<vmem_shared>> -> memref<64x64xf32, #tpu.memory_space<vmem_shared>>
      tpu.wait_dma2 semaphore(%run_scoped3A_169 : memref<!tpu.dma_semaphore, #tpu.memory_space<semaphore_mem>>) src(%arg8 : memref<64x64xf32, #tpu.memory_space<vmem>>) dst(%dma_wait3A_177 : memref<64x64xf32, #tpu.memory_space<vmem_shared>>)
      tpu.yield
    }) : () -> ()
    %mul3A_27 = arith.constant 640 : i32
    %mul3A_28 = arith.muli %arg1, %mul3A_27 : i32
    %add3A_29 = arith.constant 384 : i32
    %add3A_30 = arith.addi %mul3A_28, %add3A_29 : i32
    "tpu.region"() ({
      %run_scoped3A_169 = tpu.sem_alloc : memref<!tpu.dma_semaphore, #tpu.memory_space<semaphore_mem>>
      %dma_start3A_170 = arith.constant 0 : i32
      %dma_start3A_171 = tpu.memref_slice %arg9[%add3A_30, %dma_start3A_170] : memref<10240x64xf32, #tpu.memory_space<vmem_shared>> -> memref<64x64xf32, #tpu.memory_space<vmem_shared>>
      %dma_start3A_172 = arith.constant 0 : i32
      %dma_start3A_173 = tpu.memref_slice %arg9[%add3A_30, %dma_start3A_172] : memref<10240x64xf32, #tpu.memory_space<vmem_shared>> -> memref<64x64xf32, #tpu.memory_space<vmem_shared>>
      tpu.enqueue_dma source(%arg8 : memref<64x64xf32, #tpu.memory_space<vmem>>) target(%dma_start3A_173 : memref<64x64xf32, #tpu.memory_space<vmem_shared>>) target_semaphore(%run_scoped3A_169 : memref<!tpu.dma_semaphore, #tpu.memory_space<semaphore_mem>>)
      %dma_wait3A_174 = arith.constant 0 : i32
      %dma_wait3A_175 = tpu.memref_slice %arg9[%add3A_30, %dma_wait3A_174] : memref<10240x64xf32, #tpu.memory_space<vmem_shared>> -> memref<64x64xf32, #tpu.memory_space<vmem_shared>>
      %dma_wait3A_176 = arith.constant 0 : i32
      %dma_wait3A_177 = tpu.memref_slice %arg9[%add3A_30, %dma_wait3A_176] : memref<10240x64xf32, #tpu.memory_space<vmem_shared>> -> memref<64x64xf32, #tpu.memory_space<vmem_shared>>
      tpu.wait_dma2 semaphore(%run_scoped3A_169 : memref<!tpu.dma_semaphore, #tpu.memory_space<semaphore_mem>>) src(%arg8 : memref<64x64xf32, #tpu.memory_space<vmem>>) dst(%dma_wait3A_177 : memref<64x64xf32, #tpu.memory_space<vmem_shared>>)
      tpu.yield
    }) : () -> ()
    %mul3A_31 = arith.constant 640 : i32
    %mul3A_32 = arith.muli %arg1, %mul3A_31 : i32
    %add3A_33 = arith.constant 448 : i32
    %add3A_34 = arith.addi %mul3A_32, %add3A_33 : i32
    "tpu.region"() ({
      %run_scoped3A_169 = tpu.sem_alloc : memref<!tpu.dma_semaphore, #tpu.memory_space<semaphore_mem>>
      %dma_start3A_170 = arith.constant 0 : i32
      %dma_start3A_171 = tpu.memref_slice %arg9[%add3A_34, %dma_start3A_170] : memref<10240x64xf32, #tpu.memory_space<vmem_shared>> -> memref<64x64xf32, #tpu.memory_space<vmem_shared>>
      %dma_start3A_172 = arith.constant 0 : i32
      %dma_start3A_173 = tpu.memref_slice %arg9[%add3A_34, %dma_start3A_172] : memref<10240x64xf32, #tpu.memory_space<vmem_shared>> -> memref<64x64xf32, #tpu.memory_space<vmem_shared>>
      tpu.enqueue_dma source(%arg8 : memref<64x64xf32, #tpu.memory_space<vmem>>) target(%dma_start3A_173 : memref<64x64xf32, #tpu.memory_space<vmem_shared>>) target_semaphore(%run_scoped3A_169 : memref<!tpu.dma_semaphore, #tpu.memory_space<semaphore_mem>>)
      %dma_wait3A_174 = arith.constant 0 : i32
      %dma_wait3A_175 = tpu.memref_slice %arg9[%add3A_34, %dma_wait3A_174] : memref<10240x64xf32, #tpu.memory_space<vmem_shared>> -> memref<64x64xf32, #tpu.memory_space<vmem_shared>>
      %dma_wait3A_176 = arith.constant 0 : i32
      %dma_wait3A_177 = tpu.memref_slice %arg9[%add3A_34, %dma_wait3A_176] : memref<10240x64xf32, #tpu.memory_space<vmem_shared>> -> memref<64x64xf32, #tpu.memory_space<vmem_shared>>
      tpu.wait_dma2 semaphore(%run_scoped3A_169 : memref<!tpu.dma_semaphore, #tpu.memory_space<semaphore_mem>>) src(%arg8 : memref<64x64xf32, #tpu.memory_space<vmem>>) dst(%dma_wait3A_177 : memref<64x64xf32, #tpu.memory_space<vmem_shared>>)
      tpu.yield
    }) : () -> ()
    %mul3A_35 = arith.constant 640 : i32
    %mul3A_36 = arith.muli %arg1, %mul3A_35 : i32
    %add3A_37 = arith.constant 512 : i32
    %add3A_38 = arith.addi %mul3A_36, %add3A_37 : i32
    "tpu.region"() ({
      %run_scoped3A_169 = tpu.sem_alloc : memref<!tpu.dma_semaphore, #tpu.memory_space<semaphore_mem>>
      %dma_start3A_170 = arith.constant 0 : i32
      %dma_start3A_171 = tpu.memref_slice %arg9[%add3A_38, %dma_start3A_170] : memref<10240x64xf32, #tpu.memory_space<vmem_shared>> -> memref<64x64xf32, #tpu.memory_space<vmem_shared>>
      %dma_start3A_172 = arith.constant 0 : i32
      %dma_start3A_173 = tpu.memref_slice %arg9[%add3A_38, %dma_start3A_172] : memref<10240x64xf32, #tpu.memory_space<vmem_shared>> -> memref<64x64xf32, #tpu.memory_space<vmem_shared>>
      tpu.enqueue_dma source(%arg8 : memref<64x64xf32, #tpu.memory_space<vmem>>) target(%dma_start3A_173 : memref<64x64xf32, #tpu.memory_space<vmem_shared>>) target_semaphore(%run_scoped3A_169 : memref<!tpu.dma_semaphore, #tpu.memory_space<semaphore_mem>>)
      %dma_wait3A_174 = arith.constant 0 : i32
      %dma_wait3A_175 = tpu.memref_slice %arg9[%add3A_38, %dma_wait3A_174] : memref<10240x64xf32, #tpu.memory_space<vmem_shared>> -> memref<64x64xf32, #tpu.memory_space<vmem_shared>>
      %dma_wait3A_176 = arith.constant 0 : i32
      %dma_wait3A_177 = tpu.memref_slice %arg9[%add3A_38, %dma_wait3A_176] : memref<10240x64xf32, #tpu.memory_space<vmem_shared>> -> memref<64x64xf32, #tpu.memory_space<vmem_shared>>
      tpu.wait_dma2 semaphore(%run_scoped3A_169 : memref<!tpu.dma_semaphore, #tpu.memory_space<semaphore_mem>>) src(%arg8 : memref<64x64xf32, #tpu.memory_space<vmem>>) dst(%dma_wait3A_177 : memref<64x64xf32, #tpu.memory_space<vmem_shared>>)
      tpu.yield
    }) : () -> ()
    %mul3A_39 = arith.constant 640 : i32
    %mul3A_40 = arith.muli %arg1, %mul3A_39 : i32
    %add3A_41 = arith.constant 576 : i32
    %add3A_42 = arith.addi %mul3A_40, %add3A_41 : i32
    "tpu.region"() ({
      %run_scoped3A_169 = tpu.sem_alloc : memref<!tpu.dma_semaphore, #tpu.memory_space<semaphore_mem>>
      %dma_start3A_170 = arith.constant 0 : i32
      %dma_start3A_171 = tpu.memref_slice %arg9[%add3A_42, %dma_start3A_170] : memref<10240x64xf32, #tpu.memory_space<vmem_shared>> -> memref<64x64xf32, #tpu.memory_space<vmem_shared>>
      %dma_start3A_172 = arith.constant 0 : i32
      %dma_start3A_173 = tpu.memref_slice %arg9[%add3A_42, %dma_start3A_172] : memref<10240x64xf32, #tpu.memory_space<vmem_shared>> -> memref<64x64xf32, #tpu.memory_space<vmem_shared>>
      tpu.enqueue_dma source(%arg8 : memref<64x64xf32, #tpu.memory_space<vmem>>) target(%dma_start3A_173 : memref<64x64xf32, #tpu.memory_space<vmem_shared>>) target_semaphore(%run_scoped3A_169 : memref<!tpu.dma_semaphore, #tpu.memory_space<semaphore_mem>>)
      %dma_wait3A_174 = arith.constant 0 : i32
      %dma_wait3A_175 = tpu.memref_slice %arg9[%add3A_42, %dma_wait3A_174] : memref<10240x64xf32, #tpu.memory_space<vmem_shared>> -> memref<64x64xf32, #tpu.memory_space<vmem_shared>>
      %dma_wait3A_176 = arith.constant 0 : i32
      %dma_wait3A_177 = tpu.memref_slice %arg9[%add3A_42, %dma_wait3A_176] : memref<10240x64xf32, #tpu.memory_space<vmem_shared>> -> memref<64x64xf32, #tpu.memory_space<vmem_shared>>
      tpu.wait_dma2 semaphore(%run_scoped3A_169 : memref<!tpu.dma_semaphore, #tpu.memory_space<semaphore_mem>>) src(%arg8 : memref<64x64xf32, #tpu.memory_space<vmem>>) dst(%dma_wait3A_177 : memref<64x64xf32, #tpu.memory_space<vmem_shared>>)
      tpu.yield
    }) : () -> ()
    %mul3A_43 = arith.constant 10000 : i32
    %mul3A_44 = arith.muli %arg0, %mul3A_43 : i32
    %run_scoped3A = arith.constant 0 : i32
    "tpu.region"() ({
      %run_scoped3A_169 = tpu.sem_alloc : memref<!tpu.dma_semaphore, #tpu.memory_space<semaphore_mem>>
      %dma_start3A_170 = arith.constant 0 : i32
      %dma_start3A_171 = arith.constant 0 : i32
      %dma_start3A_172 = tpu.memref_slice %arg3[%run_scoped3A, %arg1, %dma_start3A_170, %dma_start3A_171] : memref<2x16x250x80xi32, #tpu.memory_space<hbm>> -> memref<1x1x250x80xi32, #tpu.memory_space<hbm>>
      %dma_start3A_173 = tpu.memref_squeeze %dma_start3A_172 : memref<1x1x250x80xi32, #tpu.memory_space<hbm>> -> memref<250x80xi32, #tpu.memory_space<hbm>>
      %dma_start3A_174 = arith.constant 0 : i32
      %dma_start3A_175 = arith.constant 0 : i32
      %dma_start3A_176 = tpu.memref_slice %arg3[%run_scoped3A, %arg1, %dma_start3A_174, %dma_start3A_175] : memref<2x16x250x80xi32, #tpu.memory_space<hbm>> -> memref<1x1x250x80xi32, #tpu.memory_space<hbm>>
      %dma_start3A_177 = tpu.memref_squeeze %dma_start3A_176 : memref<1x1x250x80xi32, #tpu.memory_space<hbm>> -> memref<250x80xi32, #tpu.memory_space<hbm>>
      tpu.enqueue_dma source(%dma_start3A_177 : memref<250x80xi32, #tpu.memory_space<hbm>>) target(%arg5 : memref<250x80xi32, #tpu.memory_space<vmem>>) target_semaphore(%run_scoped3A_169 : memref<!tpu.dma_semaphore, #tpu.memory_space<semaphore_mem>>)
      %dma_wait3A_178 = arith.constant 0 : i32
      %dma_wait3A_179 = arith.constant 0 : i32
      %dma_wait3A_180 = tpu.memref_slice %arg3[%run_scoped3A, %arg1, %dma_wait3A_178, %dma_wait3A_179] : memref<2x16x250x80xi32, #tpu.memory_space<hbm>> -> memref<1x1x250x80xi32, #tpu.memory_space<hbm>>
      %dma_wait3A_181 = tpu.memref_squeeze %dma_wait3A_180 : memref<1x1x250x80xi32, #tpu.memory_space<hbm>> -> memref<250x80xi32, #tpu.memory_space<hbm>>
      %dma_wait3A_182 = arith.constant 0 : i32
      %dma_wait3A_183 = arith.constant 0 : i32
      %dma_wait3A_184 = tpu.memref_slice %arg3[%run_scoped3A, %arg1, %dma_wait3A_182, %dma_wait3A_183] : memref<2x16x250x80xi32, #tpu.memory_space<hbm>> -> memref<1x1x250x80xi32, #tpu.memory_space<hbm>>
      %dma_wait3A_185 = tpu.memref_squeeze %dma_wait3A_184 : memref<1x1x250x80xi32, #tpu.memory_space<hbm>> -> memref<250x80xi32, #tpu.memory_space<hbm>>
      tpu.wait_dma2 semaphore(%run_scoped3A_169 : memref<!tpu.dma_semaphore, #tpu.memory_space<semaphore_mem>>) src(%dma_wait3A_185 : memref<250x80xi32, #tpu.memory_space<hbm>>) dst(%arg5 : memref<250x80xi32, #tpu.memory_space<vmem>>)
      tpu.yield
    }) : () -> ()
    %run_scoped3A_45 = arith.constant 1 : i32
    "tpu.region"() ({
      %run_scoped3A_169 = tpu.sem_alloc : memref<!tpu.dma_semaphore, #tpu.memory_space<semaphore_mem>>
      %dma_start3A_170 = arith.constant 0 : i32
      %dma_start3A_171 = arith.constant 0 : i32
      %dma_start3A_172 = tpu.memref_slice %arg3[%run_scoped3A_45, %arg1, %dma_start3A_170, %dma_start3A_171] : memref<2x16x250x80xi32, #tpu.memory_space<hbm>> -> memref<1x1x250x80xi32, #tpu.memory_space<hbm>>
      %dma_start3A_173 = tpu.memref_squeeze %dma_start3A_172 : memref<1x1x250x80xi32, #tpu.memory_space<hbm>> -> memref<250x80xi32, #tpu.memory_space<hbm>>
      %dma_start3A_174 = arith.constant 0 : i32
      %dma_start3A_175 = arith.constant 0 : i32
      %dma_start3A_176 = tpu.memref_slice %arg3[%run_scoped3A_45, %arg1, %dma_start3A_174, %dma_start3A_175] : memref<2x16x250x80xi32, #tpu.memory_space<hbm>> -> memref<1x1x250x80xi32, #tpu.memory_space<hbm>>
      %dma_start3A_177 = tpu.memref_squeeze %dma_start3A_176 : memref<1x1x250x80xi32, #tpu.memory_space<hbm>> -> memref<250x80xi32, #tpu.memory_space<hbm>>
      tpu.enqueue_dma source(%dma_start3A_177 : memref<250x80xi32, #tpu.memory_space<hbm>>) target(%arg6 : memref<250x80xi32, #tpu.memory_space<vmem>>) target_semaphore(%run_scoped3A_169 : memref<!tpu.dma_semaphore, #tpu.memory_space<semaphore_mem>>)
      %dma_wait3A_178 = arith.constant 0 : i32
      %dma_wait3A_179 = arith.constant 0 : i32
      %dma_wait3A_180 = tpu.memref_slice %arg3[%run_scoped3A_45, %arg1, %dma_wait3A_178, %dma_wait3A_179] : memref<2x16x250x80xi32, #tpu.memory_space<hbm>> -> memref<1x1x250x80xi32, #tpu.memory_space<hbm>>
      %dma_wait3A_181 = tpu.memref_squeeze %dma_wait3A_180 : memref<1x1x250x80xi32, #tpu.memory_space<hbm>> -> memref<250x80xi32, #tpu.memory_space<hbm>>
      %dma_wait3A_182 = arith.constant 0 : i32
      %dma_wait3A_183 = arith.constant 0 : i32
      %dma_wait3A_184 = tpu.memref_slice %arg3[%run_scoped3A_45, %arg1, %dma_wait3A_182, %dma_wait3A_183] : memref<2x16x250x80xi32, #tpu.memory_space<hbm>> -> memref<1x1x250x80xi32, #tpu.memory_space<hbm>>
      %dma_wait3A_185 = tpu.memref_squeeze %dma_wait3A_184 : memref<1x1x250x80xi32, #tpu.memory_space<hbm>> -> memref<250x80xi32, #tpu.memory_space<hbm>>
      tpu.wait_dma2 semaphore(%run_scoped3A_169 : memref<!tpu.dma_semaphore, #tpu.memory_space<semaphore_mem>>) src(%dma_wait3A_185 : memref<250x80xi32, #tpu.memory_space<hbm>>) dst(%arg6 : memref<250x80xi32, #tpu.memory_space<vmem>>)
      tpu.yield
    }) : () -> ()
    %scan3A_46 = arith.constant 0 : i32
    %scan3A_47 = arith.constant 0 : i32
    %scan3A_48 = arith.constant 250 : i32
    %scan3A_49 = arith.addi %scan3A_47, %scan3A_48 : i32
    %scan3A_50 = arith.constant 1 : i32
    scf.for %scan3A_169 = %scan3A_47 to %scan3A_49 step %scan3A_50  : i32 {
      %get3A = arith.index_cast %scan3A_169 : i32 to index
      %get3A_170 = arith.constant 0 : index
      %get3A_171 = tpu.vector_load %arg5[%get3A, %get3A_170] {strides = array<i32>} : memref<250x80xi32, #tpu.memory_space<vmem>>, vector<1x16xi32>,
      %get3A_172 = vector.shape_cast %get3A_171 : vector<1x16xi32> to vector<16xi32>
      %add3A_173 = vector.broadcast %mul3A_44 : i32 to vector<16xi32>
      %add3A_174 = arith.addi %get3A_172, %add3A_173 : vector<16xi32>
      %swap3A = arith.index_cast %scan3A_169 : i32 to index
      %swap3A_175 = arith.constant 0 : index
      %swap3A_176 = tpu.vector_load %arg5[%swap3A, %swap3A_175] {strides = array<i32>} : memref<250x80xi32, #tpu.memory_space<vmem>>, vector<1x16xi32>,
      %swap3A_177 = vector.shape_cast %swap3A_176 : vector<1x16xi32> to vector<16xi32>
      %swap3A_178 = vector.shape_cast %add3A_174 : vector<16xi32> to vector<1x16xi32>
      tpu.vector_store %arg5[%swap3A, %swap3A_175], %swap3A_178 {strides = array<i32>} : memref<250x80xi32, #tpu.memory_space<vmem>>, vector<1x16xi32>,
      %get3A_179 = arith.index_cast %scan3A_169 : i32 to index
      %get3A_180 = arith.constant 16 : index
      %get3A_181 = tpu.vector_load %arg5[%get3A_179, %get3A_180] {strides = array<i32>} : memref<250x80xi32, #tpu.memory_space<vmem>>, vector<1x16xi32>,
      %get3A_182 = vector.shape_cast %get3A_181 : vector<1x16xi32> to vector<16xi32>
      %add3A_183 = vector.broadcast %mul3A_44 : i32 to vector<16xi32>
      %add3A_184 = arith.addi %get3A_182, %add3A_183 : vector<16xi32>
      %swap3A_185 = arith.index_cast %scan3A_169 : i32 to index
      %swap3A_186 = arith.constant 16 : index
      %swap3A_187 = tpu.vector_load %arg5[%swap3A_185, %swap3A_186] {strides = array<i32>} : memref<250x80xi32, #tpu.memory_space<vmem>>, vector<1x16xi32>,
      %swap3A_188 = vector.shape_cast %swap3A_187 : vector<1x16xi32> to vector<16xi32>
      %swap3A_189 = vector.shape_cast %add3A_184 : vector<16xi32> to vector<1x16xi32>
      tpu.vector_store %arg5[%swap3A_185, %swap3A_186], %swap3A_189 {strides = array<i32>} : memref<250x80xi32, #tpu.memory_space<vmem>>, vector<1x16xi32>,
      %get3A_190 = arith.index_cast %scan3A_169 : i32 to index
      %get3A_191 = arith.constant 32 : index
      %get3A_192 = tpu.vector_load %arg5[%get3A_190, %get3A_191] {strides = array<i32>} : memref<250x80xi32, #tpu.memory_space<vmem>>, vector<1x16xi32>,
      %get3A_193 = vector.shape_cast %get3A_192 : vector<1x16xi32> to vector<16xi32>
      %add3A_194 = vector.broadcast %mul3A_44 : i32 to vector<16xi32>
      %add3A_195 = arith.addi %get3A_193, %add3A_194 : vector<16xi32>
      %swap3A_196 = arith.index_cast %scan3A_169 : i32 to index
      %swap3A_197 = arith.constant 32 : index
      %swap3A_198 = tpu.vector_load %arg5[%swap3A_196, %swap3A_197] {strides = array<i32>} : memref<250x80xi32, #tpu.memory_space<vmem>>, vector<1x16xi32>,
      %swap3A_199 = vector.shape_cast %swap3A_198 : vector<1x16xi32> to vector<16xi32>
      %swap3A_200 = vector.shape_cast %add3A_195 : vector<16xi32> to vector<1x16xi32>
      tpu.vector_store %arg5[%swap3A_196, %swap3A_197], %swap3A_200 {strides = array<i32>} : memref<250x80xi32, #tpu.memory_space<vmem>>, vector<1x16xi32>,
      %get3A_201 = arith.index_cast %scan3A_169 : i32 to index
      %get3A_202 = arith.constant 48 : index
      %get3A_203 = tpu.vector_load %arg5[%get3A_201, %get3A_202] {strides = array<i32>} : memref<250x80xi32, #tpu.memory_space<vmem>>, vector<1x16xi32>,
      %get3A_204 = vector.shape_cast %get3A_203 : vector<1x16xi32> to vector<16xi32>
      %add3A_205 = vector.broadcast %mul3A_44 : i32 to vector<16xi32>
      %add3A_206 = arith.addi %get3A_204, %add3A_205 : vector<16xi32>
      %swap3A_207 = arith.index_cast %scan3A_169 : i32 to index
      %swap3A_208 = arith.constant 48 : index
      %swap3A_209 = tpu.vector_load %arg5[%swap3A_207, %swap3A_208] {strides = array<i32>} : memref<250x80xi32, #tpu.memory_space<vmem>>, vector<1x16xi32>,
      %swap3A_210 = vector.shape_cast %swap3A_209 : vector<1x16xi32> to vector<16xi32>
      %swap3A_211 = vector.shape_cast %add3A_206 : vector<16xi32> to vector<1x16xi32>
      tpu.vector_store %arg5[%swap3A_207, %swap3A_208], %swap3A_211 {strides = array<i32>} : memref<250x80xi32, #tpu.memory_space<vmem>>, vector<1x16xi32>,
      %get3A_212 = arith.index_cast %scan3A_169 : i32 to index
      %get3A_213 = arith.constant 64 : index
      %get3A_214 = tpu.vector_load %arg5[%get3A_212, %get3A_213] {strides = array<i32>} : memref<250x80xi32, #tpu.memory_space<vmem>>, vector<1x16xi32>,
      %get3A_215 = vector.shape_cast %get3A_214 : vector<1x16xi32> to vector<16xi32>
      %add3A_216 = vector.broadcast %mul3A_44 : i32 to vector<16xi32>
      %add3A_217 = arith.addi %get3A_215, %add3A_216 : vector<16xi32>
      %swap3A_218 = arith.index_cast %scan3A_169 : i32 to index
      %swap3A_219 = arith.constant 64 : index
      %swap3A_220 = tpu.vector_load %arg5[%swap3A_218, %swap3A_219] {strides = array<i32>} : memref<250x80xi32, #tpu.memory_space<vmem>>, vector<1x16xi32>,
      %swap3A_221 = vector.shape_cast %swap3A_220 : vector<1x16xi32> to vector<16xi32>
      %swap3A_222 = vector.shape_cast %add3A_217 : vector<16xi32> to vector<1x16xi32>
      tpu.vector_store %arg5[%swap3A_218, %swap3A_219], %swap3A_222 {strides = array<i32>} : memref<250x80xi32, #tpu.memory_space<vmem>>, vector<1x16xi32>,
    }
    %scan3A_51 = arith.constant 250 : i32
    %barrier3A = arith.constant 0 : index
    tpu.barrier barrier_id(%barrier3A)
    %dma_start3A = arith.constant 0 : i32
    %dma_start3A_52 = arith.constant 0 : i32
    %dma_start3A_53 = arith.constant 0 : i32
    %dma_start3A_54 = arith.constant 0 : i32
    %dma_start3A_55 = tpu.memref_slice %arg7[%dma_start3A_52, %dma_start3A_53, %dma_start3A_54] : memref<5x80x64xf32, #tpu.memory_space<vmem>> -> memref<1x80x64xf32, #tpu.memory_space<vmem>>
    %dma_start3A_56 = tpu.memref_squeeze %dma_start3A_55 : memref<1x80x64xf32, #tpu.memory_space<vmem>> -> memref<80x64xf32, #tpu.memory_space<vmem>>
    %dma_start3A_57 = arith.constant 0 : i32
    %dma_start3A_58 = tpu.memref_slice %arg5[%dma_start3A, %dma_start3A_57] : memref<250x80xi32, #tpu.memory_space<vmem>> -> memref<1x80xi32, #tpu.memory_space<vmem>>
    %dma_start3A_59 = tpu.memref_squeeze %dma_start3A_58 : memref<1x80xi32, #tpu.memory_space<vmem>> -> memref<80xi32, #tpu.memory_space<vmem>>
    %dma_start3A_60 = arith.constant 0 : i32
    %dma_start3A_61 = arith.constant 0 : i32
    %dma_start3A_62 = tpu.memref_slice %arg2[%dma_start3A_60, %dma_start3A_61] : memref<20000x64xf32, #tpu.memory_space<hbm>> -> memref<20000x64xf32, #tpu.memory_space<hbm>>
    tpu.enqueue_indirect_dma source(%dma_start3A_62 : memref<20000x64xf32, #tpu.memory_space<hbm>>) target(%dma_start3A_56 : memref<80x64xf32, #tpu.memory_space<vmem>>) offsets(%dma_start3A_59 : memref<80xi32, #tpu.memory_space<vmem>>) semaphore(%arg10 : memref<!tpu.dma_semaphore, #tpu.memory_space<semaphore_mem>>)
    %dma_start3A_63 = arith.constant 1 : i32
    %dma_start3A_64 = arith.constant 1 : i32
    %dma_start3A_65 = arith.constant 0 : i32
    %dma_start3A_66 = arith.constant 0 : i32
    %dma_start3A_67 = tpu.memref_slice %arg7[%dma_start3A_64, %dma_start3A_65, %dma_start3A_66] : memref<5x80x64xf32, #tpu.memory_space<vmem>> -> memref<1x80x64xf32, #tpu.memory_space<vmem>>
    %dma_start3A_68 = tpu.memref_squeeze %dma_start3A_67 : memref<1x80x64xf32, #tpu.memory_space<vmem>> -> memref<80x64xf32, #tpu.memory_space<vmem>>
    %dma_start3A_69 = arith.constant 0 : i32
    %dma_start3A_70 = tpu.memref_slice %arg5[%dma_start3A_63, %dma_start3A_69] : memref<250x80xi32, #tpu.memory_space<vmem>> -> memref<1x80xi32, #tpu.memory_space<vmem>>
    %dma_start3A_71 = tpu.memref_squeeze %dma_start3A_70 : memref<1x80xi32, #tpu.memory_space<vmem>> -> memref<80xi32, #tpu.memory_space<vmem>>
    %dma_start3A_72 = arith.constant 0 : i32
    %dma_start3A_73 = arith.constant 0 : i32
    %dma_start3A_74 = tpu.memref_slice %arg2[%dma_start3A_72, %dma_start3A_73] : memref<20000x64xf32, #tpu.memory_space<hbm>> -> memref<20000x64xf32, #tpu.memory_space<hbm>>
    tpu.enqueue_indirect_dma source(%dma_start3A_74 : memref<20000x64xf32, #tpu.memory_space<hbm>>) target(%dma_start3A_68 : memref<80x64xf32, #tpu.memory_space<vmem>>) offsets(%dma_start3A_71 : memref<80xi32, #tpu.memory_space<vmem>>) semaphore(%arg11 : memref<!tpu.dma_semaphore, #tpu.memory_space<semaphore_mem>>)
    %dma_start3A_75 = arith.constant 2 : i32
    %dma_start3A_76 = arith.constant 2 : i32
    %dma_start3A_77 = arith.constant 0 : i32
    %dma_start3A_78 = arith.constant 0 : i32
    %dma_start3A_79 = tpu.memref_slice %arg7[%dma_start3A_76, %dma_start3A_77, %dma_start3A_78] : memref<5x80x64xf32, #tpu.memory_space<vmem>> -> memref<1x80x64xf32, #tpu.memory_space<vmem>>
    %dma_start3A_80 = tpu.memref_squeeze %dma_start3A_79 : memref<1x80x64xf32, #tpu.memory_space<vmem>> -> memref<80x64xf32, #tpu.memory_space<vmem>>
    %dma_start3A_81 = arith.constant 0 : i32
    %dma_start3A_82 = tpu.memref_slice %arg5[%dma_start3A_75, %dma_start3A_81] : memref<250x80xi32, #tpu.memory_space<vmem>> -> memref<1x80xi32, #tpu.memory_space<vmem>>
    %dma_start3A_83 = tpu.memref_squeeze %dma_start3A_82 : memref<1x80xi32, #tpu.memory_space<vmem>> -> memref<80xi32, #tpu.memory_space<vmem>>
    %dma_start3A_84 = arith.constant 0 : i32
    %dma_start3A_85 = arith.constant 0 : i32
    %dma_start3A_86 = tpu.memref_slice %arg2[%dma_start3A_84, %dma_start3A_85] : memref<20000x64xf32, #tpu.memory_space<hbm>> -> memref<20000x64xf32, #tpu.memory_space<hbm>>
    tpu.enqueue_indirect_dma source(%dma_start3A_86 : memref<20000x64xf32, #tpu.memory_space<hbm>>) target(%dma_start3A_80 : memref<80x64xf32, #tpu.memory_space<vmem>>) offsets(%dma_start3A_83 : memref<80xi32, #tpu.memory_space<vmem>>) semaphore(%arg12 : memref<!tpu.dma_semaphore, #tpu.memory_space<semaphore_mem>>)
    %dma_start3A_87 = arith.constant 3 : i32
    %dma_start3A_88 = arith.constant 3 : i32
    %dma_start3A_89 = arith.constant 0 : i32
    %dma_start3A_90 = arith.constant 0 : i32
    %dma_start3A_91 = tpu.memref_slice %arg7[%dma_start3A_88, %dma_start3A_89, %dma_start3A_90] : memref<5x80x64xf32, #tpu.memory_space<vmem>> -> memref<1x80x64xf32, #tpu.memory_space<vmem>>
    %dma_start3A_92 = tpu.memref_squeeze %dma_start3A_91 : memref<1x80x64xf32, #tpu.memory_space<vmem>> -> memref<80x64xf32, #tpu.memory_space<vmem>>
    %dma_start3A_93 = arith.constant 0 : i32
    %dma_start3A_94 = tpu.memref_slice %arg5[%dma_start3A_87, %dma_start3A_93] : memref<250x80xi32, #tpu.memory_space<vmem>> -> memref<1x80xi32, #tpu.memory_space<vmem>>
    %dma_start3A_95 = tpu.memref_squeeze %dma_start3A_94 : memref<1x80xi32, #tpu.memory_space<vmem>> -> memref<80xi32, #tpu.memory_space<vmem>>
    %dma_start3A_96 = arith.constant 0 : i32
    %dma_start3A_97 = arith.constant 0 : i32
    %dma_start3A_98 = tpu.memref_slice %arg2[%dma_start3A_96, %dma_start3A_97] : memref<20000x64xf32, #tpu.memory_space<hbm>> -> memref<20000x64xf32, #tpu.memory_space<hbm>>
    tpu.enqueue_indirect_dma source(%dma_start3A_98 : memref<20000x64xf32, #tpu.memory_space<hbm>>) target(%dma_start3A_92 : memref<80x64xf32, #tpu.memory_space<vmem>>) offsets(%dma_start3A_95 : memref<80xi32, #tpu.memory_space<vmem>>) semaphore(%arg13 : memref<!tpu.dma_semaphore, #tpu.memory_space<semaphore_mem>>)
    %scan3A_99 = arith.constant 0 : i32
    %scan3A_100 = arith.constant 0 : i32
    %scan3A_101 = arith.constant 50 : i32
    %scan3A_102 = arith.addi %scan3A_100, %scan3A_101 : i32
    %scan3A_103 = arith.constant 1 : i32
    scf.for %scan3A_169 = %scan3A_100 to %scan3A_102 step %scan3A_103  : i32 {
      %mul3A_170 = arith.constant 5 : i32
      %mul3A_171 = arith.muli %scan3A_169, %mul3A_170 : i32
      %add3A_172 = arith.constant 0 : i32
      %add3A_173 = arith.addi %mul3A_171, %add3A_172 : i32
      %dma_wait3A_174 = arith.constant 0 : i32
      %dma_wait3A_175 = arith.constant 0 : i32
      %dma_wait3A_176 = arith.constant 0 : i32
      %dma_wait3A_177 = tpu.memref_slice %arg7[%dma_wait3A_174, %dma_wait3A_175, %dma_wait3A_176] : memref<5x80x64xf32, #tpu.memory_space<vmem>> -> memref<1x80x64xf32, #tpu.memory_space<vmem>>
      %dma_wait3A_178 = tpu.memref_squeeze %dma_wait3A_177 : memref<1x80x64xf32, #tpu.memory_space<vmem>> -> memref<80x64xf32, #tpu.memory_space<vmem>>
      %dma_wait3A_179 = arith.constant 0 : i32
      %dma_wait3A_180 = tpu.memref_slice %arg5[%add3A_173, %dma_wait3A_179] : memref<250x80xi32, #tpu.memory_space<vmem>> -> memref<1x80xi32, #tpu.memory_space<vmem>>
      %dma_wait3A_181 = tpu.memref_squeeze %dma_wait3A_180 : memref<1x80xi32, #tpu.memory_space<vmem>> -> memref<80xi32, #tpu.memory_space<vmem>>
      %dma_wait3A_182 = arith.constant 0 : i32
      %dma_wait3A_183 = arith.constant 0 : i32
      %dma_wait3A_184 = tpu.memref_slice %arg2[%dma_wait3A_182, %dma_wait3A_183] : memref<20000x64xf32, #tpu.memory_space<hbm>> -> memref<20000x64xf32, #tpu.memory_space<hbm>>
      tpu.wait_indirect_dma semaphore(%arg10 : memref<!tpu.dma_semaphore, #tpu.memory_space<semaphore_mem>>) src(%dma_wait3A_184 : memref<20000x64xf32, #tpu.memory_space<hbm>>) dst(%dma_wait3A_178 : memref<80x64xf32, #tpu.memory_space<vmem>>)
      %dma_start3A_185 = arith.constant 0 : i32
      %dma_start3A_186 = arith.constant 0 : i32
      %dma_start3A_187 = arith.constant 0 : i32
      %dma_start3A_188 = tpu.memref_slice %arg7[%dma_start3A_185, %dma_start3A_186, %dma_start3A_187] : memref<5x80x64xf32, #tpu.memory_space<vmem>> -> memref<1x80x64xf32, #tpu.memory_space<vmem>>
      %dma_start3A_189 = tpu.memref_squeeze %dma_start3A_188 : memref<1x80x64xf32, #tpu.memory_space<vmem>> -> memref<80x64xf32, #tpu.memory_space<vmem>>
      %dma_start3A_190 = arith.constant 0 : i32
      %dma_start3A_191 = tpu.memref_slice %arg6[%add3A_173, %dma_start3A_190] : memref<250x80xi32, #tpu.memory_space<vmem>> -> memref<1x80xi32, #tpu.memory_space<vmem>>
      %dma_start3A_192 = tpu.memref_squeeze %dma_start3A_191 : memref<1x80xi32, #tpu.memory_space<vmem>> -> memref<80xi32, #tpu.memory_space<vmem>>
      %dma_start3A_193 = arith.constant 0 : i32
      %dma_start3A_194 = arith.constant 0 : i32
      %dma_start3A_195 = tpu.memref_slice %arg9[%dma_start3A_193, %dma_start3A_194] : memref<10240x64xf32, #tpu.memory_space<vmem_shared>> -> memref<10240x64xf32, #tpu.memory_space<vmem_shared>>
      tpu.enqueue_indirect_dma source(%dma_start3A_189 : memref<80x64xf32, #tpu.memory_space<vmem>>) target(%dma_start3A_195 : memref<10240x64xf32, #tpu.memory_space<vmem_shared>>) offsets(%dma_start3A_192 : memref<80xi32, #tpu.memory_space<vmem>>) semaphore(%arg15 : memref<!tpu.dma_semaphore, #tpu.memory_space<semaphore_mem>>) {add = true}
      %add3A_196 = arith.constant 5 : i32
      %add3A_197 = arith.addi %add3A_173, %add3A_196 : i32
      %sub3A = arith.constant 1 : i32
      %sub3A_198 = arith.subi %add3A_197, %sub3A : i32
      %lt3A = arith.constant 250 : i32
      %lt3A_199 = arith.cmpi slt, %sub3A_198, %lt3A : i32
      %convert_element_type3A = arith.extui %lt3A_199 : i1 to i32
      %cond3A = arith.constant 0 : i32
      %cond3A_200 = arith.cmpi ne, %convert_element_type3A, %cond3A : i32
      scf.if %cond3A_200 {
        %gt3A = arith.constant 0 : i32
        %gt3A_333 = arith.cmpi sgt, %add3A_173, %gt3A : i32
        %convert_element_type3A_334 = arith.extui %gt3A_333 : i1 to i32
        %cond3A_335 = arith.constant 0 : i32
        %cond3A_336 = arith.cmpi ne, %convert_element_type3A_334, %cond3A_335 : i32
        scf.if %cond3A_336 {
          %sub3A_348 = arith.constant 1 : i32
          %sub3A_349 = arith.subi %add3A_173, %sub3A_348 : i32
          %dma_wait3A_350 = arith.constant 4 : i32
          %dma_wait3A_351 = arith.constant 0 : i32
          %dma_wait3A_352 = arith.constant 0 : i32
          %dma_wait3A_353 = tpu.memref_slice %arg7[%dma_wait3A_350, %dma_wait3A_351, %dma_wait3A_352] : memref<5x80x64xf32, #tpu.memory_space<vmem>> -> memref<1x80x64xf32, #tpu.memory_space<vmem>>
          %dma_wait3A_354 = tpu.memref_squeeze %dma_wait3A_353 : memref<1x80x64xf32, #tpu.memory_space<vmem>> -> memref<80x64xf32, #tpu.memory_space<vmem>>
          %dma_wait3A_355 = arith.constant 0 : i32
          %dma_wait3A_356 = tpu.memref_slice %arg6[%sub3A_349, %dma_wait3A_355] : memref<250x80xi32, #tpu.memory_space<vmem>> -> memref<1x80xi32, #tpu.memory_space<vmem>>
          %dma_wait3A_357 = tpu.memref_squeeze %dma_wait3A_356 : memref<1x80xi32, #tpu.memory_space<vmem>> -> memref<80xi32, #tpu.memory_space<vmem>>
          %dma_wait3A_358 = arith.constant 0 : i32
          %dma_wait3A_359 = arith.constant 0 : i32
          %dma_wait3A_360 = tpu.memref_slice %arg9[%dma_wait3A_358, %dma_wait3A_359] : memref<10240x64xf32, #tpu.memory_space<vmem_shared>> -> memref<10240x64xf32, #tpu.memory_space<vmem_shared>>
          tpu.wait_indirect_dma semaphore(%arg19 : memref<!tpu.dma_semaphore, #tpu.memory_space<semaphore_mem>>) src(%dma_wait3A_354 : memref<80x64xf32, #tpu.memory_space<vmem>>) dst(%dma_wait3A_360 : memref<10240x64xf32, #tpu.memory_space<vmem_shared>>)
        } else {
        }
        %dma_start3A_337 = arith.constant 4 : i32
        %dma_start3A_338 = arith.constant 0 : i32
        %dma_start3A_339 = arith.constant 0 : i32
        %dma_start3A_340 = tpu.memref_slice %arg7[%dma_start3A_337, %dma_start3A_338, %dma_start3A_339] : memref<5x80x64xf32, #tpu.memory_space<vmem>> -> memref<1x80x64xf32, #tpu.memory_space<vmem>>
        %dma_start3A_341 = tpu.memref_squeeze %dma_start3A_340 : memref<1x80x64xf32, #tpu.memory_space<vmem>> -> memref<80x64xf32, #tpu.memory_space<vmem>>
        %dma_start3A_342 = arith.constant 0 : i32
        %dma_start3A_343 = tpu.memref_slice %arg5[%sub3A_198, %dma_start3A_342] : memref<250x80xi32, #tpu.memory_space<vmem>> -> memref<1x80xi32, #tpu.memory_space<vmem>>
        %dma_start3A_344 = tpu.memref_squeeze %dma_start3A_343 : memref<1x80xi32, #tpu.memory_space<vmem>> -> memref<80xi32, #tpu.memory_space<vmem>>
        %dma_start3A_345 = arith.constant 0 : i32
        %dma_start3A_346 = arith.constant 0 : i32
        %dma_start3A_347 = tpu.memref_slice %arg2[%dma_start3A_345, %dma_start3A_346] : memref<20000x64xf32, #tpu.memory_space<hbm>> -> memref<20000x64xf32, #tpu.memory_space<hbm>>
        tpu.enqueue_indirect_dma source(%dma_start3A_347 : memref<20000x64xf32, #tpu.memory_space<hbm>>) target(%dma_start3A_341 : memref<80x64xf32, #tpu.memory_space<vmem>>) offsets(%dma_start3A_344 : memref<80xi32, #tpu.memory_space<vmem>>) semaphore(%arg14 : memref<!tpu.dma_semaphore, #tpu.memory_space<semaphore_mem>>)
      } else {
      }
      %add3A_201 = arith.constant 1 : i32
      %add3A_202 = arith.addi %mul3A_171, %add3A_201 : i32
      %dma_wait3A_203 = arith.constant 1 : i32
      %dma_wait3A_204 = arith.constant 0 : i32
      %dma_wait3A_205 = arith.constant 0 : i32
      %dma_wait3A_206 = tpu.memref_slice %arg7[%dma_wait3A_203, %dma_wait3A_204, %dma_wait3A_205] : memref<5x80x64xf32, #tpu.memory_space<vmem>> -> memref<1x80x64xf32, #tpu.memory_space<vmem>>
      %dma_wait3A_207 = tpu.memref_squeeze %dma_wait3A_206 : memref<1x80x64xf32, #tpu.memory_space<vmem>> -> memref<80x64xf32, #tpu.memory_space<vmem>>
      %dma_wait3A_208 = arith.constant 0 : i32
      %dma_wait3A_209 = tpu.memref_slice %arg5[%add3A_202, %dma_wait3A_208] : memref<250x80xi32, #tpu.memory_space<vmem>> -> memref<1x80xi32, #tpu.memory_space<vmem>>
      %dma_wait3A_210 = tpu.memref_squeeze %dma_wait3A_209 : memref<1x80xi32, #tpu.memory_space<vmem>> -> memref<80xi32, #tpu.memory_space<vmem>>
      %dma_wait3A_211 = arith.constant 0 : i32
      %dma_wait3A_212 = arith.constant 0 : i32
      %dma_wait3A_213 = tpu.memref_slice %arg2[%dma_wait3A_211, %dma_wait3A_212] : memref<20000x64xf32, #tpu.memory_space<hbm>> -> memref<20000x64xf32, #tpu.memory_space<hbm>>
      tpu.wait_indirect_dma semaphore(%arg11 : memref<!tpu.dma_semaphore, #tpu.memory_space<semaphore_mem>>) src(%dma_wait3A_213 : memref<20000x64xf32, #tpu.memory_space<hbm>>) dst(%dma_wait3A_207 : memref<80x64xf32, #tpu.memory_space<vmem>>)
      %dma_start3A_214 = arith.constant 1 : i32
      %dma_start3A_215 = arith.constant 0 : i32
      %dma_start3A_216 = arith.constant 0 : i32
      %dma_start3A_217 = tpu.memref_slice %arg7[%dma_start3A_214, %dma_start3A_215, %dma_start3A_216] : memref<5x80x64xf32, #tpu.memory_space<vmem>> -> memref<1x80x64xf32, #tpu.memory_space<vmem>>
      %dma_start3A_218 = tpu.memref_squeeze %dma_start3A_217 : memref<1x80x64xf32, #tpu.memory_space<vmem>> -> memref<80x64xf32, #tpu.memory_space<vmem>>
      %dma_start3A_219 = arith.constant 0 : i32
      %dma_start3A_220 = tpu.memref_slice %arg6[%add3A_202, %dma_start3A_219] : memref<250x80xi32, #tpu.memory_space<vmem>> -> memref<1x80xi32, #tpu.memory_space<vmem>>
      %dma_start3A_221 = tpu.memref_squeeze %dma_start3A_220 : memref<1x80xi32, #tpu.memory_space<vmem>> -> memref<80xi32, #tpu.memory_space<vmem>>
      %dma_start3A_222 = arith.constant 0 : i32
      %dma_start3A_223 = arith.constant 0 : i32
      %dma_start3A_224 = tpu.memref_slice %arg9[%dma_start3A_222, %dma_start3A_223] : memref<10240x64xf32, #tpu.memory_space<vmem_shared>> -> memref<10240x64xf32, #tpu.memory_space<vmem_shared>>
      tpu.enqueue_indirect_dma source(%dma_start3A_218 : memref<80x64xf32, #tpu.memory_space<vmem>>) target(%dma_start3A_224 : memref<10240x64xf32, #tpu.memory_space<vmem_shared>>) offsets(%dma_start3A_221 : memref<80xi32, #tpu.memory_space<vmem>>) semaphore(%arg16 : memref<!tpu.dma_semaphore, #tpu.memory_space<semaphore_mem>>) {add = true}
      %add3A_225 = arith.constant 5 : i32
      %add3A_226 = arith.addi %add3A_202, %add3A_225 : i32
      %sub3A_227 = arith.constant 1 : i32
      %sub3A_228 = arith.subi %add3A_226, %sub3A_227 : i32
      %lt3A_229 = arith.constant 250 : i32
      %lt3A_230 = arith.cmpi slt, %sub3A_228, %lt3A_229 : i32
      %convert_element_type3A_231 = arith.extui %lt3A_230 : i1 to i32
      %cond3A_232 = arith.constant 0 : i32
      %cond3A_233 = arith.cmpi ne, %convert_element_type3A_231, %cond3A_232 : i32
      scf.if %cond3A_233 {
        %gt3A = arith.constant 0 : i32
        %gt3A_333 = arith.cmpi sgt, %add3A_202, %gt3A : i32
        %convert_element_type3A_334 = arith.extui %gt3A_333 : i1 to i32
        %cond3A_335 = arith.constant 0 : i32
        %cond3A_336 = arith.cmpi ne, %convert_element_type3A_334, %cond3A_335 : i32
        scf.if %cond3A_336 {
          %sub3A_348 = arith.constant 1 : i32
          %sub3A_349 = arith.subi %add3A_202, %sub3A_348 : i32
          %dma_wait3A_350 = arith.constant 0 : i32
          %dma_wait3A_351 = arith.constant 0 : i32
          %dma_wait3A_352 = arith.constant 0 : i32
          %dma_wait3A_353 = tpu.memref_slice %arg7[%dma_wait3A_350, %dma_wait3A_351, %dma_wait3A_352] : memref<5x80x64xf32, #tpu.memory_space<vmem>> -> memref<1x80x64xf32, #tpu.memory_space<vmem>>
          %dma_wait3A_354 = tpu.memref_squeeze %dma_wait3A_353 : memref<1x80x64xf32, #tpu.memory_space<vmem>> -> memref<80x64xf32, #tpu.memory_space<vmem>>
          %dma_wait3A_355 = arith.constant 0 : i32
          %dma_wait3A_356 = tpu.memref_slice %arg6[%sub3A_349, %dma_wait3A_355] : memref<250x80xi32, #tpu.memory_space<vmem>> -> memref<1x80xi32, #tpu.memory_space<vmem>>
          %dma_wait3A_357 = tpu.memref_squeeze %dma_wait3A_356 : memref<1x80xi32, #tpu.memory_space<vmem>> -> memref<80xi32, #tpu.memory_space<vmem>>
          %dma_wait3A_358 = arith.constant 0 : i32
          %dma_wait3A_359 = arith.constant 0 : i32
          %dma_wait3A_360 = tpu.memref_slice %arg9[%dma_wait3A_358, %dma_wait3A_359] : memref<10240x64xf32, #tpu.memory_space<vmem_shared>> -> memref<10240x64xf32, #tpu.memory_space<vmem_shared>>
          tpu.wait_indirect_dma semaphore(%arg15 : memref<!tpu.dma_semaphore, #tpu.memory_space<semaphore_mem>>) src(%dma_wait3A_354 : memref<80x64xf32, #tpu.memory_space<vmem>>) dst(%dma_wait3A_360 : memref<10240x64xf32, #tpu.memory_space<vmem_shared>>)
        } else {
        }
        %dma_start3A_337 = arith.constant 0 : i32
        %dma_start3A_338 = arith.constant 0 : i32
        %dma_start3A_339 = arith.constant 0 : i32
        %dma_start3A_340 = tpu.memref_slice %arg7[%dma_start3A_337, %dma_start3A_338, %dma_start3A_339] : memref<5x80x64xf32, #tpu.memory_space<vmem>> -> memref<1x80x64xf32, #tpu.memory_space<vmem>>
        %dma_start3A_341 = tpu.memref_squeeze %dma_start3A_340 : memref<1x80x64xf32, #tpu.memory_space<vmem>> -> memref<80x64xf32, #tpu.memory_space<vmem>>
        %dma_start3A_342 = arith.constant 0 : i32
        %dma_start3A_343 = tpu.memref_slice %arg5[%sub3A_228, %dma_start3A_342] : memref<250x80xi32, #tpu.memory_space<vmem>> -> memref<1x80xi32, #tpu.memory_space<vmem>>
        %dma_start3A_344 = tpu.memref_squeeze %dma_start3A_343 : memref<1x80xi32, #tpu.memory_space<vmem>> -> memref<80xi32, #tpu.memory_space<vmem>>
        %dma_start3A_345 = arith.constant 0 : i32
        %dma_start3A_346 = arith.constant 0 : i32
        %dma_start3A_347 = tpu.memref_slice %arg2[%dma_start3A_345, %dma_start3A_346] : memref<20000x64xf32, #tpu.memory_space<hbm>> -> memref<20000x64xf32, #tpu.memory_space<hbm>>
        tpu.enqueue_indirect_dma source(%dma_start3A_347 : memref<20000x64xf32, #tpu.memory_space<hbm>>) target(%dma_start3A_341 : memref<80x64xf32, #tpu.memory_space<vmem>>) offsets(%dma_start3A_344 : memref<80xi32, #tpu.memory_space<vmem>>) semaphore(%arg10 : memref<!tpu.dma_semaphore, #tpu.memory_space<semaphore_mem>>)
      } else {
      }
      %add3A_234 = arith.constant 2 : i32
      %add3A_235 = arith.addi %mul3A_171, %add3A_234 : i32
      %dma_wait3A_236 = arith.constant 2 : i32
      %dma_wait3A_237 = arith.constant 0 : i32
      %dma_wait3A_238 = arith.constant 0 : i32
      %dma_wait3A_239 = tpu.memref_slice %arg7[%dma_wait3A_236, %dma_wait3A_237, %dma_wait3A_238] : memref<5x80x64xf32, #tpu.memory_space<vmem>> -> memref<1x80x64xf32, #tpu.memory_space<vmem>>
      %dma_wait3A_240 = tpu.memref_squeeze %dma_wait3A_239 : memref<1x80x64xf32, #tpu.memory_space<vmem>> -> memref<80x64xf32, #tpu.memory_space<vmem>>
      %dma_wait3A_241 = arith.constant 0 : i32
      %dma_wait3A_242 = tpu.memref_slice %arg5[%add3A_235, %dma_wait3A_241] : memref<250x80xi32, #tpu.memory_space<vmem>> -> memref<1x80xi32, #tpu.memory_space<vmem>>
      %dma_wait3A_243 = tpu.memref_squeeze %dma_wait3A_242 : memref<1x80xi32, #tpu.memory_space<vmem>> -> memref<80xi32, #tpu.memory_space<vmem>>
      %dma_wait3A_244 = arith.constant 0 : i32
      %dma_wait3A_245 = arith.constant 0 : i32
      %dma_wait3A_246 = tpu.memref_slice %arg2[%dma_wait3A_244, %dma_wait3A_245] : memref<20000x64xf32, #tpu.memory_space<hbm>> -> memref<20000x64xf32, #tpu.memory_space<hbm>>
      tpu.wait_indirect_dma semaphore(%arg12 : memref<!tpu.dma_semaphore, #tpu.memory_space<semaphore_mem>>) src(%dma_wait3A_246 : memref<20000x64xf32, #tpu.memory_space<hbm>>) dst(%dma_wait3A_240 : memref<80x64xf32, #tpu.memory_space<vmem>>)
      %dma_start3A_247 = arith.constant 2 : i32
      %dma_start3A_248 = arith.constant 0 : i32
      %dma_start3A_249 = arith.constant 0 : i32
      %dma_start3A_250 = tpu.memref_slice %arg7[%dma_start3A_247, %dma_start3A_248, %dma_start3A_249] : memref<5x80x64xf32, #tpu.memory_space<vmem>> -> memref<1x80x64xf32, #tpu.memory_space<vmem>>
      %dma_start3A_251 = tpu.memref_squeeze %dma_start3A_250 : memref<1x80x64xf32, #tpu.memory_space<vmem>> -> memref<80x64xf32, #tpu.memory_space<vmem>>
      %dma_start3A_252 = arith.constant 0 : i32
      %dma_start3A_253 = tpu.memref_slice %arg6[%add3A_235, %dma_start3A_252] : memref<250x80xi32, #tpu.memory_space<vmem>> -> memref<1x80xi32, #tpu.memory_space<vmem>>
      %dma_start3A_254 = tpu.memref_squeeze %dma_start3A_253 : memref<1x80xi32, #tpu.memory_space<vmem>> -> memref<80xi32, #tpu.memory_space<vmem>>
      %dma_start3A_255 = arith.constant 0 : i32
      %dma_start3A_256 = arith.constant 0 : i32
      %dma_start3A_257 = tpu.memref_slice %arg9[%dma_start3A_255, %dma_start3A_256] : memref<10240x64xf32, #tpu.memory_space<vmem_shared>> -> memref<10240x64xf32, #tpu.memory_space<vmem_shared>>
      tpu.enqueue_indirect_dma source(%dma_start3A_251 : memref<80x64xf32, #tpu.memory_space<vmem>>) target(%dma_start3A_257 : memref<10240x64xf32, #tpu.memory_space<vmem_shared>>) offsets(%dma_start3A_254 : memref<80xi32, #tpu.memory_space<vmem>>) semaphore(%arg17 : memref<!tpu.dma_semaphore, #tpu.memory_space<semaphore_mem>>) {add = true}
      %add3A_258 = arith.constant 5 : i32
      %add3A_259 = arith.addi %add3A_235, %add3A_258 : i32
      %sub3A_260 = arith.constant 1 : i32
      %sub3A_261 = arith.subi %add3A_259, %sub3A_260 : i32
      %lt3A_262 = arith.constant 250 : i32
      %lt3A_263 = arith.cmpi slt, %sub3A_261, %lt3A_262 : i32
      %convert_element_type3A_264 = arith.extui %lt3A_263 : i1 to i32
      %cond3A_265 = arith.constant 0 : i32
      %cond3A_266 = arith.cmpi ne, %convert_element_type3A_264, %cond3A_265 : i32
      scf.if %cond3A_266 {
        %gt3A = arith.constant 0 : i32
        %gt3A_333 = arith.cmpi sgt, %add3A_235, %gt3A : i32
        %convert_element_type3A_334 = arith.extui %gt3A_333 : i1 to i32
        %cond3A_335 = arith.constant 0 : i32
        %cond3A_336 = arith.cmpi ne, %convert_element_type3A_334, %cond3A_335 : i32
        scf.if %cond3A_336 {
          %sub3A_348 = arith.constant 1 : i32
          %sub3A_349 = arith.subi %add3A_235, %sub3A_348 : i32
          %dma_wait3A_350 = arith.constant 1 : i32
          %dma_wait3A_351 = arith.constant 0 : i32
          %dma_wait3A_352 = arith.constant 0 : i32
          %dma_wait3A_353 = tpu.memref_slice %arg7[%dma_wait3A_350, %dma_wait3A_351, %dma_wait3A_352] : memref<5x80x64xf32, #tpu.memory_space<vmem>> -> memref<1x80x64xf32, #tpu.memory_space<vmem>>
          %dma_wait3A_354 = tpu.memref_squeeze %dma_wait3A_353 : memref<1x80x64xf32, #tpu.memory_space<vmem>> -> memref<80x64xf32, #tpu.memory_space<vmem>>
          %dma_wait3A_355 = arith.constant 0 : i32
          %dma_wait3A_356 = tpu.memref_slice %arg6[%sub3A_349, %dma_wait3A_355] : memref<250x80xi32, #tpu.memory_space<vmem>> -> memref<1x80xi32, #tpu.memory_space<vmem>>
          %dma_wait3A_357 = tpu.memref_squeeze %dma_wait3A_356 : memref<1x80xi32, #tpu.memory_space<vmem>> -> memref<80xi32, #tpu.memory_space<vmem>>
          %dma_wait3A_358 = arith.constant 0 : i32
          %dma_wait3A_359 = arith.constant 0 : i32
          %dma_wait3A_360 = tpu.memref_slice %arg9[%dma_wait3A_358, %dma_wait3A_359] : memref<10240x64xf32, #tpu.memory_space<vmem_shared>> -> memref<10240x64xf32, #tpu.memory_space<vmem_shared>>
          tpu.wait_indirect_dma semaphore(%arg16 : memref<!tpu.dma_semaphore, #tpu.memory_space<semaphore_mem>>) src(%dma_wait3A_354 : memref<80x64xf32, #tpu.memory_space<vmem>>) dst(%dma_wait3A_360 : memref<10240x64xf32, #tpu.memory_space<vmem_shared>>)
        } else {
        }
        %dma_start3A_337 = arith.constant 1 : i32
        %dma_start3A_338 = arith.constant 0 : i32
        %dma_start3A_339 = arith.constant 0 : i32
        %dma_start3A_340 = tpu.memref_slice %arg7[%dma_start3A_337, %dma_start3A_338, %dma_start3A_339] : memref<5x80x64xf32, #tpu.memory_space<vmem>> -> memref<1x80x64xf32, #tpu.memory_space<vmem>>
        %dma_start3A_341 = tpu.memref_squeeze %dma_start3A_340 : memref<1x80x64xf32, #tpu.memory_space<vmem>> -> memref<80x64xf32, #tpu.memory_space<vmem>>
        %dma_start3A_342 = arith.constant 0 : i32
        %dma_start3A_343 = tpu.memref_slice %arg5[%sub3A_261, %dma_start3A_342] : memref<250x80xi32, #tpu.memory_space<vmem>> -> memref<1x80xi32, #tpu.memory_space<vmem>>
        %dma_start3A_344 = tpu.memref_squeeze %dma_start3A_343 : memref<1x80xi32, #tpu.memory_space<vmem>> -> memref<80xi32, #tpu.memory_space<vmem>>
        %dma_start3A_345 = arith.constant 0 : i32
        %dma_start3A_346 = arith.constant 0 : i32
        %dma_start3A_347 = tpu.memref_slice %arg2[%dma_start3A_345, %dma_start3A_346] : memref<20000x64xf32, #tpu.memory_space<hbm>> -> memref<20000x64xf32, #tpu.memory_space<hbm>>
        tpu.enqueue_indirect_dma source(%dma_start3A_347 : memref<20000x64xf32, #tpu.memory_space<hbm>>) target(%dma_start3A_341 : memref<80x64xf32, #tpu.memory_space<vmem>>) offsets(%dma_start3A_344 : memref<80xi32, #tpu.memory_space<vmem>>) semaphore(%arg11 : memref<!tpu.dma_semaphore, #tpu.memory_space<semaphore_mem>>)
      } else {
      }
      %add3A_267 = arith.constant 3 : i32
      %add3A_268 = arith.addi %mul3A_171, %add3A_267 : i32
      %dma_wait3A_269 = arith.constant 3 : i32
      %dma_wait3A_270 = arith.constant 0 : i32
      %dma_wait3A_271 = arith.constant 0 : i32
      %dma_wait3A_272 = tpu.memref_slice %arg7[%dma_wait3A_269, %dma_wait3A_270, %dma_wait3A_271] : memref<5x80x64xf32, #tpu.memory_space<vmem>> -> memref<1x80x64xf32, #tpu.memory_space<vmem>>
      %dma_wait3A_273 = tpu.memref_squeeze %dma_wait3A_272 : memref<1x80x64xf32, #tpu.memory_space<vmem>> -> memref<80x64xf32, #tpu.memory_space<vmem>>
      %dma_wait3A_274 = arith.constant 0 : i32
      %dma_wait3A_275 = tpu.memref_slice %arg5[%add3A_268, %dma_wait3A_274] : memref<250x80xi32, #tpu.memory_space<vmem>> -> memref<1x80xi32, #tpu.memory_space<vmem>>
      %dma_wait3A_276 = tpu.memref_squeeze %dma_wait3A_275 : memref<1x80xi32, #tpu.memory_space<vmem>> -> memref<80xi32, #tpu.memory_space<vmem>>
      %dma_wait3A_277 = arith.constant 0 : i32
      %dma_wait3A_278 = arith.constant 0 : i32
      %dma_wait3A_279 = tpu.memref_slice %arg2[%dma_wait3A_277, %dma_wait3A_278] : memref<20000x64xf32, #tpu.memory_space<hbm>> -> memref<20000x64xf32, #tpu.memory_space<hbm>>
      tpu.wait_indirect_dma semaphore(%arg13 : memref<!tpu.dma_semaphore, #tpu.memory_space<semaphore_mem>>) src(%dma_wait3A_279 : memref<20000x64xf32, #tpu.memory_space<hbm>>) dst(%dma_wait3A_273 : memref<80x64xf32, #tpu.memory_space<vmem>>)
      %dma_start3A_280 = arith.constant 3 : i32
      %dma_start3A_281 = arith.constant 0 : i32
      %dma_start3A_282 = arith.constant 0 : i32
      %dma_start3A_283 = tpu.memref_slice %arg7[%dma_start3A_280, %dma_start3A_281, %dma_start3A_282] : memref<5x80x64xf32, #tpu.memory_space<vmem>> -> memref<1x80x64xf32, #tpu.memory_space<vmem>>
      %dma_start3A_284 = tpu.memref_squeeze %dma_start3A_283 : memref<1x80x64xf32, #tpu.memory_space<vmem>> -> memref<80x64xf32, #tpu.memory_space<vmem>>
      %dma_start3A_285 = arith.constant 0 : i32
      %dma_start3A_286 = tpu.memref_slice %arg6[%add3A_268, %dma_start3A_285] : memref<250x80xi32, #tpu.memory_space<vmem>> -> memref<1x80xi32, #tpu.memory_space<vmem>>
      %dma_start3A_287 = tpu.memref_squeeze %dma_start3A_286 : memref<1x80xi32, #tpu.memory_space<vmem>> -> memref<80xi32, #tpu.memory_space<vmem>>
      %dma_start3A_288 = arith.constant 0 : i32
      %dma_start3A_289 = arith.constant 0 : i32
      %dma_start3A_290 = tpu.memref_slice %arg9[%dma_start3A_288, %dma_start3A_289] : memref<10240x64xf32, #tpu.memory_space<vmem_shared>> -> memref<10240x64xf32, #tpu.memory_space<vmem_shared>>
      tpu.enqueue_indirect_dma source(%dma_start3A_284 : memref<80x64xf32, #tpu.memory_space<vmem>>) target(%dma_start3A_290 : memref<10240x64xf32, #tpu.memory_space<vmem_shared>>) offsets(%dma_start3A_287 : memref<80xi32, #tpu.memory_space<vmem>>) semaphore(%arg18 : memref<!tpu.dma_semaphore, #tpu.memory_space<semaphore_mem>>) {add = true}
      %add3A_291 = arith.constant 5 : i32
      %add3A_292 = arith.addi %add3A_268, %add3A_291 : i32
      %sub3A_293 = arith.constant 1 : i32
      %sub3A_294 = arith.subi %add3A_292, %sub3A_293 : i32
      %lt3A_295 = arith.constant 250 : i32
      %lt3A_296 = arith.cmpi slt, %sub3A_294, %lt3A_295 : i32
      %convert_element_type3A_297 = arith.extui %lt3A_296 : i1 to i32
      %cond3A_298 = arith.constant 0 : i32
      %cond3A_299 = arith.cmpi ne, %convert_element_type3A_297, %cond3A_298 : i32
      scf.if %cond3A_299 {
        %gt3A = arith.constant 0 : i32
        %gt3A_333 = arith.cmpi sgt, %add3A_268, %gt3A : i32
        %convert_element_type3A_334 = arith.extui %gt3A_333 : i1 to i32
        %cond3A_335 = arith.constant 0 : i32
        %cond3A_336 = arith.cmpi ne, %convert_element_type3A_334, %cond3A_335 : i32
        scf.if %cond3A_336 {
          %sub3A_348 = arith.constant 1 : i32
          %sub3A_349 = arith.subi %add3A_268, %sub3A_348 : i32
          %dma_wait3A_350 = arith.constant 2 : i32
          %dma_wait3A_351 = arith.constant 0 : i32
          %dma_wait3A_352 = arith.constant 0 : i32
          %dma_wait3A_353 = tpu.memref_slice %arg7[%dma_wait3A_350, %dma_wait3A_351, %dma_wait3A_352] : memref<5x80x64xf32, #tpu.memory_space<vmem>> -> memref<1x80x64xf32, #tpu.memory_space<vmem>>
          %dma_wait3A_354 = tpu.memref_squeeze %dma_wait3A_353 : memref<1x80x64xf32, #tpu.memory_space<vmem>> -> memref<80x64xf32, #tpu.memory_space<vmem>>
          %dma_wait3A_355 = arith.constant 0 : i32
          %dma_wait3A_356 = tpu.memref_slice %arg6[%sub3A_349, %dma_wait3A_355] : memref<250x80xi32, #tpu.memory_space<vmem>> -> memref<1x80xi32, #tpu.memory_space<vmem>>
          %dma_wait3A_357 = tpu.memref_squeeze %dma_wait3A_356 : memref<1x80xi32, #tpu.memory_space<vmem>> -> memref<80xi32, #tpu.memory_space<vmem>>
          %dma_wait3A_358 = arith.constant 0 : i32
          %dma_wait3A_359 = arith.constant 0 : i32
          %dma_wait3A_360 = tpu.memref_slice %arg9[%dma_wait3A_358, %dma_wait3A_359] : memref<10240x64xf32, #tpu.memory_space<vmem_shared>> -> memref<10240x64xf32, #tpu.memory_space<vmem_shared>>
          tpu.wait_indirect_dma semaphore(%arg17 : memref<!tpu.dma_semaphore, #tpu.memory_space<semaphore_mem>>) src(%dma_wait3A_354 : memref<80x64xf32, #tpu.memory_space<vmem>>) dst(%dma_wait3A_360 : memref<10240x64xf32, #tpu.memory_space<vmem_shared>>)
        } else {
        }
        %dma_start3A_337 = arith.constant 2 : i32
        %dma_start3A_338 = arith.constant 0 : i32
        %dma_start3A_339 = arith.constant 0 : i32
        %dma_start3A_340 = tpu.memref_slice %arg7[%dma_start3A_337, %dma_start3A_338, %dma_start3A_339] : memref<5x80x64xf32, #tpu.memory_space<vmem>> -> memref<1x80x64xf32, #tpu.memory_space<vmem>>
        %dma_start3A_341 = tpu.memref_squeeze %dma_start3A_340 : memref<1x80x64xf32, #tpu.memory_space<vmem>> -> memref<80x64xf32, #tpu.memory_space<vmem>>
        %dma_start3A_342 = arith.constant 0 : i32
        %dma_start3A_343 = tpu.memref_slice %arg5[%sub3A_294, %dma_start3A_342] : memref<250x80xi32, #tpu.memory_space<vmem>> -> memref<1x80xi32, #tpu.memory_space<vmem>>
        %dma_start3A_344 = tpu.memref_squeeze %dma_start3A_343 : memref<1x80xi32, #tpu.memory_space<vmem>> -> memref<80xi32, #tpu.memory_space<vmem>>
        %dma_start3A_345 = arith.constant 0 : i32
        %dma_start3A_346 = arith.constant 0 : i32
        %dma_start3A_347 = tpu.memref_slice %arg2[%dma_start3A_345, %dma_start3A_346] : memref<20000x64xf32, #tpu.memory_space<hbm>> -> memref<20000x64xf32, #tpu.memory_space<hbm>>
        tpu.enqueue_indirect_dma source(%dma_start3A_347 : memref<20000x64xf32, #tpu.memory_space<hbm>>) target(%dma_start3A_341 : memref<80x64xf32, #tpu.memory_space<vmem>>) offsets(%dma_start3A_344 : memref<80xi32, #tpu.memory_space<vmem>>) semaphore(%arg12 : memref<!tpu.dma_semaphore, #tpu.memory_space<semaphore_mem>>)
      } else {
      }
      %add3A_300 = arith.constant 4 : i32
      %add3A_301 = arith.addi %mul3A_171, %add3A_300 : i32
      %dma_wait3A_302 = arith.constant 4 : i32
      %dma_wait3A_303 = arith.constant 0 : i32
      %dma_wait3A_304 = arith.constant 0 : i32
      %dma_wait3A_305 = tpu.memref_slice %arg7[%dma_wait3A_302, %dma_wait3A_303, %dma_wait3A_304] : memref<5x80x64xf32, #tpu.memory_space<vmem>> -> memref<1x80x64xf32, #tpu.memory_space<vmem>>
      %dma_wait3A_306 = tpu.memref_squeeze %dma_wait3A_305 : memref<1x80x64xf32, #tpu.memory_space<vmem>> -> memref<80x64xf32, #tpu.memory_space<vmem>>
      %dma_wait3A_307 = arith.constant 0 : i32
      %dma_wait3A_308 = tpu.memref_slice %arg5[%add3A_301, %dma_wait3A_307] : memref<250x80xi32, #tpu.memory_space<vmem>> -> memref<1x80xi32, #tpu.memory_space<vmem>>
      %dma_wait3A_309 = tpu.memref_squeeze %dma_wait3A_308 : memref<1x80xi32, #tpu.memory_space<vmem>> -> memref<80xi32, #tpu.memory_space<vmem>>
      %dma_wait3A_310 = arith.constant 0 : i32
      %dma_wait3A_311 = arith.constant 0 : i32
      %dma_wait3A_312 = tpu.memref_slice %arg2[%dma_wait3A_310, %dma_wait3A_311] : memref<20000x64xf32, #tpu.memory_space<hbm>> -> memref<20000x64xf32, #tpu.memory_space<hbm>>
      tpu.wait_indirect_dma semaphore(%arg14 : memref<!tpu.dma_semaphore, #tpu.memory_space<semaphore_mem>>) src(%dma_wait3A_312 : memref<20000x64xf32, #tpu.memory_space<hbm>>) dst(%dma_wait3A_306 : memref<80x64xf32, #tpu.memory_space<vmem>>)
      %dma_start3A_313 = arith.constant 4 : i32
      %dma_start3A_314 = arith.constant 0 : i32
      %dma_start3A_315 = arith.constant 0 : i32
      %dma_start3A_316 = tpu.memref_slice %arg7[%dma_start3A_313, %dma_start3A_314, %dma_start3A_315] : memref<5x80x64xf32, #tpu.memory_space<vmem>> -> memref<1x80x64xf32, #tpu.memory_space<vmem>>
      %dma_start3A_317 = tpu.memref_squeeze %dma_start3A_316 : memref<1x80x64xf32, #tpu.memory_space<vmem>> -> memref<80x64xf32, #tpu.memory_space<vmem>>
      %dma_start3A_318 = arith.constant 0 : i32
      %dma_start3A_319 = tpu.memref_slice %arg6[%add3A_301, %dma_start3A_318] : memref<250x80xi32, #tpu.memory_space<vmem>> -> memref<1x80xi32, #tpu.memory_space<vmem>>
      %dma_start3A_320 = tpu.memref_squeeze %dma_start3A_319 : memref<1x80xi32, #tpu.memory_space<vmem>> -> memref<80xi32, #tpu.memory_space<vmem>>
      %dma_start3A_321 = arith.constant 0 : i32
      %dma_start3A_322 = arith.constant 0 : i32
      %dma_start3A_323 = tpu.memref_slice %arg9[%dma_start3A_321, %dma_start3A_322] : memref<10240x64xf32, #tpu.memory_space<vmem_shared>> -> memref<10240x64xf32, #tpu.memory_space<vmem_shared>>
      tpu.enqueue_indirect_dma source(%dma_start3A_317 : memref<80x64xf32, #tpu.memory_space<vmem>>) target(%dma_start3A_323 : memref<10240x64xf32, #tpu.memory_space<vmem_shared>>) offsets(%dma_start3A_320 : memref<80xi32, #tpu.memory_space<vmem>>) semaphore(%arg19 : memref<!tpu.dma_semaphore, #tpu.memory_space<semaphore_mem>>) {add = true}
      %add3A_324 = arith.constant 5 : i32
      %add3A_325 = arith.addi %add3A_301, %add3A_324 : i32
      %sub3A_326 = arith.constant 1 : i32
      %sub3A_327 = arith.subi %add3A_325, %sub3A_326 : i32
      %lt3A_328 = arith.constant 250 : i32
      %lt3A_329 = arith.cmpi slt, %sub3A_327, %lt3A_328 : i32
      %convert_element_type3A_330 = arith.extui %lt3A_329 : i1 to i32
      %cond3A_331 = arith.constant 0 : i32
      %cond3A_332 = arith.cmpi ne, %convert_element_type3A_330, %cond3A_331 : i32
      scf.if %cond3A_332 {
        %gt3A = arith.constant 0 : i32
        %gt3A_333 = arith.cmpi sgt, %add3A_301, %gt3A : i32
        %convert_element_type3A_334 = arith.extui %gt3A_333 : i1 to i32
        %cond3A_335 = arith.constant 0 : i32
        %cond3A_336 = arith.cmpi ne, %convert_element_type3A_334, %cond3A_335 : i32
        scf.if %cond3A_336 {
          %sub3A_348 = arith.constant 1 : i32
          %sub3A_349 = arith.subi %add3A_301, %sub3A_348 : i32
          %dma_wait3A_350 = arith.constant 3 : i32
          %dma_wait3A_351 = arith.constant 0 : i32
          %dma_wait3A_352 = arith.constant 0 : i32
          %dma_wait3A_353 = tpu.memref_slice %arg7[%dma_wait3A_350, %dma_wait3A_351, %dma_wait3A_352] : memref<5x80x64xf32, #tpu.memory_space<vmem>> -> memref<1x80x64xf32, #tpu.memory_space<vmem>>
          %dma_wait3A_354 = tpu.memref_squeeze %dma_wait3A_353 : memref<1x80x64xf32, #tpu.memory_space<vmem>> -> memref<80x64xf32, #tpu.memory_space<vmem>>
          %dma_wait3A_355 = arith.constant 0 : i32
          %dma_wait3A_356 = tpu.memref_slice %arg6[%sub3A_349, %dma_wait3A_355] : memref<250x80xi32, #tpu.memory_space<vmem>> -> memref<1x80xi32, #tpu.memory_space<vmem>>
          %dma_wait3A_357 = tpu.memref_squeeze %dma_wait3A_356 : memref<1x80xi32, #tpu.memory_space<vmem>> -> memref<80xi32, #tpu.memory_space<vmem>>
          %dma_wait3A_358 = arith.constant 0 : i32
          %dma_wait3A_359 = arith.constant 0 : i32
          %dma_wait3A_360 = tpu.memref_slice %arg9[%dma_wait3A_358, %dma_wait3A_359] : memref<10240x64xf32, #tpu.memory_space<vmem_shared>> -> memref<10240x64xf32, #tpu.memory_space<vmem_shared>>
          tpu.wait_indirect_dma semaphore(%arg18 : memref<!tpu.dma_semaphore, #tpu.memory_space<semaphore_mem>>) src(%dma_wait3A_354 : memref<80x64xf32, #tpu.memory_space<vmem>>) dst(%dma_wait3A_360 : memref<10240x64xf32, #tpu.memory_space<vmem_shared>>)
        } else {
        }
        %dma_start3A_337 = arith.constant 3 : i32
        %dma_start3A_338 = arith.constant 0 : i32
        %dma_start3A_339 = arith.constant 0 : i32
        %dma_start3A_340 = tpu.memref_slice %arg7[%dma_start3A_337, %dma_start3A_338, %dma_start3A_339] : memref<5x80x64xf32, #tpu.memory_space<vmem>> -> memref<1x80x64xf32, #tpu.memory_space<vmem>>
        %dma_start3A_341 = tpu.memref_squeeze %dma_start3A_340 : memref<1x80x64xf32, #tpu.memory_space<vmem>> -> memref<80x64xf32, #tpu.memory_space<vmem>>
        %dma_start3A_342 = arith.constant 0 : i32
        %dma_start3A_343 = tpu.memref_slice %arg5[%sub3A_327, %dma_start3A_342] : memref<250x80xi32, #tpu.memory_space<vmem>> -> memref<1x80xi32, #tpu.memory_space<vmem>>
        %dma_start3A_344 = tpu.memref_squeeze %dma_start3A_343 : memref<1x80xi32, #tpu.memory_space<vmem>> -> memref<80xi32, #tpu.memory_space<vmem>>
        %dma_start3A_345 = arith.constant 0 : i32
        %dma_start3A_346 = arith.constant 0 : i32
        %dma_start3A_347 = tpu.memref_slice %arg2[%dma_start3A_345, %dma_start3A_346] : memref<20000x64xf32, #tpu.memory_space<hbm>> -> memref<20000x64xf32, #tpu.memory_space<hbm>>
        tpu.enqueue_indirect_dma source(%dma_start3A_347 : memref<20000x64xf32, #tpu.memory_space<hbm>>) target(%dma_start3A_341 : memref<80x64xf32, #tpu.memory_space<vmem>>) offsets(%dma_start3A_344 : memref<80xi32, #tpu.memory_space<vmem>>) semaphore(%arg13 : memref<!tpu.dma_semaphore, #tpu.memory_space<semaphore_mem>>)
      } else {
      }
    }
    %scan3A_104 = arith.constant 50 : i32
    %dma_wait3A = arith.constant 0 : i32
    %dma_wait3A_105 = arith.constant 245 : i32
    %dma_wait3A_106 = arith.constant 0 : i32
    %dma_wait3A_107 = arith.constant 0 : i32
    %dma_wait3A_108 = tpu.memref_slice %arg7[%dma_wait3A, %dma_wait3A_106, %dma_wait3A_107] : memref<5x80x64xf32, #tpu.memory_space<vmem>> -> memref<1x80x64xf32, #tpu.memory_space<vmem>>
    %dma_wait3A_109 = tpu.memref_squeeze %dma_wait3A_108 : memref<1x80x64xf32, #tpu.memory_space<vmem>> -> memref<80x64xf32, #tpu.memory_space<vmem>>
    %dma_wait3A_110 = arith.constant 0 : i32
    %dma_wait3A_111 = tpu.memref_slice %arg6[%dma_wait3A_105, %dma_wait3A_110] : memref<250x80xi32, #tpu.memory_space<vmem>> -> memref<1x80xi32, #tpu.memory_space<vmem>>
    %dma_wait3A_112 = tpu.memref_squeeze %dma_wait3A_111 : memref<1x80xi32, #tpu.memory_space<vmem>> -> memref<80xi32, #tpu.memory_space<vmem>>
    %dma_wait3A_113 = arith.constant 0 : i32
    %dma_wait3A_114 = arith.constant 0 : i32
    %dma_wait3A_115 = tpu.memref_slice %arg9[%dma_wait3A_113, %dma_wait3A_114] : memref<10240x64xf32, #tpu.memory_space<vmem_shared>> -> memref<10240x64xf32, #tpu.memory_space<vmem_shared>>
    tpu.wait_indirect_dma semaphore(%arg15 : memref<!tpu.dma_semaphore, #tpu.memory_space<semaphore_mem>>) src(%dma_wait3A_109 : memref<80x64xf32, #tpu.memory_space<vmem>>) dst(%dma_wait3A_115 : memref<10240x64xf32, #tpu.memory_space<vmem_shared>>)
    %dma_wait3A_116 = arith.constant 1 : i32
    %dma_wait3A_117 = arith.constant 246 : i32
    %dma_wait3A_118 = arith.constant 0 : i32
    %dma_wait3A_119 = arith.constant 0 : i32
    %dma_wait3A_120 = tpu.memref_slice %arg7[%dma_wait3A_116, %dma_wait3A_118, %dma_wait3A_119] : memref<5x80x64xf32, #tpu.memory_space<vmem>> -> memref<1x80x64xf32, #tpu.memory_space<vmem>>
    %dma_wait3A_121 = tpu.memref_squeeze %dma_wait3A_120 : memref<1x80x64xf32, #tpu.memory_space<vmem>> -> memref<80x64xf32, #tpu.memory_space<vmem>>
    %dma_wait3A_122 = arith.constant 0 : i32
    %dma_wait3A_123 = tpu.memref_slice %arg6[%dma_wait3A_117, %dma_wait3A_122] : memref<250x80xi32, #tpu.memory_space<vmem>> -> memref<1x80xi32, #tpu.memory_space<vmem>>
    %dma_wait3A_124 = tpu.memref_squeeze %dma_wait3A_123 : memref<1x80xi32, #tpu.memory_space<vmem>> -> memref<80xi32, #tpu.memory_space<vmem>>
    %dma_wait3A_125 = arith.constant 0 : i32
    %dma_wait3A_126 = arith.constant 0 : i32
    %dma_wait3A_127 = tpu.memref_slice %arg9[%dma_wait3A_125, %dma_wait3A_126] : memref<10240x64xf32, #tpu.memory_space<vmem_shared>> -> memref<10240x64xf32, #tpu.memory_space<vmem_shared>>
    tpu.wait_indirect_dma semaphore(%arg16 : memref<!tpu.dma_semaphore, #tpu.memory_space<semaphore_mem>>) src(%dma_wait3A_121 : memref<80x64xf32, #tpu.memory_space<vmem>>) dst(%dma_wait3A_127 : memref<10240x64xf32, #tpu.memory_space<vmem_shared>>)
    %dma_wait3A_128 = arith.constant 2 : i32
    %dma_wait3A_129 = arith.constant 247 : i32
    %dma_wait3A_130 = arith.constant 0 : i32
    %dma_wait3A_131 = arith.constant 0 : i32
    %dma_wait3A_132 = tpu.memref_slice %arg7[%dma_wait3A_128, %dma_wait3A_130, %dma_wait3A_131] : memref<5x80x64xf32, #tpu.memory_space<vmem>> -> memref<1x80x64xf32, #tpu.memory_space<vmem>>
    %dma_wait3A_133 = tpu.memref_squeeze %dma_wait3A_132 : memref<1x80x64xf32, #tpu.memory_space<vmem>> -> memref<80x64xf32, #tpu.memory_space<vmem>>
    %dma_wait3A_134 = arith.constant 0 : i32
    %dma_wait3A_135 = tpu.memref_slice %arg6[%dma_wait3A_129, %dma_wait3A_134] : memref<250x80xi32, #tpu.memory_space<vmem>> -> memref<1x80xi32, #tpu.memory_space<vmem>>
    %dma_wait3A_136 = tpu.memref_squeeze %dma_wait3A_135 : memref<1x80xi32, #tpu.memory_space<vmem>> -> memref<80xi32, #tpu.memory_space<vmem>>
    %dma_wait3A_137 = arith.constant 0 : i32
    %dma_wait3A_138 = arith.constant 0 : i32
    %dma_wait3A_139 = tpu.memref_slice %arg9[%dma_wait3A_137, %dma_wait3A_138] : memref<10240x64xf32, #tpu.memory_space<vmem_shared>> -> memref<10240x64xf32, #tpu.memory_space<vmem_shared>>
    tpu.wait_indirect_dma semaphore(%arg17 : memref<!tpu.dma_semaphore, #tpu.memory_space<semaphore_mem>>) src(%dma_wait3A_133 : memref<80x64xf32, #tpu.memory_space<vmem>>) dst(%dma_wait3A_139 : memref<10240x64xf32, #tpu.memory_space<vmem_shared>>)
    %dma_wait3A_140 = arith.constant 3 : i32
    %dma_wait3A_141 = arith.constant 248 : i32
    %dma_wait3A_142 = arith.constant 0 : i32
    %dma_wait3A_143 = arith.constant 0 : i32
    %dma_wait3A_144 = tpu.memref_slice %arg7[%dma_wait3A_140, %dma_wait3A_142, %dma_wait3A_143] : memref<5x80x64xf32, #tpu.memory_space<vmem>> -> memref<1x80x64xf32, #tpu.memory_space<vmem>>
    %dma_wait3A_145 = tpu.memref_squeeze %dma_wait3A_144 : memref<1x80x64xf32, #tpu.memory_space<vmem>> -> memref<80x64xf32, #tpu.memory_space<vmem>>
    %dma_wait3A_146 = arith.constant 0 : i32
    %dma_wait3A_147 = tpu.memref_slice %arg6[%dma_wait3A_141, %dma_wait3A_146] : memref<250x80xi32, #tpu.memory_space<vmem>> -> memref<1x80xi32, #tpu.memory_space<vmem>>
    %dma_wait3A_148 = tpu.memref_squeeze %dma_wait3A_147 : memref<1x80xi32, #tpu.memory_space<vmem>> -> memref<80xi32, #tpu.memory_space<vmem>>
    %dma_wait3A_149 = arith.constant 0 : i32
    %dma_wait3A_150 = arith.constant 0 : i32
    %dma_wait3A_151 = tpu.memref_slice %arg9[%dma_wait3A_149, %dma_wait3A_150] : memref<10240x64xf32, #tpu.memory_space<vmem_shared>> -> memref<10240x64xf32, #tpu.memory_space<vmem_shared>>
    tpu.wait_indirect_dma semaphore(%arg18 : memref<!tpu.dma_semaphore, #tpu.memory_space<semaphore_mem>>) src(%dma_wait3A_145 : memref<80x64xf32, #tpu.memory_space<vmem>>) dst(%dma_wait3A_151 : memref<10240x64xf32, #tpu.memory_space<vmem_shared>>)
    %dma_wait3A_152 = arith.constant 4 : i32
    %dma_wait3A_153 = arith.constant 249 : i32
    %dma_wait3A_154 = arith.constant 0 : i32
    %dma_wait3A_155 = arith.constant 0 : i32
    %dma_wait3A_156 = tpu.memref_slice %arg7[%dma_wait3A_152, %dma_wait3A_154, %dma_wait3A_155] : memref<5x80x64xf32, #tpu.memory_space<vmem>> -> memref<1x80x64xf32, #tpu.memory_space<vmem>>
    %dma_wait3A_157 = tpu.memref_squeeze %dma_wait3A_156 : memref<1x80x64xf32, #tpu.memory_space<vmem>> -> memref<80x64xf32, #tpu.memory_space<vmem>>
    %dma_wait3A_158 = arith.constant 0 : i32
    %dma_wait3A_159 = tpu.memref_slice %arg6[%dma_wait3A_153, %dma_wait3A_158] : memref<250x80xi32, #tpu.memory_space<vmem>> -> memref<1x80xi32, #tpu.memory_space<vmem>>
    %dma_wait3A_160 = tpu.memref_squeeze %dma_wait3A_159 : memref<1x80xi32, #tpu.memory_space<vmem>> -> memref<80xi32, #tpu.memory_space<vmem>>
    %dma_wait3A_161 = arith.constant 0 : i32
    %dma_wait3A_162 = arith.constant 0 : i32
    %dma_wait3A_163 = tpu.memref_slice %arg9[%dma_wait3A_161, %dma_wait3A_162] : memref<10240x64xf32, #tpu.memory_space<vmem_shared>> -> memref<10240x64xf32, #tpu.memory_space<vmem_shared>>
    tpu.wait_indirect_dma semaphore(%arg19 : memref<!tpu.dma_semaphore, #tpu.memory_space<semaphore_mem>>) src(%dma_wait3A_157 : memref<80x64xf32, #tpu.memory_space<vmem>>) dst(%dma_wait3A_163 : memref<10240x64xf32, #tpu.memory_space<vmem_shared>>)
    %barrier3A_164 = arith.constant 0 : index
    tpu.barrier barrier_id(%barrier3A_164)
    %mul3A_165 = arith.constant 640 : i32
    %mul3A_166 = arith.muli %arg1, %mul3A_165 : i32
    %mul3A_167 = arith.constant 640 : i32
    %mul3A_168 = arith.muli %arg1, %mul3A_167 : i32
    "tpu.region"() ({
      %run_scoped3A_169 = tpu.sem_alloc : memref<!tpu.dma_semaphore, #tpu.memory_space<semaphore_mem>>
      %dma_start3A_170 = arith.constant 0 : i32
      %dma_start3A_171 = tpu.memref_slice %arg4[%arg0, %mul3A_168, %dma_start3A_170] : memref<2x10240x64xf32, #tpu.memory_space<hbm>> -> memref<1x640x64xf32, #tpu.memory_space<hbm>>
      %dma_start3A_172 = tpu.memref_squeeze %dma_start3A_171 : memref<1x640x64xf32, #tpu.memory_space<hbm>> -> memref<640x64xf32, #tpu.memory_space<hbm>>
      %dma_start3A_173 = arith.constant 0 : i32
      %dma_start3A_174 = tpu.memref_slice %arg9[%mul3A_166, %dma_start3A_173] : memref<10240x64xf32, #tpu.memory_space<vmem_shared>> -> memref<640x64xf32, #tpu.memory_space<vmem_shared>>
      tpu.enqueue_dma source(%dma_start3A_174 : memref<640x64xf32, #tpu.memory_space<vmem_shared>>) target(%dma_start3A_172 : memref<640x64xf32, #tpu.memory_space<hbm>>) target_semaphore(%run_scoped3A_169 : memref<!tpu.dma_semaphore, #tpu.memory_space<semaphore_mem>>)
      %dma_wait3A_175 = arith.constant 0 : i32
      %dma_wait3A_176 = tpu.memref_slice %arg4[%arg0, %mul3A_168, %dma_wait3A_175] : memref<2x10240x64xf32, #tpu.memory_space<hbm>> -> memref<1x640x64xf32, #tpu.memory_space<hbm>>
      %dma_wait3A_177 = tpu.memref_squeeze %dma_wait3A_176 : memref<1x640x64xf32, #tpu.memory_space<hbm>> -> memref<640x64xf32, #tpu.memory_space<hbm>>
      %dma_wait3A_178 = arith.constant 0 : i32
      %dma_wait3A_179 = tpu.memref_slice %arg9[%mul3A_166, %dma_wait3A_178] : memref<10240x64xf32, #tpu.memory_space<vmem_shared>> -> memref<640x64xf32, #tpu.memory_space<vmem_shared>>
      tpu.wait_dma2 semaphore(%run_scoped3A_169 : memref<!tpu.dma_semaphore, #tpu.memory_space<semaphore_mem>>) src(%dma_wait3A_179 : memref<640x64xf32, #tpu.memory_space<vmem_shared>>) dst(%dma_wait3A_177 : memref<640x64xf32, #tpu.memory_space<hbm>>)
      tpu.yield
    }) : () -> ()
    return
  }
}

module attributes {stable_mosaic.version = 14 : i64} {
  func.func @_prep_body(%arg0: i32, %arg1: i32, %arg2: memref<2x2000x16xf32, #tpu.memory_space<vmem>>, %arg3: memref<2000x128xf32, #tpu.memory_space<vmem>>, %arg4: memref<2000x64xf32, #tpu.memory_space<vmem>>) attributes {dimension_semantics = [#tpu.dimension_semantics<arbitrary>, #tpu.dimension_semantics<arbitrary>], iteration_bounds = array<i64: 2, 5>, scalar_prefetch = 0 : i64, scratch_operands = 0 : i64, tpu.core_type = #tpu.core_type<tc>, window_params = [{transform_indices = @transform_0, window_bounds = array<i64: 2, 2000, 16>}, {transform_indices = @transform_1, window_bounds = array<i64: 2000, 128>}, {transform_indices = @transform_2, window_bounds = array<i64: 2000, 64>}]} {
    %get3A = arith.constant 0 : index
    %get3A_0 = arith.constant 0 : index
    %get3A_1 = arith.constant 0 : index
    %get3A_2 = vector.load %arg2[%get3A, %get3A_0, %get3A_1] : memref<2x2000x16xf32, #tpu.memory_space<vmem>>, vector<1x2000x1xf32>
    %get3A_3 = vector.shape_cast %get3A_2 : vector<1x2000x1xf32> to vector<2000x1xf32>
    %add3A = arith.constant 1.000000e+00 : f32
    %add3A_4 = vector.broadcast %add3A : f32 to vector<2000x1xf32>
    %add3A_5 = arith.addf %get3A_3, %add3A_4 : vector<2000x1xf32>
    %get3A_6 = arith.constant 0 : index
    %get3A_7 = arith.constant 0 : index
    %get3A_8 = vector.load %arg3[%get3A_6, %get3A_7] : memref<2000x128xf32, #tpu.memory_space<vmem>>, vector<2000x128xf32>
    %rsqrt3A = math.rsqrt %add3A_5 : vector<2000x1xf32>
    %mul3A = vector.broadcast %rsqrt3A : vector<2000x1xf32> to vector<2000x128xf32>
    %mul3A_9 = arith.mulf %get3A_8, %mul3A : vector<2000x128xf32>
    %eq3A = arith.constant 0 : i32
    %eq3A_10 = arith.cmpi eq, %arg0, %eq3A : i32
    %convert_element_type3A = arith.extui %eq3A_10 : i1 to i32
    %cond3A = arith.constant 0 : i32
    %cond3A_11 = arith.cmpi ne, %convert_element_type3A, %cond3A : i32
    scf.if %cond3A_11 {
      %slice3A = vector.extract_strided_slice %mul3A_9 {offsets = [0, 0], sizes = [2000, 64], strides = [1, 1]} : vector<2000x128xf32> to vector<2000x64xf32>
      %swap3A = arith.constant 0 : index
      %swap3A_17 = arith.constant 0 : index
      %swap3A_18 = vector.load %arg4[%swap3A, %swap3A_17] : memref<2000x64xf32, #tpu.memory_space<vmem>>, vector<2000x64xf32>
      tpu.vector_store %arg4[%swap3A, %swap3A_17], %slice3A {strides = array<i32>} : memref<2000x64xf32, #tpu.memory_space<vmem>>, vector<2000x64xf32>,
    } else {
    }
    %eq3A_12 = arith.constant 1 : i32
    %eq3A_13 = arith.cmpi eq, %arg0, %eq3A_12 : i32
    %convert_element_type3A_14 = arith.extui %eq3A_13 : i1 to i32
    %cond3A_15 = arith.constant 0 : i32
    %cond3A_16 = arith.cmpi ne, %convert_element_type3A_14, %cond3A_15 : i32
    scf.if %cond3A_16 {
      %slice3A = vector.extract_strided_slice %mul3A_9 {offsets = [0, 64], sizes = [2000, 64], strides = [1, 1]} : vector<2000x128xf32> to vector<2000x64xf32>
      %swap3A = arith.constant 0 : index
      %swap3A_17 = arith.constant 0 : index
      %swap3A_18 = vector.load %arg4[%swap3A, %swap3A_17] : memref<2000x64xf32, #tpu.memory_space<vmem>>, vector<2000x64xf32>
      tpu.vector_store %arg4[%swap3A, %swap3A_17], %slice3A {strides = array<i32>} : memref<2000x64xf32, #tpu.memory_space<vmem>>, vector<2000x64xf32>,
    } else {
    }
    return
  }
  func.func @transform_0(%arg0: i32, %arg1: i32) -> (i32, i32, i32) {
    %c0_i32 = arith.constant 0 : i32
    %c0_i32_0 = arith.constant 0 : i32
    %c0_i32_1 = arith.constant 0 : i32
    return %c0_i32, %arg1, %c0_i32_0 : i32, i32, i32
  }
  func.func @transform_1(%arg0: i32, %arg1: i32) -> (i32, i32) {
    %c0_i32 = arith.constant 0 : i32
    %c0_i32_0 = arith.constant 0 : i32
    return %arg1, %c0_i32 : i32, i32
  }
  func.func @transform_2(%arg0: i32, %arg1: i32) -> (i32, i32) {
    %mul3A = arith.constant 5 : i32
    %mul3A_0 = arith.muli %arg0, %mul3A : i32
    %add3A = arith.addi %mul3A_0, %arg1 : i32
    %c0_i32 = arith.constant 0 : i32
    %c0_i32_1 = arith.constant 0 : i32
    return %add3A, %c0_i32 : i32, i32
  }
}

module attributes {stable_mosaic.version = 14 : i64} {
  func.func @_final_body(%arg0: i32, %arg1: memref<2x2000x16xf32, #tpu.memory_space<vmem>>, %arg2: memref<2000x64xf32, #tpu.memory_space<vmem>>, %arg3: memref<2000x64xf32, #tpu.memory_space<vmem>>, %arg4: memref<128x128xf32, #tpu.memory_space<vmem>>, %arg5: memref<1x128xf32, #tpu.memory_space<vmem>>, %arg6: memref<1x128xf32, #tpu.memory_space<vmem>>, %arg7: memref<1x128xf32, #tpu.memory_space<vmem>>, %arg8: memref<128x128xf32, #tpu.memory_space<vmem>>, %arg9: memref<1x128xf32, #tpu.memory_space<vmem>>, %arg10: memref<2000x128xf32, #tpu.memory_space<vmem>>) attributes {dimension_semantics = [#tpu.dimension_semantics<arbitrary>], iteration_bounds = array<i64: 5>, scalar_prefetch = 0 : i64, scratch_operands = 0 : i64, tpu.core_type = #tpu.core_type<tc>, window_params = [{transform_indices = @transform_0, window_bounds = array<i64: 2, 2000, 16>}, {transform_indices = @transform_1, window_bounds = array<i64: 2000, 64>}, {transform_indices = @transform_2, window_bounds = array<i64: 2000, 64>}, {pipeline_mode = #tpu.pipeline_mode<synchronous>, transform_indices = @transform_3, window_bounds = array<i64: 128, 128>}, {pipeline_mode = #tpu.pipeline_mode<synchronous>, transform_indices = @transform_4, window_bounds = array<i64: 1, 128>}, {pipeline_mode = #tpu.pipeline_mode<synchronous>, transform_indices = @transform_5, window_bounds = array<i64: 1, 128>}, {pipeline_mode = #tpu.pipeline_mode<synchronous>, transform_indices = @transform_6, window_bounds = array<i64: 1, 128>}, {pipeline_mode = #tpu.pipeline_mode<synchronous>, transform_indices = @transform_7, window_bounds = array<i64: 128, 128>}, {pipeline_mode = #tpu.pipeline_mode<synchronous>, transform_indices = @transform_8, window_bounds = array<i64: 1, 128>}, {transform_indices = @transform_9, window_bounds = array<i64: 2000, 128>}]} {
    %get3A = arith.constant 0 : index
    %get3A_0 = arith.constant 0 : index
    %get3A_1 = arith.constant 0 : index
    %get3A_2 = vector.load %arg1[%get3A, %get3A_0, %get3A_1] : memref<2x2000x16xf32, #tpu.memory_space<vmem>>, vector<1x2000x1xf32>
    %get3A_3 = vector.shape_cast %get3A_2 : vector<1x2000x1xf32> to vector<2000x1xf32>
    %add3A = arith.constant 1.000000e+00 : f32
    %add3A_4 = vector.broadcast %add3A : f32 to vector<2000x1xf32>
    %add3A_5 = arith.addf %get3A_3, %add3A_4 : vector<2000x1xf32>
    %get3A_6 = arith.constant 0 : index
    %get3A_7 = arith.constant 0 : index
    %get3A_8 = vector.load %arg2[%get3A_6, %get3A_7] : memref<2000x64xf32, #tpu.memory_space<vmem>>, vector<2000x64xf32>
    %get3A_9 = arith.constant 0 : index
    %get3A_10 = arith.constant 0 : index
    %get3A_11 = vector.load %arg3[%get3A_9, %get3A_10] : memref<2000x64xf32, #tpu.memory_space<vmem>>, vector<2000x64xf32>
    %concatenate3A = tpu.concatenate %get3A_8, %get3A_11 in 1 : vector<2000x64xf32>, vector<2000x64xf32> -> vector<2000x128xf32>
    %rsqrt3A = math.rsqrt %add3A_5 : vector<2000x1xf32>
    %mul3A = vector.broadcast %rsqrt3A : vector<2000x1xf32> to vector<2000x128xf32>
    %mul3A_12 = arith.mulf %concatenate3A, %mul3A : vector<2000x128xf32>
    %get3A_13 = arith.constant 0 : index
    %get3A_14 = arith.constant 0 : index
    %get3A_15 = vector.load %arg4[%get3A_13, %get3A_14] : memref<128x128xf32, #tpu.memory_space<vmem>>, vector<128x128xf32>
    %dot_general3A = arith.constant dense<0.000000e+00> : vector<2000x128xf32>
    %dot_general3A_16 = tpu.matmul %mul3A_12, %get3A_15, %dot_general3A {dimension_numbers = #tpu.dot_dimension_numbers<[1], [1], [0], [0], [0, 0, 1, 0], [], []>, transpose_lhs_hint = false} : vector<2000x128xf32>, vector<128x128xf32>, vector<2000x128xf32> -> vector<2000x128xf32>
    %get3A_17 = arith.constant 0 : index
    %get3A_18 = arith.constant 0 : index
    %get3A_19 = vector.load %arg5[%get3A_17, %get3A_18] : memref<1x128xf32, #tpu.memory_space<vmem>>, vector<1x128xf32>
    %add3A_20 = vector.broadcast %get3A_19 : vector<1x128xf32> to vector<2000x128xf32>
    %add3A_21 = arith.addf %dot_general3A_16, %add3A_20 : vector<2000x128xf32>
    %get3A_22 = arith.constant 0 : index
    %get3A_23 = arith.constant 0 : index
    %get3A_24 = vector.load %arg6[%get3A_22, %get3A_23] : memref<1x128xf32, #tpu.memory_space<vmem>>, vector<1x128xf32>
    %mul3A_25 = arith.constant 0.999994993 : f32
    %mul3A_26 = vector.broadcast %mul3A_25 : f32 to vector<1x128xf32>
    %mul3A_27 = arith.mulf %get3A_24, %mul3A_26 : vector<1x128xf32>
    %mul3A_28 = vector.broadcast %mul3A_27 : vector<1x128xf32> to vector<2000x128xf32>
    %mul3A_29 = arith.mulf %add3A_21, %mul3A_28 : vector<2000x128xf32>
    %get3A_30 = arith.constant 0 : index
    %get3A_31 = arith.constant 0 : index
    %get3A_32 = vector.load %arg7[%get3A_30, %get3A_31] : memref<1x128xf32, #tpu.memory_space<vmem>>, vector<1x128xf32>
    %add3A_33 = vector.broadcast %get3A_32 : vector<1x128xf32> to vector<2000x128xf32>
    %add3A_34 = arith.addf %mul3A_29, %add3A_33 : vector<2000x128xf32>
    %max3A = arith.constant 0.000000e+00 : f32
    %max3A_35 = vector.broadcast %max3A : f32 to vector<2000x128xf32>
    %max3A_36 = arith.maximumf %add3A_34, %max3A_35 : vector<2000x128xf32>
    %get3A_37 = arith.constant 0 : index
    %get3A_38 = arith.constant 0 : index
    %get3A_39 = vector.load %arg8[%get3A_37, %get3A_38] : memref<128x128xf32, #tpu.memory_space<vmem>>, vector<128x128xf32>
    %dot_general3A_40 = arith.constant dense<0.000000e+00> : vector<2000x128xf32>
    %dot_general3A_41 = tpu.matmul %max3A_36, %get3A_39, %dot_general3A_40 {dimension_numbers = #tpu.dot_dimension_numbers<[1], [1], [0], [0], [0, 0, 1, 0], [], []>, transpose_lhs_hint = false} : vector<2000x128xf32>, vector<128x128xf32>, vector<2000x128xf32> -> vector<2000x128xf32>
    %get3A_42 = arith.constant 0 : index
    %get3A_43 = arith.constant 0 : index
    %get3A_44 = vector.load %arg9[%get3A_42, %get3A_43] : memref<1x128xf32, #tpu.memory_space<vmem>>, vector<1x128xf32>
    %add3A_45 = vector.broadcast %get3A_44 : vector<1x128xf32> to vector<2000x128xf32>
    %add3A_46 = arith.addf %dot_general3A_41, %add3A_45 : vector<2000x128xf32>
    %swap3A = arith.constant 0 : index
    %swap3A_47 = arith.constant 0 : index
    %swap3A_48 = vector.load %arg10[%swap3A, %swap3A_47] : memref<2000x128xf32, #tpu.memory_space<vmem>>, vector<2000x128xf32>
    tpu.vector_store %arg10[%swap3A, %swap3A_47], %add3A_46 {strides = array<i32>} : memref<2000x128xf32, #tpu.memory_space<vmem>>, vector<2000x128xf32>,
    return
  }
  func.func @transform_0(%arg0: i32) -> (i32, i32, i32) {
    %c0_i32 = arith.constant 0 : i32
    %c0_i32_0 = arith.constant 0 : i32
    %c0_i32_1 = arith.constant 0 : i32
    return %c0_i32, %arg0, %c0_i32_0 : i32, i32, i32
  }
  func.func @transform_1(%arg0: i32) -> (i32, i32) {
    %c0_i32 = arith.constant 0 : i32
    %c0_i32_0 = arith.constant 0 : i32
    return %arg0, %c0_i32 : i32, i32
  }
  func.func @transform_2(%arg0: i32) -> (i32, i32) {
    %add3A = arith.constant 5 : i32
    %add3A_0 = arith.addi %add3A, %arg0 : i32
    %c0_i32 = arith.constant 0 : i32
    %c0_i32_1 = arith.constant 0 : i32
    return %add3A_0, %c0_i32 : i32, i32
  }
  func.func @transform_3(%arg0: i32) -> (i32, i32) {
    %c0_i32 = arith.constant 0 : i32
    %c0_i32_0 = arith.constant 0 : i32
    %c0_i32_1 = arith.constant 0 : i32
    return %c0_i32, %c0_i32_0 : i32, i32
  }
  func.func @transform_4(%arg0: i32) -> (i32, i32) {
    %c0_i32 = arith.constant 0 : i32
    %c0_i32_0 = arith.constant 0 : i32
    %c0_i32_1 = arith.constant 0 : i32
    return %c0_i32, %c0_i32_0 : i32, i32
  }
  func.func @transform_5(%arg0: i32) -> (i32, i32) {
    %c0_i32 = arith.constant 0 : i32
    %c0_i32_0 = arith.constant 0 : i32
    %c0_i32_1 = arith.constant 0 : i32
    return %c0_i32, %c0_i32_0 : i32, i32
  }
  func.func @transform_6(%arg0: i32) -> (i32, i32) {
    %c0_i32 = arith.constant 0 : i32
    %c0_i32_0 = arith.constant 0 : i32
    %c0_i32_1 = arith.constant 0 : i32
    return %c0_i32, %c0_i32_0 : i32, i32
  }
  func.func @transform_7(%arg0: i32) -> (i32, i32) {
    %c0_i32 = arith.constant 0 : i32
    %c0_i32_0 = arith.constant 0 : i32
    %c0_i32_1 = arith.constant 0 : i32
    return %c0_i32, %c0_i32_0 : i32, i32
  }
  func.func @transform_8(%arg0: i32) -> (i32, i32) {
    %c0_i32 = arith.constant 0 : i32
    %c0_i32_0 = arith.constant 0 : i32
    %c0_i32_1 = arith.constant 0 : i32
    return %c0_i32, %c0_i32_0 : i32, i32
  }
  func.func @transform_9(%arg0: i32) -> (i32, i32) {
    %c0_i32 = arith.constant 0 : i32
    %c0_i32_0 = arith.constant 0 : i32
    return %arg0, %c0_i32 : i32, i32
  }
}

</mosaic_0001>

<sc_bundles>
// kernel: kernel.10.cloned.1.call-start
scs
__scs_entry_jumppad:
0x0: {  	(pc) =	sbr.rel $0x88, $3  }
0x1: {  	(tag) =	ssettag $0x0;
	lr =	simm.s32 $0x1  }
0x2: {  	[smem:$0x3F99] =	sst lr;
	_ =	strace $0xD0000000  }
0x3: {  	_ = 	snop  }
0x4: {  	_ = 	snop  }
0x5: {  	_ = 	snop  }
0x6: {  	_ = 	snop  }
0x7: {  	_ = 	snop  }
__scs_overlays_trampoline_lowered:
0x8: {  	[smem:$0x3FA8] =	sst s0  }
0x9: {  	[smem:$0x3FA9] =	sst s1  }
0xa: {  	[smem:$0x3FAA] =	sst s2  }
0xb: {  	[smem:$0x3FAB] =	sst s3  }
0xc: {  	[smem:$0x3FAC] =	sst s4  }
0xd: {  	[smem:$0x3FAD] =	sst s5  }
0xe: {  	[smem:$0x3FAE] =	sst s6  }
0xf: {  	[smem:$0x3FAF] =	sst s7  }
0x10: {  	[smem:$0x3FB0] =	sst s8  }
0x11: {  	[smem:$0x3FB1] =	sst s9;
	s0 =	simm.s32 @!p0 $0x0  }
0x12: {  	s1 =	sld [smem:$0x3F97];
	s0 =	simm.s32 @p0 $0x1  }
0x13: {  	[smem:$0x3FB2] =	sst s0;
	s0 =	simm.s32 @!p1 $0x0  }
0x14: {  	s2 =	sld [smem:$0x3F96];
	s0 =	simm.s32 @p1 $0x1  }
0x15: {  	[smem:$0x3FB3] =	sst s0;
	s0 =	simm.s32 @!p2 $0x0  }
0x16: {  	s3 =	sld [smem:$0x3FDB];
	s0 =	simm.s32 @p2 $0x1  }
0x17: {  	s4 =	simm.s32 $0x1BF5;
	[smem:$0x3FB5] =	sst s0  }
0x18: {  	s0 =	sld [smem:$0x3F98];
	_ =	swait.ge [sflag:s4], $0x0  }
0x19: {  	s7 =	sld [smem:$0x3F99]  }
0x1a: {  	s8 =	sadd.s32 $0xFFFFE003, lr  }
0x1b: {  	s9 =	sadd.s32 $0xFFFFFEF7, lr;
	s5 =	simm.s32 $0xFFFFFFFF;
	p2 =	slt.u32 s8, $0xFFFFF086  }
0x1c: {  	p1 =	slt.u32 s9, $0xF7A;
	s5 =	simm.s32 @!p2 $0x0  }
0x1d: {  	s5 =	simm.s32 @p1 $0x1;
	p0 =	seq.s32 s7, s2  }
0x1e: {  	s7 =	smul.u32 @!p0 $0xF7A, s2;
	p2 =	seq.s32 @!p0 s5, $0x0  }
0x1f: {  	s9 =	smul.u32 $0xF7A, s1;
	s8 =	simm.s32 @!p0 $0x1BF5;
	p2 =	por !p2, p0  }
0x20: {  	[sflag:s8] =	ssyncset.s32 @!p0 $0xFFFFF086;
	s6 =	sadd.s32 @!p0 s3, s7;
	s7 =	simm.s32 @!p0 $0x108  }
0x21: {  	s3 =	sadd.s32 s3, s9;
	s6 =	sadd.s32 @!p0 $0x88, s6;
	s7 =	simm.s32 @p2 $0x1082  }
0x22: {  	[simem:s7], [sflag:s8] =	dma.local @!p0 [hbm:s6], $0xF7A  }
0x23: {  	s9 =	sor.u32 $0xD0000000, s2;
	s6 =	simm.s32 $0x108;
	_ =	swait.ge @!p0 [sflag:s8], $0x0  }
0x24: {  	s3 =	sadd.s32 $0x88, s3;
	s6 =	simm.s32 @!p1 $0x1082;
	[sflag:s4] =	ssyncset.s32 $0xFFFFF086  }
0x25: {  	[simem:s6], [sflag:s4] =	dma.local [hbm:s3], $0xF7A  }
0x26: {  	[smem:$0x3F99] =	sst s1;
	(tag) =	ssettag s2;
	_ =	strace s9  }
0x27: {  	s1 =	sld [smem:$0x3FA9]  }
0x28: {  	s2 =	sld [smem:$0x3FAA]  }
0x29: {  	s4 =	sld [smem:$0x3FAC]  }
0x2a: {  	p0 =	seq.s32 s5, $0x0;
	s5 =	sld [smem:$0x3FAD]  }
0x2b: {  	s6 =	sld [smem:$0x3FAE]  }
0x2c: {  	s7 =	sld [smem:$0x3FAF]  }
0x2d: {  	s3 =	simm.s32 $0x108;
	s8 =	sld [smem:$0x3FB0]  }
0x2e: {  	s3 =	simm.s32 @!p0 $0x1082;
	s9 =	sld [smem:$0x3FB1]  }
0x2f: {  	lr =	sadd.s32 s0, s3;
	s0 =	sld [smem:$0x3FA8]  }
0x30: {  	s3 =	sld [smem:$0x3FAB]  }
0x31: {  	[smem:$0x3FB4] =	sst s10  }
0x32: {  	s10 =	sld [smem:$0x3FB2];
	_ =	sdelay $0x3  }
0x33: {  	p0 =	seq.s32 s10, $0x1;
	s10 =	sld [smem:$0x3FB4];
	_ =	sdelay $0x3  }
0x34: {  	[smem:$0x3FB4] =	sst s10  }
0x35: {  	s10 =	sld [smem:$0x3FB3];
	_ =	sdelay $0x3  }
0x36: {  	p1 =	seq.s32 s10, $0x1;
	s10 =	sld [smem:$0x3FB4];
	_ =	sdelay $0x3  }
0x37: {  	[smem:$0x3FB4] =	sst s10  }
0x38: {  	s10 =	sld [smem:$0x3FB5]  }
0x39: {  	_ = 	snop;
	(pc) =	sbr.ind lr, $3  }
0x3a: {  	_ = 	snop  }
0x3b: {  	_ = 	snop  }
0x3c: {  	p2 =	seq.s32 s10, $0x1;
	s10 =	sld [smem:$0x3FB4]  }
0x3d: {  	_ =	shalt  }
0x3e: {  	_ =	shalt  }
0x3f: {  	_ =	shalt  }
0x40: {  	_ =	shalt  }
0x41: {  	_ =	shalt  }
0x42: {  	_ =	shalt  }
0x43: {  	_ =	shalt  }
0x44: {  	_ =	shalt  }
0x45: {  	_ =	shalt  }
0x46: {  	_ =	shalt  }
0x47: {  	_ =	shalt  }
0x48: {  	_ =	shalt  }
0x49: {  	_ =	shalt  }
0x4a: {  	_ =	shalt  }
0x4b: {  	_ =	shalt  }
0x4c: {  	_ =	shalt  }
0x4d: {  	_ =	shalt  }
0x4e: {  	_ =	shalt  }
0x4f: {  	_ =	shalt  }
0x50: {  	_ =	shalt  }
0x51: {  	_ =	shalt  }
0x52: {  	_ =	shalt  }
0x53: {  	_ =	shalt  }
0x54: {  	_ =	shalt  }
0x55: {  	_ =	shalt  }
0x56: {  	_ =	shalt  }
0x57: {  	_ =	shalt  }
0x58: {  	_ =	shalt  }
0x59: {  	_ =	shalt  }
0x5a: {  	_ =	shalt  }
0x5b: {  	_ =	shalt  }
0x5c: {  	_ =	shalt  }
0x5d: {  	_ =	shalt  }
0x5e: {  	_ =	shalt  }
0x5f: {  	_ =	shalt  }
0x60: {  	_ =	shalt  }
0x61: {  	_ =	shalt  }
0x62: {  	_ =	shalt  }
0x63: {  	_ =	shalt  }
0x64: {  	_ =	shalt  }
0x65: {  	_ =	shalt  }
0x66: {  	_ =	shalt  }
0x67: {  	_ =	shalt  }
0x68: {  	_ =	shalt  }
0x69: {  	_ =	shalt  }
0x6a: {  	_ =	shalt  }
0x6b: {  	_ =	shalt  }
0x6c: {  	_ =	shalt  }
0x6d: {  	_ =	shalt  }
0x6e: {  	_ =	shalt  }
0x6f: {  	_ =	shalt  }
0x70: {  	_ =	shalt  }
0x71: {  	_ =	shalt  }
0x72: {  	_ =	shalt  }
0x73: {  	_ =	shalt  }
0x74: {  	_ =	shalt  }
0x75: {  	_ =	shalt  }
0x76: {  	_ =	shalt  }
0x77: {  	_ =	shalt  }
0x78: {  	_ =	shalt  }
0x79: {  	_ =	shalt  }
0x7a: {  	_ =	shalt  }
0x7b: {  	_ =	shalt  }
0x7c: {  	_ =	shalt  }
0x7d: {  	_ =	shalt  }
0x7e: {  	_ =	shalt  }
0x7f: {  	_ =	shalt  }
0x80: {  	_ =	shalt  }
0x81: {  	_ =	shalt  }
0x82: {  	_ =	shalt  }
0x83: {  	_ =	shalt  }
0x84: {  	_ =	shalt  }
0x85: {  	_ =	shalt  }
0x86: {  	_ =	shalt  }
0x87: {  	_ =	shalt  }
.Lfunc_end0:
.L_simem_size_0:
called_computation.1_lowered:
.L_overlay_start_0:
0x88: {  	s2 =	sld [smem:$0x3FD9]  }
0x89: {  	s3 =	sld [smem:$0x3FFE];
	_ =	sdelay $0x1  }
0x8a: {  	s1 =	srdreg.scid  }
0x8b: {  	s0 =	sand.u32 $0x1, s1  }
0x8c: {  	s17 =	sshll.u32 s0, $0xA;
	s2 =	sadd.s32 s3, s2  }
0x8d: {  	s2 =	sadd.s32 s2, s17  }
0x8e: {  	[smem:$0x3FC0] =	sst s2  }
0x8f: {  	_ = 	snop  }
0x90: {  	s2 =	sld [smem:$0x3FD0];
	(tm) =	ssettm $0x1  }
0x91: {  	s18 =	sld [smem:$0x3FFB];
	_ =	sdelay $0x3  }
0x92: {  	_ =	strace s18  }
0x93: {  	s3 =	sld [smem:$0x3FFC];
	_ =	sdelay $0x3  }
0x94: {  	_ =	strace s3  }
0x95: {  	s3 =	sld [smem:$0x3FFD];
	_ =	sdelay $0x3  }
0x96: {  	_ =	strace s3  }
0x97: {  	_ =	strace $0x8FFFFFFF  }
0x98: {  	s19 =	sld [smem:$0x3FDB];
	_ =	sdelay $0x1  }
0x99: {  	s4 =	simm.s32 $_scs_section_size  }
0x9a: {  	s5 =	simm.s32 $_size__tile_overlayer_lowered;
	s6 =	simm.s32 $_tile_overlayer_lowered  }
0x9b: {  	s22 =	simm.s32 $0x1BFF;
	s21 =	sshll.u32 s6, $0x1;
	s3 =	sadd.s32 s4, s19  }
0x9c: {  	s7 =	simm.s32 $0x0;
	s20 =	sshll.u32 s5, $0x1;
	s5 =	sadd.s32 s21, s3  }
0x9d: {  	[timem:s7], [sflag:s22] =	dma.local [hbm:s5], s20  }
0x9e: {  	_ =	swait.ge [sflag:s22], s20  }
0x9f: {  	s4 =	ssub.s32 $0x0, s20;
	[sflag:s22] =	ssyncset.done $0x0  }
0xa0: {  	[sflag:s22] =	ssyncadd.s32 s4;
	_ =	sdelay $0x1  }
0xa1: {  	s23 =	simm.s32 $0x1B8B  }
0xa2: {  	_ =	swait.ge [sflag:s23], $0x1  }
0xa3: {  	[sflag:s23] =	ssyncset.done $0x0  }
0xa4: {  	s25 =	simm.s32 $0x1B8E;
	s24 =	sld [smem:$0x3FFE];
	[sflag:s23] =	ssyncadd.s32 $0xFFFFFFFF  }
0xa5: {  	s26 =	simm.s32 $execute0_lowered;
	[smem:$0x3FD2] =	sst s25  }
0xa6: {  	s5 =	sshll.u32 s26, $0x1;
	_ =	strace $0x80000049;
	[dreg:$0x1] =	wrdreg $0xFFFFFFFF  }
0xa7: {  	s28 =	simm.s32 $_size_execute0_lowered;
	s3 =	sadd.s32 s3, s5;
	[dreg:$0x0] =	wrdreg $0x0  }
0xa8: {  	s5 =	sshll.u32 s28, $0x1;
	[dreg:$0x2] =	wrdreg s3  }
0xa9: {  	[dreg:$0x3] =	wrdreg s5  }
0xaa: {  	[dreg:$0x4] =	wrdreg $0xC0  }
0xab: {  	_ =	task [dreg:s7], $0x5FFFF  }
0xac: {  	[dreg:$0x1] =	wrdreg $0xFFFFFFFF  }
0xad: {  	[dreg:$0x0] =	wrdreg $0x60  }
0xae: {  	[dreg:$0x2] =	wrdreg s2  }
0xaf: {  	[dreg:$0x3] =	wrdreg s24  }
0xb0: {  	[dreg:$0x4] =	wrdreg $0x110400  }
0xb1: {  	[dreg:$0x5] =	wrdreg $0x9  }
0xb2: {  	_ =	task.clear_ibuf [dreg:s7], $0x6FFFF;
	_ =	strace $0x90000049  }
0xb3: {  	s29 =	simm.s32 $0x9;
	_ =	strace $0x8000004B  }
0xb4: {  	_ =	swait.ge [sflag:s29], $0x1  }
0xb5: {  	[sflag:s29] =	ssyncadd.s32 $0xFFFFFFFF  }
0xb6: {  	_ =	strace $0x9000004B  }
0xb7: {  	_ =	sfence  }
0xb8: {  	s30 =	sld [smem:$0x0];
	_ =	sdelay $0x2  }
0xb9: {  	s31 =	sshll.u32 s1, $0xD;
	s1 =	sshrl.u32 s1, $0x2  }
0xba: {  	s3 =	sand.u32 $0x4000, s31;
	s1 =	sadd.s32 s1, s30  }
0xbb: {  	s0 =	sor.u32 s3, s0;
	s1 =	sshll.u32 s1, $0x11  }
0xbc: {  	s0 =	sor.u32 s1, s0  }
0xbd: {  	s0 =	sadd.s32 $0x8F2B, s0  }
0xbe: {  	[sflag:s0] =	ssyncadd.remote.s32 $0x1  }
0xbf: {  	_ =	sfence.sel $0xFFFF  }
0xc0: {  	[dreg:$0x0] =	wrdreg $0xFFFFFFFF;
	(pc) =	sbr.abs _section_cstart, $3  }
0xc1: {  	[dreg:$0x1] =	wrdreg $0xFFFFFFFF  }
0xc2: {  	_ =	task.clear_ibuf [dreg:s7], $0x2FFFF;
	_ =	strace $0x9FFFFFFF  }
0xc3: {  	(tm) =	ssettm $0x7FFFFFFF  }
tec
execute0_lowered:
.L_overlay_start_1:
0x0: {  	(tag) =	ssettag $0x1  }
0x1: {  	s2 =	rddreg [dreg:$0x0]  }
0x2: {  	s0 =	rddreg [dreg:$0x1]  }
0x3: {  	s3 =	rddreg [dreg:$0x2]  }
0x4: {  	s8 =	stileid.u32;
	s5 =	srdreg.scid  }
0x5: {  	s4 =	simm.s32 $0x0;
	s22 =	simm.s32 $0x50;
	s23 =	simm.s32 $0x9C40  }
0x6: {  	s24 =	simm.s32 $0xB040;
	s29 =	simm.s32 $0xD840;
	s1 =	smul.u32 $0x4E20, s8  }
0x7: {  	s30 =	simm.s32 $0x1;
	s28 =	simm.s32 $0x6;
	s11 =	smul.u32 $0xA000, s8  }
0x8: {  	s25 =	simm.s32 $0x3;
	s6 =	sand.u32 $0x1, s5;
	s8 =	smul.u32 $0x28000, s8  }
0x9: {  	s31 =	simm.s32 $0x7;
	[smem:$0x7FF] =	sst s4;
	s7 =	smul.u32 $0xA0000, s6  }
0xa: {  	_ =	strace $0x8000004A;
	s9 =	ssub.s32 $0x2, s6;
	s8 =	sshrl.u32 s8, $0x2  }
0xb: {  	s21 =	smul.u32 $0x2710, s6;
	s6 =	simm.s32 $0x4;
	s8 =	sadd.s32 s8, s3  }
0xc: {  	s1 =	sshrl.u32 s1, $0x3;
	s10 =	sshrl.u32 s9, $0x1;
	s13 =	sadd.s32 $0x1000, s8  }
0xd: {  	s5 =	sadd.s32 s11, s3;
	s14 =	sadd.s32 $0x2000, s8;
	[dreg:$0x4] =	wrdreg s13  }
0xe: {  	s1 =	sadd.s32 s1, s0;
	s15 =	sadd.s32 $0x3000, s8;
	[dreg:$0x5] =	wrdreg s14  }
0xf: {  	s7 =	sadd.s32 s11, s7;
	s16 =	sadd.s32 $0x4000, s8;
	[dreg:$0x6] =	wrdreg s15  }
0x10: {  	s12 =	ssub.s32 s9, s10;
	s17 =	sadd.s32 $0x5000, s8;
	[dreg:$0x7] =	wrdreg s16  }
0x11: {  	s9 =	simm.s32 $0x9;
	s18 =	sadd.s32 $0x6000, s8;
	[dreg:$0x8] =	wrdreg s17  }
0x12: {  	s10 =	simm.s32 $0xA;
	s19 =	sadd.s32 $0x7000, s8;
	[dreg:$0x9] =	wrdreg s18  }
0x13: {  	s7 =	sshrl.u32 s7, $0x3;
	s20 =	sadd.s32 $0x8000, s8;
	[dreg:$0xa] =	wrdreg s19  }
0x14: {  	s8 =	sadd.s32 $0x9000, s8;
	s26 =	sadd.s32 $0x3000, s1;
	[dreg:$0xb] =	wrdreg s20  }
.Ltmp0:
0x15: {  	s0 =	sadd.s32 s7, s0;
	[dreg:$0xc] =	wrdreg s8;
	(pc) =	sbr.rel .LBB2_1-.Ltmp0, $4  }
0x16: {  	[dreg:$0xd] =	wrdreg s26;
	s16 =	sadd.s32 $0xCC40, s1;
	s18 =	smax.u32 s12, $0x1  }
0x17: {  	s19 =	simm.s32 $0x10040;
	s20 =	simm.s32 $0xB;
	s14 =	simm.s32 $0x4E20  }
0x18: {  	s26 =	simm.s32 $0xC440;
	s1 =	simm.s32 $0x2;
	s7 =	simm.s32 $0x8  }
0x19: {  	v1 =	vimm.f32 $0.0e+00;
	v0 =	vmov s21;
	s8 =	simm.s32 $0x5;
	s17 =	sadd.s32 $0x70A00, s0;
	s0 =	simm.s32 $0xEC40  }
.LBB2_8:
0x1a: {  	_ =	swait.ge [sflag:s8], $0x1400  }
0x1b: {  	[sflag:s8] =	ssyncset.done $0x0  }
0x1c: {  	[sflag:s8] =	ssyncadd.s32 $0xFFFFEC00  }
0x1d: {  	[spmem:s3] =	stream.indirect.scatter.add.f32 [tilespmem:s0], [sflag:$0xA], $0x40, s13, s22, $0xb8;
	[tilespmem:$0x1B040] =	vst v63  }
0x1e: {  	_ =	swait.ge [sflag:s28], $0x1400  }
0x1f: {  	[sflag:s28] =	ssyncset.done $0x0  }
0x20: {  	[sflag:s28] =	ssyncadd.s32 $0xFFFFEC00  }
0x21: {  	_ =	swait.ge [sflag:s31], $0x1400  }
0x22: {  	[sflag:s31] =	ssyncset.done $0x0  }
0x23: {  	[sflag:s31] =	ssyncadd.s32 $0xFFFFEC00  }
0x24: {  	_ =	swait.ge [sflag:s7], $0x1400  }
0x25: {  	[sflag:s7] =	ssyncset.done $0x0  }
0x26: {  	[sflag:s7] =	ssyncadd.s32 $0xFFFFEC00  }
0x27: {  	_ =	swait.ge [sflag:s9], $0x1400  }
0x28: {  	[sflag:s9] =	ssyncset.done $0x0  }
0x29: {  	[sflag:s9] =	ssyncadd.s32 $0xFFFFEC00  }
0x2a: {  	s11 =	stileid.u32;
	_ =	swait.ge [sflag:s10], $0x1400  }
0x2b: {  	s12 =	sshrl.u32 s5, $0x3;
	s4 =	sadd.s32 $0x1, s4;
	[sflag:s10] =	ssyncset.done $0x0  }
0x2c: {  	s11 =	sshll.u32 s11, $0x6;
	p0 =	sne.s32 s4, s18;
	[sflag:s10] =	ssyncadd.s32 $0xFFFFEC00  }
.Ltmp1:
0x2d: {  	s11 =	sor.u32 $0x1C0B, s11;
	[bflag:$0x0] =	sbarrier.arrive $0xFFFF;
	(pc) =	sbr.rel @!p0 .LBB2_9-.Ltmp1, $4  }
0x2e: {  	[hbm:s17], [sflag:s11] =	dma.local [spmem:s12], $0x1400  }
0x2f: {  	_ =	swait.ge [sflag:s20], $0x1400  }
0x30: {  	[sflag:s20] =	ssyncset.done $0x0  }
0x31: {  	s14 =	simm.s32 $0x4E20;
	[sflag:s20] =	ssyncadd.s32 $0xFFFFEC00  }
.LBB2_1:
0x32: {  	s12 =	simm.s32 $0x100;
	s11 =	simm.s32 $0x0  }
.LBB2_2:
0x33: {  	p0 =	sne.s32 s12, $0x3F00;
	[tilespmem:s11+$0x10070] =	vst v1;
	s13 =	smov.u32 s12;
	s12 =	sadd.s32 $0x100, s12  }
.Ltmp2:
0x34: {  	[tilespmem:s11+$0x10060] =	vst v1;
	(pc) =	sbr.rel @p0 .LBB2_2-.Ltmp2, $3  }
0x35: {  	[tilespmem:s11+$0x10040] =	vst v1  }
0x36: {  	[tilespmem:s11+$0x10050] =	vst v1;
	_ =	sdelay $0x1  }
0x37: {  	s11 =	sshra.s32 s13, $0x2  }
0x38: {  	[tilespmem:s11+$0x10070] =	vst v1  }
0x39: {  	[tilespmem:s11+$0x10060] =	vst v1  }
0x3a: {  	[tilespmem:s11+$0x10040] =	vst v1  }
0x3b: {  	[tilespmem:s11+$0x10050] =	vst v1  }
0x3c: {  	[spmem:s5] =	stream.linear.scatter [tilespmem:s19], [sflag:$0xB], $0x1000, $0x38;
	[tilespmem:$0x1B040] =	vst v63  }
0x3d: {  	_ =	swait.ge [sflag:s20], $0x1000  }
0x3e: {  	[sflag:s20] =	ssyncset.done $0x0  }
0x3f: {  	s15 =	rddreg [dreg:$0x4];
	[sflag:s20] =	ssyncadd.s32 $0xFFFFF000  }
0x40: {  	[spmem:s15] =	stream.linear.scatter [tilespmem:s19], [sflag:$0xB], $0x1000, $0x38;
	[tilespmem:$0x1B040] =	vst v63  }
0x41: {  	_ =	swait.ge [sflag:s20], $0x1000  }
0x42: {  	[sflag:s20] =	ssyncset.done $0x0  }
0x43: {  	s21 =	rddreg [dreg:$0x5];
	[sflag:s20] =	ssyncadd.s32 $0xFFFFF000  }
0x44: {  	[spmem:s21] =	stream.linear.scatter [tilespmem:s19], [sflag:$0xB], $0x1000, $0x38;
	[tilespmem:$0x1B040] =	vst v63  }
0x45: {  	_ =	swait.ge [sflag:s20], $0x1000  }
0x46: {  	[sflag:s20] =	ssyncset.done $0x0  }
0x47: {  	s12 =	rddreg [dreg:$0x6];
	[sflag:s20] =	ssyncadd.s32 $0xFFFFF000  }
0x48: {  	[spmem:s12] =	stream.linear.scatter [tilespmem:s19], [sflag:$0xB], $0x1000, $0x38;
	[tilespmem:$0x1B040] =	vst v63  }
0x49: {  	_ =	swait.ge [sflag:s20], $0x1000  }
0x4a: {  	[sflag:s20] =	ssyncset.done $0x0  }
0x4b: {  	s13 =	rddreg [dreg:$0x7];
	[sflag:s20] =	ssyncadd.s32 $0xFFFFF000  }
0x4c: {  	[spmem:s13] =	stream.linear.scatter [tilespmem:s19], [sflag:$0xB], $0x1000, $0x38;
	[tilespmem:$0x1B040] =	vst v63  }
0x4d: {  	_ =	swait.ge [sflag:s20], $0x1000  }
0x4e: {  	[sflag:s20] =	ssyncset.done $0x0  }
0x4f: {  	s15 =	rddreg [dreg:$0x8];
	[sflag:s20] =	ssyncadd.s32 $0xFFFFF000  }
0x50: {  	[spmem:s15] =	stream.linear.scatter [tilespmem:s19], [sflag:$0xB], $0x1000, $0x38;
	[tilespmem:$0x1B040] =	vst v63  }
0x51: {  	_ =	swait.ge [sflag:s20], $0x1000  }
0x52: {  	[sflag:s20] =	ssyncset.done $0x0  }
0x53: {  	s21 =	rddreg [dreg:$0x9];
	[sflag:s20] =	ssyncadd.s32 $0xFFFFF000  }
0x54: {  	[spmem:s21] =	stream.linear.scatter [tilespmem:s19], [sflag:$0xB], $0x1000, $0x38;
	[tilespmem:$0x1B040] =	vst v63  }
0x55: {  	_ =	swait.ge [sflag:s20], $0x1000  }
0x56: {  	[sflag:s20] =	ssyncset.done $0x0  }
0x57: {  	s12 =	rddreg [dreg:$0xa];
	[sflag:s20] =	ssyncadd.s32 $0xFFFFF000  }
0x58: {  	[spmem:s12] =	stream.linear.scatter [tilespmem:s19], [sflag:$0xB], $0x1000, $0x38;
	[tilespmem:$0x1B040] =	vst v63  }
0x59: {  	_ =	swait.ge [sflag:s20], $0x1000  }
0x5a: {  	[sflag:s20] =	ssyncset.done $0x0  }
0x5b: {  	s13 =	rddreg [dreg:$0xb];
	[sflag:s20] =	ssyncadd.s32 $0xFFFFF000  }
0x5c: {  	[spmem:s13] =	stream.linear.scatter [tilespmem:s19], [sflag:$0xB], $0x1000, $0x38;
	[tilespmem:$0x1B040] =	vst v63  }
0x5d: {  	_ =	swait.ge [sflag:s20], $0x1000  }
0x5e: {  	[sflag:s20] =	ssyncset.done $0x0  }
0x5f: {  	s15 =	rddreg [dreg:$0xc];
	[sflag:s20] =	ssyncadd.s32 $0xFFFFF000  }
0x60: {  	[spmem:s15] =	stream.linear.scatter [tilespmem:s19], [sflag:$0xB], $0x1000, $0x38;
	[tilespmem:$0x1B040] =	vst v63  }
0x61: {  	_ =	swait.ge [sflag:s20], $0x1000  }
0x62: {  	[sflag:s20] =	ssyncset.done $0x0  }
0x63: {  	s21 =	simm.s32 $0x0;
	s12 =	rddreg [dreg:$0xd];
	[sflag:s20] =	ssyncadd.s32 $0xFFFFF000  }
0x64: {  	[tilespmem:s21], [sflag:$0xB] =	stream.linear.gather [hbm4b:s12+s21], $0x4E20, $0x38;
	[tilespmem:$0x1B040] =	vst v63  }
0x65: {  	_ =	swait.ge [sflag:s20], $0x4E20  }
0x66: {  	[sflag:s20] =	ssyncset.done $0x0  }
0x67: {  	[sflag:s20] =	ssyncadd.s32 $0xFFFFB1E0  }
0x68: {  	[tilespmem:s14], [sflag:$0xB] =	stream.linear.gather [hbm4b:s16+s21], $0x4E20, $0x38;
	[tilespmem:$0x1B040] =	vst v63  }
0x69: {  	_ =	swait.ge [sflag:s20], $0x4E20  }
0x6a: {  	[sflag:s20] =	ssyncset.done $0x0  }
0x6b: {  	s11 =	simm.s32 $0x0;
	[sflag:s20] =	ssyncadd.s32 $0xFFFFB1E0  }
0x6c: {  	v5 =	vld [tilespmem:s11+$0x0]  }
0x6d: {  	v4 =	vld [tilespmem:s11+$0x10]  }
0x6e: {  	v3 =	vld [tilespmem:s11+$0x20]  }
0x6f: {  	s12 =	simm.s32 $0x140;
	v2 =	vld [tilespmem:s11+$0x30]  }
.LBB2_4:
0x70: {  	p0 =	sne.s32 s12, $0x13740;
	v6 =	vld [tilespmem:s11+$0x40]  }
0x71: {  	v5 =	vadd.s32 v0, v5  }
.Ltmp3:
0x72: {  	s13 =	sshra.s32 s12, $0x2;
	[tilespmem:s11+$0x0] =	vst v5;
	v4 =	vadd.s32 v0, v4;
	(pc) =	sbr.rel @p0 .LBB2_4-.Ltmp3, $4  }
0x73: {  	v5 =	vld [tilespmem:s13+$0x0];
	[tilespmem:s11+$0x10] =	vst v4;
	v3 =	vadd.s32 v0, v3  }
0x74: {  	v4 =	vld [tilespmem:s13+$0x10];
	[tilespmem:s11+$0x20] =	vst v3;
	v2 =	vadd.s32 v0, v2  }
0x75: {  	v3 =	vld [tilespmem:s13+$0x20];
	[tilespmem:s11+$0x30] =	vst v2;
	v6 =	vadd.s32 v0, v6  }
0x76: {  	s12 =	sadd.s32 $0x140, s12;
	v2 =	vld [tilespmem:s13+$0x30];
	[tilespmem:s11+$0x40] =	vst v6;
	s11 =	smov.u32 s13  }
0x77: {  	v6 =	vld [tilespmem:s11+$0x40]  }
0x78: {  	v5 =	vadd.s32 v0, v5  }
0x79: {  	[tilespmem:s11+$0x0] =	vst v5;
	v4 =	vadd.s32 v0, v4  }
0x7a: {  	[tilespmem:s11+$0x10] =	vst v4;
	v3 =	vadd.s32 v0, v3  }
0x7b: {  	[tilespmem:s11+$0x20] =	vst v3;
	v2 =	vadd.s32 v0, v2  }
0x7c: {  	[tilespmem:s11+$0x30] =	vst v2;
	v2 =	vadd.s32 v0, v6  }
0x7d: {  	[tilespmem:s11+$0x40] =	vst v2  }
0x7e: {  	s11 =	simm.s32 $0x0;
	[bflag:$0x0] =	sbarrier.arrive $0xFFFF  }
0x7f: {  	[tilespmem:s23], [sflag:$0x1] =	stream.indirect.gather [hbm4b:s2+s22], $0x40, s11, s22, $0xb8;
	[tilespmem:$0x1B040] =	vst v63  }
0x80: {  	_ = 	snop  }
0x81: {  	[tilespmem:s24], [sflag:$0x2] =	stream.indirect.gather [hbm4b:s2+s22], $0x40, s22, s22, $0xb8;
	[tilespmem:$0x1B040] =	vst v63  }
0x82: {  	s12 =	simm.s32 $0xA0  }
0x83: {  	[tilespmem:s26], [sflag:$0x3] =	stream.indirect.gather [hbm4b:s2+s22], $0x40, s12, s22, $0xb8;
	[tilespmem:$0x1B040] =	vst v63  }
0x84: {  	s15 =	simm.s32 $0xF0  }
0x85: {  	[tilespmem:s29], [sflag:$0x4] =	stream.indirect.gather [hbm4b:s2+s22], $0x40, s15, s22, $0xb8;
	[tilespmem:$0x1B040] =	vst v63  }
0x86: {  	_ =	swait.ge [sflag:s30], $0x1400  }
0x87: {  	[sflag:s30] =	ssyncset.done $0x0  }
0x88: {  	[sflag:s30] =	ssyncadd.s32 $0xFFFFEC00  }
0x89: {  	[spmem:s3] =	stream.indirect.scatter.add.f32 [tilespmem:s23], [sflag:$0x6], $0x40, s14, s22, $0xb8;
	[tilespmem:$0x1B040] =	vst v63  }
0x8a: {  	s21 =	simm.s32 $0x140  }
0x8b: {  	[tilespmem:s0], [sflag:$0x5] =	stream.indirect.gather [hbm4b:s2+s22], $0x40, s21, s22, $0xb8;
	[tilespmem:$0x1B040] =	vst v63  }
0x8c: {  	_ =	swait.ge [sflag:s1], $0x1400  }
0x8d: {  	[sflag:s1] =	ssyncset.done $0x0  }
0x8e: {  	s13 =	simm.s32 $0x4E70;
	[sflag:s1] =	ssyncadd.s32 $0xFFFFEC00  }
0x8f: {  	[spmem:s3] =	stream.indirect.scatter.add.f32 [tilespmem:s24], [sflag:$0x7], $0x40, s13, s22, $0xb8;
	[tilespmem:$0x1B040] =	vst v63  }
0x90: {  	_ =	swait.ge [sflag:s28], $0x1400  }
0x91: {  	[sflag:s28] =	ssyncset.done $0x0  }
0x92: {  	s14 =	simm.s32 $0x190;
	[sflag:s28] =	ssyncadd.s32 $0xFFFFEC00  }
0x93: {  	[tilespmem:s23], [sflag:$0x1] =	stream.indirect.gather [hbm4b:s2+s22], $0x40, s14, s22, $0xb8;
	[tilespmem:$0x1B040] =	vst v63  }
0x94: {  	_ =	swait.ge [sflag:s25], $0x1400  }
0x95: {  	[sflag:s25] =	ssyncset.done $0x0  }
0x96: {  	s15 =	simm.s32 $0x4EC0;
	[sflag:s25] =	ssyncadd.s32 $0xFFFFEC00  }
0x97: {  	[spmem:s3] =	stream.indirect.scatter.add.f32 [tilespmem:s26], [sflag:$0x8], $0x40, s15, s22, $0xb8;
	[tilespmem:$0x1B040] =	vst v63  }
0x98: {  	_ =	swait.ge [sflag:s31], $0x1400  }
0x99: {  	[sflag:s31] =	ssyncset.done $0x0  }
0x9a: {  	s21 =	simm.s32 $0x1E0;
	[sflag:s31] =	ssyncadd.s32 $0xFFFFEC00  }
0x9b: {  	[tilespmem:s24], [sflag:$0x2] =	stream.indirect.gather [hbm4b:s2+s22], $0x40, s21, s22, $0xb8;
	[tilespmem:$0x1B040] =	vst v63  }
0x9c: {  	_ =	swait.ge [sflag:s6], $0x1400  }
0x9d: {  	[sflag:s6] =	ssyncset.done $0x0  }
0x9e: {  	s13 =	simm.s32 $0x4F10;
	[sflag:s6] =	ssyncadd.s32 $0xFFFFEC00  }
0x9f: {  	[spmem:s3] =	stream.indirect.scatter.add.f32 [tilespmem:s29], [sflag:$0x9], $0x40, s13, s22, $0xb8;
	[tilespmem:$0x1B040] =	vst v63  }
0xa0: {  	_ =	swait.ge [sflag:s7], $0x1400  }
0xa1: {  	[sflag:s7] =	ssyncset.done $0x0  }
0xa2: {  	s14 =	simm.s32 $0x230;
	[sflag:s7] =	ssyncadd.s32 $0xFFFFEC00  }
0xa3: {  	[tilespmem:s26], [sflag:$0x3] =	stream.indirect.gather [hbm4b:s2+s22], $0x40, s14, s22, $0xb8;
	[tilespmem:$0x1B040] =	vst v63  }
0xa4: {  	_ =	swait.ge [sflag:s8], $0x1400  }
0xa5: {  	[sflag:s8] =	ssyncset.done $0x0  }
0xa6: {  	s15 =	simm.s32 $0x4F60;
	[sflag:s8] =	ssyncadd.s32 $0xFFFFEC00  }
0xa7: {  	[spmem:s3] =	stream.indirect.scatter.add.f32 [tilespmem:s0], [sflag:$0xA], $0x40, s15, s22, $0xb8;
	[tilespmem:$0x1B040] =	vst v63  }
0xa8: {  	_ =	swait.ge [sflag:s9], $0x1400  }
0xa9: {  	[sflag:s9] =	ssyncset.done $0x0  }
0xaa: {  	s21 =	simm.s32 $0x280;
	[sflag:s9] =	ssyncadd.s32 $0xFFFFEC00  }
0xab: {  	[tilespmem:s29], [sflag:$0x4] =	stream.indirect.gather [hbm4b:s2+s22], $0x40, s21, s22, $0xb8;
	[tilespmem:$0x1B040] =	vst v63  }
.LBB2_6:
0xac: {  	_ =	swait.ge [sflag:s30], $0x1400  }
0xad: {  	s12 =	sshra.s32 s11, $0x2;
	[sflag:s30] =	ssyncset.done $0x0  }
0xae: {  	s13 =	sadd.s32 $0x4FB0, s12;
	[sflag:s30] =	ssyncadd.s32 $0xFFFFEC00  }
0xaf: {  	[spmem:s3] =	stream.indirect.scatter.add.f32 [tilespmem:s23], [sflag:$0x6], $0x40, s13, s22, $0xb8;
	[tilespmem:$0x1B040] =	vst v63  }
0xb0: {  	_ =	swait.ge [sflag:s10], $0x1400  }
0xb1: {  	[sflag:s10] =	ssyncset.done $0x0  }
0xb2: {  	s14 =	sadd.s32 $0x2D0, s12;
	[sflag:s10] =	ssyncadd.s32 $0xFFFFEC00  }
0xb3: {  	[tilespmem:s0], [sflag:$0x5] =	stream.indirect.gather [hbm4b:s2+s22], $0x40, s14, s22, $0xb8;
	[tilespmem:$0x1B040] =	vst v63  }
0xb4: {  	_ =	swait.ge [sflag:s1], $0x1400  }
0xb5: {  	p0 =	seq.s32 s11, $0x12C00;
	[sflag:s1] =	ssyncset.done $0x0  }
0xb6: {  	s15 =	sadd.s32 $0x5000, s12;
	s13 =	simm.s32 @p0 $0x3;
	[sflag:s1] =	ssyncadd.s32 $0xFFFFEC00  }
0xb7: {  	[spmem:s3] =	stream.indirect.scatter.add.f32 [tilespmem:s24], [sflag:$0x7], $0x40, s15, s22, $0xb8;
	[tilespmem:$0x1B040] =	vst v63  }
0xb8: {  	_ =	swait.ge @p0 [sflag:s13], $0x1400  }
0xb9: {  	[sflag:s13] =	ssyncset.done @p0 $0x0  }
0xba: {  	[sflag:s13] =	ssyncadd.s32 @p0 $0xFFFFEC00;
	s13 =	sshra.s32 @p0 s11, $0x2  }
0xbb: {  	s14 =	simm.s32 @p0 $0x50;
	s15 =	simm.s32 @p0 $0xC440;
	s13 =	sadd.s32 @p0 $0x5050, s13  }
0xbc: {  	[spmem:s3] =	stream.indirect.scatter.add.f32 @p0 [tilespmem:s15], [sflag:$0x8], $0x40, s13, s14, $0xb8;
	[tilespmem:$0x1B040] =	vst v63  }
0xbd: {  	s13 =	simm.s32 @!p0 $0x6  }
0xbe: {  	_ =	swait.ge @!p0 [sflag:s13], $0x1400  }
0xbf: {  	[sflag:s13] =	ssyncset.done @!p0 $0x0  }
0xc0: {  	[sflag:s13] =	ssyncadd.s32 @!p0 $0xFFFFEC00;
	s13 =	sshra.s32 @!p0 s11, $0x2  }
0xc1: {  	s21 =	simm.s32 @!p0 $0x9C40;
	s15 =	simm.s32 @!p0 $0x50;
	s14 =	sadd.s32 @!p0 $0x320, s13  }
0xc2: {  	[tilespmem:s21], [sflag:$0x1] =	stream.indirect.gather @!p0 [hbm4b:s2+s15], $0x40, s14, s15, $0xb8;
	[tilespmem:$0x1B040] =	vst v63  }
0xc3: {  	s14 =	simm.s32 @!p0 $0x3  }
0xc4: {  	_ =	swait.ge @!p0 [sflag:s14], $0x1400  }
0xc5: {  	[sflag:s14] =	ssyncset.done @!p0 $0x0  }
0xc6: {  	s21 =	simm.s32 @!p0 $0xC440;
	[sflag:s14] =	ssyncadd.s32 @!p0 $0xFFFFEC00;
	s14 =	sadd.s32 @!p0 $0x5050, s13  }
0xc7: {  	[spmem:s3] =	stream.indirect.scatter.add.f32 @!p0 [tilespmem:s21], [sflag:$0x8], $0x40, s14, s15, $0xb8;
	[tilespmem:$0x1B040] =	vst v63  }
0xc8: {  	s14 =	simm.s32 @!p0 $0x7  }
0xc9: {  	_ =	swait.ge @!p0 [sflag:s14], $0x1400  }
0xca: {  	[sflag:s14] =	ssyncset.done @!p0 $0x0  }
0xcb: {  	s13 =	sadd.s32 @!p0 $0x370, s13;
	[sflag:s14] =	ssyncadd.s32 @!p0 $0xFFFFEC00;
	s14 =	simm.s32 @!p0 $0xB040  }
0xcc: {  	[tilespmem:s14], [sflag:$0x2] =	stream.indirect.gather @!p0 [hbm4b:s2+s15], $0x40, s13, s15, $0xb8;
	[tilespmem:$0x1B040] =	vst v63  }
.Ltmp4:
0xcd: {  	_ = 	snop;
	(pc) =	sbr.rel @p0 .LBB2_8-.Ltmp4, $4  }
0xce: {  	_ =	swait.ge [sflag:s6], $0x1400  }
0xcf: {  	[sflag:s6] =	ssyncset.done $0x0  }
0xd0: {  	s21 =	sadd.s32 $0x50A0, s12;
	s13 =	sadd.s32 $0x50F0, s12;
	[sflag:s6] =	ssyncadd.s32 $0xFFFFEC00  }
0xd1: {  	[spmem:s3] =	stream.indirect.scatter.add.f32 [tilespmem:s29], [sflag:$0x9], $0x40, s21, s22, $0xb8;
	[tilespmem:$0x1B040] =	vst v63  }
0xd2: {  	_ =	swait.ge [sflag:s7], $0x1400  }
0xd3: {  	[sflag:s7] =	ssyncset.done $0x0  }
0xd4: {  	s14 =	sadd.s32 $0x3C0, s12;
	[sflag:s7] =	ssyncadd.s32 $0xFFFFEC00  }
0xd5: {  	[tilespmem:s26], [sflag:$0x3] =	stream.indirect.gather [hbm4b:s2+s22], $0x40, s14, s22, $0xb8;
	[tilespmem:$0x1B040] =	vst v63  }
0xd6: {  	_ =	swait.ge [sflag:s8], $0x1400  }
0xd7: {  	[sflag:s8] =	ssyncset.done $0x0  }
0xd8: {  	[sflag:s8] =	ssyncadd.s32 $0xFFFFEC00  }
0xd9: {  	[spmem:s3] =	stream.indirect.scatter.add.f32 [tilespmem:s0], [sflag:$0xA], $0x40, s13, s22, $0xb8;
	[tilespmem:$0x1B040] =	vst v63  }
.Ltmp5:
0xda: {  	_ = 	snop;
	(pc) =	sbr.rel .LBB2_6-.Ltmp5, $4  }
0xdb: {  	_ =	swait.ge [sflag:s9], $0x1400  }
0xdc: {  	[sflag:s9] =	ssyncset.done $0x0  }
0xdd: {  	s21 =	sadd.s32 $0x410, s12;
	s11 =	sadd.s32 $0x640, s11;
	[sflag:s9] =	ssyncadd.s32 $0xFFFFEC00  }
0xde: {  	[tilespmem:s29], [sflag:$0x4] =	stream.indirect.gather [hbm4b:s2+s22], $0x40, s21, s22, $0xb8;
	[tilespmem:$0x1B040] =	vst v63  }
.LBB2_9:
0xdf: {  	_ =	sfence.sel $0x180000  }
0xe0: {  	[bflag:$0x0] =	sbarrier.arrive $0xFFFF  }
0xe1: {  	_ =	strace $0x9000004A  }
0xe2: {  	s0 =	stileid.u32;
	[bflag:$0x2] =	sbarrier.arrive $0xFFFF  }
0xe3: {  	p0 =	sne.s32 s0, $0x0;
	s0 =	rddreg [dreg:$0x3]  }
0xe4: {  	s0 =	sadd.s32 @!p0 $0x100000, s0  }
0xe5: {  	[sflag:s0] =	ssyncadd.tile.s32 @!p0 $0x1;
	_ =	shalt  }
.Lfunc_end2:
_tile_overlayer_lowered:
.L_overlay_start_2:
0xe6: {  	(tag) =	ssettag $0x2  }
0xe7: {  	s0 =	rddreg [dreg:$0x0];
	s2 =	stileid.u32  }
0xe8: {  	s1 =	rddreg [dreg:$0x1];
	p0 =	sne.s32 s2, $0x0  }
0xe9: {  	s3 =	rddreg [dreg:$0x2];
	[bflag:$0x3] =	sbarrier.arrive $0xFFFF;
	s2 =	simm.s32 @!p0 $0x1C0B  }
0xea: {  	[timem:s3], [sflag:s2] =	dma.local @!p0 [hbm:s0], s1  }
0xeb: {  	s0 =	simm.s32 @!p0 $0xB  }
0xec: {  	_ =	swait.ge @!p0 [sflag:s0], s1  }
0xed: {  	s1 =	ssub.s32 @!p0 $0x0, s1;
	[sflag:s0] =	ssyncset.done @!p0 $0x0  }
0xee: {  	[sflag:s0] =	ssyncadd.s32 @!p0 s1  }
0xef: {  	[bflag:$0x3] =	sbarrier.arrive $0xFFFF  }
0xf0: {  	_ =	shalt  }

// kernel: kernel.13.cloned.1.call-start
scs
__scs_entry_jumppad:
0x0: {  	(pc) =	sbr.rel $0x88, $3  }
0x1: {  	(tag) =	ssettag $0x0;
	lr =	simm.s32 $0x1  }
0x2: {  	[smem:$0x3F99] =	sst lr;
	_ =	strace $0xD0000000  }
0x3: {  	_ = 	snop  }
0x4: {  	_ = 	snop  }
0x5: {  	_ = 	snop  }
0x6: {  	_ = 	snop  }
0x7: {  	_ = 	snop  }
__scs_overlays_trampoline_lowered:
0x8: {  	[smem:$0x3FA8] =	sst s0  }
0x9: {  	[smem:$0x3FA9] =	sst s1  }
0xa: {  	[smem:$0x3FAA] =	sst s2  }
0xb: {  	[smem:$0x3FAB] =	sst s3  }
0xc: {  	[smem:$0x3FAC] =	sst s4  }
0xd: {  	[smem:$0x3FAD] =	sst s5  }
0xe: {  	[smem:$0x3FAE] =	sst s6  }
0xf: {  	[smem:$0x3FAF] =	sst s7  }
0x10: {  	[smem:$0x3FB0] =	sst s8  }
0x11: {  	[smem:$0x3FB1] =	sst s9;
	s0 =	simm.s32 @!p0 $0x0  }
0x12: {  	s1 =	sld [smem:$0x3F97];
	s0 =	simm.s32 @p0 $0x1  }
0x13: {  	[smem:$0x3FB2] =	sst s0;
	s0 =	simm.s32 @!p1 $0x0  }
0x14: {  	s2 =	sld [smem:$0x3F96];
	s0 =	simm.s32 @p1 $0x1  }
0x15: {  	[smem:$0x3FB3] =	sst s0;
	s0 =	simm.s32 @!p2 $0x0  }
0x16: {  	s3 =	sld [smem:$0x3FDB];
	s0 =	simm.s32 @p2 $0x1  }
0x17: {  	s4 =	simm.s32 $0x1BF5;
	[smem:$0x3FB5] =	sst s0  }
0x18: {  	s0 =	sld [smem:$0x3F98];
	_ =	swait.ge [sflag:s4], $0x0  }
0x19: {  	s7 =	sld [smem:$0x3F99]  }
0x1a: {  	s8 =	sadd.s32 $0xFFFFE003, lr  }
0x1b: {  	s9 =	sadd.s32 $0xFFFFFEF7, lr;
	s5 =	simm.s32 $0xFFFFFFFF;
	p2 =	slt.u32 s8, $0xFFFFF086  }
0x1c: {  	p1 =	slt.u32 s9, $0xF7A;
	s5 =	simm.s32 @!p2 $0x0  }
0x1d: {  	s5 =	simm.s32 @p1 $0x1;
	p0 =	seq.s32 s7, s2  }
0x1e: {  	s7 =	smul.u32 @!p0 $0xF7A, s2;
	p2 =	seq.s32 @!p0 s5, $0x0  }
0x1f: {  	s9 =	smul.u32 $0xF7A, s1;
	s8 =	simm.s32 @!p0 $0x1BF5;
	p2 =	por !p2, p0  }
0x20: {  	[sflag:s8] =	ssyncset.s32 @!p0 $0xFFFFF086;
	s6 =	sadd.s32 @!p0 s3, s7;
	s7 =	simm.s32 @!p0 $0x108  }
0x21: {  	s3 =	sadd.s32 s3, s9;
	s6 =	sadd.s32 @!p0 $0x88, s6;
	s7 =	simm.s32 @p2 $0x1082  }
0x22: {  	[simem:s7], [sflag:s8] =	dma.local @!p0 [hbm:s6], $0xF7A  }
0x23: {  	s9 =	sor.u32 $0xD0000000, s2;
	s6 =	simm.s32 $0x108;
	_ =	swait.ge @!p0 [sflag:s8], $0x0  }
0x24: {  	s3 =	sadd.s32 $0x88, s3;
	s6 =	simm.s32 @!p1 $0x1082;
	[sflag:s4] =	ssyncset.s32 $0xFFFFF086  }
0x25: {  	[simem:s6], [sflag:s4] =	dma.local [hbm:s3], $0xF7A  }
0x26: {  	[smem:$0x3F99] =	sst s1;
	(tag) =	ssettag s2;
	_ =	strace s9  }
0x27: {  	s1 =	sld [smem:$0x3FA9]  }
0x28: {  	s2 =	sld [smem:$0x3FAA]  }
0x29: {  	s4 =	sld [smem:$0x3FAC]  }
0x2a: {  	p0 =	seq.s32 s5, $0x0;
	s5 =	sld [smem:$0x3FAD]  }
0x2b: {  	s6 =	sld [smem:$0x3FAE]  }
0x2c: {  	s7 =	sld [smem:$0x3FAF]  }
0x2d: {  	s3 =	simm.s32 $0x108;
	s8 =	sld [smem:$0x3FB0]  }
0x2e: {  	s3 =	simm.s32 @!p0 $0x1082;
	s9 =	sld [smem:$0x3FB1]  }
0x2f: {  	lr =	sadd.s32 s0, s3;
	s0 =	sld [smem:$0x3FA8]  }
0x30: {  	s3 =	sld [smem:$0x3FAB]  }
0x31: {  	[smem:$0x3FB4] =	sst s10  }
0x32: {  	s10 =	sld [smem:$0x3FB2];
	_ =	sdelay $0x3  }
0x33: {  	p0 =	seq.s32 s10, $0x1;
	s10 =	sld [smem:$0x3FB4];
	_ =	sdelay $0x3  }
0x34: {  	[smem:$0x3FB4] =	sst s10  }
0x35: {  	s10 =	sld [smem:$0x3FB3];
	_ =	sdelay $0x3  }
0x36: {  	p1 =	seq.s32 s10, $0x1;
	s10 =	sld [smem:$0x3FB4];
	_ =	sdelay $0x3  }
0x37: {  	[smem:$0x3FB4] =	sst s10  }
0x38: {  	s10 =	sld [smem:$0x3FB5]  }
0x39: {  	_ = 	snop;
	(pc) =	sbr.ind lr, $3  }
0x3a: {  	_ = 	snop  }
0x3b: {  	_ = 	snop  }
0x3c: {  	p2 =	seq.s32 s10, $0x1;
	s10 =	sld [smem:$0x3FB4]  }
0x3d: {  	_ =	shalt  }
0x3e: {  	_ =	shalt  }
0x3f: {  	_ =	shalt  }
0x40: {  	_ =	shalt  }
0x41: {  	_ =	shalt  }
0x42: {  	_ =	shalt  }
0x43: {  	_ =	shalt  }
0x44: {  	_ =	shalt  }
0x45: {  	_ =	shalt  }
0x46: {  	_ =	shalt  }
0x47: {  	_ =	shalt  }
0x48: {  	_ =	shalt  }
0x49: {  	_ =	shalt  }
0x4a: {  	_ =	shalt  }
0x4b: {  	_ =	shalt  }
0x4c: {  	_ =	shalt  }
0x4d: {  	_ =	shalt  }
0x4e: {  	_ =	shalt  }
0x4f: {  	_ =	shalt  }
0x50: {  	_ =	shalt  }
0x51: {  	_ =	shalt  }
0x52: {  	_ =	shalt  }
0x53: {  	_ =	shalt  }
0x54: {  	_ =	shalt  }
0x55: {  	_ =	shalt  }
0x56: {  	_ =	shalt  }
0x57: {  	_ =	shalt  }
0x58: {  	_ =	shalt  }
0x59: {  	_ =	shalt  }
0x5a: {  	_ =	shalt  }
0x5b: {  	_ =	shalt  }
0x5c: {  	_ =	shalt  }
0x5d: {  	_ =	shalt  }
0x5e: {  	_ =	shalt  }
0x5f: {  	_ =	shalt  }
0x60: {  	_ =	shalt  }
0x61: {  	_ =	shalt  }
0x62: {  	_ =	shalt  }
0x63: {  	_ =	shalt  }
0x64: {  	_ =	shalt  }
0x65: {  	_ =	shalt  }
0x66: {  	_ =	shalt  }
0x67: {  	_ =	shalt  }
0x68: {  	_ =	shalt  }
0x69: {  	_ =	shalt  }
0x6a: {  	_ =	shalt  }
0x6b: {  	_ =	shalt  }
0x6c: {  	_ =	shalt  }
0x6d: {  	_ =	shalt  }
0x6e: {  	_ =	shalt  }
0x6f: {  	_ =	shalt  }
0x70: {  	_ =	shalt  }
0x71: {  	_ =	shalt  }
0x72: {  	_ =	shalt  }
0x73: {  	_ =	shalt  }
0x74: {  	_ =	shalt  }
0x75: {  	_ =	shalt  }
0x76: {  	_ =	shalt  }
0x77: {  	_ =	shalt  }
0x78: {  	_ =	shalt  }
0x79: {  	_ =	shalt  }
0x7a: {  	_ =	shalt  }
0x7b: {  	_ =	shalt  }
0x7c: {  	_ =	shalt  }
0x7d: {  	_ =	shalt  }
0x7e: {  	_ =	shalt  }
0x7f: {  	_ =	shalt  }
0x80: {  	_ =	shalt  }
0x81: {  	_ =	shalt  }
0x82: {  	_ =	shalt  }
0x83: {  	_ =	shalt  }
0x84: {  	_ =	shalt  }
0x85: {  	_ =	shalt  }
0x86: {  	_ =	shalt  }
0x87: {  	_ =	shalt  }
.Lfunc_end0:
.L_simem_size_0:
called_computation.2_lowered:
.L_overlay_start_0:
0x88: {  	s2 =	sld [smem:$0x3FD9]  }
0x89: {  	s3 =	sld [smem:$0x3FFE];
	_ =	sdelay $0x1  }
0x8a: {  	s1 =	srdreg.scid  }
0x8b: {  	s0 =	sand.u32 $0x1, s1  }
0x8c: {  	s17 =	sshll.u32 s0, $0xA;
	s2 =	sadd.s32 s3, s2  }
0x8d: {  	s2 =	sadd.s32 s2, s17  }
0x8e: {  	[smem:$0x3FC0] =	sst s2  }
0x8f: {  	_ = 	snop  }
0x90: {  	s2 =	sld [smem:$0x3FD0];
	(tm) =	ssettm $0x1  }
0x91: {  	s18 =	sld [smem:$0x3FFB];
	_ =	sdelay $0x3  }
0x92: {  	_ =	strace s18  }
0x93: {  	s3 =	sld [smem:$0x3FFC];
	_ =	sdelay $0x3  }
0x94: {  	_ =	strace s3  }
0x95: {  	s3 =	sld [smem:$0x3FFD];
	_ =	sdelay $0x3  }
0x96: {  	_ =	strace s3  }
0x97: {  	_ =	strace $0x8FFFFFFF  }
0x98: {  	s19 =	sld [smem:$0x3FDB];
	_ =	sdelay $0x1  }
0x99: {  	s4 =	simm.s32 $_scs_section_size  }
0x9a: {  	s5 =	simm.s32 $_size__tile_overlayer_lowered;
	s6 =	simm.s32 $_tile_overlayer_lowered  }
0x9b: {  	s22 =	simm.s32 $0x1BFF;
	s21 =	sshll.u32 s6, $0x1;
	s3 =	sadd.s32 s4, s19  }
0x9c: {  	s7 =	simm.s32 $0x0;
	s20 =	sshll.u32 s5, $0x1;
	s5 =	sadd.s32 s21, s3  }
0x9d: {  	[timem:s7], [sflag:s22] =	dma.local [hbm:s5], s20  }
0x9e: {  	_ =	swait.ge [sflag:s22], s20  }
0x9f: {  	s4 =	ssub.s32 $0x0, s20;
	[sflag:s22] =	ssyncset.done $0x0  }
0xa0: {  	[sflag:s22] =	ssyncadd.s32 s4;
	_ =	sdelay $0x1  }
0xa1: {  	s23 =	simm.s32 $0x1B8B  }
0xa2: {  	_ =	swait.ge [sflag:s23], $0x1  }
0xa3: {  	[sflag:s23] =	ssyncset.done $0x0  }
0xa4: {  	s25 =	simm.s32 $0x1B8E;
	s24 =	sld [smem:$0x3FFE];
	[sflag:s23] =	ssyncadd.s32 $0xFFFFFFFF  }
0xa5: {  	s26 =	simm.s32 $execute0_lowered;
	[smem:$0x3FD2] =	sst s25  }
0xa6: {  	s5 =	sshll.u32 s26, $0x1;
	_ =	strace $0x8000004C;
	[dreg:$0x1] =	wrdreg $0xFFFFFFFF  }
0xa7: {  	s28 =	simm.s32 $_size_execute0_lowered;
	s3 =	sadd.s32 s3, s5;
	[dreg:$0x0] =	wrdreg $0x0  }
0xa8: {  	s5 =	sshll.u32 s28, $0x1;
	[dreg:$0x2] =	wrdreg s3  }
0xa9: {  	[dreg:$0x3] =	wrdreg s5  }
0xaa: {  	[dreg:$0x4] =	wrdreg $0xC0  }
0xab: {  	_ =	task [dreg:s7], $0x5FFFF  }
0xac: {  	[dreg:$0x1] =	wrdreg $0xFFFFFFFF  }
0xad: {  	[dreg:$0x0] =	wrdreg $0x60  }
0xae: {  	[dreg:$0x2] =	wrdreg s24  }
0xaf: {  	[dreg:$0x3] =	wrdreg s2  }
0xb0: {  	[dreg:$0x4] =	wrdreg $0x156900  }
0xb1: {  	[dreg:$0x5] =	wrdreg $0x9  }
0xb2: {  	_ =	task.clear_ibuf [dreg:s7], $0x6FFFF;
	_ =	strace $0x9000004C  }
0xb3: {  	s29 =	simm.s32 $0x9;
	_ =	strace $0x8000004E  }
0xb4: {  	_ =	swait.ge [sflag:s29], $0x1  }
0xb5: {  	[sflag:s29] =	ssyncadd.s32 $0xFFFFFFFF  }
0xb6: {  	_ =	strace $0x9000004E  }
0xb7: {  	_ =	sfence  }
0xb8: {  	s30 =	sld [smem:$0x0];
	_ =	sdelay $0x2  }
0xb9: {  	s31 =	sshll.u32 s1, $0xD;
	s1 =	sshrl.u32 s1, $0x2  }
0xba: {  	s3 =	sand.u32 $0x4000, s31;
	s1 =	sadd.s32 s1, s30  }
0xbb: {  	s0 =	sor.u32 s3, s0;
	s1 =	sshll.u32 s1, $0x11  }
0xbc: {  	s0 =	sor.u32 s1, s0  }
0xbd: {  	s0 =	sadd.s32 $0x8F2B, s0  }
0xbe: {  	[sflag:s0] =	ssyncadd.remote.s32 $0x1  }
0xbf: {  	_ =	sfence.sel $0xFFFF  }
0xc0: {  	[dreg:$0x0] =	wrdreg $0xFFFFFFFF;
	(pc) =	sbr.abs _section_cstart, $3  }
0xc1: {  	[dreg:$0x1] =	wrdreg $0xFFFFFFFF  }
0xc2: {  	_ =	task.clear_ibuf [dreg:s7], $0x2FFFF;
	_ =	strace $0x9FFFFFFF  }
0xc3: {  	(tm) =	ssettm $0x7FFFFFFF  }
tec
execute0_lowered:
.L_overlay_start_1:
0x0: {  	(tag) =	ssettag $0x1  }
0x1: {  	s0 =	srdreg.scid;
	s21 =	stileid.u32  }
0x2: {  	s4 =	rddreg [dreg:$0x0];
	s2 =	simm.s32 $0x0;
	s1 =	smul.u32 $0x2710, s21  }
0x3: {  	[smem:$0x7FF] =	sst s2;
	s2 =	smul.u32 $0x9C40, s21  }
0x4: {  	s5 =	sand.u32 $0x1, s0;
	s0 =	rddreg [dreg:$0x1];
	s11 =	smul.u32 $0x271, s21  }
0x5: {  	s7 =	sadd.s32 $0x16A00, s4;
	s6 =	smul.u32 $0x28000, s5;
	s3 =	ssub.s32 $0x2, s5  }
0x6: {  	s9 =	sadd.s32 $0x70A00, s4;
	s8 =	smul.u32 $0xA0000, s5;
	s10 =	sshrl.u32 s3, $0x1  }
0x7: {  	s13 =	sadd.s32 $0xFA, s11;
	s17 =	sadd.s32 $0x1F4, s11;
	s12 =	sadd.s32 s1, s6  }
0x8: {  	s1 =	ssub.s32 s3, s10;
	s19 =	sadd.s32 s2, s8;
	s10 =	sadd.s32 $0x7D, s11  }
0x9: {  	s14 =	sshll.u32 s13, $0x4;
	s16 =	sshll.u32 s17, $0x4;
	s18 =	sshrl.u32 s12, $0x3  }
0xa: {  	s20 =	sshrl.u32 s19, $0x3;
	s22 =	sshll.u32 s10, $0x4;
	s14 =	sadd.s32 s6, s14  }
0xb: {  	s1 =	smax.u32 s1, $0x1;
	s3 =	sadd.s32 s7, s18;
	s23 =	sadd.s32 s6, s22  }
0xc: {  	s14 =	sshrl.u32 s14, $0x3;
	s18 =	sshll.u32 s13, $0x6;
	[dreg:$0x4] =	wrdreg s3  }
0xd: {  	s3 =	sadd.s32 s9, s20;
	s12 =	sshrl.u32 s23, $0x3;
	s14 =	sadd.s32 s7, s14  }
0xe: {  	s19 =	sadd.s32 s8, s18;
	[dreg:$0x5] =	wrdreg s3;
	s3 =	sshll.u32 s10, $0x6  }
0xf: {  	s12 =	sadd.s32 s7, s12;
	[dreg:$0x7] =	wrdreg s14;
	s15 =	sadd.s32 s8, s3  }
0x10: {  	[dreg:$0x6] =	wrdreg s12;
	s24 =	sshrl.u32 s15, $0x3;
	s15 =	sadd.s32 $0x177, s11  }
0x11: {  	s25 =	sshll.u32 s15, $0x4;
	s20 =	sshll.u32 s15, $0x6;
	s12 =	sadd.s32 s9, s24  }
0x12: {  	s14 =	sadd.s32 s6, s25;
	s6 =	sadd.s32 s6, s16;
	[dreg:$0xa] =	wrdreg s12  }
0x13: {  	s26 =	sadd.s32 s8, s20;
	s12 =	rddreg [dreg:$0x2];
	s6 =	sshrl.u32 s6, $0x3  }
0x14: {  	s14 =	sshrl.u32 s14, $0x3;
	s2 =	sadd.s32 s2, s12;
	s6 =	sadd.s32 s7, s6  }
0x15: {  	s14 =	sadd.s32 s7, s14;
	[dreg:$0x9] =	wrdreg s6;
	s6 =	sshrl.u32 s26, $0x3  }
0x16: {  	[dreg:$0x8] =	wrdreg s14;
	s14 =	sshrl.u32 s19, $0x3;
	s6 =	sadd.s32 s9, s6  }
0x17: {  	s19 =	smul.u32 $0x4E20, s21;
	[dreg:$0xc] =	wrdreg s6;
	s6 =	sshll.u32 s17, $0x6  }
0x18: {  	s21 =	smul.u32 $0x28000, s21;
	s7 =	sadd.s32 s9, s14;
	s16 =	sadd.s32 s8, s6  }
0x19: {  	[dreg:$0xb] =	wrdreg s7;
	s22 =	sshrl.u32 s19, $0x3;
	s7 =	sshrl.u32 s16, $0x3  }
0x1a: {  	s23 =	sshrl.u32 s21, $0x2;
	s16 =	smul.u32 $0x2710, s5;
	s7 =	sadd.s32 s9, s7  }
0x1b: {  	s19 =	sadd.s32 s23, s12;
	[dreg:$0xd] =	wrdreg s7;
	s7 =	sadd.s32 s22, s4  }
0x1c: {  	s5 =	sadd.s32 s11, s16;
	_ =	strace $0x8000004D;
	[dreg:$0x1d] =	wrdreg s2  }
0x1d: {  	s24 =	sadd.s32 s16, s10;
	s11 =	sadd.s32 s16, s13;
	[smem:$0x7F4] =	sst s1  }
0x1e: {  	s13 =	sadd.s32 s16, s15;
	s25 =	sadd.s32 $0x3000, s7;
	[dreg:$0xe] =	wrdreg s19  }
0x1f: {  	s15 =	sadd.s32 s16, s17;
	s7 =	sadd.s32 $0xCC40, s7;
	[dreg:$0xf] =	wrdreg s25  }
0x20: {  	s8 =	sshll.u32 s11, $0x3;
	s11 =	sadd.s32 s18, s12;
	[dreg:$0x10] =	wrdreg s7  }
0x21: {  	s9 =	sshll.u32 s13, $0x3;
	s13 =	sadd.s32 s20, s12;
	[dreg:$0x1f] =	wrdreg s11  }
0x22: {  	s10 =	sshll.u32 s15, $0x3;
	s15 =	sadd.s32 s6, s12;
	[smem:$0x7F2] =	sst s13  }
0x23: {  	s18 =	sadd.s32 $0x2000, s19;
	[smem:$0x7F3] =	sst s15  }
0x24: {  	s5 =	sshll.u32 s5, $0x3;
	s20 =	sadd.s32 $0x3000, s19;
	[smem:$0x7F6] =	sst s18  }
0x25: {  	s26 =	sshll.u32 s24, $0x3;
	s17 =	sadd.s32 s0, s5;
	[smem:$0x7F7] =	sst s20  }
0x26: {  	s21 =	sadd.s32 s0, s26;
	[dreg:$0x11] =	wrdreg s17  }
0x27: {  	s22 =	sadd.s32 s0, s8;
	[dreg:$0x12] =	wrdreg s21  }
0x28: {  	s14 =	sadd.s32 $0x98A00, s4;
	s23 =	sadd.s32 s0, s9;
	[dreg:$0x13] =	wrdreg s22  }
0x29: {  	s4 =	sadd.s32 $0xBFC00, s4;
	s0 =	sadd.s32 s0, s10;
	[dreg:$0x14] =	wrdreg s23  }
0x2a: {  	s24 =	sadd.s32 s4, s5;
	[dreg:$0x15] =	wrdreg s0  }
0x2b: {  	s25 =	sadd.s32 s4, s26;
	[dreg:$0x16] =	wrdreg s24  }
0x2c: {  	s28 =	sadd.s32 s14, s26;
	s26 =	sadd.s32 s4, s8;
	[dreg:$0x17] =	wrdreg s25  }
0x2d: {  	s7 =	sadd.s32 s14, s9;
	[dreg:$0x18] =	wrdreg s26  }
0x2e: {  	s0 =	sadd.s32 s14, s8;
	[dreg:$0x19] =	wrdreg s7;
	s8 =	sadd.s32 s4, s9  }
0x2f: {  	s29 =	simm.s32 $0x1;
	s4 =	sadd.s32 s4, s10;
	[dreg:$0x1a] =	wrdreg s8  }
0x30: {  	s31 =	simm.s32 $0x2;
	s9 =	sadd.s32 s14, s10;
	[dreg:$0x1b] =	wrdreg s4  }
0x31: {  	v0 =	vmov s16;
	s16 =	simm.s32 $0xA;
	s10 =	sadd.s32 s3, s12;
	[dreg:$0x1c] =	wrdreg s9  }
0x32: {  	s1 =	simm.s32 $0x9C40;
	s17 =	sadd.s32 $0x1000, s19;
	[dreg:$0x1e] =	wrdreg s10  }
0x33: {  	s2 =	simm.s32 $0xB040;
	s21 =	sadd.s32 $0x4000, s19;
	[smem:$0x7F5] =	sst s17  }
0x34: {  	s30 =	sadd.s32 s14, s5;
	s22 =	sadd.s32 $0x5000, s19;
	[smem:$0x7F8] =	sst s21  }
0x35: {  	s20 =	simm.s32 $0x10040;
	s23 =	sadd.s32 $0x6000, s19;
	[smem:$0x7F9] =	sst s22  }
0x36: {  	s5 =	simm.s32 $0xEC40;
	s24 =	sadd.s32 $0x7000, s19;
	[smem:$0x7FA] =	sst s23  }
0x37: {  	s11 =	simm.s32 $0x5;
	s25 =	sadd.s32 $0x8000, s19;
	[smem:$0x7FB] =	sst s24  }
0x38: {  	s13 =	simm.s32 $0x9;
	s26 =	sadd.s32 $0x9000, s19;
	[smem:$0x7FC] =	sst s25  }
0x39: {  	s3 =	simm.s32 $0xC440;
	s7 =	simm.s32 $0x7;
	[smem:$0x7FD] =	sst s26  }
0x3a: {  	s21 =	simm.s32 $0xB;
	s24 =	simm.s32 $0x11810;
	s26 =	simm.s32 $0x13750  }
0x3b: {  	s10 =	simm.s32 $0x3;
	s22 =	simm.s32 $0x50;
	s4 =	simm.s32 $0xD840  }
0x3c: {  	v1 =	vimm.f32 $0.0e+00;
	s8 =	simm.s32 $0x4;
	s9 =	simm.s32 $0x8;
	s17 =	simm.s32 $0x0  }
.LBB2_1:
0x3d: {  	s18 =	simm.s32 $0x100;
	s15 =	simm.s32 $0x0  }
.LBB2_2:
0x3e: {  	p0 =	sne.s32 s18, $0x3F00;
	[tilespmem:s15+$0x10070] =	vst v1;
	s19 =	smov.u32 s18;
	s18 =	sadd.s32 $0x100, s18  }
.Ltmp0:
0x3f: {  	[tilespmem:s15+$0x10060] =	vst v1;
	(pc) =	sbr.rel @p0 .LBB2_2-.Ltmp0, $3  }
0x40: {  	[tilespmem:s15+$0x10040] =	vst v1  }
0x41: {  	[tilespmem:s15+$0x10050] =	vst v1;
	_ =	sdelay $0x1  }
0x42: {  	s15 =	sshra.s32 s19, $0x2  }
0x43: {  	[tilespmem:s15+$0x10070] =	vst v1  }
0x44: {  	[tilespmem:s15+$0x10060] =	vst v1  }
0x45: {  	[tilespmem:s15+$0x10040] =	vst v1  }
0x46: {  	[tilespmem:s15+$0x10050] =	vst v1;
	s23 =	rddreg [dreg:$0xe]  }
0x47: {  	[spmem:s23] =	stream.linear.scatter [tilespmem:s20], [sflag:$0xB], $0x1000, $0x38;
	[tilespmem:$0x1F690] =	vst v63  }
0x48: {  	_ =	swait.ge [sflag:s21], $0x1000  }
0x49: {  	s6 =	sld [smem:$0x7F5]  }
0x4a: {  	[sflag:s21] =	ssyncset.done $0x0  }
0x4b: {  	[sflag:s21] =	ssyncadd.s32 $0xFFFFF000  }
0x4c: {  	[spmem:s6] =	stream.linear.scatter [tilespmem:s20], [sflag:$0xB], $0x1000, $0x38;
	[tilespmem:$0x1F690] =	vst v63  }
0x4d: {  	_ =	swait.ge [sflag:s21], $0x1000  }
0x4e: {  	s25 =	sld [smem:$0x7F6]  }
0x4f: {  	[sflag:s21] =	ssyncset.done $0x0  }
0x50: {  	[sflag:s21] =	ssyncadd.s32 $0xFFFFF000  }
0x51: {  	[spmem:s25] =	stream.linear.scatter [tilespmem:s20], [sflag:$0xB], $0x1000, $0x38;
	[tilespmem:$0x1F690] =	vst v63  }
0x52: {  	_ =	swait.ge [sflag:s21], $0x1000  }
0x53: {  	s15 =	sld [smem:$0x7F7]  }
0x54: {  	[sflag:s21] =	ssyncset.done $0x0  }
0x55: {  	[sflag:s21] =	ssyncadd.s32 $0xFFFFF000  }
0x56: {  	[spmem:s15] =	stream.linear.scatter [tilespmem:s20], [sflag:$0xB], $0x1000, $0x38;
	[tilespmem:$0x1F690] =	vst v63  }
0x57: {  	_ =	swait.ge [sflag:s21], $0x1000  }
0x58: {  	s18 =	sld [smem:$0x7F8]  }
0x59: {  	[sflag:s21] =	ssyncset.done $0x0  }
0x5a: {  	[sflag:s21] =	ssyncadd.s32 $0xFFFFF000  }
0x5b: {  	[spmem:s18] =	stream.linear.scatter [tilespmem:s20], [sflag:$0xB], $0x1000, $0x38;
	[tilespmem:$0x1F690] =	vst v63  }
0x5c: {  	_ =	swait.ge [sflag:s21], $0x1000  }
0x5d: {  	s19 =	sld [smem:$0x7F9]  }
0x5e: {  	[sflag:s21] =	ssyncset.done $0x0  }
0x5f: {  	[sflag:s21] =	ssyncadd.s32 $0xFFFFF000  }
0x60: {  	[spmem:s19] =	stream.linear.scatter [tilespmem:s20], [sflag:$0xB], $0x1000, $0x38;
	[tilespmem:$0x1F690] =	vst v63  }
0x61: {  	_ =	swait.ge [sflag:s21], $0x1000  }
0x62: {  	s23 =	sld [smem:$0x7FA]  }
0x63: {  	[sflag:s21] =	ssyncset.done $0x0  }
0x64: {  	[sflag:s21] =	ssyncadd.s32 $0xFFFFF000  }
0x65: {  	[spmem:s23] =	stream.linear.scatter [tilespmem:s20], [sflag:$0xB], $0x1000, $0x38;
	[tilespmem:$0x1F690] =	vst v63  }
0x66: {  	_ =	swait.ge [sflag:s21], $0x1000  }
0x67: {  	s25 =	sld [smem:$0x7FB]  }
0x68: {  	[sflag:s21] =	ssyncset.done $0x0  }
0x69: {  	[sflag:s21] =	ssyncadd.s32 $0xFFFFF000  }
0x6a: {  	[spmem:s25] =	stream.linear.scatter [tilespmem:s20], [sflag:$0xB], $0x1000, $0x38;
	[tilespmem:$0x1F690] =	vst v63  }
0x6b: {  	_ =	swait.ge [sflag:s21], $0x1000  }
0x6c: {  	s15 =	sld [smem:$0x7FC]  }
0x6d: {  	[sflag:s21] =	ssyncset.done $0x0  }
0x6e: {  	[sflag:s21] =	ssyncadd.s32 $0xFFFFF000  }
0x6f: {  	[spmem:s15] =	stream.linear.scatter [tilespmem:s20], [sflag:$0xB], $0x1000, $0x38;
	[tilespmem:$0x1F690] =	vst v63  }
0x70: {  	_ =	swait.ge [sflag:s21], $0x1000  }
0x71: {  	s18 =	sld [smem:$0x7FD]  }
0x72: {  	[sflag:s21] =	ssyncset.done $0x0  }
0x73: {  	[sflag:s21] =	ssyncadd.s32 $0xFFFFF000  }
0x74: {  	[spmem:s18] =	stream.linear.scatter [tilespmem:s20], [sflag:$0xB], $0x1000, $0x38;
	[tilespmem:$0x1F690] =	vst v63  }
0x75: {  	_ =	swait.ge [sflag:s21], $0x1000  }
0x76: {  	[sflag:s21] =	ssyncset.done $0x0  }
0x77: {  	s19 =	simm.s32 $0x0;
	s18 =	rddreg [dreg:$0xf];
	[sflag:s21] =	ssyncadd.s32 $0xFFFFF000  }
0x78: {  	[tilespmem:s19], [sflag:$0xB] =	stream.linear.gather [hbm4b:s18+s19], $0x4E20, $0x38;
	[tilespmem:$0x1F690] =	vst v63  }
0x79: {  	_ =	swait.ge [sflag:s21], $0x4E20  }
0x7a: {  	[sflag:s21] =	ssyncset.done $0x0  }
0x7b: {  	s25 =	simm.s32 $0x4E20;
	s23 =	rddreg [dreg:$0x10];
	[sflag:s21] =	ssyncadd.s32 $0xFFFFB1E0  }
0x7c: {  	[tilespmem:s25], [sflag:$0xB] =	stream.linear.gather [hbm4b:s23+s19], $0x4E20, $0x38;
	[tilespmem:$0x1F690] =	vst v63  }
0x7d: {  	_ =	swait.ge [sflag:s21], $0x4E20  }
0x7e: {  	[sflag:s21] =	ssyncset.done $0x0  }
0x7f: {  	s15 =	simm.s32 $0x0;
	[sflag:s21] =	ssyncadd.s32 $0xFFFFB1E0  }
0x80: {  	v5 =	vld [tilespmem:s15+$0x0]  }
0x81: {  	v4 =	vld [tilespmem:s15+$0x10]  }
0x82: {  	v3 =	vld [tilespmem:s15+$0x20]  }
0x83: {  	s18 =	simm.s32 $0x140;
	v2 =	vld [tilespmem:s15+$0x30]  }
.LBB2_4:
0x84: {  	p0 =	sne.s32 s18, $0x13740;
	v6 =	vld [tilespmem:s15+$0x40]  }
0x85: {  	v5 =	vadd.s32 v0, v5  }
.Ltmp1:
0x86: {  	s19 =	sshra.s32 s18, $0x2;
	[tilespmem:s15+$0x0] =	vst v5;
	v4 =	vadd.s32 v0, v4;
	(pc) =	sbr.rel @p0 .LBB2_4-.Ltmp1, $4  }
0x87: {  	v5 =	vld [tilespmem:s19+$0x0];
	[tilespmem:s15+$0x10] =	vst v4;
	v3 =	vadd.s32 v0, v3  }
0x88: {  	v4 =	vld [tilespmem:s19+$0x10];
	[tilespmem:s15+$0x20] =	vst v3;
	v2 =	vadd.s32 v0, v2  }
0x89: {  	v3 =	vld [tilespmem:s19+$0x20];
	[tilespmem:s15+$0x30] =	vst v2;
	v6 =	vadd.s32 v0, v6  }
0x8a: {  	s18 =	sadd.s32 $0x140, s18;
	v2 =	vld [tilespmem:s19+$0x30];
	[tilespmem:s15+$0x40] =	vst v6;
	s15 =	smov.u32 s19  }
0x8b: {  	v6 =	vld [tilespmem:s15+$0x40]  }
0x8c: {  	v5 =	vadd.s32 v0, v5  }
0x8d: {  	[tilespmem:s15+$0x0] =	vst v5;
	v4 =	vadd.s32 v0, v4  }
0x8e: {  	[tilespmem:s15+$0x10] =	vst v4;
	v3 =	vadd.s32 v0, v3  }
0x8f: {  	[tilespmem:s15+$0x20] =	vst v3;
	v2 =	vadd.s32 v0, v2  }
0x90: {  	[tilespmem:s15+$0x30] =	vst v2;
	v2 =	vadd.s32 v0, v6  }
0x91: {  	s18 =	simm.s32 $0x0;
	s19 =	simm.s32 $0x11040;
	s6 =	rddreg [dreg:$0x4];
	[tilespmem:s15+$0x40] =	vst v2  }
0x92: {  	[tilespmem:s19], [sflag:$0x1] =	stream.linear.gather [hbm4b:s6+s18], $0x7D0, $0x38;
	[tilespmem:$0x1F690] =	vst v63  }
0x93: {  	s23 =	rddreg [dreg:$0x5]  }
0x94: {  	[tilespmem:s24], [sflag:$0x2] =	stream.linear.gather [hbm4b:s23+s18], $0x1F40, $0x38;
	[tilespmem:$0x1F690] =	vst v63  }
0x95: {  	s25 =	rddreg [dreg:$0x11]  }
0x96: {  	[tilespmem:s26], [sflag:$0x3] =	stream.linear.gather [hbm4b:s25+s18], $0x1F40, $0x38;
	[tilespmem:$0x1F690] =	vst v63  }
0x97: {  	_ =	swait.ge [sflag:s29], $0x7D0  }
0x98: {  	[sflag:s29] =	ssyncset.done $0x0  }
0x99: {  	[sflag:s29] =	ssyncadd.s32 $0xFFFFF830  }
0x9a: {  	_ =	swait.ge [sflag:s31], $0x1F40  }
0x9b: {  	[sflag:s31] =	ssyncset.done $0x0  }
0x9c: {  	[sflag:s31] =	ssyncadd.s32 $0xFFFFE0C0  }
0x9d: {  	_ =	swait.ge [sflag:s10], $0x1F40  }
0x9e: {  	[sflag:s10] =	ssyncset.done $0x0  }
0x9f: {  	[sflag:s10] =	ssyncadd.s32 $0xFFFFE0C0  }
0xa0: {  	s15 =	simm.s32 $0x100;
	v2 =	vld [tilespmem:s19+$0x0]  }
.LBB2_6:
0xa1: {  	p0 =	sne.s32 s15, $0x7C00;
	_ =	sdelay $0x1  }
0xa2: {  	s23 =	sshra.s32 s18, $0x2;
	s18 =	smov.u32 s15  }
0xa3: {  	v3 =	vld [tilespmem:s23+$0x11810]  }
0xa4: {  	v2 =	vadd.f32 $1.000000000e+00, v2;
	v4 =	vld [tilespmem:s23+$0x11820]  }
0xa5: {  	v5 =	vld [tilespmem:s23+$0x11830]  }
0xa6: {  	v6 =	vld [tilespmem:s23+$0x11840];
	(erf) = vrcp.f32 v2  }
0xa7: {  	v2 =	vld [tilespmem:s23+$0x13780]  }
0xa8: {  	v7 =	vld [tilespmem:s23+$0x13760]  }
0xa9: {  	v8 =	vld [tilespmem:s23+$0x13750]  }
0xaa: {  	v9 =	vld [tilespmem:s23+$0x13770];
	_ =	sdelay $0x3  }
0xab: {  	v4 =	vadd.f32 v7, v4;
	v3 =	vadd.f32 v8, v3  }
0xac: {  	v2 =	vadd.f32 v2, v6;
	v5 =	vadd.f32 v9, v5;
	v6 =	vpop (erf)  }
0xad: {  	v3 =	vmul.f32 v3, v6;
	v4 =	vmul.f32 v4, v6  }
0xae: {  	v2 =	vmul.f32 v2, v6;
	v5 =	vmul.f32 v5, v6  }
.Ltmp2:
0xaf: {  	[tilespmem:s23+$0x13750] =	vst v3;
	(pc) =	sbr.rel @p0 .LBB2_6-.Ltmp2, $4  }
0xb0: {  	[tilespmem:s23+$0x13760] =	vst v4  }
0xb1: {  	[tilespmem:s23+$0x13770] =	vst v5  }
0xb2: {  	s19 =	sadd.s32 $0x10, s19;
	[tilespmem:s23+$0x13780] =	vst v2  }
0xb3: {  	s15 =	sadd.s32 $0x100, s15;
	v2 =	vld [tilespmem:s19+$0x0]  }
0xb4: {  	_ =	sdelay $0x3  }
0xb5: {  	s15 =	sshra.s32 s18, $0x2;
	v2 =	vadd.f32 $1.000000000e+00, v2  }
0xb6: {  	v3 =	vld [tilespmem:s15+$0x11810]  }
0xb7: {  	v4 =	vld [tilespmem:s15+$0x11820];
	(erf) = vrcp.f32 v2  }
0xb8: {  	v5 =	vld [tilespmem:s15+$0x11840]  }
0xb9: {  	v6 =	vld [tilespmem:s15+$0x13750]  }
0xba: {  	v7 =	vld [tilespmem:s15+$0x13760]  }
0xbb: {  	v8 =	vld [tilespmem:s15+$0x13770]  }
0xbc: {  	v2 =	vld [tilespmem:s15+$0x11830]  }
0xbd: {  	v9 =	vld [tilespmem:s15+$0x13780];
	_ =	sdelay $0x1  }
0xbe: {  	v3 =	vadd.f32 v6, v3  }
0xbf: {  	v4 =	vadd.f32 v7, v4;
	v63 =	vpop (erf)  }
0xc0: {  	v2 =	vadd.f32 v8, v2;
	v3 =	vmul.f32 v3, v63  }
0xc1: {  	v5 =	vadd.f32 v9, v5;
	v4 =	vmul.f32 v4, v63  }
0xc2: {  	v2 =	vmul.f32 v2, v63;
	[tilespmem:s15+$0x13750] =	vst v3  }
0xc3: {  	v3 =	vmul.f32 v5, v63;
	[tilespmem:s15+$0x13760] =	vst v4  }
0xc4: {  	[tilespmem:s15+$0x13770] =	vst v2  }
0xc5: {  	s18 =	simm.s32 $0x0;
	[tilespmem:s15+$0x13780] =	vst v3  }
0xc6: {  	[hbm4b:s30+s18] =	stream.linear.scatter [tilespmem:s26], [sflag:$0xB], $0x1F40, $0x38;
	[tilespmem:$0x1F690] =	vst v63  }
0xc7: {  	_ =	swait.ge [sflag:s21], $0x1F40  }
0xc8: {  	[sflag:s21] =	ssyncset.done $0x0  }
0xc9: {  	s19 =	simm.s32 $0x11040;
	s6 =	rddreg [dreg:$0x6];
	[sflag:s21] =	ssyncadd.s32 $0xFFFFE0C0  }
0xca: {  	[tilespmem:s19], [sflag:$0x1] =	stream.linear.gather [hbm4b:s6+s18], $0x7D0, $0x38;
	[tilespmem:$0x1F690] =	vst v63  }
0xcb: {  	s23 =	rddreg [dreg:$0xa]  }
0xcc: {  	[tilespmem:s24], [sflag:$0x2] =	stream.linear.gather [hbm4b:s23+s18], $0x1F40, $0x38;
	[tilespmem:$0x1F690] =	vst v63  }
0xcd: {  	s25 =	rddreg [dreg:$0x12]  }
0xce: {  	[tilespmem:s26], [sflag:$0x3] =	stream.linear.gather [hbm4b:s25+s18], $0x1F40, $0x38;
	[tilespmem:$0x1F690] =	vst v63  }
0xcf: {  	_ =	swait.ge [sflag:s29], $0x7D0  }
0xd0: {  	[sflag:s29] =	ssyncset.done $0x0  }
0xd1: {  	[sflag:s29] =	ssyncadd.s32 $0xFFFFF830  }
0xd2: {  	_ =	swait.ge [sflag:s31], $0x1F40  }
0xd3: {  	[sflag:s31] =	ssyncset.done $0x0  }
0xd4: {  	[sflag:s31] =	ssyncadd.s32 $0xFFFFE0C0  }
0xd5: {  	_ =	swait.ge [sflag:s10], $0x1F40  }
0xd6: {  	[sflag:s10] =	ssyncset.done $0x0  }
0xd7: {  	[sflag:s10] =	ssyncadd.s32 $0xFFFFE0C0  }
0xd8: {  	s15 =	simm.s32 $0x100;
	v2 =	vld [tilespmem:s19+$0x0]  }
.LBB2_8:
0xd9: {  	p0 =	sne.s32 s15, $0x7C00;
	_ =	sdelay $0x1  }
0xda: {  	s23 =	sshra.s32 s18, $0x2;
	s18 =	smov.u32 s15  }
0xdb: {  	v3 =	vld [tilespmem:s23+$0x11810]  }
0xdc: {  	v2 =	vadd.f32 $1.000000000e+00, v2;
	v4 =	vld [tilespmem:s23+$0x11820]  }
0xdd: {  	v5 =	vld [tilespmem:s23+$0x11830]  }
0xde: {  	v6 =	vld [tilespmem:s23+$0x11840];
	(erf) = vrcp.f32 v2  }
0xdf: {  	v2 =	vld [tilespmem:s23+$0x13780]  }
0xe0: {  	v7 =	vld [tilespmem:s23+$0x13760]  }
0xe1: {  	v8 =	vld [tilespmem:s23+$0x13750]  }
0xe2: {  	v9 =	vld [tilespmem:s23+$0x13770];
	_ =	sdelay $0x3  }
0xe3: {  	v4 =	vadd.f32 v7, v4;
	v3 =	vadd.f32 v8, v3  }
0xe4: {  	v2 =	vadd.f32 v2, v6;
	v5 =	vadd.f32 v9, v5;
	v6 =	vpop (erf)  }
0xe5: {  	v3 =	vmul.f32 v3, v6;
	v4 =	vmul.f32 v4, v6  }
0xe6: {  	v2 =	vmul.f32 v2, v6;
	v5 =	vmul.f32 v5, v6  }
.Ltmp3:
0xe7: {  	[tilespmem:s23+$0x13750] =	vst v3;
	(pc) =	sbr.rel @p0 .LBB2_8-.Ltmp3, $4  }
0xe8: {  	[tilespmem:s23+$0x13760] =	vst v4  }
0xe9: {  	[tilespmem:s23+$0x13770] =	vst v5  }
0xea: {  	s19 =	sadd.s32 $0x10, s19;
	[tilespmem:s23+$0x13780] =	vst v2  }
0xeb: {  	s15 =	sadd.s32 $0x100, s15;
	v2 =	vld [tilespmem:s19+$0x0]  }
0xec: {  	_ =	sdelay $0x3  }
0xed: {  	s15 =	sshra.s32 s18, $0x2;
	v2 =	vadd.f32 $1.000000000e+00, v2  }
0xee: {  	v3 =	vld [tilespmem:s15+$0x11810]  }
0xef: {  	v4 =	vld [tilespmem:s15+$0x11820];
	(erf) = vrcp.f32 v2  }
0xf0: {  	v5 =	vld [tilespmem:s15+$0x11840]  }
0xf1: {  	v6 =	vld [tilespmem:s15+$0x13750]  }
0xf2: {  	v7 =	vld [tilespmem:s15+$0x13760]  }
0xf3: {  	v8 =	vld [tilespmem:s15+$0x13770]  }
0xf4: {  	v2 =	vld [tilespmem:s15+$0x11830]  }
0xf5: {  	v9 =	vld [tilespmem:s15+$0x13780];
	_ =	sdelay $0x1  }
0xf6: {  	v3 =	vadd.f32 v6, v3  }
0xf7: {  	v4 =	vadd.f32 v7, v4;
	v63 =	vpop (erf)  }
0xf8: {  	v2 =	vadd.f32 v8, v2;
	v3 =	vmul.f32 v3, v63  }
0xf9: {  	v5 =	vadd.f32 v9, v5;
	v4 =	vmul.f32 v4, v63  }
0xfa: {  	v2 =	vmul.f32 v2, v63;
	[tilespmem:s15+$0x13750] =	vst v3  }
0xfb: {  	v3 =	vmul.f32 v5, v63;
	[tilespmem:s15+$0x13760] =	vst v4  }
0xfc: {  	[tilespmem:s15+$0x13770] =	vst v2  }
0xfd: {  	s18 =	simm.s32 $0x0;
	[tilespmem:s15+$0x13780] =	vst v3  }
0xfe: {  	[hbm4b:s28+s18] =	stream.linear.scatter [tilespmem:s26], [sflag:$0xB], $0x1F40, $0x38;
	[tilespmem:$0x1F690] =	vst v63  }
0xff: {  	_ =	swait.ge [sflag:s21], $0x1F40  }
0x100: {  	[sflag:s21] =	ssyncset.done $0x0  }
0x101: {  	s19 =	simm.s32 $0x11040;
	s6 =	rddreg [dreg:$0x7];
	[sflag:s21] =	ssyncadd.s32 $0xFFFFE0C0  }
0x102: {  	[tilespmem:s19], [sflag:$0x1] =	stream.linear.gather [hbm4b:s6+s18], $0x7D0, $0x38;
	[tilespmem:$0x1F690] =	vst v63  }
0x103: {  	s23 =	rddreg [dreg:$0xb]  }
0x104: {  	[tilespmem:s24], [sflag:$0x2] =	stream.linear.gather [hbm4b:s23+s18], $0x1F40, $0x38;
	[tilespmem:$0x1F690] =	vst v63  }
0x105: {  	s25 =	rddreg [dreg:$0x13]  }
0x106: {  	[tilespmem:s26], [sflag:$0x3] =	stream.linear.gather [hbm4b:s25+s18], $0x1F40, $0x38;
	[tilespmem:$0x1F690] =	vst v63  }
0x107: {  	_ =	swait.ge [sflag:s29], $0x7D0  }
0x108: {  	[sflag:s29] =	ssyncset.done $0x0  }
0x109: {  	[sflag:s29] =	ssyncadd.s32 $0xFFFFF830  }
0x10a: {  	_ =	swait.ge [sflag:s31], $0x1F40  }
0x10b: {  	[sflag:s31] =	ssyncset.done $0x0  }
0x10c: {  	[sflag:s31] =	ssyncadd.s32 $0xFFFFE0C0  }
0x10d: {  	_ =	swait.ge [sflag:s10], $0x1F40  }
0x10e: {  	[sflag:s10] =	ssyncset.done $0x0  }
0x10f: {  	[sflag:s10] =	ssyncadd.s32 $0xFFFFE0C0  }
0x110: {  	s15 =	simm.s32 $0x100;
	v2 =	vld [tilespmem:s19+$0x0]  }
.LBB2_10:
0x111: {  	p0 =	sne.s32 s15, $0x7C00;
	_ =	sdelay $0x1  }
0x112: {  	s23 =	sshra.s32 s18, $0x2;
	s18 =	smov.u32 s15  }
0x113: {  	v3 =	vld [tilespmem:s23+$0x11810]  }
0x114: {  	v2 =	vadd.f32 $1.000000000e+00, v2;
	v4 =	vld [tilespmem:s23+$0x11820]  }
0x115: {  	v5 =	vld [tilespmem:s23+$0x11830]  }
0x116: {  	v6 =	vld [tilespmem:s23+$0x11840];
	(erf) = vrcp.f32 v2  }
0x117: {  	v2 =	vld [tilespmem:s23+$0x13780]  }
0x118: {  	v7 =	vld [tilespmem:s23+$0x13760]  }
0x119: {  	v8 =	vld [tilespmem:s23+$0x13750]  }
0x11a: {  	v9 =	vld [tilespmem:s23+$0x13770];
	_ =	sdelay $0x3  }
0x11b: {  	v4 =	vadd.f32 v7, v4;
	v3 =	vadd.f32 v8, v3  }
0x11c: {  	v2 =	vadd.f32 v2, v6;
	v5 =	vadd.f32 v9, v5;
	v6 =	vpop (erf)  }
0x11d: {  	v3 =	vmul.f32 v3, v6;
	v4 =	vmul.f32 v4, v6  }
0x11e: {  	v2 =	vmul.f32 v2, v6;
	v5 =	vmul.f32 v5, v6  }
.Ltmp4:
0x11f: {  	[tilespmem:s23+$0x13750] =	vst v3;
	(pc) =	sbr.rel @p0 .LBB2_10-.Ltmp4, $4  }
0x120: {  	[tilespmem:s23+$0x13760] =	vst v4  }
0x121: {  	[tilespmem:s23+$0x13770] =	vst v5  }
0x122: {  	s19 =	sadd.s32 $0x10, s19;
	[tilespmem:s23+$0x13780] =	vst v2  }
0x123: {  	s15 =	sadd.s32 $0x100, s15;
	v2 =	vld [tilespmem:s19+$0x0]  }
0x124: {  	_ =	sdelay $0x3  }
0x125: {  	s15 =	sshra.s32 s18, $0x2;
	v2 =	vadd.f32 $1.000000000e+00, v2  }
0x126: {  	v3 =	vld [tilespmem:s15+$0x11810]  }
0x127: {  	v4 =	vld [tilespmem:s15+$0x11820];
	(erf) = vrcp.f32 v2  }
0x128: {  	v5 =	vld [tilespmem:s15+$0x11840]  }
0x129: {  	v6 =	vld [tilespmem:s15+$0x13750]  }
0x12a: {  	v7 =	vld [tilespmem:s15+$0x13760]  }
0x12b: {  	v8 =	vld [tilespmem:s15+$0x13770]  }
0x12c: {  	v2 =	vld [tilespmem:s15+$0x11830]  }
0x12d: {  	v9 =	vld [tilespmem:s15+$0x13780];
	_ =	sdelay $0x1  }
0x12e: {  	v3 =	vadd.f32 v6, v3  }
0x12f: {  	v4 =	vadd.f32 v7, v4;
	v63 =	vpop (erf)  }
0x130: {  	v2 =	vadd.f32 v8, v2;
	v3 =	vmul.f32 v3, v63  }
0x131: {  	v5 =	vadd.f32 v9, v5;
	v4 =	vmul.f32 v4, v63  }
0x132: {  	v2 =	vmul.f32 v2, v63;
	[tilespmem:s15+$0x13750] =	vst v3  }
0x133: {  	v3 =	vmul.f32 v5, v63;
	[tilespmem:s15+$0x13760] =	vst v4  }
0x134: {  	[tilespmem:s15+$0x13770] =	vst v2  }
0x135: {  	s18 =	simm.s32 $0x0;
	[tilespmem:s15+$0x13780] =	vst v3  }
0x136: {  	[hbm4b:s0+s18] =	stream.linear.scatter [tilespmem:s26], [sflag:$0xB], $0x1F40, $0x38;
	[tilespmem:$0x1F690] =	vst v63  }
0x137: {  	_ =	swait.ge [sflag:s21], $0x1F40  }
0x138: {  	s6 =	smov.u32 s0;
	[sflag:s21] =	ssyncset.done $0x0  }
0x139: {  	s19 =	simm.s32 $0x11040;
	s0 =	rddreg [dreg:$0x8];
	[sflag:s21] =	ssyncadd.s32 $0xFFFFE0C0  }
0x13a: {  	[tilespmem:s19], [sflag:$0x1] =	stream.linear.gather [hbm4b:s0+s18], $0x7D0, $0x38;
	[tilespmem:$0x1F690] =	vst v63  }
0x13b: {  	s23 =	rddreg [dreg:$0xc]  }
0x13c: {  	[tilespmem:s24], [sflag:$0x2] =	stream.linear.gather [hbm4b:s23+s18], $0x1F40, $0x38;
	[tilespmem:$0x1F690] =	vst v63  }
0x13d: {  	s25 =	rddreg [dreg:$0x14]  }
0x13e: {  	[tilespmem:s26], [sflag:$0x3] =	stream.linear.gather [hbm4b:s25+s18], $0x1F40, $0x38;
	[tilespmem:$0x1F690] =	vst v63  }
0x13f: {  	_ =	swait.ge [sflag:s29], $0x7D0  }
0x140: {  	[sflag:s29] =	ssyncset.done $0x0  }
0x141: {  	[sflag:s29] =	ssyncadd.s32 $0xFFFFF830  }
0x142: {  	_ =	swait.ge [sflag:s31], $0x1F40  }
0x143: {  	[sflag:s31] =	ssyncset.done $0x0  }
0x144: {  	[sflag:s31] =	ssyncadd.s32 $0xFFFFE0C0  }
0x145: {  	_ =	swait.ge [sflag:s10], $0x1F40  }
0x146: {  	[sflag:s10] =	ssyncset.done $0x0  }
0x147: {  	[sflag:s10] =	ssyncadd.s32 $0xFFFFE0C0  }
0x148: {  	s15 =	simm.s32 $0x100;
	v2 =	vld [tilespmem:s19+$0x0]  }
.LBB2_12:
0x149: {  	p0 =	sne.s32 s15, $0x7C00;
	_ =	sdelay $0x1  }
0x14a: {  	s23 =	sshra.s32 s18, $0x2;
	s18 =	smov.u32 s15  }
0x14b: {  	v3 =	vld [tilespmem:s23+$0x11810]  }
0x14c: {  	v2 =	vadd.f32 $1.000000000e+00, v2;
	v4 =	vld [tilespmem:s23+$0x11820]  }
0x14d: {  	v5 =	vld [tilespmem:s23+$0x11830]  }
0x14e: {  	v6 =	vld [tilespmem:s23+$0x11840];
	(erf) = vrcp.f32 v2  }
0x14f: {  	v2 =	vld [tilespmem:s23+$0x13780]  }
0x150: {  	v7 =	vld [tilespmem:s23+$0x13760]  }
0x151: {  	v8 =	vld [tilespmem:s23+$0x13750]  }
0x152: {  	v9 =	vld [tilespmem:s23+$0x13770];
	_ =	sdelay $0x3  }
0x153: {  	v4 =	vadd.f32 v7, v4;
	v3 =	vadd.f32 v8, v3  }
0x154: {  	v2 =	vadd.f32 v2, v6;
	v5 =	vadd.f32 v9, v5;
	v6 =	vpop (erf)  }
0x155: {  	v3 =	vmul.f32 v3, v6;
	v4 =	vmul.f32 v4, v6  }
0x156: {  	v2 =	vmul.f32 v2, v6;
	v5 =	vmul.f32 v5, v6  }
.Ltmp5:
0x157: {  	[tilespmem:s23+$0x13750] =	vst v3;
	(pc) =	sbr.rel @p0 .LBB2_12-.Ltmp5, $4  }
0x158: {  	[tilespmem:s23+$0x13760] =	vst v4  }
0x159: {  	[tilespmem:s23+$0x13770] =	vst v5  }
0x15a: {  	s19 =	sadd.s32 $0x10, s19;
	[tilespmem:s23+$0x13780] =	vst v2  }
0x15b: {  	s15 =	sadd.s32 $0x100, s15;
	v2 =	vld [tilespmem:s19+$0x0]  }
0x15c: {  	_ =	sdelay $0x3  }
0x15d: {  	s15 =	sshra.s32 s18, $0x2;
	v2 =	vadd.f32 $1.000000000e+00, v2  }
0x15e: {  	v3 =	vld [tilespmem:s15+$0x11810]  }
0x15f: {  	v4 =	vld [tilespmem:s15+$0x11820];
	(erf) = vrcp.f32 v2  }
0x160: {  	v5 =	vld [tilespmem:s15+$0x11840]  }
0x161: {  	v6 =	vld [tilespmem:s15+$0x13750]  }
0x162: {  	v7 =	vld [tilespmem:s15+$0x13760]  }
0x163: {  	v8 =	vld [tilespmem:s15+$0x13770]  }
0x164: {  	v2 =	vld [tilespmem:s15+$0x11830]  }
0x165: {  	v9 =	vld [tilespmem:s15+$0x13780];
	_ =	sdelay $0x1  }
0x166: {  	v3 =	vadd.f32 v6, v3  }
0x167: {  	v4 =	vadd.f32 v7, v4;
	v63 =	vpop (erf)  }
0x168: {  	v2 =	vadd.f32 v8, v2;
	v3 =	vmul.f32 v3, v63  }
0x169: {  	v5 =	vadd.f32 v9, v5;
	v4 =	vmul.f32 v4, v63  }
0x16a: {  	v2 =	vmul.f32 v2, v63;
	[tilespmem:s15+$0x13750] =	vst v3  }
0x16b: {  	v3 =	vmul.f32 v5, v63;
	[tilespmem:s15+$0x13760] =	vst v4  }
0x16c: {  	[tilespmem:s15+$0x13770] =	vst v2  }
0x16d: {  	s18 =	simm.s32 $0x0;
	s19 =	rddreg [dreg:$0x19];
	[tilespmem:s15+$0x13780] =	vst v3  }
0x16e: {  	[hbm4b:s19+s18] =	stream.linear.scatter [tilespmem:s26], [sflag:$0xB], $0x1F40, $0x38;
	[tilespmem:$0x1F690] =	vst v63  }
0x16f: {  	_ =	swait.ge [sflag:s21], $0x1F40  }
0x170: {  	[sflag:s21] =	ssyncset.done $0x0  }
0x171: {  	s19 =	simm.s32 $0x11040;
	s23 =	rddreg [dreg:$0x9];
	[sflag:s21] =	ssyncadd.s32 $0xFFFFE0C0  }
0x172: {  	[tilespmem:s19], [sflag:$0x1] =	stream.linear.gather [hbm4b:s23+s18], $0x7D0, $0x38;
	[tilespmem:$0x1F690] =	vst v63  }
0x173: {  	s25 =	rddreg [dreg:$0xd]  }
0x174: {  	[tilespmem:s24], [sflag:$0x2] =	stream.linear.gather [hbm4b:s25+s18], $0x1F40, $0x38;
	[tilespmem:$0x1F690] =	vst v63  }
0x175: {  	s0 =	smov.u32 s28;
	s28 =	rddreg [dreg:$0x15]  }
0x176: {  	[tilespmem:s26], [sflag:$0x3] =	stream.linear.gather [hbm4b:s28+s18], $0x1F40, $0x38;
	[tilespmem:$0x1F690] =	vst v63  }
0x177: {  	_ =	swait.ge [sflag:s29], $0x7D0  }
0x178: {  	[sflag:s29] =	ssyncset.done $0x0  }
0x179: {  	[sflag:s29] =	ssyncadd.s32 $0xFFFFF830  }
0x17a: {  	_ =	swait.ge [sflag:s31], $0x1F40  }
0x17b: {  	[sflag:s31] =	ssyncset.done $0x0  }
0x17c: {  	[sflag:s31] =	ssyncadd.s32 $0xFFFFE0C0  }
0x17d: {  	_ =	swait.ge [sflag:s10], $0x1F40  }
0x17e: {  	[sflag:s10] =	ssyncset.done $0x0  }
0x17f: {  	[sflag:s10] =	ssyncadd.s32 $0xFFFFE0C0  }
0x180: {  	s15 =	simm.s32 $0x100;
	v2 =	vld [tilespmem:s19+$0x0]  }
.LBB2_14:
0x181: {  	p0 =	sne.s32 s15, $0x7C00;
	_ =	sdelay $0x1  }
0x182: {  	s23 =	sshra.s32 s18, $0x2;
	s18 =	smov.u32 s15  }
0x183: {  	v3 =	vld [tilespmem:s23+$0x11810]  }
0x184: {  	v2 =	vadd.f32 $1.000000000e+00, v2;
	v4 =	vld [tilespmem:s23+$0x11820]  }
0x185: {  	v5 =	vld [tilespmem:s23+$0x11830]  }
0x186: {  	v6 =	vld [tilespmem:s23+$0x11840];
	(erf) = vrcp.f32 v2  }
0x187: {  	v2 =	vld [tilespmem:s23+$0x13780]  }
0x188: {  	v7 =	vld [tilespmem:s23+$0x13760]  }
0x189: {  	v8 =	vld [tilespmem:s23+$0x13750]  }
0x18a: {  	v9 =	vld [tilespmem:s23+$0x13770];
	_ =	sdelay $0x3  }
0x18b: {  	v4 =	vadd.f32 v7, v4;
	v3 =	vadd.f32 v8, v3  }
0x18c: {  	v2 =	vadd.f32 v2, v6;
	v5 =	vadd.f32 v9, v5;
	v6 =	vpop (erf)  }
0x18d: {  	v3 =	vmul.f32 v3, v6;
	v4 =	vmul.f32 v4, v6  }
0x18e: {  	v2 =	vmul.f32 v2, v6;
	v5 =	vmul.f32 v5, v6  }
.Ltmp6:
0x18f: {  	[tilespmem:s23+$0x13750] =	vst v3;
	(pc) =	sbr.rel @p0 .LBB2_14-.Ltmp6, $4  }
0x190: {  	[tilespmem:s23+$0x13760] =	vst v4  }
0x191: {  	[tilespmem:s23+$0x13770] =	vst v5  }
0x192: {  	s19 =	sadd.s32 $0x10, s19;
	[tilespmem:s23+$0x13780] =	vst v2  }
0x193: {  	s15 =	sadd.s32 $0x100, s15;
	v2 =	vld [tilespmem:s19+$0x0]  }
0x194: {  	_ =	sdelay $0x3  }
0x195: {  	s15 =	sshra.s32 s18, $0x2;
	v2 =	vadd.f32 $1.000000000e+00, v2  }
0x196: {  	v3 =	vld [tilespmem:s15+$0x11810]  }
0x197: {  	v4 =	vld [tilespmem:s15+$0x11820];
	(erf) = vrcp.f32 v2  }
0x198: {  	v5 =	vld [tilespmem:s15+$0x11840]  }
0x199: {  	v6 =	vld [tilespmem:s15+$0x13750]  }
0x19a: {  	v7 =	vld [tilespmem:s15+$0x13760]  }
0x19b: {  	v8 =	vld [tilespmem:s15+$0x13770]  }
0x19c: {  	v2 =	vld [tilespmem:s15+$0x11830]  }
0x19d: {  	v9 =	vld [tilespmem:s15+$0x13780];
	_ =	sdelay $0x1  }
0x19e: {  	v3 =	vadd.f32 v6, v3  }
0x19f: {  	v4 =	vadd.f32 v7, v4;
	v63 =	vpop (erf)  }
0x1a0: {  	v2 =	vadd.f32 v8, v2;
	v3 =	vmul.f32 v3, v63  }
0x1a1: {  	v5 =	vadd.f32 v9, v5;
	v4 =	vmul.f32 v4, v63  }
0x1a2: {  	v2 =	vmul.f32 v2, v63;
	[tilespmem:s15+$0x13750] =	vst v3  }
0x1a3: {  	v3 =	vmul.f32 v5, v63;
	[tilespmem:s15+$0x13760] =	vst v4  }
0x1a4: {  	[tilespmem:s15+$0x13770] =	vst v2  }
0x1a5: {  	s18 =	simm.s32 $0x0;
	s25 =	rddreg [dreg:$0x1c];
	[tilespmem:s15+$0x13780] =	vst v3  }
0x1a6: {  	[hbm4b:s25+s18] =	stream.linear.scatter [tilespmem:s26], [sflag:$0xB], $0x1F40, $0x38;
	[tilespmem:$0x1F690] =	vst v63  }
0x1a7: {  	_ =	swait.ge [sflag:s21], $0x1F40  }
0x1a8: {  	[sflag:s21] =	ssyncset.done $0x0  }
0x1a9: {  	[sflag:s21] =	ssyncadd.s32 $0xFFFFE0C0  }
0x1aa: {  	[bflag:$0x0] =	sbarrier.arrive $0xFFFF  }
0x1ab: {  	[tilespmem:s1], [sflag:$0x1] =	stream.indirect.gather [hbm4b:s14+s22], $0x40, s18, s22, $0xb8;
	[tilespmem:$0x1F690] =	vst v63  }
0x1ac: {  	_ = 	snop  }
0x1ad: {  	[tilespmem:s2], [sflag:$0x2] =	stream.indirect.gather [hbm4b:s14+s22], $0x40, s22, s22, $0xb8;
	[tilespmem:$0x1F690] =	vst v63  }
0x1ae: {  	s28 =	simm.s32 $0xA0  }
0x1af: {  	[tilespmem:s3], [sflag:$0x3] =	stream.indirect.gather [hbm4b:s14+s22], $0x40, s28, s22, $0xb8;
	[tilespmem:$0x1F690] =	vst v63  }
0x1b0: {  	s19 =	simm.s32 $0xF0  }
0x1b1: {  	[tilespmem:s4], [sflag:$0x4] =	stream.indirect.gather [hbm4b:s14+s22], $0x40, s19, s22, $0xb8;
	[tilespmem:$0x1F690] =	vst v63  }
0x1b2: {  	_ =	swait.ge [sflag:s29], $0x1400  }
0x1b3: {  	[sflag:s29] =	ssyncset.done $0x0  }
0x1b4: {  	s23 =	simm.s32 $0x4E20;
	[sflag:s29] =	ssyncadd.s32 $0xFFFFEC00  }
0x1b5: {  	[spmem:s12] =	stream.indirect.scatter.add.f32 [tilespmem:s1], [sflag:$0x6], $0x40, s23, s22, $0xb8;
	[tilespmem:$0x1F690] =	vst v63  }
0x1b6: {  	s25 =	simm.s32 $0x140  }
0x1b7: {  	[tilespmem:s5], [sflag:$0x5] =	stream.indirect.gather [hbm4b:s14+s22], $0x40, s25, s22, $0xb8;
	[tilespmem:$0x1F690] =	vst v63  }
0x1b8: {  	_ =	swait.ge [sflag:s31], $0x1400  }
0x1b9: {  	[sflag:s31] =	ssyncset.done $0x0  }
0x1ba: {  	s28 =	simm.s32 $0x4E70;
	s19 =	simm.s32 $0x6;
	[sflag:s31] =	ssyncadd.s32 $0xFFFFEC00  }
0x1bb: {  	[spmem:s12] =	stream.indirect.scatter.add.f32 [tilespmem:s2], [sflag:$0x7], $0x40, s28, s22, $0xb8;
	[tilespmem:$0x1F690] =	vst v63  }
0x1bc: {  	_ =	swait.ge [sflag:s19], $0x1400  }
0x1bd: {  	[sflag:s19] =	ssyncset.done $0x0  }
0x1be: {  	s23 =	simm.s32 $0x190;
	[sflag:s19] =	ssyncadd.s32 $0xFFFFEC00  }
0x1bf: {  	[tilespmem:s1], [sflag:$0x1] =	stream.indirect.gather [hbm4b:s14+s22], $0x40, s23, s22, $0xb8;
	[tilespmem:$0x1F690] =	vst v63  }
0x1c0: {  	_ =	swait.ge [sflag:s10], $0x1400  }
0x1c1: {  	[sflag:s10] =	ssyncset.done $0x0  }
0x1c2: {  	s25 =	simm.s32 $0x4EC0;
	[sflag:s10] =	ssyncadd.s32 $0xFFFFEC00  }
0x1c3: {  	[spmem:s12] =	stream.indirect.scatter.add.f32 [tilespmem:s3], [sflag:$0x8], $0x40, s25, s22, $0xb8;
	[tilespmem:$0x1F690] =	vst v63  }
0x1c4: {  	_ =	swait.ge [sflag:s7], $0x1400  }
0x1c5: {  	[sflag:s7] =	ssyncset.done $0x0  }
0x1c6: {  	s28 =	simm.s32 $0x1E0;
	[sflag:s7] =	ssyncadd.s32 $0xFFFFEC00  }
0x1c7: {  	[tilespmem:s2], [sflag:$0x2] =	stream.indirect.gather [hbm4b:s14+s22], $0x40, s28, s22, $0xb8;
	[tilespmem:$0x1F690] =	vst v63  }
0x1c8: {  	_ =	swait.ge [sflag:s8], $0x1400  }
0x1c9: {  	[sflag:s8] =	ssyncset.done $0x0  }
0x1ca: {  	s19 =	simm.s32 $0x4F10;
	[sflag:s8] =	ssyncadd.s32 $0xFFFFEC00  }
0x1cb: {  	[spmem:s12] =	stream.indirect.scatter.add.f32 [tilespmem:s4], [sflag:$0x9], $0x40, s19, s22, $0xb8;
	[tilespmem:$0x1F690] =	vst v63  }
0x1cc: {  	_ =	swait.ge [sflag:s9], $0x1400  }
0x1cd: {  	[sflag:s9] =	ssyncset.done $0x0  }
0x1ce: {  	s23 =	simm.s32 $0x230;
	[sflag:s9] =	ssyncadd.s32 $0xFFFFEC00  }
0x1cf: {  	[tilespmem:s3], [sflag:$0x3] =	stream.indirect.gather [hbm4b:s14+s22], $0x40, s23, s22, $0xb8;
	[tilespmem:$0x1F690] =	vst v63  }
0x1d0: {  	_ =	swait.ge [sflag:s11], $0x1400  }
0x1d1: {  	[sflag:s11] =	ssyncset.done $0x0  }
0x1d2: {  	s25 =	simm.s32 $0x4F60;
	[sflag:s11] =	ssyncadd.s32 $0xFFFFEC00  }
0x1d3: {  	[spmem:s12] =	stream.indirect.scatter.add.f32 [tilespmem:s5], [sflag:$0xA], $0x40, s25, s22, $0xb8;
	[tilespmem:$0x1F690] =	vst v63  }
0x1d4: {  	_ =	swait.ge [sflag:s13], $0x1400  }
0x1d5: {  	[sflag:s13] =	ssyncset.done $0x0  }
0x1d6: {  	s28 =	simm.s32 $0x280;
	[sflag:s13] =	ssyncadd.s32 $0xFFFFEC00  }
0x1d7: {  	[tilespmem:s4], [sflag:$0x4] =	stream.indirect.gather [hbm4b:s14+s22], $0x40, s28, s22, $0xb8;
	[tilespmem:$0x1F690] =	vst v63  }
.LBB2_16:
0x1d8: {  	_ =	swait.ge [sflag:s29], $0x1400  }
0x1d9: {  	s19 =	sshra.s32 s18, $0x2;
	[sflag:s29] =	ssyncset.done $0x0  }
0x1da: {  	s15 =	sadd.s32 $0x4FB0, s19;
	[sflag:s29] =	ssyncadd.s32 $0xFFFFEC00  }
0x1db: {  	[spmem:s12] =	stream.indirect.scatter.add.f32 [tilespmem:s1], [sflag:$0x6], $0x40, s15, s22, $0xb8;
	[tilespmem:$0x1F690] =	vst v63  }
0x1dc: {  	_ =	swait.ge [sflag:s16], $0x1400  }
0x1dd: {  	[sflag:s16] =	ssyncset.done $0x0  }
0x1de: {  	s23 =	sadd.s32 $0x2D0, s19;
	[sflag:s16] =	ssyncadd.s32 $0xFFFFEC00  }
0x1df: {  	[tilespmem:s5], [sflag:$0x5] =	stream.indirect.gather [hbm4b:s14+s22], $0x40, s23, s22, $0xb8;
	[tilespmem:$0x1F690] =	vst v63  }
0x1e0: {  	_ =	swait.ge [sflag:s31], $0x1400  }
0x1e1: {  	p0 =	seq.s32 s18, $0x12C00;
	[sflag:s31] =	ssyncset.done $0x0  }
0x1e2: {  	s25 =	sadd.s32 $0x5000, s19;
	s15 =	simm.s32 @p0 $0x3;
	[sflag:s31] =	ssyncadd.s32 $0xFFFFEC00  }
0x1e3: {  	[spmem:s12] =	stream.indirect.scatter.add.f32 [tilespmem:s2], [sflag:$0x7], $0x40, s25, s22, $0xb8;
	[tilespmem:$0x1F690] =	vst v63  }
0x1e4: {  	_ =	swait.ge @p0 [sflag:s15], $0x1400  }
0x1e5: {  	[sflag:s15] =	ssyncset.done @p0 $0x0  }
0x1e6: {  	[sflag:s15] =	ssyncadd.s32 @p0 $0xFFFFEC00;
	s15 =	sshra.s32 @p0 s18, $0x2  }
0x1e7: {  	s23 =	simm.s32 @p0 $0x50;
	s25 =	simm.s32 @p0 $0xC440;
	s15 =	sadd.s32 @p0 $0x5050, s15  }
0x1e8: {  	[spmem:s12] =	stream.indirect.scatter.add.f32 @p0 [tilespmem:s25], [sflag:$0x8], $0x40, s15, s23, $0xb8;
	[tilespmem:$0x1F690] =	vst v63  }
0x1e9: {  	s15 =	simm.s32 @!p0 $0x6  }
0x1ea: {  	_ =	swait.ge @!p0 [sflag:s15], $0x1400  }
0x1eb: {  	[sflag:s15] =	ssyncset.done @!p0 $0x0  }
0x1ec: {  	[sflag:s15] =	ssyncadd.s32 @!p0 $0xFFFFEC00;
	s15 =	sshra.s32 @!p0 s18, $0x2  }
0x1ed: {  	s28 =	simm.s32 @!p0 $0x9C40;
	s25 =	simm.s32 @!p0 $0x50;
	s23 =	sadd.s32 @!p0 $0x320, s15  }
0x1ee: {  	[tilespmem:s28], [sflag:$0x1] =	stream.indirect.gather @!p0 [hbm4b:s14+s25], $0x40, s23, s25, $0xb8;
	[tilespmem:$0x1F690] =	vst v63  }
0x1ef: {  	s23 =	simm.s32 @!p0 $0x3  }
0x1f0: {  	_ =	swait.ge @!p0 [sflag:s23], $0x1400  }
0x1f1: {  	[sflag:s23] =	ssyncset.done @!p0 $0x0  }
0x1f2: {  	s28 =	simm.s32 @!p0 $0xC440;
	[sflag:s23] =	ssyncadd.s32 @!p0 $0xFFFFEC00;
	s23 =	sadd.s32 @!p0 $0x5050, s15  }
0x1f3: {  	[spmem:s12] =	stream.indirect.scatter.add.f32 @!p0 [tilespmem:s28], [sflag:$0x8], $0x40, s23, s25, $0xb8;
	[tilespmem:$0x1F690] =	vst v63  }
0x1f4: {  	s23 =	simm.s32 @!p0 $0x7  }
0x1f5: {  	_ =	swait.ge @!p0 [sflag:s23], $0x1400  }
0x1f6: {  	[sflag:s23] =	ssyncset.done @!p0 $0x0  }
0x1f7: {  	s15 =	sadd.s32 @!p0 $0x370, s15;
	[sflag:s23] =	ssyncadd.s32 @!p0 $0xFFFFEC00;
	s23 =	simm.s32 @!p0 $0xB040  }
0x1f8: {  	[tilespmem:s23], [sflag:$0x2] =	stream.indirect.gather @!p0 [hbm4b:s14+s25], $0x40, s15, s25, $0xb8;
	[tilespmem:$0x1F690] =	vst v63  }
.Ltmp7:
0x1f9: {  	_ = 	snop;
	(pc) =	sbr.rel @p0 .LBB2_18-.Ltmp7, $4  }
0x1fa: {  	_ =	swait.ge [sflag:s8], $0x1400  }
0x1fb: {  	[sflag:s8] =	ssyncset.done $0x0  }
0x1fc: {  	s28 =	sadd.s32 $0x50A0, s19;
	s15 =	sadd.s32 $0x50F0, s19;
	[sflag:s8] =	ssyncadd.s32 $0xFFFFEC00  }
0x1fd: {  	[spmem:s12] =	stream.indirect.scatter.add.f32 [tilespmem:s4], [sflag:$0x9], $0x40, s28, s22, $0xb8;
	[tilespmem:$0x1F690] =	vst v63  }
0x1fe: {  	_ =	swait.ge [sflag:s9], $0x1400  }
0x1ff: {  	[sflag:s9] =	ssyncset.done $0x0  }
0x200: {  	s23 =	sadd.s32 $0x3C0, s19;
	[sflag:s9] =	ssyncadd.s32 $0xFFFFEC00  }
0x201: {  	[tilespmem:s3], [sflag:$0x3] =	stream.indirect.gather [hbm4b:s14+s22], $0x40, s23, s22, $0xb8;
	[tilespmem:$0x1F690] =	vst v63  }
0x202: {  	_ =	swait.ge [sflag:s11], $0x1400  }
0x203: {  	[sflag:s11] =	ssyncset.done $0x0  }
0x204: {  	[sflag:s11] =	ssyncadd.s32 $0xFFFFEC00  }
0x205: {  	[spmem:s12] =	stream.indirect.scatter.add.f32 [tilespmem:s5], [sflag:$0xA], $0x40, s15, s22, $0xb8;
	[tilespmem:$0x1F690] =	vst v63  }
.Ltmp8:
0x206: {  	_ = 	snop;
	(pc) =	sbr.rel .LBB2_16-.Ltmp8, $4  }
0x207: {  	_ =	swait.ge [sflag:s13], $0x1400  }
0x208: {  	[sflag:s13] =	ssyncset.done $0x0  }
0x209: {  	s28 =	sadd.s32 $0x410, s19;
	s18 =	sadd.s32 $0x640, s18;
	[sflag:s13] =	ssyncadd.s32 $0xFFFFEC00  }
0x20a: {  	[tilespmem:s4], [sflag:$0x4] =	stream.indirect.gather [hbm4b:s14+s22], $0x40, s28, s22, $0xb8;
	[tilespmem:$0x1F690] =	vst v63  }
.LBB2_18:
0x20b: {  	_ =	swait.ge [sflag:s11], $0x1400  }
0x20c: {  	[sflag:s11] =	ssyncset.done $0x0  }
0x20d: {  	s23 =	simm.s32 $0x6;
	[sflag:s11] =	ssyncadd.s32 $0xFFFFEC00  }
0x20e: {  	[spmem:s12] =	stream.indirect.scatter.add.f32 [tilespmem:s5], [sflag:$0xA], $0x40, s15, s22, $0xb8;
	[tilespmem:$0x1F690] =	vst v63  }
0x20f: {  	_ =	swait.ge [sflag:s23], $0x1400  }
0x210: {  	[sflag:s23] =	ssyncset.done $0x0  }
0x211: {  	[sflag:s23] =	ssyncadd.s32 $0xFFFFEC00  }
0x212: {  	_ =	swait.ge [sflag:s7], $0x1400  }
0x213: {  	[sflag:s7] =	ssyncset.done $0x0  }
0x214: {  	[sflag:s7] =	ssyncadd.s32 $0xFFFFEC00  }
0x215: {  	_ =	swait.ge [sflag:s9], $0x1400  }
0x216: {  	[sflag:s9] =	ssyncset.done $0x0  }
0x217: {  	[sflag:s9] =	ssyncadd.s32 $0xFFFFEC00  }
0x218: {  	_ =	swait.ge [sflag:s13], $0x1400  }
0x219: {  	[sflag:s13] =	ssyncset.done $0x0  }
0x21a: {  	[sflag:s13] =	ssyncadd.s32 $0xFFFFEC00  }
0x21b: {  	_ =	swait.ge [sflag:s16], $0x1400  }
0x21c: {  	[sflag:s16] =	ssyncset.done $0x0  }
0x21d: {  	[sflag:s16] =	ssyncadd.s32 $0xFFFFEC00  }
0x21e: {  	[bflag:$0x0] =	sbarrier.arrive $0xFFFF  }
0x21f: {  	s25 =	rddreg [dreg:$0x1d]  }
0x220: {  	[tilespmem:s24], [sflag:$0x1] =	stream.linear.gather [spmem:s25], $0x1F40, $0x38;
	[tilespmem:$0x1F690] =	vst v63  }
0x221: {  	s28 =	simm.s32 $0x0  }
0x222: {  	[tilespmem:s26], [sflag:$0x2] =	stream.linear.gather [hbm4b:s30+s28], $0x1F40, $0x38;
	[tilespmem:$0x1F690] =	vst v63  }
0x223: {  	_ =	swait.ge [sflag:s29], $0x1F40  }
0x224: {  	[sflag:s29] =	ssyncset.done $0x0  }
0x225: {  	[sflag:s29] =	ssyncadd.s32 $0xFFFFE0C0  }
0x226: {  	_ =	swait.ge [sflag:s31], $0x1F40  }
0x227: {  	[sflag:s31] =	ssyncset.done $0x0  }
0x228: {  	s15 =	simm.s32 $0x0;
	[sflag:s31] =	ssyncadd.s32 $0xFFFFE0C0  }
0x229: {  	v7 =	vld [tilespmem:s15+$0x13750]  }
0x22a: {  	v8 =	vld [tilespmem:s15+$0x13760]  }
0x22b: {  	v3 =	vld [tilespmem:s15+$0x13770]  }
0x22c: {  	v2 =	vld [tilespmem:s15+$0x13780]  }
0x22d: {  	v4 =	vld [tilespmem:s15+$0x11810]  }
0x22e: {  	v6 =	vld [tilespmem:s15+$0x11820]  }
0x22f: {  	s18 =	simm.s32 $0x100;
	v5 =	vld [tilespmem:s15+$0x11830]  }
.LBB2_19:
0x230: {  	s19 =	sshra.s32 s18, $0x2;
	p0 =	sne.s32 s18, $0x7C00;
	v9 =	vld [tilespmem:s15+$0x11840];
	v10 =	vmov v3  }
0x231: {  	v11 =	vld [tilespmem:s19+$0x13750];
	v12 =	vmov v2  }
0x232: {  	v13 =	vld [tilespmem:s19+$0x13760];
	v4 =	vadd.f32 v7, v4  }
.Ltmp9:
0x233: {  	v3 =	vld [tilespmem:s19+$0x13770];
	v6 =	vadd.f32 v8, v6;
	(pc) =	sbr.rel @p0 .LBB2_19-.Ltmp9, $4  }
0x234: {  	v2 =	vld [tilespmem:s19+$0x13780];
	[tilespmem:s15+$0x11810] =	vst v4;
	v5 =	vadd.f32 v10, v5  }
0x235: {  	v4 =	vld [tilespmem:s19+$0x11810];
	[tilespmem:s15+$0x11820] =	vst v6;
	v9 =	vadd.f32 v12, v9  }
0x236: {  	v6 =	vld [tilespmem:s19+$0x11820];
	[tilespmem:s15+$0x11830] =	vst v5;
	v7 =	vmov v11  }
0x237: {  	s18 =	sadd.s32 $0x100, s18;
	v5 =	vld [tilespmem:s19+$0x11830];
	[tilespmem:s15+$0x11840] =	vst v9;
	v8 =	vmov v13;
	s15 =	smov.u32 s19  }
0x238: {  	v9 =	vld [tilespmem:s15+$0x11840];
	_ =	sdelay $0x1  }
0x239: {  	v4 =	vadd.f32 v7, v4  }
0x23a: {  	v6 =	vadd.f32 v8, v6  }
0x23b: {  	[tilespmem:s15+$0x11810] =	vst v4;
	v3 =	vadd.f32 v3, v5  }
0x23c: {  	[tilespmem:s15+$0x11820] =	vst v6;
	v2 =	vadd.f32 v2, v9  }
0x23d: {  	[tilespmem:s15+$0x11830] =	vst v3  }
0x23e: {  	s23 =	simm.s32 $0x0;
	s18 =	rddreg [dreg:$0x16];
	[tilespmem:s15+$0x11840] =	vst v2  }
0x23f: {  	[hbm4b:s18+s23] =	stream.linear.scatter [tilespmem:s24], [sflag:$0xB], $0x1F40, $0x38;
	[tilespmem:$0x1F690] =	vst v63  }
0x240: {  	_ =	swait.ge [sflag:s21], $0x1F40  }
0x241: {  	[sflag:s21] =	ssyncset.done $0x0  }
0x242: {  	s25 =	rddreg [dreg:$0x1e];
	[sflag:s21] =	ssyncadd.s32 $0xFFFFE0C0  }
0x243: {  	[tilespmem:s24], [sflag:$0x1] =	stream.linear.gather [spmem:s25], $0x1F40, $0x38;
	[tilespmem:$0x1F690] =	vst v63  }
0x244: {  	_ = 	snop  }
0x245: {  	[tilespmem:s26], [sflag:$0x2] =	stream.linear.gather [hbm4b:s0+s23], $0x1F40, $0x38;
	[tilespmem:$0x1F690] =	vst v63  }
0x246: {  	_ =	swait.ge [sflag:s29], $0x1F40  }
0x247: {  	[sflag:s29] =	ssyncset.done $0x0  }
0x248: {  	[sflag:s29] =	ssyncadd.s32 $0xFFFFE0C0  }
0x249: {  	_ =	swait.ge [sflag:s31], $0x1F40  }
0x24a: {  	[sflag:s31] =	ssyncset.done $0x0  }
0x24b: {  	s15 =	simm.s32 $0x0;
	[sflag:s31] =	ssyncadd.s32 $0xFFFFE0C0  }
0x24c: {  	v7 =	vld [tilespmem:s15+$0x13750]  }
0x24d: {  	v8 =	vld [tilespmem:s15+$0x13760]  }
0x24e: {  	v3 =	vld [tilespmem:s15+$0x13770]  }
0x24f: {  	v2 =	vld [tilespmem:s15+$0x13780]  }
0x250: {  	v4 =	vld [tilespmem:s15+$0x11810]  }
0x251: {  	v6 =	vld [tilespmem:s15+$0x11820]  }
0x252: {  	s28 =	smov.u32 s0;
	s18 =	simm.s32 $0x100;
	v5 =	vld [tilespmem:s15+$0x11830]  }
.LBB2_21:
0x253: {  	s19 =	sshra.s32 s18, $0x2;
	p0 =	sne.s32 s18, $0x7C00;
	v9 =	vld [tilespmem:s15+$0x11840];
	v10 =	vmov v3  }
0x254: {  	v11 =	vld [tilespmem:s19+$0x13750];
	v12 =	vmov v2  }
0x255: {  	v13 =	vld [tilespmem:s19+$0x13760];
	v4 =	vadd.f32 v7, v4  }
.Ltmp10:
0x256: {  	v3 =	vld [tilespmem:s19+$0x13770];
	v6 =	vadd.f32 v8, v6;
	(pc) =	sbr.rel @p0 .LBB2_21-.Ltmp10, $4  }
0x257: {  	v2 =	vld [tilespmem:s19+$0x13780];
	[tilespmem:s15+$0x11810] =	vst v4;
	v5 =	vadd.f32 v10, v5  }
0x258: {  	v4 =	vld [tilespmem:s19+$0x11810];
	[tilespmem:s15+$0x11820] =	vst v6;
	v9 =	vadd.f32 v12, v9  }
0x259: {  	v6 =	vld [tilespmem:s19+$0x11820];
	[tilespmem:s15+$0x11830] =	vst v5;
	v7 =	vmov v11  }
0x25a: {  	s18 =	sadd.s32 $0x100, s18;
	v5 =	vld [tilespmem:s19+$0x11830];
	[tilespmem:s15+$0x11840] =	vst v9;
	v8 =	vmov v13;
	s15 =	smov.u32 s19  }
0x25b: {  	v9 =	vld [tilespmem:s15+$0x11840];
	_ =	sdelay $0x1  }
0x25c: {  	v4 =	vadd.f32 v7, v4  }
0x25d: {  	v6 =	vadd.f32 v8, v6  }
0x25e: {  	[tilespmem:s15+$0x11810] =	vst v4;
	v3 =	vadd.f32 v3, v5  }
0x25f: {  	[tilespmem:s15+$0x11820] =	vst v6;
	v2 =	vadd.f32 v2, v9  }
0x260: {  	[tilespmem:s15+$0x11830] =	vst v3  }
0x261: {  	s23 =	simm.s32 $0x0;
	s0 =	rddreg [dreg:$0x17];
	[tilespmem:s15+$0x11840] =	vst v2  }
0x262: {  	[hbm4b:s0+s23] =	stream.linear.scatter [tilespmem:s24], [sflag:$0xB], $0x1F40, $0x38;
	[tilespmem:$0x1F690] =	vst v63  }
0x263: {  	_ =	swait.ge [sflag:s21], $0x1F40  }
0x264: {  	[sflag:s21] =	ssyncset.done $0x0  }
0x265: {  	s25 =	rddreg [dreg:$0x1f];
	[sflag:s21] =	ssyncadd.s32 $0xFFFFE0C0  }
0x266: {  	[tilespmem:s24], [sflag:$0x1] =	stream.linear.gather [spmem:s25], $0x1F40, $0x38;
	[tilespmem:$0x1F690] =	vst v63  }
0x267: {  	_ = 	snop  }
0x268: {  	[tilespmem:s26], [sflag:$0x2] =	stream.linear.gather [hbm4b:s6+s23], $0x1F40, $0x38;
	[tilespmem:$0x1F690] =	vst v63  }
0x269: {  	_ =	swait.ge [sflag:s29], $0x1F40  }
0x26a: {  	[sflag:s29] =	ssyncset.done $0x0  }
0x26b: {  	[sflag:s29] =	ssyncadd.s32 $0xFFFFE0C0  }
0x26c: {  	_ =	swait.ge [sflag:s31], $0x1F40  }
0x26d: {  	[sflag:s31] =	ssyncset.done $0x0  }
0x26e: {  	s15 =	simm.s32 $0x0;
	[sflag:s31] =	ssyncadd.s32 $0xFFFFE0C0  }
0x26f: {  	v7 =	vld [tilespmem:s15+$0x13750]  }
0x270: {  	v8 =	vld [tilespmem:s15+$0x13760]  }
0x271: {  	v3 =	vld [tilespmem:s15+$0x13770]  }
0x272: {  	v2 =	vld [tilespmem:s15+$0x13780]  }
0x273: {  	v4 =	vld [tilespmem:s15+$0x11810]  }
0x274: {  	v6 =	vld [tilespmem:s15+$0x11820]  }
0x275: {  	s18 =	simm.s32 $0x100;
	s0 =	smov.u32 s6;
	v5 =	vld [tilespmem:s15+$0x11830]  }
.LBB2_23:
0x276: {  	s19 =	sshra.s32 s18, $0x2;
	p0 =	sne.s32 s18, $0x7C00;
	v9 =	vld [tilespmem:s15+$0x11840];
	v10 =	vmov v3  }
0x277: {  	v11 =	vld [tilespmem:s19+$0x13750];
	v12 =	vmov v2  }
0x278: {  	v13 =	vld [tilespmem:s19+$0x13760];
	v4 =	vadd.f32 v7, v4  }
.Ltmp11:
0x279: {  	v3 =	vld [tilespmem:s19+$0x13770];
	v6 =	vadd.f32 v8, v6;
	(pc) =	sbr.rel @p0 .LBB2_23-.Ltmp11, $4  }
0x27a: {  	v2 =	vld [tilespmem:s19+$0x13780];
	[tilespmem:s15+$0x11810] =	vst v4;
	v5 =	vadd.f32 v10, v5  }
0x27b: {  	v4 =	vld [tilespmem:s19+$0x11810];
	[tilespmem:s15+$0x11820] =	vst v6;
	v9 =	vadd.f32 v12, v9  }
0x27c: {  	v6 =	vld [tilespmem:s19+$0x11820];
	[tilespmem:s15+$0x11830] =	vst v5;
	v7 =	vmov v11  }
0x27d: {  	s18 =	sadd.s32 $0x100, s18;
	v5 =	vld [tilespmem:s19+$0x11830];
	[tilespmem:s15+$0x11840] =	vst v9;
	v8 =	vmov v13;
	s15 =	smov.u32 s19  }
0x27e: {  	v9 =	vld [tilespmem:s15+$0x11840];
	_ =	sdelay $0x1  }
0x27f: {  	v4 =	vadd.f32 v7, v4  }
0x280: {  	v6 =	vadd.f32 v8, v6  }
0x281: {  	[tilespmem:s15+$0x11810] =	vst v4;
	v3 =	vadd.f32 v3, v5  }
0x282: {  	[tilespmem:s15+$0x11820] =	vst v6;
	v2 =	vadd.f32 v2, v9  }
0x283: {  	[tilespmem:s15+$0x11830] =	vst v3  }
0x284: {  	s19 =	simm.s32 $0x0;
	s6 =	rddreg [dreg:$0x18];
	[tilespmem:s15+$0x11840] =	vst v2  }
0x285: {  	[hbm4b:s6+s19] =	stream.linear.scatter [tilespmem:s24], [sflag:$0xB], $0x1F40, $0x38;
	[tilespmem:$0x1F690] =	vst v63  }
0x286: {  	_ =	swait.ge [sflag:s21], $0x1F40  }
0x287: {  	s23 =	sld [smem:$0x7F2]  }
0x288: {  	[sflag:s21] =	ssyncset.done $0x0  }
0x289: {  	[sflag:s21] =	ssyncadd.s32 $0xFFFFE0C0  }
0x28a: {  	[tilespmem:s24], [sflag:$0x1] =	stream.linear.gather [spmem:s23], $0x1F40, $0x38;
	[tilespmem:$0x1F690] =	vst v63  }
0x28b: {  	s25 =	rddreg [dreg:$0x19]  }
0x28c: {  	[tilespmem:s26], [sflag:$0x2] =	stream.linear.gather [hbm4b:s25+s19], $0x1F40, $0x38;
	[tilespmem:$0x1F690] =	vst v63  }
0x28d: {  	_ =	swait.ge [sflag:s29], $0x1F40  }
0x28e: {  	[sflag:s29] =	ssyncset.done $0x0  }
0x28f: {  	[sflag:s29] =	ssyncadd.s32 $0xFFFFE0C0  }
0x290: {  	_ =	swait.ge [sflag:s31], $0x1F40  }
0x291: {  	[sflag:s31] =	ssyncset.done $0x0  }
0x292: {  	s15 =	simm.s32 $0x0;
	[sflag:s31] =	ssyncadd.s32 $0xFFFFE0C0  }
0x293: {  	v7 =	vld [tilespmem:s15+$0x13750]  }
0x294: {  	v8 =	vld [tilespmem:s15+$0x13760]  }
0x295: {  	v3 =	vld [tilespmem:s15+$0x13770]  }
0x296: {  	v2 =	vld [tilespmem:s15+$0x13780]  }
0x297: {  	v4 =	vld [tilespmem:s15+$0x11810]  }
0x298: {  	v6 =	vld [tilespmem:s15+$0x11820]  }
0x299: {  	s18 =	simm.s32 $0x100;
	v5 =	vld [tilespmem:s15+$0x11830]  }
.LBB2_25:
0x29a: {  	s19 =	sshra.s32 s18, $0x2;
	p0 =	sne.s32 s18, $0x7C00;
	v9 =	vld [tilespmem:s15+$0x11840];
	v10 =	vmov v3  }
0x29b: {  	v11 =	vld [tilespmem:s19+$0x13750];
	v12 =	vmov v2  }
0x29c: {  	v13 =	vld [tilespmem:s19+$0x13760];
	v4 =	vadd.f32 v7, v4  }
.Ltmp12:
0x29d: {  	v3 =	vld [tilespmem:s19+$0x13770];
	v6 =	vadd.f32 v8, v6;
	(pc) =	sbr.rel @p0 .LBB2_25-.Ltmp12, $4  }
0x29e: {  	v2 =	vld [tilespmem:s19+$0x13780];
	[tilespmem:s15+$0x11810] =	vst v4;
	v5 =	vadd.f32 v10, v5  }
0x29f: {  	v4 =	vld [tilespmem:s19+$0x11810];
	[tilespmem:s15+$0x11820] =	vst v6;
	v9 =	vadd.f32 v12, v9  }
0x2a0: {  	v6 =	vld [tilespmem:s19+$0x11820];
	[tilespmem:s15+$0x11830] =	vst v5;
	v7 =	vmov v11  }
0x2a1: {  	s18 =	sadd.s32 $0x100, s18;
	v5 =	vld [tilespmem:s19+$0x11830];
	[tilespmem:s15+$0x11840] =	vst v9;
	v8 =	vmov v13;
	s15 =	smov.u32 s19  }
0x2a2: {  	v9 =	vld [tilespmem:s15+$0x11840];
	_ =	sdelay $0x1  }
0x2a3: {  	v4 =	vadd.f32 v7, v4  }
0x2a4: {  	v6 =	vadd.f32 v8, v6  }
0x2a5: {  	[tilespmem:s15+$0x11810] =	vst v4;
	v3 =	vadd.f32 v3, v5  }
0x2a6: {  	[tilespmem:s15+$0x11820] =	vst v6;
	v2 =	vadd.f32 v2, v9  }
0x2a7: {  	[tilespmem:s15+$0x11830] =	vst v3  }
0x2a8: {  	s19 =	simm.s32 $0x0;
	s6 =	rddreg [dreg:$0x1a];
	[tilespmem:s15+$0x11840] =	vst v2  }
0x2a9: {  	[hbm4b:s6+s19] =	stream.linear.scatter [tilespmem:s24], [sflag:$0xB], $0x1F40, $0x38;
	[tilespmem:$0x1F690] =	vst v63  }
0x2aa: {  	_ =	swait.ge [sflag:s21], $0x1F40  }
0x2ab: {  	s23 =	sld [smem:$0x7F3]  }
0x2ac: {  	[sflag:s21] =	ssyncset.done $0x0  }
0x2ad: {  	[sflag:s21] =	ssyncadd.s32 $0xFFFFE0C0  }
0x2ae: {  	[tilespmem:s24], [sflag:$0x1] =	stream.linear.gather [spmem:s23], $0x1F40, $0x38;
	[tilespmem:$0x1F690] =	vst v63  }
0x2af: {  	s25 =	rddreg [dreg:$0x1c]  }
0x2b0: {  	[tilespmem:s26], [sflag:$0x2] =	stream.linear.gather [hbm4b:s25+s19], $0x1F40, $0x38;
	[tilespmem:$0x1F690] =	vst v63  }
0x2b1: {  	_ =	swait.ge [sflag:s29], $0x1F40  }
0x2b2: {  	[sflag:s29] =	ssyncset.done $0x0  }
0x2b3: {  	[sflag:s29] =	ssyncadd.s32 $0xFFFFE0C0  }
0x2b4: {  	_ =	swait.ge [sflag:s31], $0x1F40  }
0x2b5: {  	[sflag:s31] =	ssyncset.done $0x0  }
0x2b6: {  	s15 =	simm.s32 $0x0;
	[sflag:s31] =	ssyncadd.s32 $0xFFFFE0C0  }
0x2b7: {  	v7 =	vld [tilespmem:s15+$0x13750]  }
0x2b8: {  	v8 =	vld [tilespmem:s15+$0x13760]  }
0x2b9: {  	v3 =	vld [tilespmem:s15+$0x13770]  }
0x2ba: {  	v2 =	vld [tilespmem:s15+$0x13780]  }
0x2bb: {  	v4 =	vld [tilespmem:s15+$0x11810]  }
0x2bc: {  	v6 =	vld [tilespmem:s15+$0x11820]  }
0x2bd: {  	s18 =	simm.s32 $0x100;
	v5 =	vld [tilespmem:s15+$0x11830]  }
.LBB2_27:
0x2be: {  	s19 =	sshra.s32 s18, $0x2;
	p0 =	sne.s32 s18, $0x7C00;
	v9 =	vld [tilespmem:s15+$0x11840];
	v10 =	vmov v3  }
0x2bf: {  	v11 =	vld [tilespmem:s19+$0x13750];
	v12 =	vmov v2  }
0x2c0: {  	v13 =	vld [tilespmem:s19+$0x13760];
	v4 =	vadd.f32 v7, v4  }
.Ltmp13:
0x2c1: {  	v3 =	vld [tilespmem:s19+$0x13770];
	v6 =	vadd.f32 v8, v6;
	(pc) =	sbr.rel @p0 .LBB2_27-.Ltmp13, $4  }
0x2c2: {  	v2 =	vld [tilespmem:s19+$0x13780];
	[tilespmem:s15+$0x11810] =	vst v4;
	v5 =	vadd.f32 v10, v5  }
0x2c3: {  	v4 =	vld [tilespmem:s19+$0x11810];
	[tilespmem:s15+$0x11820] =	vst v6;
	v9 =	vadd.f32 v12, v9  }
0x2c4: {  	v6 =	vld [tilespmem:s19+$0x11820];
	[tilespmem:s15+$0x11830] =	vst v5;
	v7 =	vmov v11  }
0x2c5: {  	s18 =	sadd.s32 $0x100, s18;
	v5 =	vld [tilespmem:s19+$0x11830];
	[tilespmem:s15+$0x11840] =	vst v9;
	v8 =	vmov v13;
	s15 =	smov.u32 s19  }
0x2c6: {  	v9 =	vld [tilespmem:s15+$0x11840];
	_ =	sdelay $0x1  }
0x2c7: {  	v4 =	vadd.f32 v7, v4  }
0x2c8: {  	v6 =	vadd.f32 v8, v6  }
0x2c9: {  	[tilespmem:s15+$0x11810] =	vst v4;
	v3 =	vadd.f32 v3, v5  }
0x2ca: {  	[tilespmem:s15+$0x11820] =	vst v6;
	v2 =	vadd.f32 v2, v9  }
0x2cb: {  	[tilespmem:s15+$0x11830] =	vst v3  }
0x2cc: {  	s23 =	simm.s32 $0x0;
	s6 =	rddreg [dreg:$0x1b];
	[tilespmem:s15+$0x11840] =	vst v2  }
0x2cd: {  	[hbm4b:s6+s23] =	stream.linear.scatter [tilespmem:s24], [sflag:$0xB], $0x1F40, $0x38;
	[tilespmem:$0x1F690] =	vst v63  }
0x2ce: {  	_ =	swait.ge [sflag:s21], $0x1F40  }
0x2cf: {  	s25 =	sld [smem:$0x7F4];
	_ =	sdelay $0x1  }
0x2d0: {  	s17 =	sadd.s32 $0x1, s17  }
0x2d1: {  	p0 =	sne.s32 s17, s25  }
.Ltmp14:
0x2d2: {  	_ = 	snop;
	(pc) =	sbr.rel @p0 .LBB2_1-.Ltmp14, $3  }
0x2d3: {  	_ =	sdelay $0x1  }
0x2d4: {  	[sflag:s21] =	ssyncset.done $0x0  }
0x2d5: {  	[sflag:s21] =	ssyncadd.s32 $0xFFFFE0C0  }
0x2d6: {  	_ =	sfence.sel $0x180000  }
0x2d7: {  	[bflag:$0x0] =	sbarrier.arrive $0xFFFF  }
0x2d8: {  	_ =	strace $0x9000004D  }
0x2d9: {  	s0 =	stileid.u32;
	[bflag:$0x2] =	sbarrier.arrive $0xFFFF  }
0x2da: {  	p0 =	sne.s32 s0, $0x0;
	s0 =	rddreg [dreg:$0x3]  }
0x2db: {  	s0 =	sadd.s32 @!p0 $0x100000, s0  }
0x2dc: {  	[sflag:s0] =	ssyncadd.tile.s32 @!p0 $0x1;
	_ =	shalt  }
.Lfunc_end2:
_tile_overlayer_lowered:
.L_overlay_start_2:
0x2dd: {  	(tag) =	ssettag $0x2  }
0x2de: {  	s0 =	rddreg [dreg:$0x0];
	s2 =	stileid.u32  }
0x2df: {  	s1 =	rddreg [dreg:$0x1];
	p0 =	sne.s32 s2, $0x0  }
0x2e0: {  	s3 =	rddreg [dreg:$0x2];
	[bflag:$0x3] =	sbarrier.arrive $0xFFFF;
	s2 =	simm.s32 @!p0 $0x1C0B  }
0x2e1: {  	[timem:s3], [sflag:s2] =	dma.local @!p0 [hbm:s0], s1  }
0x2e2: {  	s0 =	simm.s32 @!p0 $0xB  }
0x2e3: {  	_ =	swait.ge @!p0 [sflag:s0], s1  }
0x2e4: {  	s1 =	ssub.s32 @!p0 $0x0, s1;
	[sflag:s0] =	ssyncset.done @!p0 $0x0  }
0x2e5: {  	[sflag:s0] =	ssyncadd.s32 @!p0 s1  }
0x2e6: {  	[bflag:$0x3] =	sbarrier.arrive $0xFFFF  }
0x2e7: {  	_ =	shalt  }

// kernel: kernel.7.cloned.1.call-start
scs
__scs_entry_jumppad:
0x0: {  	(pc) =	sbr.rel $0x88, $3  }
0x1: {  	(tag) =	ssettag $0x0;
	lr =	simm.s32 $0x1  }
0x2: {  	[smem:$0x3F99] =	sst lr;
	_ =	strace $0xD0000000  }
0x3: {  	_ = 	snop  }
0x4: {  	_ = 	snop  }
0x5: {  	_ = 	snop  }
0x6: {  	_ = 	snop  }
0x7: {  	_ = 	snop  }
__scs_overlays_trampoline_lowered:
0x8: {  	[smem:$0x3FA8] =	sst s0  }
0x9: {  	[smem:$0x3FA9] =	sst s1  }
0xa: {  	[smem:$0x3FAA] =	sst s2  }
0xb: {  	[smem:$0x3FAB] =	sst s3  }
0xc: {  	[smem:$0x3FAC] =	sst s4  }
0xd: {  	[smem:$0x3FAD] =	sst s5  }
0xe: {  	[smem:$0x3FAE] =	sst s6  }
0xf: {  	[smem:$0x3FAF] =	sst s7  }
0x10: {  	[smem:$0x3FB0] =	sst s8  }
0x11: {  	[smem:$0x3FB1] =	sst s9;
	s0 =	simm.s32 @!p0 $0x0  }
0x12: {  	s1 =	sld [smem:$0x3F97];
	s0 =	simm.s32 @p0 $0x1  }
0x13: {  	[smem:$0x3FB2] =	sst s0;
	s0 =	simm.s32 @!p1 $0x0  }
0x14: {  	s2 =	sld [smem:$0x3F96];
	s0 =	simm.s32 @p1 $0x1  }
0x15: {  	[smem:$0x3FB3] =	sst s0;
	s0 =	simm.s32 @!p2 $0x0  }
0x16: {  	s3 =	sld [smem:$0x3FDB];
	s0 =	simm.s32 @p2 $0x1  }
0x17: {  	s4 =	simm.s32 $0x1BF5;
	[smem:$0x3FB5] =	sst s0  }
0x18: {  	s0 =	sld [smem:$0x3F98];
	_ =	swait.ge [sflag:s4], $0x0  }
0x19: {  	s7 =	sld [smem:$0x3F99]  }
0x1a: {  	s8 =	sadd.s32 $0xFFFFE003, lr  }
0x1b: {  	s9 =	sadd.s32 $0xFFFFFEF7, lr;
	s5 =	simm.s32 $0xFFFFFFFF;
	p2 =	slt.u32 s8, $0xFFFFF086  }
0x1c: {  	p1 =	slt.u32 s9, $0xF7A;
	s5 =	simm.s32 @!p2 $0x0  }
0x1d: {  	s5 =	simm.s32 @p1 $0x1;
	p0 =	seq.s32 s7, s2  }
0x1e: {  	s7 =	smul.u32 @!p0 $0xF7A, s2;
	p2 =	seq.s32 @!p0 s5, $0x0  }
0x1f: {  	s9 =	smul.u32 $0xF7A, s1;
	s8 =	simm.s32 @!p0 $0x1BF5;
	p2 =	por !p2, p0  }
0x20: {  	[sflag:s8] =	ssyncset.s32 @!p0 $0xFFFFF086;
	s6 =	sadd.s32 @!p0 s3, s7;
	s7 =	simm.s32 @!p0 $0x108  }
0x21: {  	s3 =	sadd.s32 s3, s9;
	s6 =	sadd.s32 @!p0 $0x88, s6;
	s7 =	simm.s32 @p2 $0x1082  }
0x22: {  	[simem:s7], [sflag:s8] =	dma.local @!p0 [hbm:s6], $0xF7A  }
0x23: {  	s9 =	sor.u32 $0xD0000000, s2;
	s6 =	simm.s32 $0x108;
	_ =	swait.ge @!p0 [sflag:s8], $0x0  }
0x24: {  	s3 =	sadd.s32 $0x88, s3;
	s6 =	simm.s32 @!p1 $0x1082;
	[sflag:s4] =	ssyncset.s32 $0xFFFFF086  }
0x25: {  	[simem:s6], [sflag:s4] =	dma.local [hbm:s3], $0xF7A  }
0x26: {  	[smem:$0x3F99] =	sst s1;
	(tag) =	ssettag s2;
	_ =	strace s9  }
0x27: {  	s1 =	sld [smem:$0x3FA9]  }
0x28: {  	s2 =	sld [smem:$0x3FAA]  }
0x29: {  	s4 =	sld [smem:$0x3FAC]  }
0x2a: {  	p0 =	seq.s32 s5, $0x0;
	s5 =	sld [smem:$0x3FAD]  }
0x2b: {  	s6 =	sld [smem:$0x3FAE]  }
0x2c: {  	s7 =	sld [smem:$0x3FAF]  }
0x2d: {  	s3 =	simm.s32 $0x108;
	s8 =	sld [smem:$0x3FB0]  }
0x2e: {  	s3 =	simm.s32 @!p0 $0x1082;
	s9 =	sld [smem:$0x3FB1]  }
0x2f: {  	lr =	sadd.s32 s0, s3;
	s0 =	sld [smem:$0x3FA8]  }
0x30: {  	s3 =	sld [smem:$0x3FAB]  }
0x31: {  	[smem:$0x3FB4] =	sst s10  }
0x32: {  	s10 =	sld [smem:$0x3FB2];
	_ =	sdelay $0x3  }
0x33: {  	p0 =	seq.s32 s10, $0x1;
	s10 =	sld [smem:$0x3FB4];
	_ =	sdelay $0x3  }
0x34: {  	[smem:$0x3FB4] =	sst s10  }
0x35: {  	s10 =	sld [smem:$0x3FB3];
	_ =	sdelay $0x3  }
0x36: {  	p1 =	seq.s32 s10, $0x1;
	s10 =	sld [smem:$0x3FB4];
	_ =	sdelay $0x3  }
0x37: {  	[smem:$0x3FB4] =	sst s10  }
0x38: {  	s10 =	sld [smem:$0x3FB5]  }
0x39: {  	_ = 	snop;
	(pc) =	sbr.ind lr, $3  }
0x3a: {  	_ = 	snop  }
0x3b: {  	_ = 	snop  }
0x3c: {  	p2 =	seq.s32 s10, $0x1;
	s10 =	sld [smem:$0x3FB4]  }
0x3d: {  	_ =	shalt  }
0x3e: {  	_ =	shalt  }
0x3f: {  	_ =	shalt  }
0x40: {  	_ =	shalt  }
0x41: {  	_ =	shalt  }
0x42: {  	_ =	shalt  }
0x43: {  	_ =	shalt  }
0x44: {  	_ =	shalt  }
0x45: {  	_ =	shalt  }
0x46: {  	_ =	shalt  }
0x47: {  	_ =	shalt  }
0x48: {  	_ =	shalt  }
0x49: {  	_ =	shalt  }
0x4a: {  	_ =	shalt  }
0x4b: {  	_ =	shalt  }
0x4c: {  	_ =	shalt  }
0x4d: {  	_ =	shalt  }
0x4e: {  	_ =	shalt  }
0x4f: {  	_ =	shalt  }
0x50: {  	_ =	shalt  }
0x51: {  	_ =	shalt  }
0x52: {  	_ =	shalt  }
0x53: {  	_ =	shalt  }
0x54: {  	_ =	shalt  }
0x55: {  	_ =	shalt  }
0x56: {  	_ =	shalt  }
0x57: {  	_ =	shalt  }
0x58: {  	_ =	shalt  }
0x59: {  	_ =	shalt  }
0x5a: {  	_ =	shalt  }
0x5b: {  	_ =	shalt  }
0x5c: {  	_ =	shalt  }
0x5d: {  	_ =	shalt  }
0x5e: {  	_ =	shalt  }
0x5f: {  	_ =	shalt  }
0x60: {  	_ =	shalt  }
0x61: {  	_ =	shalt  }
0x62: {  	_ =	shalt  }
0x63: {  	_ =	shalt  }
0x64: {  	_ =	shalt  }
0x65: {  	_ =	shalt  }
0x66: {  	_ =	shalt  }
0x67: {  	_ =	shalt  }
0x68: {  	_ =	shalt  }
0x69: {  	_ =	shalt  }
0x6a: {  	_ =	shalt  }
0x6b: {  	_ =	shalt  }
0x6c: {  	_ =	shalt  }
0x6d: {  	_ =	shalt  }
0x6e: {  	_ =	shalt  }
0x6f: {  	_ =	shalt  }
0x70: {  	_ =	shalt  }
0x71: {  	_ =	shalt  }
0x72: {  	_ =	shalt  }
0x73: {  	_ =	shalt  }
0x74: {  	_ =	shalt  }
0x75: {  	_ =	shalt  }
0x76: {  	_ =	shalt  }
0x77: {  	_ =	shalt  }
0x78: {  	_ =	shalt  }
0x79: {  	_ =	shalt  }
0x7a: {  	_ =	shalt  }
0x7b: {  	_ =	shalt  }
0x7c: {  	_ =	shalt  }
0x7d: {  	_ =	shalt  }
0x7e: {  	_ =	shalt  }
0x7f: {  	_ =	shalt  }
0x80: {  	_ =	shalt  }
0x81: {  	_ =	shalt  }
0x82: {  	_ =	shalt  }
0x83: {  	_ =	shalt  }
0x84: {  	_ =	shalt  }
0x85: {  	_ =	shalt  }
0x86: {  	_ =	shalt  }
0x87: {  	_ =	shalt  }
.Lfunc_end0:
.L_simem_size_0:
called_computation_lowered:
.L_overlay_start_0:
0x88: {  	s2 =	sld [smem:$0x3FD9]  }
0x89: {  	s3 =	sld [smem:$0x3FFE];
	_ =	sdelay $0x1  }
0x8a: {  	s1 =	srdreg.scid  }
0x8b: {  	s0 =	sand.u32 $0x1, s1  }
0x8c: {  	s16 =	sshll.u32 s0, $0xA;
	s2 =	sadd.s32 s3, s2  }
0x8d: {  	s2 =	sadd.s32 s2, s16  }
0x8e: {  	[smem:$0x3FC0] =	sst s2  }
0x8f: {  	_ = 	snop  }
0x90: {  	(tm) =	ssettm $0x1  }
0x91: {  	s17 =	sld [smem:$0x3FFB];
	_ =	sdelay $0x3  }
0x92: {  	_ =	strace s17  }
0x93: {  	s2 =	sld [smem:$0x3FFC];
	_ =	sdelay $0x3  }
0x94: {  	_ =	strace s2  }
0x95: {  	s2 =	sld [smem:$0x3FFD];
	_ =	sdelay $0x3  }
0x96: {  	_ =	strace s2  }
0x97: {  	_ =	strace $0x8FFFFFFF  }
0x98: {  	s18 =	sld [smem:$0x3FDB];
	_ =	sdelay $0x1  }
0x99: {  	s19 =	simm.s32 $_scs_section_size  }
0x9a: {  	s4 =	simm.s32 $_size__tile_overlayer_lowered;
	s5 =	simm.s32 $_tile_overlayer_lowered  }
0x9b: {  	s22 =	simm.s32 $0x1BFF;
	s21 =	sshll.u32 s5, $0x1;
	s2 =	sadd.s32 s19, s18  }
0x9c: {  	s6 =	simm.s32 $0x0;
	s20 =	sshll.u32 s4, $0x1;
	s4 =	sadd.s32 s21, s2  }
0x9d: {  	[timem:s6], [sflag:s22] =	dma.local [hbm:s4], s20  }
0x9e: {  	_ =	swait.ge [sflag:s22], s20  }
0x9f: {  	s3 =	ssub.s32 $0x0, s20;
	[sflag:s22] =	ssyncset.done $0x0  }
0xa0: {  	[sflag:s22] =	ssyncadd.s32 s3;
	_ =	sdelay $0x1  }
0xa1: {  	s23 =	simm.s32 $0x1B8B  }
0xa2: {  	_ =	swait.ge [sflag:s23], $0x1  }
0xa3: {  	[sflag:s23] =	ssyncset.done $0x0  }
0xa4: {  	s25 =	simm.s32 $0x1B8E;
	s24 =	sld [smem:$0x3FFE];
	[sflag:s23] =	ssyncadd.s32 $0xFFFFFFFF  }
0xa5: {  	s26 =	simm.s32 $execute0_lowered;
	[smem:$0x3FD2] =	sst s25  }
0xa6: {  	s4 =	sshll.u32 s26, $0x1;
	_ =	strace $0x80000046;
	[dreg:$0x1] =	wrdreg $0xFFFFFFFF  }
0xa7: {  	s28 =	simm.s32 $_size_execute0_lowered;
	s2 =	sadd.s32 s2, s4;
	[dreg:$0x0] =	wrdreg $0x0  }
0xa8: {  	s4 =	sshll.u32 s28, $0x1;
	[dreg:$0x2] =	wrdreg s2  }
0xa9: {  	[dreg:$0x3] =	wrdreg s4  }
0xaa: {  	[dreg:$0x4] =	wrdreg $0xC0  }
0xab: {  	_ =	task [dreg:s6], $0x5FFFF  }
0xac: {  	[dreg:$0x1] =	wrdreg $0xFFFFFFFF  }
0xad: {  	[dreg:$0x0] =	wrdreg $0x60  }
0xae: {  	[dreg:$0x2] =	wrdreg s24  }
0xaf: {  	[dreg:$0x3] =	wrdreg $0x57200  }
0xb0: {  	[dreg:$0x4] =	wrdreg $0x9  }
0xb1: {  	_ =	task.clear_ibuf [dreg:s6], $0x5FFFF;
	_ =	strace $0x90000046  }
0xb2: {  	s29 =	simm.s32 $0x9;
	_ =	strace $0x80000048  }
0xb3: {  	_ =	swait.ge [sflag:s29], $0x1  }
0xb4: {  	[sflag:s29] =	ssyncadd.s32 $0xFFFFFFFF  }
0xb5: {  	_ =	strace $0x90000048  }
0xb6: {  	_ =	sfence  }
0xb7: {  	s30 =	sld [smem:$0x0];
	_ =	sdelay $0x2  }
0xb8: {  	s31 =	sshll.u32 s1, $0xD;
	s1 =	sshrl.u32 s1, $0x2  }
0xb9: {  	s3 =	sand.u32 $0x4000, s31;
	s1 =	sadd.s32 s1, s30  }
0xba: {  	s0 =	sor.u32 s3, s0;
	s1 =	sshll.u32 s1, $0x11  }
0xbb: {  	s0 =	sor.u32 s1, s0  }
0xbc: {  	s0 =	sadd.s32 $0x8F2B, s0  }
0xbd: {  	[sflag:s0] =	ssyncadd.remote.s32 $0x1  }
0xbe: {  	_ =	sfence.sel $0xFFFF  }
0xbf: {  	[dreg:$0x0] =	wrdreg $0xFFFFFFFF;
	(pc) =	sbr.abs _section_cstart, $3  }
0xc0: {  	[dreg:$0x1] =	wrdreg $0xFFFFFFFF  }
0xc1: {  	_ =	task.clear_ibuf [dreg:s6], $0x2FFFF;
	_ =	strace $0x9FFFFFFF  }
0xc2: {  	(tm) =	ssettm $0x7FFFFFFF  }
0xc3: {  	_ =	shalt  }
tec
execute0_lowered:
.L_overlay_start_1:
0x0: {  	(tag) =	ssettag $0x1  }
0x1: {  	s1 =	rddreg [dreg:$0x0]  }
0x2: {  	s3 =	srdreg.scid;
	s0 =	stileid.u32  }
0x3: {  	s2 =	rddreg [dreg:$0x1];
	s17 =	simm.s32 $0x5320;
	s18 =	simm.s32 $0x6  }
0x4: {  	s19 =	simm.s32 $0x50;
	s20 =	simm.s32 $0x4E20;
	s21 =	simm.s32 $0xA0  }
0x5: {  	s22 =	simm.s32 $0xF0;
	s23 =	simm.s32 $0x140;
	s24 =	simm.s32 $0x1  }
0x6: {  	s25 =	simm.s32 $0x2;
	s26 =	simm.s32 $0x3;
	s5 =	smul.u32 $0x2800, s0  }
0x7: {  	s28 =	simm.s32 $0x4;
	s29 =	simm.s32 $0x5;
	s7 =	smul.u32 $0xA000, s0  }
0x8: {  	s4 =	sand.u32 $0x1, s3;
	s3 =	simm.s32 $0x0;
	s10 =	smul.u32 $0x4E20, s0  }
0x9: {  	s6 =	smul.u32 $0x28000, s4;
	[smem:$0x7FF] =	sst s3;
	s4 =	ssub.s32 $0x2, s4  }
0xa: {  	s30 =	simm.s32 $0x0;
	_ =	strace $0x80000047;
	s8 =	sshrl.u32 s4, $0x1  }
0xb: {  	s31 =	sshrl.u32 s7, $0x2;
	s12 =	sshrl.u32 s10, $0x3;
	s6 =	sadd.s32 s5, s6  }
0xc: {  	s16 =	ssub.s32 s4, s8;
	s4 =	sadd.s32 s5, s2;
	s13 =	sadd.s32 s31, s2  }
0xd: {  	s6 =	sshrl.u32 s6, $0x3;
	s5 =	sadd.s32 $0x400, s13;
	s7 =	sadd.s32 $0xC00, s13  }
0xe: {  	s8 =	sadd.s32 $0x1000, s13;
	s9 =	sadd.s32 $0x1400, s13;
	s10 =	sadd.s32 $0x1800, s13  }
0xf: {  	s11 =	sadd.s32 $0x1C00, s13;
	s16 =	smax.u32 s16, $0x1;
	s15 =	sadd.s32 s6, s1  }
0x10: {  	s6 =	sadd.s32 $0x800, s13;
	s1 =	sadd.s32 s1, s12;
	s12 =	sadd.s32 $0x2000, s13  }
0x11: {  	v0 =	vimm.f32 $0.0e+00;
	v1 =	vimm.f32 $1.000000000e+00;
	s13 =	sadd.s32 $0x2400, s13;
	s14 =	sadd.s32 $0xCC40, s1;
	s15 =	sadd.s32 $0x16A00, s15  }
.LBB2_1:
0x12: {  	s1 =	simm.s32 $0x0  }
.LBB2_2:
0x13: {  	p0 =	sne.s32 s1, $0xFC0  }
.Ltmp0:
0x14: {  	_ = 	snop;
	(pc) =	sbr.rel @p0 .LBB2_2-.Ltmp0, $3  }
0x15: {  	_ =	sdelay $0x1  }
0x16: {  	s31 =	sshra.s32 s1, $0x2  }
0x17: {  	s1 =	sadd.s32 $0x40, s1;
	[tilespmem:s31+$0x5320] =	vst v0  }
0x18: {  	s31 =	simm.s32 $0x40;
	s1 =	simm.s32 $0x0  }
.LBB2_4:
0x19: {  	p0 =	sne.s32 s31, $0x13C0;
	[tilespmem:s1+$0x4E20] =	vst v1;
	s1 =	smov.u32 s31;
	s31 =	sadd.s32 $0x40, s31  }
.Ltmp1:
0x1a: {  	(pc) =	sbr.rel @p0 .LBB2_4-.Ltmp1, $2  }
0x1b: {  	_ =	sdelay $0x2  }
0x1c: {  	s1 =	sshra.s32 s1, $0x2  }
0x1d: {  	[tilespmem:s1+$0x4E20] =	vst v1  }
0x1e: {  	[spmem:s4] =	stream.linear.scatter [tilespmem:s17], [sflag:$0x6], $0x400, $0x38;
	[tilespmem:$0x7F20] =	vst v63  }
0x1f: {  	_ =	swait.ge [sflag:s18], $0x400  }
0x20: {  	[sflag:s18] =	ssyncset.done $0x0  }
0x21: {  	[sflag:s18] =	ssyncadd.s32 $0xFFFFFC00  }
0x22: {  	[spmem:s5] =	stream.linear.scatter [tilespmem:s17], [sflag:$0x6], $0x400, $0x38;
	[tilespmem:$0x7F20] =	vst v63  }
0x23: {  	_ =	swait.ge [sflag:s18], $0x400  }
0x24: {  	[sflag:s18] =	ssyncset.done $0x0  }
0x25: {  	[sflag:s18] =	ssyncadd.s32 $0xFFFFFC00  }
0x26: {  	[spmem:s6] =	stream.linear.scatter [tilespmem:s17], [sflag:$0x6], $0x400, $0x38;
	[tilespmem:$0x7F20] =	vst v63  }
0x27: {  	_ =	swait.ge [sflag:s18], $0x400  }
0x28: {  	[sflag:s18] =	ssyncset.done $0x0  }
0x29: {  	[sflag:s18] =	ssyncadd.s32 $0xFFFFFC00  }
0x2a: {  	[spmem:s7] =	stream.linear.scatter [tilespmem:s17], [sflag:$0x6], $0x400, $0x38;
	[tilespmem:$0x7F20] =	vst v63  }
0x2b: {  	_ =	swait.ge [sflag:s18], $0x400  }
0x2c: {  	[sflag:s18] =	ssyncset.done $0x0  }
0x2d: {  	[sflag:s18] =	ssyncadd.s32 $0xFFFFFC00  }
0x2e: {  	[spmem:s8] =	stream.linear.scatter [tilespmem:s17], [sflag:$0x6], $0x400, $0x38;
	[tilespmem:$0x7F20] =	vst v63  }
0x2f: {  	_ =	swait.ge [sflag:s18], $0x400  }
0x30: {  	[sflag:s18] =	ssyncset.done $0x0  }
0x31: {  	[sflag:s18] =	ssyncadd.s32 $0xFFFFFC00  }
0x32: {  	[spmem:s9] =	stream.linear.scatter [tilespmem:s17], [sflag:$0x6], $0x400, $0x38;
	[tilespmem:$0x7F20] =	vst v63  }
0x33: {  	_ =	swait.ge [sflag:s18], $0x400  }
0x34: {  	[sflag:s18] =	ssyncset.done $0x0  }
0x35: {  	[sflag:s18] =	ssyncadd.s32 $0xFFFFFC00  }
0x36: {  	[spmem:s10] =	stream.linear.scatter [tilespmem:s17], [sflag:$0x6], $0x400, $0x38;
	[tilespmem:$0x7F20] =	vst v63  }
0x37: {  	_ =	swait.ge [sflag:s18], $0x400  }
0x38: {  	[sflag:s18] =	ssyncset.done $0x0  }
0x39: {  	[sflag:s18] =	ssyncadd.s32 $0xFFFFFC00  }
0x3a: {  	[spmem:s11] =	stream.linear.scatter [tilespmem:s17], [sflag:$0x6], $0x400, $0x38;
	[tilespmem:$0x7F20] =	vst v63  }
0x3b: {  	_ =	swait.ge [sflag:s18], $0x400  }
0x3c: {  	[sflag:s18] =	ssyncset.done $0x0  }
0x3d: {  	[sflag:s18] =	ssyncadd.s32 $0xFFFFFC00  }
0x3e: {  	[spmem:s12] =	stream.linear.scatter [tilespmem:s17], [sflag:$0x6], $0x400, $0x38;
	[tilespmem:$0x7F20] =	vst v63  }
0x3f: {  	_ =	swait.ge [sflag:s18], $0x400  }
0x40: {  	[sflag:s18] =	ssyncset.done $0x0  }
0x41: {  	[sflag:s18] =	ssyncadd.s32 $0xFFFFFC00  }
0x42: {  	[spmem:s13] =	stream.linear.scatter [tilespmem:s17], [sflag:$0x6], $0x400, $0x38;
	[tilespmem:$0x7F20] =	vst v63  }
0x43: {  	_ =	swait.ge [sflag:s18], $0x400  }
0x44: {  	[sflag:s18] =	ssyncset.done $0x0  }
0x45: {  	[sflag:s18] =	ssyncadd.s32 $0xFFFFFC00  }
0x46: {  	[bflag:$0x0] =	sbarrier.arrive $0xFFFF  }
0x47: {  	[tilespmem:s3], [sflag:$0x6] =	stream.linear.gather [hbm4b:s14+s3], $0x4E20, $0x38;
	[tilespmem:$0x7F20] =	vst v63  }
0x48: {  	_ =	swait.ge [sflag:s18], $0x4E20  }
0x49: {  	[sflag:s18] =	ssyncset.done $0x0  }
0x4a: {  	[sflag:s18] =	ssyncadd.s32 $0xFFFFB1E0  }
0x4b: {  	[spmem:s2] =	stream.indirect.scatter.add.f32 [tilespmem:s20], [sflag:$0x1], $0x10, s3, s19, $0xb8;
	[tilespmem:$0x7F20] =	vst v63  }
0x4c: {  	_ = 	snop  }
0x4d: {  	[spmem:s2] =	stream.indirect.scatter.add.f32 [tilespmem:s20], [sflag:$0x2], $0x10, s19, s19, $0xb8;
	[tilespmem:$0x7F20] =	vst v63  }
0x4e: {  	_ = 	snop  }
0x4f: {  	[spmem:s2] =	stream.indirect.scatter.add.f32 [tilespmem:s20], [sflag:$0x3], $0x10, s21, s19, $0xb8;
	[tilespmem:$0x7F20] =	vst v63  }
0x50: {  	_ = 	snop  }
0x51: {  	[spmem:s2] =	stream.indirect.scatter.add.f32 [tilespmem:s20], [sflag:$0x4], $0x10, s22, s19, $0xb8;
	[tilespmem:$0x7F20] =	vst v63  }
0x52: {  	_ = 	snop  }
0x53: {  	[spmem:s2] =	stream.indirect.scatter.add.f32 [tilespmem:s20], [sflag:$0x5], $0x10, s23, s19, $0xb8;
	[tilespmem:$0x7F20] =	vst v63  }
0x54: {  	_ =	swait.ge [sflag:s24], $0x500  }
0x55: {  	[sflag:s24] =	ssyncset.done $0x0  }
0x56: {  	s0 =	simm.s32 $0x190;
	[sflag:s24] =	ssyncadd.s32 $0xFFFFFB00  }
0x57: {  	[spmem:s2] =	stream.indirect.scatter.add.f32 [tilespmem:s20], [sflag:$0x1], $0x10, s0, s19, $0xb8;
	[tilespmem:$0x7F20] =	vst v63  }
0x58: {  	_ =	swait.ge [sflag:s25], $0x500  }
0x59: {  	[sflag:s25] =	ssyncset.done $0x0  }
0x5a: {  	s0 =	simm.s32 $0x1E0;
	[sflag:s25] =	ssyncadd.s32 $0xFFFFFB00  }
0x5b: {  	[spmem:s2] =	stream.indirect.scatter.add.f32 [tilespmem:s20], [sflag:$0x2], $0x10, s0, s19, $0xb8;
	[tilespmem:$0x7F20] =	vst v63  }
0x5c: {  	_ =	swait.ge [sflag:s26], $0x500  }
0x5d: {  	[sflag:s26] =	ssyncset.done $0x0  }
0x5e: {  	s0 =	simm.s32 $0x230;
	[sflag:s26] =	ssyncadd.s32 $0xFFFFFB00  }
0x5f: {  	[spmem:s2] =	stream.indirect.scatter.add.f32 [tilespmem:s20], [sflag:$0x3], $0x10, s0, s19, $0xb8;
	[tilespmem:$0x7F20] =	vst v63  }
0x60: {  	_ =	swait.ge [sflag:s28], $0x500  }
0x61: {  	[sflag:s28] =	ssyncset.done $0x0  }
0x62: {  	s0 =	simm.s32 $0x280;
	[sflag:s28] =	ssyncadd.s32 $0xFFFFFB00  }
0x63: {  	[spmem:s2] =	stream.indirect.scatter.add.f32 [tilespmem:s20], [sflag:$0x4], $0x10, s0, s19, $0xb8;
	[tilespmem:$0x7F20] =	vst v63  }
0x64: {  	_ =	swait.ge [sflag:s29], $0x500  }
0x65: {  	[sflag:s29] =	ssyncset.done $0x0  }
0x66: {  	s31 =	simm.s32 $0xFFFED400;
	s1 =	simm.s32 $0x2D0;
	[sflag:s29] =	ssyncadd.s32 $0xFFFFFB00  }
.LBB2_6:
0x67: {  	[spmem:s2] =	stream.indirect.scatter.add.f32 [tilespmem:s20], [sflag:$0x5], $0x10, s1, s19, $0xb8;
	[tilespmem:$0x7F20] =	vst v63  }
0x68: {  	s1 =	smov.u32 s31  }
0x69: {  	p0 =	sne.s32 s31, $0xFFFFF9C0;
	s31 =	sadd.s32 $0x640, s31;
	_ =	swait.ge [sflag:s24], $0x500  }
0x6a: {  	s1 =	sshra.s32 s1, $0x2;
	[sflag:s24] =	ssyncset.done $0x0  }
0x6b: {  	s0 =	sadd.s32 $0x4E20, s1;
	[sflag:s24] =	ssyncadd.s32 $0xFFFFFB00  }
0x6c: {  	[spmem:s2] =	stream.indirect.scatter.add.f32 [tilespmem:s20], [sflag:$0x1], $0x10, s0, s19, $0xb8;
	[tilespmem:$0x7F20] =	vst v63  }
0x6d: {  	_ =	swait.ge [sflag:s25], $0x500  }
0x6e: {  	[sflag:s25] =	ssyncset.done $0x0  }
0x6f: {  	s0 =	sadd.s32 $0x4E70, s1;
	[sflag:s25] =	ssyncadd.s32 $0xFFFFFB00  }
0x70: {  	[spmem:s2] =	stream.indirect.scatter.add.f32 [tilespmem:s20], [sflag:$0x2], $0x10, s0, s19, $0xb8;
	[tilespmem:$0x7F20] =	vst v63  }
0x71: {  	_ =	swait.ge [sflag:s26], $0x500  }
0x72: {  	[sflag:s26] =	ssyncset.done $0x0  }
0x73: {  	s0 =	sadd.s32 $0x4EC0, s1;
	[sflag:s26] =	ssyncadd.s32 $0xFFFFFB00  }
0x74: {  	[spmem:s2] =	stream.indirect.scatter.add.f32 [tilespmem:s20], [sflag:$0x3], $0x10, s0, s19, $0xb8;
	[tilespmem:$0x7F20] =	vst v63  }
0x75: {  	_ =	swait.ge [sflag:s28], $0x500  }
0x76: {  	[sflag:s28] =	ssyncset.done $0x0  }
.Ltmp2:
0x77: {  	s0 =	sadd.s32 $0x4F10, s1;
	[sflag:s28] =	ssyncadd.s32 $0xFFFFFB00;
	(pc) =	sbr.rel @p0 .LBB2_6-.Ltmp2, $4  }
0x78: {  	[spmem:s2] =	stream.indirect.scatter.add.f32 [tilespmem:s20], [sflag:$0x4], $0x10, s0, s19, $0xb8;
	[tilespmem:$0x7F20] =	vst v63  }
0x79: {  	_ =	swait.ge [sflag:s29], $0x500  }
0x7a: {  	[sflag:s29] =	ssyncset.done $0x0  }
0x7b: {  	s1 =	sadd.s32 $0x4F60, s1;
	[sflag:s29] =	ssyncadd.s32 $0xFFFFFB00  }
0x7c: {  	[spmem:s2] =	stream.indirect.scatter.add.f32 [tilespmem:s20], [sflag:$0x5], $0x10, s1, s19, $0xb8;
	[tilespmem:$0x7F20] =	vst v63  }
0x7d: {  	_ =	swait.ge [sflag:s24], $0x500  }
0x7e: {  	[sflag:s24] =	ssyncset.done $0x0  }
0x7f: {  	[sflag:s24] =	ssyncadd.s32 $0xFFFFFB00  }
0x80: {  	_ =	swait.ge [sflag:s25], $0x500  }
0x81: {  	[sflag:s25] =	ssyncset.done $0x0  }
0x82: {  	[sflag:s25] =	ssyncadd.s32 $0xFFFFFB00  }
0x83: {  	_ =	swait.ge [sflag:s26], $0x500  }
0x84: {  	[sflag:s26] =	ssyncset.done $0x0  }
0x85: {  	[sflag:s26] =	ssyncadd.s32 $0xFFFFFB00  }
0x86: {  	_ =	swait.ge [sflag:s28], $0x500  }
0x87: {  	[sflag:s28] =	ssyncset.done $0x0  }
0x88: {  	[sflag:s28] =	ssyncadd.s32 $0xFFFFFB00  }
0x89: {  	s0 =	stileid.u32;
	_ =	swait.ge [sflag:s29], $0x500  }
0x8a: {  	s31 =	sshrl.u32 s4, $0x3;
	s30 =	sadd.s32 $0x1, s30;
	[sflag:s29] =	ssyncset.done $0x0  }
0x8b: {  	s0 =	sshll.u32 s0, $0x6;
	p0 =	sne.s32 s30, s16;
	[sflag:s29] =	ssyncadd.s32 $0xFFFFFB00  }
.Ltmp3:
0x8c: {  	s0 =	sor.u32 $0x1C06, s0;
	[bflag:$0x0] =	sbarrier.arrive $0xFFFF;
	(pc) =	sbr.rel @p0 .LBB2_1-.Ltmp3, $4  }
0x8d: {  	[hbm:s15], [sflag:s0] =	dma.local [spmem:s31], $0x500  }
0x8e: {  	_ =	swait.ge [sflag:s18], $0x500  }
0x8f: {  	[sflag:s18] =	ssyncset.done $0x0  }
0x90: {  	[sflag:s18] =	ssyncadd.s32 $0xFFFFFB00  }
0x91: {  	_ =	sfence.sel $0x180000  }
0x92: {  	[bflag:$0x0] =	sbarrier.arrive $0xFFFF  }
0x93: {  	_ =	strace $0x90000047  }
0x94: {  	s0 =	stileid.u32;
	[bflag:$0x2] =	sbarrier.arrive $0xFFFF  }
0x95: {  	p0 =	sne.s32 s0, $0x0;
	s0 =	rddreg [dreg:$0x2]  }
0x96: {  	s0 =	sadd.s32 @!p0 $0x100000, s0  }
0x97: {  	[sflag:s0] =	ssyncadd.tile.s32 @!p0 $0x1;
	_ =	shalt  }
.Lfunc_end2:
_tile_overlayer_lowered:
.L_overlay_start_2:
0x98: {  	(tag) =	ssettag $0x2  }
0x99: {  	s0 =	rddreg [dreg:$0x0];
	s2 =	stileid.u32  }
0x9a: {  	s1 =	rddreg [dreg:$0x1];
	p0 =	sne.s32 s2, $0x0  }
0x9b: {  	s3 =	rddreg [dreg:$0x2];
	[bflag:$0x3] =	sbarrier.arrive $0xFFFF;
	s2 =	simm.s32 @!p0 $0x1C06  }
0x9c: {  	[timem:s3], [sflag:s2] =	dma.local @!p0 [hbm:s0], s1  }
0x9d: {  	s0 =	simm.s32 @!p0 $0x6  }
0x9e: {  	_ =	swait.ge @!p0 [sflag:s0], s1  }
0x9f: {  	s1 =	ssub.s32 @!p0 $0x0, s1;
	[sflag:s0] =	ssyncset.done @!p0 $0x0  }
0xa0: {  	[sflag:s0] =	ssyncadd.s32 @!p0 s1  }
0xa1: {  	[bflag:$0x3] =	sbarrier.arrive $0xFFFF  }
0xa2: {  	_ =	shalt  }

</sc_bundles>
